<compile_context>
chip_gen: v7x
topology: tpu7x:2x2x1
jax: 0.10.2.dev20260603
libtpu: 0.0.44.dev20260713+nightly
codegen_flags: <defaults>
</compile_context>

<pallas_src>
import functools

import jax
import jax.numpy as jnp
from jax import lax
from jax.experimental import pallas as pl
from jax.experimental.pallas import tpu as pltpu
from jax.experimental.pallas import tpu_sc as plsc

T, B = 32, 64
P, I, R = 1024, 64, 128
H, N = 64, 4096
K = 8

NC, NS, L = 2, 16, 16
NW = NC * NS
RW = B // NW
NCHUNK = N // L


TBLK = 16
NT = T // TBLK


def _scores_body(periph_ref, imu_ref, traj_ref, w1_ref, b1_ref, w2_ref,
                 b2_ref, scores_ref, acc_p, acc_i, acc_t):
    t = pl.program_id(0)

    @pl.when(t == 0)
    def _():
        acc_p[...] = jnp.zeros_like(acc_p)
        acc_i[...] = jnp.zeros_like(acc_i)
        acc_t[...] = jnp.zeros_like(acc_t)

    xp = acc_p[...]
    xi = acc_i[...]
    xt = acc_t[...]
    for i in range(TBLK):
        xp = xp + periph_ref[i]
        xi = xi + imu_ref[i]
        xt = xt + traj_ref[i]
    acc_p[...] = xp
    acc_i[...] = xi
    acc_t[...] = xt

    @pl.when(t == NT - 1)
    def _():
        inv = jnp.float32(1.0 / T)
        xp = acc_p[...] * inv
        xi = acc_i[...] * inv
        xt = acc_t[...] * inv
        w1 = w1_ref[...]
        h = (jnp.dot(xp, w1[0:P], preferred_element_type=jnp.float32)
             + jnp.dot(xi, w1[P:P + I], preferred_element_type=jnp.float32)
             + jnp.dot(xt, w1[P + I:P + I + R],
                       preferred_element_type=jnp.float32)
             + b1_ref[...])
        h = jnp.maximum(h, 0.0)
        scores_ref[...] = (
            jnp.dot(h, w2_ref[...], preferred_element_type=jnp.float32)
            + b2_ref[...])


def _tc_scores(periph_seq, imu_seq, traj_seq, W1, b1, W2, b2):
    return pl.pallas_call(
        _scores_body,
        grid=(NT,),
        in_specs=[
            pl.BlockSpec((TBLK, B, P), lambda t: (t, 0, 0)),
            pl.BlockSpec((TBLK, B, I), lambda t: (t, 0, 0)),
            pl.BlockSpec((TBLK, B, R), lambda t: (t, 0, 0)),
            pl.BlockSpec((P + I + R, H), lambda t: (0, 0)),
            pl.BlockSpec((1, H), lambda t: (0, 0)),
            pl.BlockSpec((H, N), lambda t: (0, 0)),
            pl.BlockSpec((1, N), lambda t: (0, 0)),
        ],
        out_specs=pl.BlockSpec((B, N), lambda t: (0, 0)),
        out_shape=jax.ShapeDtypeStruct((B, N), jnp.float32),
        scratch_shapes=[pltpu.VMEM((B, P), jnp.float32),
                        pltpu.VMEM((B, I), jnp.float32),
                        pltpu.VMEM((B, R), jnp.float32)],
    )(periph_seq, imu_seq, traj_seq, W1, b1.reshape(1, H), W2,
      b2.reshape(1, N))


_GATHER_DNUMS = lax.GatherDimensionNumbers(
    offset_dims=(), collapsed_slice_dims=(0,), start_index_map=(0,))


def _shuffle(x, idx):
    return lax.gather(x, idx, _GATHER_DNUMS, slice_sizes=(1,),
                      mode=lax.GatherScatterMode.PROMISE_IN_BOUNDS)


def _xor_indices():
    iota = lax.iota(jnp.int32, L)
    return [jnp.reshape(jnp.bitwise_xor(iota, s), (L, 1))
            for s in (1, 2, 4, 8)]


def _allmax(x, xor_idx):
    for idx in xor_idx:
        x = jnp.maximum(x, _shuffle(x, idx))
    return x


def _allsum(x, xor_idx):
    for idx in xor_idx:
        x = x + _shuffle(x, idx)
    return x


@functools.partial(
    pl.kernel,
    mesh=plsc.VectorSubcoreMesh(core_axis_name="c", subcore_axis_name="s",
                                num_cores=NC),
    out_type=jax.ShapeDtypeStruct((B, N), jnp.float32),
    scratch_types=[pltpu.VMEM((RW, N), jnp.float32),
                   pltpu.VMEM((RW, N), jnp.float32)],
)
def _sc_gate(scores_hbm, gate_hbm, rows_v, gate_v):
    wid = lax.axis_index("s") * NC + lax.axis_index("c")
    base = wid * RW
    pltpu.sync_copy(scores_hbm.at[pl.ds(base, RW)], rows_v)

    xor_idx = _xor_indices()
    neg = jnp.full((L,), -3.0e38, jnp.float32)
    for r in range(RW):
        def chunk_body(j, lists):
            v = [rows_v[r, pl.ds((j * K + i) * L, L)] for i in range(K)]
            for a, b in ((0, 1), (2, 3), (4, 5), (6, 7),
                         (0, 2), (1, 3), (4, 6), (5, 7),
                         (1, 2), (5, 6), (0, 4), (3, 7),
                         (1, 5), (2, 6),
                         (1, 4), (3, 6),
                         (2, 4), (3, 5),
                         (3, 4)):
                hi = jnp.maximum(v[a], v[b])
                v[b] = jnp.minimum(v[a], v[b])
                v[a] = hi
            lists = list(lists)
            for k in range(K):
                w = v[k]
                for lv in range(k, K):
                    hi = jnp.maximum(lists[lv], w)
                    w = jnp.minimum(lists[lv], w)
                    lists[lv] = hi
            return tuple(lists)

        lists = lax.fori_loop(0, NCHUNK // K, chunk_body, (neg,) * K)

        cur = jnp.full((L,), 3.0e38, jnp.float32)
        remaining = jnp.full((L,), float(K), jnp.float32)
        thresh = neg
        for _ in range(K):
            mv = neg
            for li in lists:
                mv = jnp.maximum(mv, jnp.where(li < cur, li, neg))
            m = _allmax(mv, xor_idx)
            cnt = jnp.zeros((L,), jnp.float32)
            for li in lists:
                cnt = cnt + jnp.where(li == m, 1.0, 0.0)
            cnt = _allsum(cnt, xor_idx)
            tf = jnp.where(remaining > 0, jnp.float32(1.0), jnp.float32(0.0))
            thresh = tf * m + (1.0 - tf) * thresh
            remaining = remaining - tf * cnt
            cur = m

        def gate_body(j, carry):
            for i in range(K):
                off = (j * K + i) * L
                v = rows_v[r, pl.ds(off, L)]
                gate_v[r, pl.ds(off, L)] = jnp.where(
                    v >= thresh, jnp.float32(1.0), jnp.float32(0.0))
            return carry

        lax.fori_loop(0, NCHUNK // K, gate_body, 0)

    pltpu.sync_copy(gate_v, gate_hbm.at[pl.ds(base, RW)])


def kernel(periph_seq, imu_seq, traj_seq, W1, b1, W2, b2):
    scores = _tc_scores(periph_seq, imu_seq, traj_seq, W1, b1, W2, b2)
    gate = _sc_gate(scores)
    return (scores, gate)

# --- scband reference (transcript-rebuilt; emitter-appended) ---
"""Pipeline reference for scband-gaze-control-policy-head-65352222376608 (READ-ONLY COPY).

The authoritative reference and input builder live on the scoring server;
editing this copy changes nothing except your own understanding.
"""

import jax, jax.numpy as jnp
import numpy as np

TOP_K = 8

def _topk_mask(scores, k):
    top_vals, _ = jax.lax.top_k(scores, k)
    thresh = top_vals[..., -1:]
    return (scores >= thresh).astype(scores.dtype)

def setup_inputs(seed: int = 0) -> dict:
    key = jax.random.key(seed)
    k1, k2, k3, k4, k5 = jax.random.split(key, 5)
    T, B = 32, 64
    input_dim, imu_dim, traj_dim, num_regions = 1024, 64, 128, 4096
    hidden = 64
    d = input_dim + imu_dim + traj_dim
    periph_seq = jax.random.normal(k1, (T, B, input_dim), dtype=jnp.float32)
    imu_seq = jax.random.normal(k2, (T, B, imu_dim), dtype=jnp.float32)
    traj_seq = jax.random.normal(k3, (T, B, traj_dim), dtype=jnp.float32)
    # hk.nets.MLP params: two Linear layers, truncated-normal-like init with stddev 1/sqrt(fan_in)
    W1 = jax.random.normal(k4, (d, hidden), dtype=jnp.float32) * (1.0 / np.sqrt(d))
    b1 = jnp.zeros((hidden,), dtype=jnp.float32)
    W2 = jax.random.normal(k5, (hidden, num_regions), dtype=jnp.float32) * (1.0 / np.sqrt(hidden))
    b2 = jnp.zeros((num_regions,), dtype=jnp.float32)
    return {"periph_seq": periph_seq, "imu_seq": imu_seq, "traj_seq": traj_seq, "W1": W1, "b1": b1, "W2": W2, "b2": b2}

def reference(periph_seq, imu_seq, traj_seq, W1, b1, W2, b2):
    # time-average each stream over axis 0, then concat features
    x = jnp.concatenate([jnp.mean(periph_seq, axis=0), jnp.mean(imu_seq, axis=0), jnp.mean(traj_seq, axis=0)], axis=-1)
    # hk.nets.MLP([64, num_regions]): relu between layers, linear output
    h = jax.nn.relu(x @ W1 + b1)
    scores = h @ W2 + b2
    gate = _topk_mask(scores, TOP_K)
    return (scores, gate)

if __name__ == "__main__":
    import jax
    _d = setup_inputs()
    print(jax.jit(kernel)(*tuple(_d.values())))

</pallas_src>

<mosaic_0001>
#map = affine_map<(d0, d1) -> (0, 0)>
module attributes {stable_mosaic.version = 14 : i64} {
  func.func @_sc_gate(%arg0: i32, %arg1: i32, %arg2: memref<64x4096xf32, #tpu.memory_space<hbm>>, %arg3: memref<64x4096xf32, #tpu.memory_space<hbm>>, %arg4: memref<2x4096xf32, #tpu.memory_space<vmem>>, %arg5: memref<2x4096xf32, #tpu.memory_space<vmem>>) attributes {dimension_semantics = [#tpu.dimension_semantics<core_parallel>, #tpu.dimension_semantics<subcore_parallel>], iteration_bounds = array<i64: 2, 16>, scalar_prefetch = 0 : i64, scratch_operands = 2 : i64, tpu.core_type = #tpu.core_type<sc_vector_subcore>, window_params = [{transform_indices = #map}, {transform_indices = #map}]} {
    %mul3A = arith.constant 2 : i32
    %mul3A_0 = arith.muli %arg1, %mul3A : i32
    %add3A = arith.addi %mul3A_0, %arg0 : i32
    %mul3A_1 = arith.constant 2 : i32
    %mul3A_2 = arith.muli %add3A, %mul3A_1 : i32
    "tpu.region"() ({
      %run_scoped3A = tpu.sem_alloc : memref<!tpu.dma_semaphore, #tpu.memory_space<semaphore_mem>>
      %dma_start3A = arith.constant 0 : i32
      %dma_start3A_1993 = tpu.memref_slice %arg2[%mul3A_2, %dma_start3A] : memref<64x4096xf32, #tpu.memory_space<hbm>> -> memref<2x4096xf32, #tpu.memory_space<hbm>>
      %dma_start3A_1994 = arith.constant 0 : i32
      %dma_start3A_1995 = tpu.memref_slice %arg2[%mul3A_2, %dma_start3A_1994] : memref<64x4096xf32, #tpu.memory_space<hbm>> -> memref<2x4096xf32, #tpu.memory_space<hbm>>
      tpu.enqueue_dma source(%dma_start3A_1995 : memref<2x4096xf32, #tpu.memory_space<hbm>>) target(%arg4 : memref<2x4096xf32, #tpu.memory_space<vmem>>) target_semaphore(%run_scoped3A : memref<!tpu.dma_semaphore, #tpu.memory_space<semaphore_mem>>)
      %dma_wait3A = arith.constant 0 : i32
      %dma_wait3A_1996 = tpu.memref_slice %arg2[%mul3A_2, %dma_wait3A] : memref<64x4096xf32, #tpu.memory_space<hbm>> -> memref<2x4096xf32, #tpu.memory_space<hbm>>
      %dma_wait3A_1997 = arith.constant 0 : i32
      %dma_wait3A_1998 = tpu.memref_slice %arg2[%mul3A_2, %dma_wait3A_1997] : memref<64x4096xf32, #tpu.memory_space<hbm>> -> memref<2x4096xf32, #tpu.memory_space<hbm>>
      tpu.wait_dma2 semaphore(%run_scoped3A : memref<!tpu.dma_semaphore, #tpu.memory_space<semaphore_mem>>) src(%dma_wait3A_1998 : memref<2x4096xf32, #tpu.memory_space<hbm>>) dst(%arg4 : memref<2x4096xf32, #tpu.memory_space<vmem>>)
      tpu.yield
    }) : () -> ()
    %iota3A = tpu.iota {dimensions = array<i32: 0>} : vector<16xi32>
    %xor3A = arith.constant 1 : i32
    %xor3A_3 = vector.broadcast %xor3A : i32 to vector<16xi32>
    %xor3A_4 = arith.xori %iota3A, %xor3A_3 : vector<16xi32>
    %reshape3A = vector.shape_cast %xor3A_4 : vector<16xi32> to vector<16x1xi32>
    %xor3A_5 = arith.constant 2 : i32
    %xor3A_6 = vector.broadcast %xor3A_5 : i32 to vector<16xi32>
    %xor3A_7 = arith.xori %iota3A, %xor3A_6 : vector<16xi32>
    %reshape3A_8 = vector.shape_cast %xor3A_7 : vector<16xi32> to vector<16x1xi32>
    %xor3A_9 = arith.constant 4 : i32
    %xor3A_10 = vector.broadcast %xor3A_9 : i32 to vector<16xi32>
    %xor3A_11 = arith.xori %iota3A, %xor3A_10 : vector<16xi32>
    %reshape3A_12 = vector.shape_cast %xor3A_11 : vector<16xi32> to vector<16x1xi32>
    %xor3A_13 = arith.constant 8 : i32
    %xor3A_14 = vector.broadcast %xor3A_13 : i32 to vector<16xi32>
    %xor3A_15 = arith.xori %iota3A, %xor3A_14 : vector<16xi32>
    %reshape3A_16 = vector.shape_cast %xor3A_15 : vector<16xi32> to vector<16x1xi32>
    %broadcast_in_dim3A = arith.constant -3.000000e+38 : f32
    %broadcast_in_dim3A_17 = vector.broadcast %broadcast_in_dim3A : f32 to vector<16xf32>
    %scan3A = arith.constant 0 : i32
    %scan3A_18 = arith.constant 32 : i32
    %scan3A_19 = arith.addi %scan3A, %scan3A_18 : i32
    %scan3A_20 = arith.constant 1 : i32
    %scan3A_21:8 = scf.for %scan3A_1993 = %scan3A to %scan3A_19 step %scan3A_20 iter_args(%scan3A_1994 = %broadcast_in_dim3A_17, %scan3A_1995 = %broadcast_in_dim3A_17, %scan3A_1996 = %broadcast_in_dim3A_17, %scan3A_1997 = %broadcast_in_dim3A_17, %scan3A_1998 = %broadcast_in_dim3A_17, %scan3A_1999 = %broadcast_in_dim3A_17, %scan3A_2000 = %broadcast_in_dim3A_17, %scan3A_2001 = %broadcast_in_dim3A_17) -> (vector<16xf32>, vector<16xf32>, vector<16xf32>, vector<16xf32>, vector<16xf32>, vector<16xf32>, vector<16xf32>, vector<16xf32>)  : i32 {
      %mul3A_2002 = arith.constant 8 : i32
      %mul3A_2003 = arith.muli %scan3A_1993, %mul3A_2002 : i32
      %add3A_2004 = arith.constant 0 : i32
      %add3A_2005 = arith.addi %mul3A_2003, %add3A_2004 : i32
      %mul3A_2006 = arith.constant 16 : i32
      %mul3A_2007 = arith.muli %add3A_2005, %mul3A_2006 : i32
      %get3A = arith.constant 0 : i32
      %get3A_2008 = arith.index_cast %get3A : i32 to index
      %get3A_2009 = arith.index_cast %mul3A_2007 : i32 to index
      %get3A_2010 = tpu.vector_load %arg4[%get3A_2008, %get3A_2009] {strides = array<i32>} : memref<2x4096xf32, #tpu.memory_space<vmem>>, vector<1x16xf32>,
      %get3A_2011 = vector.shape_cast %get3A_2010 : vector<1x16xf32> to vector<16xf32>
      %mul3A_2012 = arith.constant 8 : i32
      %mul3A_2013 = arith.muli %scan3A_1993, %mul3A_2012 : i32
      %add3A_2014 = arith.constant 1 : i32
      %add3A_2015 = arith.addi %mul3A_2013, %add3A_2014 : i32
      %mul3A_2016 = arith.constant 16 : i32
      %mul3A_2017 = arith.muli %add3A_2015, %mul3A_2016 : i32
      %get3A_2018 = arith.constant 0 : i32
      %get3A_2019 = arith.index_cast %get3A_2018 : i32 to index
      %get3A_2020 = arith.index_cast %mul3A_2017 : i32 to index
      %get3A_2021 = tpu.vector_load %arg4[%get3A_2019, %get3A_2020] {strides = array<i32>} : memref<2x4096xf32, #tpu.memory_space<vmem>>, vector<1x16xf32>,
      %get3A_2022 = vector.shape_cast %get3A_2021 : vector<1x16xf32> to vector<16xf32>
      %mul3A_2023 = arith.constant 8 : i32
      %mul3A_2024 = arith.muli %scan3A_1993, %mul3A_2023 : i32
      %add3A_2025 = arith.constant 2 : i32
      %add3A_2026 = arith.addi %mul3A_2024, %add3A_2025 : i32
      %mul3A_2027 = arith.constant 16 : i32
      %mul3A_2028 = arith.muli %add3A_2026, %mul3A_2027 : i32
      %get3A_2029 = arith.constant 0 : i32
      %get3A_2030 = arith.index_cast %get3A_2029 : i32 to index
      %get3A_2031 = arith.index_cast %mul3A_2028 : i32 to index
      %get3A_2032 = tpu.vector_load %arg4[%get3A_2030, %get3A_2031] {strides = array<i32>} : memref<2x4096xf32, #tpu.memory_space<vmem>>, vector<1x16xf32>,
      %get3A_2033 = vector.shape_cast %get3A_2032 : vector<1x16xf32> to vector<16xf32>
      %mul3A_2034 = arith.constant 8 : i32
      %mul3A_2035 = arith.muli %scan3A_1993, %mul3A_2034 : i32
      %add3A_2036 = arith.constant 3 : i32
      %add3A_2037 = arith.addi %mul3A_2035, %add3A_2036 : i32
      %mul3A_2038 = arith.constant 16 : i32
      %mul3A_2039 = arith.muli %add3A_2037, %mul3A_2038 : i32
      %get3A_2040 = arith.constant 0 : i32
      %get3A_2041 = arith.index_cast %get3A_2040 : i32 to index
      %get3A_2042 = arith.index_cast %mul3A_2039 : i32 to index
      %get3A_2043 = tpu.vector_load %arg4[%get3A_2041, %get3A_2042] {strides = array<i32>} : memref<2x4096xf32, #tpu.memory_space<vmem>>, vector<1x16xf32>,
      %get3A_2044 = vector.shape_cast %get3A_2043 : vector<1x16xf32> to vector<16xf32>
      %mul3A_2045 = arith.constant 8 : i32
      %mul3A_2046 = arith.muli %scan3A_1993, %mul3A_2045 : i32
      %add3A_2047 = arith.constant 4 : i32
      %add3A_2048 = arith.addi %mul3A_2046, %add3A_2047 : i32
      %mul3A_2049 = arith.constant 16 : i32
      %mul3A_2050 = arith.muli %add3A_2048, %mul3A_2049 : i32
      %get3A_2051 = arith.constant 0 : i32
      %get3A_2052 = arith.index_cast %get3A_2051 : i32 to index
      %get3A_2053 = arith.index_cast %mul3A_2050 : i32 to index
      %get3A_2054 = tpu.vector_load %arg4[%get3A_2052, %get3A_2053] {strides = array<i32>} : memref<2x4096xf32, #tpu.memory_space<vmem>>, vector<1x16xf32>,
      %get3A_2055 = vector.shape_cast %get3A_2054 : vector<1x16xf32> to vector<16xf32>
      %mul3A_2056 = arith.constant 8 : i32
      %mul3A_2057 = arith.muli %scan3A_1993, %mul3A_2056 : i32
      %add3A_2058 = arith.constant 5 : i32
      %add3A_2059 = arith.addi %mul3A_2057, %add3A_2058 : i32
      %mul3A_2060 = arith.constant 16 : i32
      %mul3A_2061 = arith.muli %add3A_2059, %mul3A_2060 : i32
      %get3A_2062 = arith.constant 0 : i32
      %get3A_2063 = arith.index_cast %get3A_2062 : i32 to index
      %get3A_2064 = arith.index_cast %mul3A_2061 : i32 to index
      %get3A_2065 = tpu.vector_load %arg4[%get3A_2063, %get3A_2064] {strides = array<i32>} : memref<2x4096xf32, #tpu.memory_space<vmem>>, vector<1x16xf32>,
      %get3A_2066 = vector.shape_cast %get3A_2065 : vector<1x16xf32> to vector<16xf32>
      %mul3A_2067 = arith.constant 8 : i32
      %mul3A_2068 = arith.muli %scan3A_1993, %mul3A_2067 : i32
      %add3A_2069 = arith.constant 6 : i32
      %add3A_2070 = arith.addi %mul3A_2068, %add3A_2069 : i32
      %mul3A_2071 = arith.constant 16 : i32
      %mul3A_2072 = arith.muli %add3A_2070, %mul3A_2071 : i32
      %get3A_2073 = arith.constant 0 : i32
      %get3A_2074 = arith.index_cast %get3A_2073 : i32 to index
      %get3A_2075 = arith.index_cast %mul3A_2072 : i32 to index
      %get3A_2076 = tpu.vector_load %arg4[%get3A_2074, %get3A_2075] {strides = array<i32>} : memref<2x4096xf32, #tpu.memory_space<vmem>>, vector<1x16xf32>,
      %get3A_2077 = vector.shape_cast %get3A_2076 : vector<1x16xf32> to vector<16xf32>
      %mul3A_2078 = arith.constant 8 : i32
      %mul3A_2079 = arith.muli %scan3A_1993, %mul3A_2078 : i32
      %add3A_2080 = arith.constant 7 : i32
      %add3A_2081 = arith.addi %mul3A_2079, %add3A_2080 : i32
      %mul3A_2082 = arith.constant 16 : i32
      %mul3A_2083 = arith.muli %add3A_2081, %mul3A_2082 : i32
      %get3A_2084 = arith.constant 0 : i32
      %get3A_2085 = arith.index_cast %get3A_2084 : i32 to index
      %get3A_2086 = arith.index_cast %mul3A_2083 : i32 to index
      %get3A_2087 = tpu.vector_load %arg4[%get3A_2085, %get3A_2086] {strides = array<i32>} : memref<2x4096xf32, #tpu.memory_space<vmem>>, vector<1x16xf32>,
      %get3A_2088 = vector.shape_cast %get3A_2087 : vector<1x16xf32> to vector<16xf32>
      %max3A_2089 = arith.maximumf %get3A_2011, %get3A_2022 : vector<16xf32>
      %min3A = arith.minimumf %get3A_2011, %get3A_2022 : vector<16xf32>
      %max3A_2090 = arith.maximumf %get3A_2033, %get3A_2044 : vector<16xf32>
      %min3A_2091 = arith.minimumf %get3A_2033, %get3A_2044 : vector<16xf32>
      %max3A_2092 = arith.maximumf %get3A_2055, %get3A_2066 : vector<16xf32>
      %min3A_2093 = arith.minimumf %get3A_2055, %get3A_2066 : vector<16xf32>
      %max3A_2094 = arith.maximumf %get3A_2077, %get3A_2088 : vector<16xf32>
      %min3A_2095 = arith.minimumf %get3A_2077, %get3A_2088 : vector<16xf32>
      %max3A_2096 = arith.maximumf %max3A_2089, %max3A_2090 : vector<16xf32>
      %min3A_2097 = arith.minimumf %max3A_2089, %max3A_2090 : vector<16xf32>
      %max3A_2098 = arith.maximumf %min3A, %min3A_2091 : vector<16xf32>
      %min3A_2099 = arith.minimumf %min3A, %min3A_2091 : vector<16xf32>
      %max3A_2100 = arith.maximumf %max3A_2092, %max3A_2094 : vector<16xf32>
      %min3A_2101 = arith.minimumf %max3A_2092, %max3A_2094 : vector<16xf32>
      %max3A_2102 = arith.maximumf %min3A_2093, %min3A_2095 : vector<16xf32>
      %min3A_2103 = arith.minimumf %min3A_2093, %min3A_2095 : vector<16xf32>
      %max3A_2104 = arith.maximumf %max3A_2098, %min3A_2097 : vector<16xf32>
      %min3A_2105 = arith.minimumf %max3A_2098, %min3A_2097 : vector<16xf32>
      %max3A_2106 = arith.maximumf %max3A_2102, %min3A_2101 : vector<16xf32>
      %min3A_2107 = arith.minimumf %max3A_2102, %min3A_2101 : vector<16xf32>
      %max3A_2108 = arith.maximumf %max3A_2096, %max3A_2100 : vector<16xf32>
      %min3A_2109 = arith.minimumf %max3A_2096, %max3A_2100 : vector<16xf32>
      %max3A_2110 = arith.maximumf %min3A_2099, %min3A_2103 : vector<16xf32>
      %min3A_2111 = arith.minimumf %min3A_2099, %min3A_2103 : vector<16xf32>
      %max3A_2112 = arith.maximumf %max3A_2104, %max3A_2106 : vector<16xf32>
      %min3A_2113 = arith.minimumf %max3A_2104, %max3A_2106 : vector<16xf32>
      %max3A_2114 = arith.maximumf %min3A_2105, %min3A_2107 : vector<16xf32>
      %min3A_2115 = arith.minimumf %min3A_2105, %min3A_2107 : vector<16xf32>
      %max3A_2116 = arith.maximumf %max3A_2112, %min3A_2109 : vector<16xf32>
      %min3A_2117 = arith.minimumf %max3A_2112, %min3A_2109 : vector<16xf32>
      %max3A_2118 = arith.maximumf %max3A_2110, %min3A_2115 : vector<16xf32>
      %min3A_2119 = arith.minimumf %max3A_2110, %min3A_2115 : vector<16xf32>
      %max3A_2120 = arith.maximumf %max3A_2114, %min3A_2117 : vector<16xf32>
      %min3A_2121 = arith.minimumf %max3A_2114, %min3A_2117 : vector<16xf32>
      %max3A_2122 = arith.maximumf %max3A_2118, %min3A_2113 : vector<16xf32>
      %min3A_2123 = arith.minimumf %max3A_2118, %min3A_2113 : vector<16xf32>
      %max3A_2124 = arith.maximumf %max3A_2122, %min3A_2121 : vector<16xf32>
      %min3A_2125 = arith.minimumf %max3A_2122, %min3A_2121 : vector<16xf32>
      %max3A_2126 = arith.maximumf %scan3A_1994, %max3A_2108 : vector<16xf32>
      %min3A_2127 = arith.minimumf %scan3A_1994, %max3A_2108 : vector<16xf32>
      %max3A_2128 = arith.maximumf %scan3A_1995, %min3A_2127 : vector<16xf32>
      %min3A_2129 = arith.minimumf %scan3A_1995, %min3A_2127 : vector<16xf32>
      %max3A_2130 = arith.maximumf %scan3A_1996, %min3A_2129 : vector<16xf32>
      %min3A_2131 = arith.minimumf %scan3A_1996, %min3A_2129 : vector<16xf32>
      %max3A_2132 = arith.maximumf %scan3A_1997, %min3A_2131 : vector<16xf32>
      %min3A_2133 = arith.minimumf %scan3A_1997, %min3A_2131 : vector<16xf32>
      %max3A_2134 = arith.maximumf %scan3A_1998, %min3A_2133 : vector<16xf32>
      %min3A_2135 = arith.minimumf %scan3A_1998, %min3A_2133 : vector<16xf32>
      %max3A_2136 = arith.maximumf %scan3A_1999, %min3A_2135 : vector<16xf32>
      %min3A_2137 = arith.minimumf %scan3A_1999, %min3A_2135 : vector<16xf32>
      %max3A_2138 = arith.maximumf %scan3A_2000, %min3A_2137 : vector<16xf32>
      %min3A_2139 = arith.minimumf %scan3A_2000, %min3A_2137 : vector<16xf32>
      %max3A_2140 = arith.maximumf %scan3A_2001, %min3A_2139 : vector<16xf32>
      %min3A_2141 = arith.minimumf %scan3A_2001, %min3A_2139 : vector<16xf32>
      %max3A_2142 = arith.maximumf %max3A_2128, %max3A_2116 : vector<16xf32>
      %min3A_2143 = arith.minimumf %max3A_2128, %max3A_2116 : vector<16xf32>
      %max3A_2144 = arith.maximumf %max3A_2130, %min3A_2143 : vector<16xf32>
      %min3A_2145 = arith.minimumf %max3A_2130, %min3A_2143 : vector<16xf32>
      %max3A_2146 = arith.maximumf %max3A_2132, %min3A_2145 : vector<16xf32>
      %min3A_2147 = arith.minimumf %max3A_2132, %min3A_2145 : vector<16xf32>
      %max3A_2148 = arith.maximumf %max3A_2134, %min3A_2147 : vector<16xf32>
      %min3A_2149 = arith.minimumf %max3A_2134, %min3A_2147 : vector<16xf32>
      %max3A_2150 = arith.maximumf %max3A_2136, %min3A_2149 : vector<16xf32>
      %min3A_2151 = arith.minimumf %max3A_2136, %min3A_2149 : vector<16xf32>
      %max3A_2152 = arith.maximumf %max3A_2138, %min3A_2151 : vector<16xf32>
      %min3A_2153 = arith.minimumf %max3A_2138, %min3A_2151 : vector<16xf32>
      %max3A_2154 = arith.maximumf %max3A_2140, %min3A_2153 : vector<16xf32>
      %min3A_2155 = arith.minimumf %max3A_2140, %min3A_2153 : vector<16xf32>
      %max3A_2156 = arith.maximumf %max3A_2144, %max3A_2120 : vector<16xf32>
      %min3A_2157 = arith.minimumf %max3A_2144, %max3A_2120 : vector<16xf32>
      %max3A_2158 = arith.maximumf %max3A_2146, %min3A_2157 : vector<16xf32>
      %min3A_2159 = arith.minimumf %max3A_2146, %min3A_2157 : vector<16xf32>
      %max3A_2160 = arith.maximumf %max3A_2148, %min3A_2159 : vector<16xf32>
      %min3A_2161 = arith.minimumf %max3A_2148, %min3A_2159 : vector<16xf32>
      %max3A_2162 = arith.maximumf %max3A_2150, %min3A_2161 : vector<16xf32>
      %min3A_2163 = arith.minimumf %max3A_2150, %min3A_2161 : vector<16xf32>
      %max3A_2164 = arith.maximumf %max3A_2152, %min3A_2163 : vector<16xf32>
      %min3A_2165 = arith.minimumf %max3A_2152, %min3A_2163 : vector<16xf32>
      %max3A_2166 = arith.maximumf %max3A_2154, %min3A_2165 : vector<16xf32>
      %min3A_2167 = arith.minimumf %max3A_2154, %min3A_2165 : vector<16xf32>
      %max3A_2168 = arith.maximumf %max3A_2158, %max3A_2124 : vector<16xf32>
      %min3A_2169 = arith.minimumf %max3A_2158, %max3A_2124 : vector<16xf32>
      %max3A_2170 = arith.maximumf %max3A_2160, %min3A_2169 : vector<16xf32>
      %min3A_2171 = arith.minimumf %max3A_2160, %min3A_2169 : vector<16xf32>
      %max3A_2172 = arith.maximumf %max3A_2162, %min3A_2171 : vector<16xf32>
      %min3A_2173 = arith.minimumf %max3A_2162, %min3A_2171 : vector<16xf32>
      %max3A_2174 = arith.maximumf %max3A_2164, %min3A_2173 : vector<16xf32>
      %min3A_2175 = arith.minimumf %max3A_2164, %min3A_2173 : vector<16xf32>
      %max3A_2176 = arith.maximumf %max3A_2166, %min3A_2175 : vector<16xf32>
      %min3A_2177 = arith.minimumf %max3A_2166, %min3A_2175 : vector<16xf32>
      %max3A_2178 = arith.maximumf %max3A_2170, %min3A_2125 : vector<16xf32>
      %min3A_2179 = arith.minimumf %max3A_2170, %min3A_2125 : vector<16xf32>
      %max3A_2180 = arith.maximumf %max3A_2172, %min3A_2179 : vector<16xf32>
      %min3A_2181 = arith.minimumf %max3A_2172, %min3A_2179 : vector<16xf32>
      %max3A_2182 = arith.maximumf %max3A_2174, %min3A_2181 : vector<16xf32>
      %min3A_2183 = arith.minimumf %max3A_2174, %min3A_2181 : vector<16xf32>
      %max3A_2184 = arith.maximumf %max3A_2176, %min3A_2183 : vector<16xf32>
      %min3A_2185 = arith.minimumf %max3A_2176, %min3A_2183 : vector<16xf32>
      %max3A_2186 = arith.maximumf %max3A_2180, %min3A_2123 : vector<16xf32>
      %min3A_2187 = arith.minimumf %max3A_2180, %min3A_2123 : vector<16xf32>
      %max3A_2188 = arith.maximumf %max3A_2182, %min3A_2187 : vector<16xf32>
      %min3A_2189 = arith.minimumf %max3A_2182, %min3A_2187 : vector<16xf32>
      %max3A_2190 = arith.maximumf %max3A_2184, %min3A_2189 : vector<16xf32>
      %min3A_2191 = arith.minimumf %max3A_2184, %min3A_2189 : vector<16xf32>
      %max3A_2192 = arith.maximumf %max3A_2188, %min3A_2119 : vector<16xf32>
      %min3A_2193 = arith.minimumf %max3A_2188, %min3A_2119 : vector<16xf32>
      %max3A_2194 = arith.maximumf %max3A_2190, %min3A_2193 : vector<16xf32>
      %min3A_2195 = arith.minimumf %max3A_2190, %min3A_2193 : vector<16xf32>
      %max3A_2196 = arith.maximumf %max3A_2194, %min3A_2111 : vector<16xf32>
      %min3A_2197 = arith.minimumf %max3A_2194, %min3A_2111 : vector<16xf32>
      scf.yield %max3A_2126, %max3A_2142, %max3A_2156, %max3A_2168, %max3A_2178, %max3A_2186, %max3A_2192, %max3A_2196 : vector<16xf32>, vector<16xf32>, vector<16xf32>, vector<16xf32>, vector<16xf32>, vector<16xf32>, vector<16xf32>, vector<16xf32>
    }
    %scan3A_22 = arith.constant 32 : i32
    %broadcast_in_dim3A_23 = arith.constant 3.000000e+38 : f32
    %broadcast_in_dim3A_24 = vector.broadcast %broadcast_in_dim3A_23 : f32 to vector<16xf32>
    %broadcast_in_dim3A_25 = arith.constant 8.000000e+00 : f32
    %broadcast_in_dim3A_26 = vector.broadcast %broadcast_in_dim3A_25 : f32 to vector<16xf32>
    %lt3A = arith.cmpf olt, %scan3A_21#0, %broadcast_in_dim3A_24 : vector<16xf32>
    %select_n3A = arith.select %lt3A, %scan3A_21#0, %broadcast_in_dim3A_17 : vector<16xi1>, vector<16xf32>
    %max3A = arith.maximumf %broadcast_in_dim3A_17, %select_n3A : vector<16xf32>
    %lt3A_27 = arith.cmpf olt, %scan3A_21#1, %broadcast_in_dim3A_24 : vector<16xf32>
    %select_n3A_28 = arith.select %lt3A_27, %scan3A_21#1, %broadcast_in_dim3A_17 : vector<16xi1>, vector<16xf32>
    %max3A_29 = arith.maximumf %max3A, %select_n3A_28 : vector<16xf32>
    %lt3A_30 = arith.cmpf olt, %scan3A_21#2, %broadcast_in_dim3A_24 : vector<16xf32>
    %select_n3A_31 = arith.select %lt3A_30, %scan3A_21#2, %broadcast_in_dim3A_17 : vector<16xi1>, vector<16xf32>
    %max3A_32 = arith.maximumf %max3A_29, %select_n3A_31 : vector<16xf32>
    %lt3A_33 = arith.cmpf olt, %scan3A_21#3, %broadcast_in_dim3A_24 : vector<16xf32>
    %select_n3A_34 = arith.select %lt3A_33, %scan3A_21#3, %broadcast_in_dim3A_17 : vector<16xi1>, vector<16xf32>
    %max3A_35 = arith.maximumf %max3A_32, %select_n3A_34 : vector<16xf32>
    %lt3A_36 = arith.cmpf olt, %scan3A_21#4, %broadcast_in_dim3A_24 : vector<16xf32>
    %select_n3A_37 = arith.select %lt3A_36, %scan3A_21#4, %broadcast_in_dim3A_17 : vector<16xi1>, vector<16xf32>
    %max3A_38 = arith.maximumf %max3A_35, %select_n3A_37 : vector<16xf32>
    %lt3A_39 = arith.cmpf olt, %scan3A_21#5, %broadcast_in_dim3A_24 : vector<16xf32>
    %select_n3A_40 = arith.select %lt3A_39, %scan3A_21#5, %broadcast_in_dim3A_17 : vector<16xi1>, vector<16xf32>
    %max3A_41 = arith.maximumf %max3A_38, %select_n3A_40 : vector<16xf32>
    %lt3A_42 = arith.cmpf olt, %scan3A_21#6, %broadcast_in_dim3A_24 : vector<16xf32>
    %select_n3A_43 = arith.select %lt3A_42, %scan3A_21#6, %broadcast_in_dim3A_17 : vector<16xi1>, vector<16xf32>
    %max3A_44 = arith.maximumf %max3A_41, %select_n3A_43 : vector<16xf32>
    %lt3A_45 = arith.cmpf olt, %scan3A_21#7, %broadcast_in_dim3A_24 : vector<16xf32>
    %select_n3A_46 = arith.select %lt3A_45, %scan3A_21#7, %broadcast_in_dim3A_17 : vector<16xi1>, vector<16xf32>
    %max3A_47 = arith.maximumf %max3A_44, %select_n3A_46 : vector<16xf32>
    %gather3A = vector.shape_cast %reshape3A : vector<16x1xi32> to vector<16xi32>
    %gather3A_48 = tpu.dynamic_gather %max3A_47[%gather3A] in [0] : vector<16xf32>, vector<16xi32> -> vector<16xf32>
    %max3A_49 = arith.maximumf %max3A_47, %gather3A_48 : vector<16xf32>
    %gather3A_50 = vector.shape_cast %reshape3A_8 : vector<16x1xi32> to vector<16xi32>
    %gather3A_51 = tpu.dynamic_gather %max3A_49[%gather3A_50] in [0] : vector<16xf32>, vector<16xi32> -> vector<16xf32>
    %max3A_52 = arith.maximumf %max3A_49, %gather3A_51 : vector<16xf32>
    %gather3A_53 = vector.shape_cast %reshape3A_12 : vector<16x1xi32> to vector<16xi32>
    %gather3A_54 = tpu.dynamic_gather %max3A_52[%gather3A_53] in [0] : vector<16xf32>, vector<16xi32> -> vector<16xf32>
    %max3A_55 = arith.maximumf %max3A_52, %gather3A_54 : vector<16xf32>
    %gather3A_56 = vector.shape_cast %reshape3A_16 : vector<16x1xi32> to vector<16xi32>
    %gather3A_57 = tpu.dynamic_gather %max3A_55[%gather3A_56] in [0] : vector<16xf32>, vector<16xi32> -> vector<16xf32>
    %max3A_58 = arith.maximumf %max3A_55, %gather3A_57 : vector<16xf32>
    %broadcast_in_dim3A_59 = arith.constant 0.000000e+00 : f32
    %broadcast_in_dim3A_60 = vector.broadcast %broadcast_in_dim3A_59 : f32 to vector<16xf32>
    %eq3A = arith.cmpf oeq, %scan3A_21#0, %max3A_58 : vector<16xf32>
    %jit3A = arith.constant 1.000000e+00 : f32
    %jit3A_61 = arith.constant 0.000000e+00 : f32
    %broadcast_in_dim3A_62 = vector.broadcast %jit3A : f32 to vector<16xf32>
    %broadcast_in_dim3A_63 = vector.broadcast %jit3A_61 : f32 to vector<16xf32>
    %select_n3A_64 = arith.select %eq3A, %broadcast_in_dim3A_62, %broadcast_in_dim3A_63 : vector<16xi1>, vector<16xf32>
    %add3A_65 = arith.addf %broadcast_in_dim3A_60, %select_n3A_64 : vector<16xf32>
    %eq3A_66 = arith.cmpf oeq, %scan3A_21#1, %max3A_58 : vector<16xf32>
    %jit3A_67 = arith.constant 1.000000e+00 : f32
    %jit3A_68 = arith.constant 0.000000e+00 : f32
    %broadcast_in_dim3A_69 = vector.broadcast %jit3A_67 : f32 to vector<16xf32>
    %broadcast_in_dim3A_70 = vector.broadcast %jit3A_68 : f32 to vector<16xf32>
    %select_n3A_71 = arith.select %eq3A_66, %broadcast_in_dim3A_69, %broadcast_in_dim3A_70 : vector<16xi1>, vector<16xf32>
    %add3A_72 = arith.addf %add3A_65, %select_n3A_71 : vector<16xf32>
    %eq3A_73 = arith.cmpf oeq, %scan3A_21#2, %max3A_58 : vector<16xf32>
    %jit3A_74 = arith.constant 1.000000e+00 : f32
    %jit3A_75 = arith.constant 0.000000e+00 : f32
    %broadcast_in_dim3A_76 = vector.broadcast %jit3A_74 : f32 to vector<16xf32>
    %broadcast_in_dim3A_77 = vector.broadcast %jit3A_75 : f32 to vector<16xf32>
    %select_n3A_78 = arith.select %eq3A_73, %broadcast_in_dim3A_76, %broadcast_in_dim3A_77 : vector<16xi1>, vector<16xf32>
    %add3A_79 = arith.addf %add3A_72, %select_n3A_78 : vector<16xf32>
    %eq3A_80 = arith.cmpf oeq, %scan3A_21#3, %max3A_58 : vector<16xf32>
    %jit3A_81 = arith.constant 1.000000e+00 : f32
    %jit3A_82 = arith.constant 0.000000e+00 : f32
    %broadcast_in_dim3A_83 = vector.broadcast %jit3A_81 : f32 to vector<16xf32>
    %broadcast_in_dim3A_84 = vector.broadcast %jit3A_82 : f32 to vector<16xf32>
    %select_n3A_85 = arith.select %eq3A_80, %broadcast_in_dim3A_83, %broadcast_in_dim3A_84 : vector<16xi1>, vector<16xf32>
    %add3A_86 = arith.addf %add3A_79, %select_n3A_85 : vector<16xf32>
    %eq3A_87 = arith.cmpf oeq, %scan3A_21#4, %max3A_58 : vector<16xf32>
    %jit3A_88 = arith.constant 1.000000e+00 : f32
    %jit3A_89 = arith.constant 0.000000e+00 : f32
    %broadcast_in_dim3A_90 = vector.broadcast %jit3A_88 : f32 to vector<16xf32>
    %broadcast_in_dim3A_91 = vector.broadcast %jit3A_89 : f32 to vector<16xf32>
    %select_n3A_92 = arith.select %eq3A_87, %broadcast_in_dim3A_90, %broadcast_in_dim3A_91 : vector<16xi1>, vector<16xf32>
    %add3A_93 = arith.addf %add3A_86, %select_n3A_92 : vector<16xf32>
    %eq3A_94 = arith.cmpf oeq, %scan3A_21#5, %max3A_58 : vector<16xf32>
    %jit3A_95 = arith.constant 1.000000e+00 : f32
    %jit3A_96 = arith.constant 0.000000e+00 : f32
    %broadcast_in_dim3A_97 = vector.broadcast %jit3A_95 : f32 to vector<16xf32>
    %broadcast_in_dim3A_98 = vector.broadcast %jit3A_96 : f32 to vector<16xf32>
    %select_n3A_99 = arith.select %eq3A_94, %broadcast_in_dim3A_97, %broadcast_in_dim3A_98 : vector<16xi1>, vector<16xf32>
    %add3A_100 = arith.addf %add3A_93, %select_n3A_99 : vector<16xf32>
    %eq3A_101 = arith.cmpf oeq, %scan3A_21#6, %max3A_58 : vector<16xf32>
    %jit3A_102 = arith.constant 1.000000e+00 : f32
    %jit3A_103 = arith.constant 0.000000e+00 : f32
    %broadcast_in_dim3A_104 = vector.broadcast %jit3A_102 : f32 to vector<16xf32>
    %broadcast_in_dim3A_105 = vector.broadcast %jit3A_103 : f32 to vector<16xf32>
    %select_n3A_106 = arith.select %eq3A_101, %broadcast_in_dim3A_104, %broadcast_in_dim3A_105 : vector<16xi1>, vector<16xf32>
    %add3A_107 = arith.addf %add3A_100, %select_n3A_106 : vector<16xf32>
    %eq3A_108 = arith.cmpf oeq, %scan3A_21#7, %max3A_58 : vector<16xf32>
    %jit3A_109 = arith.constant 1.000000e+00 : f32
    %jit3A_110 = arith.constant 0.000000e+00 : f32
    %broadcast_in_dim3A_111 = vector.broadcast %jit3A_109 : f32 to vector<16xf32>
    %broadcast_in_dim3A_112 = vector.broadcast %jit3A_110 : f32 to vector<16xf32>
    %select_n3A_113 = arith.select %eq3A_108, %broadcast_in_dim3A_111, %broadcast_in_dim3A_112 : vector<16xi1>, vector<16xf32>
    %add3A_114 = arith.addf %add3A_107, %select_n3A_113 : vector<16xf32>
    %gather3A_115 = vector.shape_cast %reshape3A : vector<16x1xi32> to vector<16xi32>
    %gather3A_116 = tpu.dynamic_gather %add3A_114[%gather3A_115] in [0] : vector<16xf32>, vector<16xi32> -> vector<16xf32>
    %add3A_117 = arith.addf %add3A_114, %gather3A_116 : vector<16xf32>
    %gather3A_118 = vector.shape_cast %reshape3A_8 : vector<16x1xi32> to vector<16xi32>
    %gather3A_119 = tpu.dynamic_gather %add3A_117[%gather3A_118] in [0] : vector<16xf32>, vector<16xi32> -> vector<16xf32>
    %add3A_120 = arith.addf %add3A_117, %gather3A_119 : vector<16xf32>
    %gather3A_121 = vector.shape_cast %reshape3A_12 : vector<16x1xi32> to vector<16xi32>
    %gather3A_122 = tpu.dynamic_gather %add3A_120[%gather3A_121] in [0] : vector<16xf32>, vector<16xi32> -> vector<16xf32>
    %add3A_123 = arith.addf %add3A_120, %gather3A_122 : vector<16xf32>
    %gather3A_124 = vector.shape_cast %reshape3A_16 : vector<16x1xi32> to vector<16xi32>
    %gather3A_125 = tpu.dynamic_gather %add3A_123[%gather3A_124] in [0] : vector<16xf32>, vector<16xi32> -> vector<16xf32>
    %add3A_126 = arith.addf %add3A_123, %gather3A_125 : vector<16xf32>
    %gt3A = arith.constant 0.000000e+00 : f32
    %gt3A_127 = vector.broadcast %gt3A : f32 to vector<16xf32>
    %gt3A_128 = arith.cmpf ogt, %broadcast_in_dim3A_26, %gt3A_127 : vector<16xf32>
    %jit3A_129 = arith.constant 1.000000e+00 : f32
    %jit3A_130 = arith.constant 0.000000e+00 : f32
    %broadcast_in_dim3A_131 = vector.broadcast %jit3A_129 : f32 to vector<16xf32>
    %broadcast_in_dim3A_132 = vector.broadcast %jit3A_130 : f32 to vector<16xf32>
    %select_n3A_133 = arith.select %gt3A_128, %broadcast_in_dim3A_131, %broadcast_in_dim3A_132 : vector<16xi1>, vector<16xf32>
    %mul3A_134 = arith.mulf %select_n3A_133, %max3A_58 : vector<16xf32>
    %sub3A = arith.constant 1.000000e+00 : f32
    %sub3A_135 = vector.broadcast %sub3A : f32 to vector<16xf32>
    %sub3A_136 = arith.subf %sub3A_135, %select_n3A_133 : vector<16xf32>
    %mul3A_137 = arith.mulf %sub3A_136, %broadcast_in_dim3A_17 : vector<16xf32>
    %add3A_138 = arith.addf %mul3A_134, %mul3A_137 : vector<16xf32>
    %mul3A_139 = arith.mulf %select_n3A_133, %add3A_126 : vector<16xf32>
    %sub3A_140 = arith.subf %broadcast_in_dim3A_26, %mul3A_139 : vector<16xf32>
    %lt3A_141 = arith.cmpf olt, %scan3A_21#0, %max3A_58 : vector<16xf32>
    %select_n3A_142 = arith.select %lt3A_141, %scan3A_21#0, %broadcast_in_dim3A_17 : vector<16xi1>, vector<16xf32>
    %max3A_143 = arith.maximumf %broadcast_in_dim3A_17, %select_n3A_142 : vector<16xf32>
    %lt3A_144 = arith.cmpf olt, %scan3A_21#1, %max3A_58 : vector<16xf32>
    %select_n3A_145 = arith.select %lt3A_144, %scan3A_21#1, %broadcast_in_dim3A_17 : vector<16xi1>, vector<16xf32>
    %max3A_146 = arith.maximumf %max3A_143, %select_n3A_145 : vector<16xf32>
    %lt3A_147 = arith.cmpf olt, %scan3A_21#2, %max3A_58 : vector<16xf32>
    %select_n3A_148 = arith.select %lt3A_147, %scan3A_21#2, %broadcast_in_dim3A_17 : vector<16xi1>, vector<16xf32>
    %max3A_149 = arith.maximumf %max3A_146, %select_n3A_148 : vector<16xf32>
    %lt3A_150 = arith.cmpf olt, %scan3A_21#3, %max3A_58 : vector<16xf32>
    %select_n3A_151 = arith.select %lt3A_150, %scan3A_21#3, %broadcast_in_dim3A_17 : vector<16xi1>, vector<16xf32>
    %max3A_152 = arith.maximumf %max3A_149, %select_n3A_151 : vector<16xf32>
    %lt3A_153 = arith.cmpf olt, %scan3A_21#4, %max3A_58 : vector<16xf32>
    %select_n3A_154 = arith.select %lt3A_153, %scan3A_21#4, %broadcast_in_dim3A_17 : vector<16xi1>, vector<16xf32>
    %max3A_155 = arith.maximumf %max3A_152, %select_n3A_154 : vector<16xf32>
    %lt3A_156 = arith.cmpf olt, %scan3A_21#5, %max3A_58 : vector<16xf32>
    %select_n3A_157 = arith.select %lt3A_156, %scan3A_21#5, %broadcast_in_dim3A_17 : vector<16xi1>, vector<16xf32>
    %max3A_158 = arith.maximumf %max3A_155, %select_n3A_157 : vector<16xf32>
    %lt3A_159 = arith.cmpf olt, %scan3A_21#6, %max3A_58 : vector<16xf32>
    %select_n3A_160 = arith.select %lt3A_159, %scan3A_21#6, %broadcast_in_dim3A_17 : vector<16xi1>, vector<16xf32>
    %max3A_161 = arith.maximumf %max3A_158, %select_n3A_160 : vector<16xf32>
    %lt3A_162 = arith.cmpf olt, %scan3A_21#7, %max3A_58 : vector<16xf32>
    %select_n3A_163 = arith.select %lt3A_162, %scan3A_21#7, %broadcast_in_dim3A_17 : vector<16xi1>, vector<16xf32>
    %max3A_164 = arith.maximumf %max3A_161, %select_n3A_163 : vector<16xf32>
    %gather3A_165 = vector.shape_cast %reshape3A : vector<16x1xi32> to vector<16xi32>
    %gather3A_166 = tpu.dynamic_gather %max3A_164[%gather3A_165] in [0] : vector<16xf32>, vector<16xi32> -> vector<16xf32>
    %max3A_167 = arith.maximumf %max3A_164, %gather3A_166 : vector<16xf32>
    %gather3A_168 = vector.shape_cast %reshape3A_8 : vector<16x1xi32> to vector<16xi32>
    %gather3A_169 = tpu.dynamic_gather %max3A_167[%gather3A_168] in [0] : vector<16xf32>, vector<16xi32> -> vector<16xf32>
    %max3A_170 = arith.maximumf %max3A_167, %gather3A_169 : vector<16xf32>
    %gather3A_171 = vector.shape_cast %reshape3A_12 : vector<16x1xi32> to vector<16xi32>
    %gather3A_172 = tpu.dynamic_gather %max3A_170[%gather3A_171] in [0] : vector<16xf32>, vector<16xi32> -> vector<16xf32>
    %max3A_173 = arith.maximumf %max3A_170, %gather3A_172 : vector<16xf32>
    %gather3A_174 = vector.shape_cast %reshape3A_16 : vector<16x1xi32> to vector<16xi32>
    %gather3A_175 = tpu.dynamic_gather %max3A_173[%gather3A_174] in [0] : vector<16xf32>, vector<16xi32> -> vector<16xf32>
    %max3A_176 = arith.maximumf %max3A_173, %gather3A_175 : vector<16xf32>
    %broadcast_in_dim3A_177 = arith.constant 0.000000e+00 : f32
    %broadcast_in_dim3A_178 = vector.broadcast %broadcast_in_dim3A_177 : f32 to vector<16xf32>
    %eq3A_179 = arith.cmpf oeq, %scan3A_21#0, %max3A_176 : vector<16xf32>
    %jit3A_180 = arith.constant 1.000000e+00 : f32
    %jit3A_181 = arith.constant 0.000000e+00 : f32
    %broadcast_in_dim3A_182 = vector.broadcast %jit3A_180 : f32 to vector<16xf32>
    %broadcast_in_dim3A_183 = vector.broadcast %jit3A_181 : f32 to vector<16xf32>
    %select_n3A_184 = arith.select %eq3A_179, %broadcast_in_dim3A_182, %broadcast_in_dim3A_183 : vector<16xi1>, vector<16xf32>
    %add3A_185 = arith.addf %broadcast_in_dim3A_178, %select_n3A_184 : vector<16xf32>
    %eq3A_186 = arith.cmpf oeq, %scan3A_21#1, %max3A_176 : vector<16xf32>
    %jit3A_187 = arith.constant 1.000000e+00 : f32
    %jit3A_188 = arith.constant 0.000000e+00 : f32
    %broadcast_in_dim3A_189 = vector.broadcast %jit3A_187 : f32 to vector<16xf32>
    %broadcast_in_dim3A_190 = vector.broadcast %jit3A_188 : f32 to vector<16xf32>
    %select_n3A_191 = arith.select %eq3A_186, %broadcast_in_dim3A_189, %broadcast_in_dim3A_190 : vector<16xi1>, vector<16xf32>
    %add3A_192 = arith.addf %add3A_185, %select_n3A_191 : vector<16xf32>
    %eq3A_193 = arith.cmpf oeq, %scan3A_21#2, %max3A_176 : vector<16xf32>
    %jit3A_194 = arith.constant 1.000000e+00 : f32
    %jit3A_195 = arith.constant 0.000000e+00 : f32
    %broadcast_in_dim3A_196 = vector.broadcast %jit3A_194 : f32 to vector<16xf32>
    %broadcast_in_dim3A_197 = vector.broadcast %jit3A_195 : f32 to vector<16xf32>
    %select_n3A_198 = arith.select %eq3A_193, %broadcast_in_dim3A_196, %broadcast_in_dim3A_197 : vector<16xi1>, vector<16xf32>
    %add3A_199 = arith.addf %add3A_192, %select_n3A_198 : vector<16xf32>
    %eq3A_200 = arith.cmpf oeq, %scan3A_21#3, %max3A_176 : vector<16xf32>
    %jit3A_201 = arith.constant 1.000000e+00 : f32
    %jit3A_202 = arith.constant 0.000000e+00 : f32
    %broadcast_in_dim3A_203 = vector.broadcast %jit3A_201 : f32 to vector<16xf32>
    %broadcast_in_dim3A_204 = vector.broadcast %jit3A_202 : f32 to vector<16xf32>
    %select_n3A_205 = arith.select %eq3A_200, %broadcast_in_dim3A_203, %broadcast_in_dim3A_204 : vector<16xi1>, vector<16xf32>
    %add3A_206 = arith.addf %add3A_199, %select_n3A_205 : vector<16xf32>
    %eq3A_207 = arith.cmpf oeq, %scan3A_21#4, %max3A_176 : vector<16xf32>
    %jit3A_208 = arith.constant 1.000000e+00 : f32
    %jit3A_209 = arith.constant 0.000000e+00 : f32
    %broadcast_in_dim3A_210 = vector.broadcast %jit3A_208 : f32 to vector<16xf32>
    %broadcast_in_dim3A_211 = vector.broadcast %jit3A_209 : f32 to vector<16xf32>
    %select_n3A_212 = arith.select %eq3A_207, %broadcast_in_dim3A_210, %broadcast_in_dim3A_211 : vector<16xi1>, vector<16xf32>
    %add3A_213 = arith.addf %add3A_206, %select_n3A_212 : vector<16xf32>
    %eq3A_214 = arith.cmpf oeq, %scan3A_21#5, %max3A_176 : vector<16xf32>
    %jit3A_215 = arith.constant 1.000000e+00 : f32
    %jit3A_216 = arith.constant 0.000000e+00 : f32
    %broadcast_in_dim3A_217 = vector.broadcast %jit3A_215 : f32 to vector<16xf32>
    %broadcast_in_dim3A_218 = vector.broadcast %jit3A_216 : f32 to vector<16xf32>
    %select_n3A_219 = arith.select %eq3A_214, %broadcast_in_dim3A_217, %broadcast_in_dim3A_218 : vector<16xi1>, vector<16xf32>
    %add3A_220 = arith.addf %add3A_213, %select_n3A_219 : vector<16xf32>
    %eq3A_221 = arith.cmpf oeq, %scan3A_21#6, %max3A_176 : vector<16xf32>
    %jit3A_222 = arith.constant 1.000000e+00 : f32
    %jit3A_223 = arith.constant 0.000000e+00 : f32
    %broadcast_in_dim3A_224 = vector.broadcast %jit3A_222 : f32 to vector<16xf32>
    %broadcast_in_dim3A_225 = vector.broadcast %jit3A_223 : f32 to vector<16xf32>
    %select_n3A_226 = arith.select %eq3A_221, %broadcast_in_dim3A_224, %broadcast_in_dim3A_225 : vector<16xi1>, vector<16xf32>
    %add3A_227 = arith.addf %add3A_220, %select_n3A_226 : vector<16xf32>
    %eq3A_228 = arith.cmpf oeq, %scan3A_21#7, %max3A_176 : vector<16xf32>
    %jit3A_229 = arith.constant 1.000000e+00 : f32
    %jit3A_230 = arith.constant 0.000000e+00 : f32
    %broadcast_in_dim3A_231 = vector.broadcast %jit3A_229 : f32 to vector<16xf32>
    %broadcast_in_dim3A_232 = vector.broadcast %jit3A_230 : f32 to vector<16xf32>
    %select_n3A_233 = arith.select %eq3A_228, %broadcast_in_dim3A_231, %broadcast_in_dim3A_232 : vector<16xi1>, vector<16xf32>
    %add3A_234 = arith.addf %add3A_227, %select_n3A_233 : vector<16xf32>
    %gather3A_235 = vector.shape_cast %reshape3A : vector<16x1xi32> to vector<16xi32>
    %gather3A_236 = tpu.dynamic_gather %add3A_234[%gather3A_235] in [0] : vector<16xf32>, vector<16xi32> -> vector<16xf32>
    %add3A_237 = arith.addf %add3A_234, %gather3A_236 : vector<16xf32>
    %gather3A_238 = vector.shape_cast %reshape3A_8 : vector<16x1xi32> to vector<16xi32>
    %gather3A_239 = tpu.dynamic_gather %add3A_237[%gather3A_238] in [0] : vector<16xf32>, vector<16xi32> -> vector<16xf32>
    %add3A_240 = arith.addf %add3A_237, %gather3A_239 : vector<16xf32>
    %gather3A_241 = vector.shape_cast %reshape3A_12 : vector<16x1xi32> to vector<16xi32>
    %gather3A_242 = tpu.dynamic_gather %add3A_240[%gather3A_241] in [0] : vector<16xf32>, vector<16xi32> -> vector<16xf32>
    %add3A_243 = arith.addf %add3A_240, %gather3A_242 : vector<16xf32>
    %gather3A_244 = vector.shape_cast %reshape3A_16 : vector<16x1xi32> to vector<16xi32>
    %gather3A_245 = tpu.dynamic_gather %add3A_243[%gather3A_244] in [0] : vector<16xf32>, vector<16xi32> -> vector<16xf32>
    %add3A_246 = arith.addf %add3A_243, %gather3A_245 : vector<16xf32>
    %gt3A_247 = arith.constant 0.000000e+00 : f32
    %gt3A_248 = vector.broadcast %gt3A_247 : f32 to vector<16xf32>
    %gt3A_249 = arith.cmpf ogt, %sub3A_140, %gt3A_248 : vector<16xf32>
    %jit3A_250 = arith.constant 1.000000e+00 : f32
    %jit3A_251 = arith.constant 0.000000e+00 : f32
    %broadcast_in_dim3A_252 = vector.broadcast %jit3A_250 : f32 to vector<16xf32>
    %broadcast_in_dim3A_253 = vector.broadcast %jit3A_251 : f32 to vector<16xf32>
    %select_n3A_254 = arith.select %gt3A_249, %broadcast_in_dim3A_252, %broadcast_in_dim3A_253 : vector<16xi1>, vector<16xf32>
    %mul3A_255 = arith.mulf %select_n3A_254, %max3A_176 : vector<16xf32>
    %sub3A_256 = arith.constant 1.000000e+00 : f32
    %sub3A_257 = vector.broadcast %sub3A_256 : f32 to vector<16xf32>
    %sub3A_258 = arith.subf %sub3A_257, %select_n3A_254 : vector<16xf32>
    %mul3A_259 = arith.mulf %sub3A_258, %add3A_138 : vector<16xf32>
    %add3A_260 = arith.addf %mul3A_255, %mul3A_259 : vector<16xf32>
    %mul3A_261 = arith.mulf %select_n3A_254, %add3A_246 : vector<16xf32>
    %sub3A_262 = arith.subf %sub3A_140, %mul3A_261 : vector<16xf32>
    %lt3A_263 = arith.cmpf olt, %scan3A_21#0, %max3A_176 : vector<16xf32>
    %select_n3A_264 = arith.select %lt3A_263, %scan3A_21#0, %broadcast_in_dim3A_17 : vector<16xi1>, vector<16xf32>
    %max3A_265 = arith.maximumf %broadcast_in_dim3A_17, %select_n3A_264 : vector<16xf32>
    %lt3A_266 = arith.cmpf olt, %scan3A_21#1, %max3A_176 : vector<16xf32>
    %select_n3A_267 = arith.select %lt3A_266, %scan3A_21#1, %broadcast_in_dim3A_17 : vector<16xi1>, vector<16xf32>
    %max3A_268 = arith.maximumf %max3A_265, %select_n3A_267 : vector<16xf32>
    %lt3A_269 = arith.cmpf olt, %scan3A_21#2, %max3A_176 : vector<16xf32>
    %select_n3A_270 = arith.select %lt3A_269, %scan3A_21#2, %broadcast_in_dim3A_17 : vector<16xi1>, vector<16xf32>
    %max3A_271 = arith.maximumf %max3A_268, %select_n3A_270 : vector<16xf32>
    %lt3A_272 = arith.cmpf olt, %scan3A_21#3, %max3A_176 : vector<16xf32>
    %select_n3A_273 = arith.select %lt3A_272, %scan3A_21#3, %broadcast_in_dim3A_17 : vector<16xi1>, vector<16xf32>
    %max3A_274 = arith.maximumf %max3A_271, %select_n3A_273 : vector<16xf32>
    %lt3A_275 = arith.cmpf olt, %scan3A_21#4, %max3A_176 : vector<16xf32>
    %select_n3A_276 = arith.select %lt3A_275, %scan3A_21#4, %broadcast_in_dim3A_17 : vector<16xi1>, vector<16xf32>
    %max3A_277 = arith.maximumf %max3A_274, %select_n3A_276 : vector<16xf32>
    %lt3A_278 = arith.cmpf olt, %scan3A_21#5, %max3A_176 : vector<16xf32>
    %select_n3A_279 = arith.select %lt3A_278, %scan3A_21#5, %broadcast_in_dim3A_17 : vector<16xi1>, vector<16xf32>
    %max3A_280 = arith.maximumf %max3A_277, %select_n3A_279 : vector<16xf32>
    %lt3A_281 = arith.cmpf olt, %scan3A_21#6, %max3A_176 : vector<16xf32>
    %select_n3A_282 = arith.select %lt3A_281, %scan3A_21#6, %broadcast_in_dim3A_17 : vector<16xi1>, vector<16xf32>
    %max3A_283 = arith.maximumf %max3A_280, %select_n3A_282 : vector<16xf32>
    %lt3A_284 = arith.cmpf olt, %scan3A_21#7, %max3A_176 : vector<16xf32>
    %select_n3A_285 = arith.select %lt3A_284, %scan3A_21#7, %broadcast_in_dim3A_17 : vector<16xi1>, vector<16xf32>
    %max3A_286 = arith.maximumf %max3A_283, %select_n3A_285 : vector<16xf32>
    %gather3A_287 = vector.shape_cast %reshape3A : vector<16x1xi32> to vector<16xi32>
    %gather3A_288 = tpu.dynamic_gather %max3A_286[%gather3A_287] in [0] : vector<16xf32>, vector<16xi32> -> vector<16xf32>
    %max3A_289 = arith.maximumf %max3A_286, %gather3A_288 : vector<16xf32>
    %gather3A_290 = vector.shape_cast %reshape3A_8 : vector<16x1xi32> to vector<16xi32>
    %gather3A_291 = tpu.dynamic_gather %max3A_289[%gather3A_290] in [0] : vector<16xf32>, vector<16xi32> -> vector<16xf32>
    %max3A_292 = arith.maximumf %max3A_289, %gather3A_291 : vector<16xf32>
    %gather3A_293 = vector.shape_cast %reshape3A_12 : vector<16x1xi32> to vector<16xi32>
    %gather3A_294 = tpu.dynamic_gather %max3A_292[%gather3A_293] in [0] : vector<16xf32>, vector<16xi32> -> vector<16xf32>
    %max3A_295 = arith.maximumf %max3A_292, %gather3A_294 : vector<16xf32>
    %gather3A_296 = vector.shape_cast %reshape3A_16 : vector<16x1xi32> to vector<16xi32>
    %gather3A_297 = tpu.dynamic_gather %max3A_295[%gather3A_296] in [0] : vector<16xf32>, vector<16xi32> -> vector<16xf32>
    %max3A_298 = arith.maximumf %max3A_295, %gather3A_297 : vector<16xf32>
    %broadcast_in_dim3A_299 = arith.constant 0.000000e+00 : f32
    %broadcast_in_dim3A_300 = vector.broadcast %broadcast_in_dim3A_299 : f32 to vector<16xf32>
    %eq3A_301 = arith.cmpf oeq, %scan3A_21#0, %max3A_298 : vector<16xf32>
    %jit3A_302 = arith.constant 1.000000e+00 : f32
    %jit3A_303 = arith.constant 0.000000e+00 : f32
    %broadcast_in_dim3A_304 = vector.broadcast %jit3A_302 : f32 to vector<16xf32>
    %broadcast_in_dim3A_305 = vector.broadcast %jit3A_303 : f32 to vector<16xf32>
    %select_n3A_306 = arith.select %eq3A_301, %broadcast_in_dim3A_304, %broadcast_in_dim3A_305 : vector<16xi1>, vector<16xf32>
    %add3A_307 = arith.addf %broadcast_in_dim3A_300, %select_n3A_306 : vector<16xf32>
    %eq3A_308 = arith.cmpf oeq, %scan3A_21#1, %max3A_298 : vector<16xf32>
    %jit3A_309 = arith.constant 1.000000e+00 : f32
    %jit3A_310 = arith.constant 0.000000e+00 : f32
    %broadcast_in_dim3A_311 = vector.broadcast %jit3A_309 : f32 to vector<16xf32>
    %broadcast_in_dim3A_312 = vector.broadcast %jit3A_310 : f32 to vector<16xf32>
    %select_n3A_313 = arith.select %eq3A_308, %broadcast_in_dim3A_311, %broadcast_in_dim3A_312 : vector<16xi1>, vector<16xf32>
    %add3A_314 = arith.addf %add3A_307, %select_n3A_313 : vector<16xf32>
    %eq3A_315 = arith.cmpf oeq, %scan3A_21#2, %max3A_298 : vector<16xf32>
    %jit3A_316 = arith.constant 1.000000e+00 : f32
    %jit3A_317 = arith.constant 0.000000e+00 : f32
    %broadcast_in_dim3A_318 = vector.broadcast %jit3A_316 : f32 to vector<16xf32>
    %broadcast_in_dim3A_319 = vector.broadcast %jit3A_317 : f32 to vector<16xf32>
    %select_n3A_320 = arith.select %eq3A_315, %broadcast_in_dim3A_318, %broadcast_in_dim3A_319 : vector<16xi1>, vector<16xf32>
    %add3A_321 = arith.addf %add3A_314, %select_n3A_320 : vector<16xf32>
    %eq3A_322 = arith.cmpf oeq, %scan3A_21#3, %max3A_298 : vector<16xf32>
    %jit3A_323 = arith.constant 1.000000e+00 : f32
    %jit3A_324 = arith.constant 0.000000e+00 : f32
    %broadcast_in_dim3A_325 = vector.broadcast %jit3A_323 : f32 to vector<16xf32>
    %broadcast_in_dim3A_326 = vector.broadcast %jit3A_324 : f32 to vector<16xf32>
    %select_n3A_327 = arith.select %eq3A_322, %broadcast_in_dim3A_325, %broadcast_in_dim3A_326 : vector<16xi1>, vector<16xf32>
    %add3A_328 = arith.addf %add3A_321, %select_n3A_327 : vector<16xf32>
    %eq3A_329 = arith.cmpf oeq, %scan3A_21#4, %max3A_298 : vector<16xf32>
    %jit3A_330 = arith.constant 1.000000e+00 : f32
    %jit3A_331 = arith.constant 0.000000e+00 : f32
    %broadcast_in_dim3A_332 = vector.broadcast %jit3A_330 : f32 to vector<16xf32>
    %broadcast_in_dim3A_333 = vector.broadcast %jit3A_331 : f32 to vector<16xf32>
    %select_n3A_334 = arith.select %eq3A_329, %broadcast_in_dim3A_332, %broadcast_in_dim3A_333 : vector<16xi1>, vector<16xf32>
    %add3A_335 = arith.addf %add3A_328, %select_n3A_334 : vector<16xf32>
    %eq3A_336 = arith.cmpf oeq, %scan3A_21#5, %max3A_298 : vector<16xf32>
    %jit3A_337 = arith.constant 1.000000e+00 : f32
    %jit3A_338 = arith.constant 0.000000e+00 : f32
    %broadcast_in_dim3A_339 = vector.broadcast %jit3A_337 : f32 to vector<16xf32>
    %broadcast_in_dim3A_340 = vector.broadcast %jit3A_338 : f32 to vector<16xf32>
    %select_n3A_341 = arith.select %eq3A_336, %broadcast_in_dim3A_339, %broadcast_in_dim3A_340 : vector<16xi1>, vector<16xf32>
    %add3A_342 = arith.addf %add3A_335, %select_n3A_341 : vector<16xf32>
    %eq3A_343 = arith.cmpf oeq, %scan3A_21#6, %max3A_298 : vector<16xf32>
    %jit3A_344 = arith.constant 1.000000e+00 : f32
    %jit3A_345 = arith.constant 0.000000e+00 : f32
    %broadcast_in_dim3A_346 = vector.broadcast %jit3A_344 : f32 to vector<16xf32>
    %broadcast_in_dim3A_347 = vector.broadcast %jit3A_345 : f32 to vector<16xf32>
    %select_n3A_348 = arith.select %eq3A_343, %broadcast_in_dim3A_346, %broadcast_in_dim3A_347 : vector<16xi1>, vector<16xf32>
    %add3A_349 = arith.addf %add3A_342, %select_n3A_348 : vector<16xf32>
    %eq3A_350 = arith.cmpf oeq, %scan3A_21#7, %max3A_298 : vector<16xf32>
    %jit3A_351 = arith.constant 1.000000e+00 : f32
    %jit3A_352 = arith.constant 0.000000e+00 : f32
    %broadcast_in_dim3A_353 = vector.broadcast %jit3A_351 : f32 to vector<16xf32>
    %broadcast_in_dim3A_354 = vector.broadcast %jit3A_352 : f32 to vector<16xf32>
    %select_n3A_355 = arith.select %eq3A_350, %broadcast_in_dim3A_353, %broadcast_in_dim3A_354 : vector<16xi1>, vector<16xf32>
    %add3A_356 = arith.addf %add3A_349, %select_n3A_355 : vector<16xf32>
    %gather3A_357 = vector.shape_cast %reshape3A : vector<16x1xi32> to vector<16xi32>
    %gather3A_358 = tpu.dynamic_gather %add3A_356[%gather3A_357] in [0] : vector<16xf32>, vector<16xi32> -> vector<16xf32>
    %add3A_359 = arith.addf %add3A_356, %gather3A_358 : vector<16xf32>
    %gather3A_360 = vector.shape_cast %reshape3A_8 : vector<16x1xi32> to vector<16xi32>
    %gather3A_361 = tpu.dynamic_gather %add3A_359[%gather3A_360] in [0] : vector<16xf32>, vector<16xi32> -> vector<16xf32>
    %add3A_362 = arith.addf %add3A_359, %gather3A_361 : vector<16xf32>
    %gather3A_363 = vector.shape_cast %reshape3A_12 : vector<16x1xi32> to vector<16xi32>
    %gather3A_364 = tpu.dynamic_gather %add3A_362[%gather3A_363] in [0] : vector<16xf32>, vector<16xi32> -> vector<16xf32>
    %add3A_365 = arith.addf %add3A_362, %gather3A_364 : vector<16xf32>
    %gather3A_366 = vector.shape_cast %reshape3A_16 : vector<16x1xi32> to vector<16xi32>
    %gather3A_367 = tpu.dynamic_gather %add3A_365[%gather3A_366] in [0] : vector<16xf32>, vector<16xi32> -> vector<16xf32>
    %add3A_368 = arith.addf %add3A_365, %gather3A_367 : vector<16xf32>
    %gt3A_369 = arith.constant 0.000000e+00 : f32
    %gt3A_370 = vector.broadcast %gt3A_369 : f32 to vector<16xf32>
    %gt3A_371 = arith.cmpf ogt, %sub3A_262, %gt3A_370 : vector<16xf32>
    %jit3A_372 = arith.constant 1.000000e+00 : f32
    %jit3A_373 = arith.constant 0.000000e+00 : f32
    %broadcast_in_dim3A_374 = vector.broadcast %jit3A_372 : f32 to vector<16xf32>
    %broadcast_in_dim3A_375 = vector.broadcast %jit3A_373 : f32 to vector<16xf32>
    %select_n3A_376 = arith.select %gt3A_371, %broadcast_in_dim3A_374, %broadcast_in_dim3A_375 : vector<16xi1>, vector<16xf32>
    %mul3A_377 = arith.mulf %select_n3A_376, %max3A_298 : vector<16xf32>
    %sub3A_378 = arith.constant 1.000000e+00 : f32
    %sub3A_379 = vector.broadcast %sub3A_378 : f32 to vector<16xf32>
    %sub3A_380 = arith.subf %sub3A_379, %select_n3A_376 : vector<16xf32>
    %mul3A_381 = arith.mulf %sub3A_380, %add3A_260 : vector<16xf32>
    %add3A_382 = arith.addf %mul3A_377, %mul3A_381 : vector<16xf32>
    %mul3A_383 = arith.mulf %select_n3A_376, %add3A_368 : vector<16xf32>
    %sub3A_384 = arith.subf %sub3A_262, %mul3A_383 : vector<16xf32>
    %lt3A_385 = arith.cmpf olt, %scan3A_21#0, %max3A_298 : vector<16xf32>
    %select_n3A_386 = arith.select %lt3A_385, %scan3A_21#0, %broadcast_in_dim3A_17 : vector<16xi1>, vector<16xf32>
    %max3A_387 = arith.maximumf %broadcast_in_dim3A_17, %select_n3A_386 : vector<16xf32>
    %lt3A_388 = arith.cmpf olt, %scan3A_21#1, %max3A_298 : vector<16xf32>
    %select_n3A_389 = arith.select %lt3A_388, %scan3A_21#1, %broadcast_in_dim3A_17 : vector<16xi1>, vector<16xf32>
    %max3A_390 = arith.maximumf %max3A_387, %select_n3A_389 : vector<16xf32>
    %lt3A_391 = arith.cmpf olt, %scan3A_21#2, %max3A_298 : vector<16xf32>
    %select_n3A_392 = arith.select %lt3A_391, %scan3A_21#2, %broadcast_in_dim3A_17 : vector<16xi1>, vector<16xf32>
    %max3A_393 = arith.maximumf %max3A_390, %select_n3A_392 : vector<16xf32>
    %lt3A_394 = arith.cmpf olt, %scan3A_21#3, %max3A_298 : vector<16xf32>
    %select_n3A_395 = arith.select %lt3A_394, %scan3A_21#3, %broadcast_in_dim3A_17 : vector<16xi1>, vector<16xf32>
    %max3A_396 = arith.maximumf %max3A_393, %select_n3A_395 : vector<16xf32>
    %lt3A_397 = arith.cmpf olt, %scan3A_21#4, %max3A_298 : vector<16xf32>
    %select_n3A_398 = arith.select %lt3A_397, %scan3A_21#4, %broadcast_in_dim3A_17 : vector<16xi1>, vector<16xf32>
    %max3A_399 = arith.maximumf %max3A_396, %select_n3A_398 : vector<16xf32>
    %lt3A_400 = arith.cmpf olt, %scan3A_21#5, %max3A_298 : vector<16xf32>
    %select_n3A_401 = arith.select %lt3A_400, %scan3A_21#5, %broadcast_in_dim3A_17 : vector<16xi1>, vector<16xf32>
    %max3A_402 = arith.maximumf %max3A_399, %select_n3A_401 : vector<16xf32>
    %lt3A_403 = arith.cmpf olt, %scan3A_21#6, %max3A_298 : vector<16xf32>
    %select_n3A_404 = arith.select %lt3A_403, %scan3A_21#6, %broadcast_in_dim3A_17 : vector<16xi1>, vector<16xf32>
    %max3A_405 = arith.maximumf %max3A_402, %select_n3A_404 : vector<16xf32>
    %lt3A_406 = arith.cmpf olt, %scan3A_21#7, %max3A_298 : vector<16xf32>
    %select_n3A_407 = arith.select %lt3A_406, %scan3A_21#7, %broadcast_in_dim3A_17 : vector<16xi1>, vector<16xf32>
    %max3A_408 = arith.maximumf %max3A_405, %select_n3A_407 : vector<16xf32>
    %gather3A_409 = vector.shape_cast %reshape3A : vector<16x1xi32> to vector<16xi32>
    %gather3A_410 = tpu.dynamic_gather %max3A_408[%gather3A_409] in [0] : vector<16xf32>, vector<16xi32> -> vector<16xf32>
    %max3A_411 = arith.maximumf %max3A_408, %gather3A_410 : vector<16xf32>
    %gather3A_412 = vector.shape_cast %reshape3A_8 : vector<16x1xi32> to vector<16xi32>
    %gather3A_413 = tpu.dynamic_gather %max3A_411[%gather3A_412] in [0] : vector<16xf32>, vector<16xi32> -> vector<16xf32>
    %max3A_414 = arith.maximumf %max3A_411, %gather3A_413 : vector<16xf32>
    %gather3A_415 = vector.shape_cast %reshape3A_12 : vector<16x1xi32> to vector<16xi32>
    %gather3A_416 = tpu.dynamic_gather %max3A_414[%gather3A_415] in [0] : vector<16xf32>, vector<16xi32> -> vector<16xf32>
    %max3A_417 = arith.maximumf %max3A_414, %gather3A_416 : vector<16xf32>
    %gather3A_418 = vector.shape_cast %reshape3A_16 : vector<16x1xi32> to vector<16xi32>
    %gather3A_419 = tpu.dynamic_gather %max3A_417[%gather3A_418] in [0] : vector<16xf32>, vector<16xi32> -> vector<16xf32>
    %max3A_420 = arith.maximumf %max3A_417, %gather3A_419 : vector<16xf32>
    %broadcast_in_dim3A_421 = arith.constant 0.000000e+00 : f32
    %broadcast_in_dim3A_422 = vector.broadcast %broadcast_in_dim3A_421 : f32 to vector<16xf32>
    %eq3A_423 = arith.cmpf oeq, %scan3A_21#0, %max3A_420 : vector<16xf32>
    %jit3A_424 = arith.constant 1.000000e+00 : f32
    %jit3A_425 = arith.constant 0.000000e+00 : f32
    %broadcast_in_dim3A_426 = vector.broadcast %jit3A_424 : f32 to vector<16xf32>
    %broadcast_in_dim3A_427 = vector.broadcast %jit3A_425 : f32 to vector<16xf32>
    %select_n3A_428 = arith.select %eq3A_423, %broadcast_in_dim3A_426, %broadcast_in_dim3A_427 : vector<16xi1>, vector<16xf32>
    %add3A_429 = arith.addf %broadcast_in_dim3A_422, %select_n3A_428 : vector<16xf32>
    %eq3A_430 = arith.cmpf oeq, %scan3A_21#1, %max3A_420 : vector<16xf32>
    %jit3A_431 = arith.constant 1.000000e+00 : f32
    %jit3A_432 = arith.constant 0.000000e+00 : f32
    %broadcast_in_dim3A_433 = vector.broadcast %jit3A_431 : f32 to vector<16xf32>
    %broadcast_in_dim3A_434 = vector.broadcast %jit3A_432 : f32 to vector<16xf32>
    %select_n3A_435 = arith.select %eq3A_430, %broadcast_in_dim3A_433, %broadcast_in_dim3A_434 : vector<16xi1>, vector<16xf32>
    %add3A_436 = arith.addf %add3A_429, %select_n3A_435 : vector<16xf32>
    %eq3A_437 = arith.cmpf oeq, %scan3A_21#2, %max3A_420 : vector<16xf32>
    %jit3A_438 = arith.constant 1.000000e+00 : f32
    %jit3A_439 = arith.constant 0.000000e+00 : f32
    %broadcast_in_dim3A_440 = vector.broadcast %jit3A_438 : f32 to vector<16xf32>
    %broadcast_in_dim3A_441 = vector.broadcast %jit3A_439 : f32 to vector<16xf32>
    %select_n3A_442 = arith.select %eq3A_437, %broadcast_in_dim3A_440, %broadcast_in_dim3A_441 : vector<16xi1>, vector<16xf32>
    %add3A_443 = arith.addf %add3A_436, %select_n3A_442 : vector<16xf32>
    %eq3A_444 = arith.cmpf oeq, %scan3A_21#3, %max3A_420 : vector<16xf32>
    %jit3A_445 = arith.constant 1.000000e+00 : f32
    %jit3A_446 = arith.constant 0.000000e+00 : f32
    %broadcast_in_dim3A_447 = vector.broadcast %jit3A_445 : f32 to vector<16xf32>
    %broadcast_in_dim3A_448 = vector.broadcast %jit3A_446 : f32 to vector<16xf32>
    %select_n3A_449 = arith.select %eq3A_444, %broadcast_in_dim3A_447, %broadcast_in_dim3A_448 : vector<16xi1>, vector<16xf32>
    %add3A_450 = arith.addf %add3A_443, %select_n3A_449 : vector<16xf32>
    %eq3A_451 = arith.cmpf oeq, %scan3A_21#4, %max3A_420 : vector<16xf32>
    %jit3A_452 = arith.constant 1.000000e+00 : f32
    %jit3A_453 = arith.constant 0.000000e+00 : f32
    %broadcast_in_dim3A_454 = vector.broadcast %jit3A_452 : f32 to vector<16xf32>
    %broadcast_in_dim3A_455 = vector.broadcast %jit3A_453 : f32 to vector<16xf32>
    %select_n3A_456 = arith.select %eq3A_451, %broadcast_in_dim3A_454, %broadcast_in_dim3A_455 : vector<16xi1>, vector<16xf32>
    %add3A_457 = arith.addf %add3A_450, %select_n3A_456 : vector<16xf32>
    %eq3A_458 = arith.cmpf oeq, %scan3A_21#5, %max3A_420 : vector<16xf32>
    %jit3A_459 = arith.constant 1.000000e+00 : f32
    %jit3A_460 = arith.constant 0.000000e+00 : f32
    %broadcast_in_dim3A_461 = vector.broadcast %jit3A_459 : f32 to vector<16xf32>
    %broadcast_in_dim3A_462 = vector.broadcast %jit3A_460 : f32 to vector<16xf32>
    %select_n3A_463 = arith.select %eq3A_458, %broadcast_in_dim3A_461, %broadcast_in_dim3A_462 : vector<16xi1>, vector<16xf32>
    %add3A_464 = arith.addf %add3A_457, %select_n3A_463 : vector<16xf32>
    %eq3A_465 = arith.cmpf oeq, %scan3A_21#6, %max3A_420 : vector<16xf32>
    %jit3A_466 = arith.constant 1.000000e+00 : f32
    %jit3A_467 = arith.constant 0.000000e+00 : f32
    %broadcast_in_dim3A_468 = vector.broadcast %jit3A_466 : f32 to vector<16xf32>
    %broadcast_in_dim3A_469 = vector.broadcast %jit3A_467 : f32 to vector<16xf32>
    %select_n3A_470 = arith.select %eq3A_465, %broadcast_in_dim3A_468, %broadcast_in_dim3A_469 : vector<16xi1>, vector<16xf32>
    %add3A_471 = arith.addf %add3A_464, %select_n3A_470 : vector<16xf32>
    %eq3A_472 = arith.cmpf oeq, %scan3A_21#7, %max3A_420 : vector<16xf32>
    %jit3A_473 = arith.constant 1.000000e+00 : f32
    %jit3A_474 = arith.constant 0.000000e+00 : f32
    %broadcast_in_dim3A_475 = vector.broadcast %jit3A_473 : f32 to vector<16xf32>
    %broadcast_in_dim3A_476 = vector.broadcast %jit3A_474 : f32 to vector<16xf32>
    %select_n3A_477 = arith.select %eq3A_472, %broadcast_in_dim3A_475, %broadcast_in_dim3A_476 : vector<16xi1>, vector<16xf32>
    %add3A_478 = arith.addf %add3A_471, %select_n3A_477 : vector<16xf32>
    %gather3A_479 = vector.shape_cast %reshape3A : vector<16x1xi32> to vector<16xi32>
    %gather3A_480 = tpu.dynamic_gather %add3A_478[%gather3A_479] in [0] : vector<16xf32>, vector<16xi32> -> vector<16xf32>
    %add3A_481 = arith.addf %add3A_478, %gather3A_480 : vector<16xf32>
    %gather3A_482 = vector.shape_cast %reshape3A_8 : vector<16x1xi32> to vector<16xi32>
    %gather3A_483 = tpu.dynamic_gather %add3A_481[%gather3A_482] in [0] : vector<16xf32>, vector<16xi32> -> vector<16xf32>
    %add3A_484 = arith.addf %add3A_481, %gather3A_483 : vector<16xf32>
    %gather3A_485 = vector.shape_cast %reshape3A_12 : vector<16x1xi32> to vector<16xi32>
    %gather3A_486 = tpu.dynamic_gather %add3A_484[%gather3A_485] in [0] : vector<16xf32>, vector<16xi32> -> vector<16xf32>
    %add3A_487 = arith.addf %add3A_484, %gather3A_486 : vector<16xf32>
    %gather3A_488 = vector.shape_cast %reshape3A_16 : vector<16x1xi32> to vector<16xi32>
    %gather3A_489 = tpu.dynamic_gather %add3A_487[%gather3A_488] in [0] : vector<16xf32>, vector<16xi32> -> vector<16xf32>
    %add3A_490 = arith.addf %add3A_487, %gather3A_489 : vector<16xf32>
    %gt3A_491 = arith.constant 0.000000e+00 : f32
    %gt3A_492 = vector.broadcast %gt3A_491 : f32 to vector<16xf32>
    %gt3A_493 = arith.cmpf ogt, %sub3A_384, %gt3A_492 : vector<16xf32>
    %jit3A_494 = arith.constant 1.000000e+00 : f32
    %jit3A_495 = arith.constant 0.000000e+00 : f32
    %broadcast_in_dim3A_496 = vector.broadcast %jit3A_494 : f32 to vector<16xf32>
    %broadcast_in_dim3A_497 = vector.broadcast %jit3A_495 : f32 to vector<16xf32>
    %select_n3A_498 = arith.select %gt3A_493, %broadcast_in_dim3A_496, %broadcast_in_dim3A_497 : vector<16xi1>, vector<16xf32>
    %mul3A_499 = arith.mulf %select_n3A_498, %max3A_420 : vector<16xf32>
    %sub3A_500 = arith.constant 1.000000e+00 : f32
    %sub3A_501 = vector.broadcast %sub3A_500 : f32 to vector<16xf32>
    %sub3A_502 = arith.subf %sub3A_501, %select_n3A_498 : vector<16xf32>
    %mul3A_503 = arith.mulf %sub3A_502, %add3A_382 : vector<16xf32>
    %add3A_504 = arith.addf %mul3A_499, %mul3A_503 : vector<16xf32>
    %mul3A_505 = arith.mulf %select_n3A_498, %add3A_490 : vector<16xf32>
    %sub3A_506 = arith.subf %sub3A_384, %mul3A_505 : vector<16xf32>
    %lt3A_507 = arith.cmpf olt, %scan3A_21#0, %max3A_420 : vector<16xf32>
    %select_n3A_508 = arith.select %lt3A_507, %scan3A_21#0, %broadcast_in_dim3A_17 : vector<16xi1>, vector<16xf32>
    %max3A_509 = arith.maximumf %broadcast_in_dim3A_17, %select_n3A_508 : vector<16xf32>
    %lt3A_510 = arith.cmpf olt, %scan3A_21#1, %max3A_420 : vector<16xf32>
    %select_n3A_511 = arith.select %lt3A_510, %scan3A_21#1, %broadcast_in_dim3A_17 : vector<16xi1>, vector<16xf32>
    %max3A_512 = arith.maximumf %max3A_509, %select_n3A_511 : vector<16xf32>
    %lt3A_513 = arith.cmpf olt, %scan3A_21#2, %max3A_420 : vector<16xf32>
    %select_n3A_514 = arith.select %lt3A_513, %scan3A_21#2, %broadcast_in_dim3A_17 : vector<16xi1>, vector<16xf32>
    %max3A_515 = arith.maximumf %max3A_512, %select_n3A_514 : vector<16xf32>
    %lt3A_516 = arith.cmpf olt, %scan3A_21#3, %max3A_420 : vector<16xf32>
    %select_n3A_517 = arith.select %lt3A_516, %scan3A_21#3, %broadcast_in_dim3A_17 : vector<16xi1>, vector<16xf32>
    %max3A_518 = arith.maximumf %max3A_515, %select_n3A_517 : vector<16xf32>
    %lt3A_519 = arith.cmpf olt, %scan3A_21#4, %max3A_420 : vector<16xf32>
    %select_n3A_520 = arith.select %lt3A_519, %scan3A_21#4, %broadcast_in_dim3A_17 : vector<16xi1>, vector<16xf32>
    %max3A_521 = arith.maximumf %max3A_518, %select_n3A_520 : vector<16xf32>
    %lt3A_522 = arith.cmpf olt, %scan3A_21#5, %max3A_420 : vector<16xf32>
    %select_n3A_523 = arith.select %lt3A_522, %scan3A_21#5, %broadcast_in_dim3A_17 : vector<16xi1>, vector<16xf32>
    %max3A_524 = arith.maximumf %max3A_521, %select_n3A_523 : vector<16xf32>
    %lt3A_525 = arith.cmpf olt, %scan3A_21#6, %max3A_420 : vector<16xf32>
    %select_n3A_526 = arith.select %lt3A_525, %scan3A_21#6, %broadcast_in_dim3A_17 : vector<16xi1>, vector<16xf32>
    %max3A_527 = arith.maximumf %max3A_524, %select_n3A_526 : vector<16xf32>
    %lt3A_528 = arith.cmpf olt, %scan3A_21#7, %max3A_420 : vector<16xf32>
    %select_n3A_529 = arith.select %lt3A_528, %scan3A_21#7, %broadcast_in_dim3A_17 : vector<16xi1>, vector<16xf32>
    %max3A_530 = arith.maximumf %max3A_527, %select_n3A_529 : vector<16xf32>
    %gather3A_531 = vector.shape_cast %reshape3A : vector<16x1xi32> to vector<16xi32>
    %gather3A_532 = tpu.dynamic_gather %max3A_530[%gather3A_531] in [0] : vector<16xf32>, vector<16xi32> -> vector<16xf32>
    %max3A_533 = arith.maximumf %max3A_530, %gather3A_532 : vector<16xf32>
    %gather3A_534 = vector.shape_cast %reshape3A_8 : vector<16x1xi32> to vector<16xi32>
    %gather3A_535 = tpu.dynamic_gather %max3A_533[%gather3A_534] in [0] : vector<16xf32>, vector<16xi32> -> vector<16xf32>
    %max3A_536 = arith.maximumf %max3A_533, %gather3A_535 : vector<16xf32>
    %gather3A_537 = vector.shape_cast %reshape3A_12 : vector<16x1xi32> to vector<16xi32>
    %gather3A_538 = tpu.dynamic_gather %max3A_536[%gather3A_537] in [0] : vector<16xf32>, vector<16xi32> -> vector<16xf32>
    %max3A_539 = arith.maximumf %max3A_536, %gather3A_538 : vector<16xf32>
    %gather3A_540 = vector.shape_cast %reshape3A_16 : vector<16x1xi32> to vector<16xi32>
    %gather3A_541 = tpu.dynamic_gather %max3A_539[%gather3A_540] in [0] : vector<16xf32>, vector<16xi32> -> vector<16xf32>
    %max3A_542 = arith.maximumf %max3A_539, %gather3A_541 : vector<16xf32>
    %broadcast_in_dim3A_543 = arith.constant 0.000000e+00 : f32
    %broadcast_in_dim3A_544 = vector.broadcast %broadcast_in_dim3A_543 : f32 to vector<16xf32>
    %eq3A_545 = arith.cmpf oeq, %scan3A_21#0, %max3A_542 : vector<16xf32>
    %jit3A_546 = arith.constant 1.000000e+00 : f32
    %jit3A_547 = arith.constant 0.000000e+00 : f32
    %broadcast_in_dim3A_548 = vector.broadcast %jit3A_546 : f32 to vector<16xf32>
    %broadcast_in_dim3A_549 = vector.broadcast %jit3A_547 : f32 to vector<16xf32>
    %select_n3A_550 = arith.select %eq3A_545, %broadcast_in_dim3A_548, %broadcast_in_dim3A_549 : vector<16xi1>, vector<16xf32>
    %add3A_551 = arith.addf %broadcast_in_dim3A_544, %select_n3A_550 : vector<16xf32>
    %eq3A_552 = arith.cmpf oeq, %scan3A_21#1, %max3A_542 : vector<16xf32>
    %jit3A_553 = arith.constant 1.000000e+00 : f32
    %jit3A_554 = arith.constant 0.000000e+00 : f32
    %broadcast_in_dim3A_555 = vector.broadcast %jit3A_553 : f32 to vector<16xf32>
    %broadcast_in_dim3A_556 = vector.broadcast %jit3A_554 : f32 to vector<16xf32>
    %select_n3A_557 = arith.select %eq3A_552, %broadcast_in_dim3A_555, %broadcast_in_dim3A_556 : vector<16xi1>, vector<16xf32>
    %add3A_558 = arith.addf %add3A_551, %select_n3A_557 : vector<16xf32>
    %eq3A_559 = arith.cmpf oeq, %scan3A_21#2, %max3A_542 : vector<16xf32>
    %jit3A_560 = arith.constant 1.000000e+00 : f32
    %jit3A_561 = arith.constant 0.000000e+00 : f32
    %broadcast_in_dim3A_562 = vector.broadcast %jit3A_560 : f32 to vector<16xf32>
    %broadcast_in_dim3A_563 = vector.broadcast %jit3A_561 : f32 to vector<16xf32>
    %select_n3A_564 = arith.select %eq3A_559, %broadcast_in_dim3A_562, %broadcast_in_dim3A_563 : vector<16xi1>, vector<16xf32>
    %add3A_565 = arith.addf %add3A_558, %select_n3A_564 : vector<16xf32>
    %eq3A_566 = arith.cmpf oeq, %scan3A_21#3, %max3A_542 : vector<16xf32>
    %jit3A_567 = arith.constant 1.000000e+00 : f32
    %jit3A_568 = arith.constant 0.000000e+00 : f32
    %broadcast_in_dim3A_569 = vector.broadcast %jit3A_567 : f32 to vector<16xf32>
    %broadcast_in_dim3A_570 = vector.broadcast %jit3A_568 : f32 to vector<16xf32>
    %select_n3A_571 = arith.select %eq3A_566, %broadcast_in_dim3A_569, %broadcast_in_dim3A_570 : vector<16xi1>, vector<16xf32>
    %add3A_572 = arith.addf %add3A_565, %select_n3A_571 : vector<16xf32>
    %eq3A_573 = arith.cmpf oeq, %scan3A_21#4, %max3A_542 : vector<16xf32>
    %jit3A_574 = arith.constant 1.000000e+00 : f32
    %jit3A_575 = arith.constant 0.000000e+00 : f32
    %broadcast_in_dim3A_576 = vector.broadcast %jit3A_574 : f32 to vector<16xf32>
    %broadcast_in_dim3A_577 = vector.broadcast %jit3A_575 : f32 to vector<16xf32>
    %select_n3A_578 = arith.select %eq3A_573, %broadcast_in_dim3A_576, %broadcast_in_dim3A_577 : vector<16xi1>, vector<16xf32>
    %add3A_579 = arith.addf %add3A_572, %select_n3A_578 : vector<16xf32>
    %eq3A_580 = arith.cmpf oeq, %scan3A_21#5, %max3A_542 : vector<16xf32>
    %jit3A_581 = arith.constant 1.000000e+00 : f32
    %jit3A_582 = arith.constant 0.000000e+00 : f32
    %broadcast_in_dim3A_583 = vector.broadcast %jit3A_581 : f32 to vector<16xf32>
    %broadcast_in_dim3A_584 = vector.broadcast %jit3A_582 : f32 to vector<16xf32>
    %select_n3A_585 = arith.select %eq3A_580, %broadcast_in_dim3A_583, %broadcast_in_dim3A_584 : vector<16xi1>, vector<16xf32>
    %add3A_586 = arith.addf %add3A_579, %select_n3A_585 : vector<16xf32>
    %eq3A_587 = arith.cmpf oeq, %scan3A_21#6, %max3A_542 : vector<16xf32>
    %jit3A_588 = arith.constant 1.000000e+00 : f32
    %jit3A_589 = arith.constant 0.000000e+00 : f32
    %broadcast_in_dim3A_590 = vector.broadcast %jit3A_588 : f32 to vector<16xf32>
    %broadcast_in_dim3A_591 = vector.broadcast %jit3A_589 : f32 to vector<16xf32>
    %select_n3A_592 = arith.select %eq3A_587, %broadcast_in_dim3A_590, %broadcast_in_dim3A_591 : vector<16xi1>, vector<16xf32>
    %add3A_593 = arith.addf %add3A_586, %select_n3A_592 : vector<16xf32>
    %eq3A_594 = arith.cmpf oeq, %scan3A_21#7, %max3A_542 : vector<16xf32>
    %jit3A_595 = arith.constant 1.000000e+00 : f32
    %jit3A_596 = arith.constant 0.000000e+00 : f32
    %broadcast_in_dim3A_597 = vector.broadcast %jit3A_595 : f32 to vector<16xf32>
    %broadcast_in_dim3A_598 = vector.broadcast %jit3A_596 : f32 to vector<16xf32>
    %select_n3A_599 = arith.select %eq3A_594, %broadcast_in_dim3A_597, %broadcast_in_dim3A_598 : vector<16xi1>, vector<16xf32>
    %add3A_600 = arith.addf %add3A_593, %select_n3A_599 : vector<16xf32>
    %gather3A_601 = vector.shape_cast %reshape3A : vector<16x1xi32> to vector<16xi32>
    %gather3A_602 = tpu.dynamic_gather %add3A_600[%gather3A_601] in [0] : vector<16xf32>, vector<16xi32> -> vector<16xf32>
    %add3A_603 = arith.addf %add3A_600, %gather3A_602 : vector<16xf32>
    %gather3A_604 = vector.shape_cast %reshape3A_8 : vector<16x1xi32> to vector<16xi32>
    %gather3A_605 = tpu.dynamic_gather %add3A_603[%gather3A_604] in [0] : vector<16xf32>, vector<16xi32> -> vector<16xf32>
    %add3A_606 = arith.addf %add3A_603, %gather3A_605 : vector<16xf32>
    %gather3A_607 = vector.shape_cast %reshape3A_12 : vector<16x1xi32> to vector<16xi32>
    %gather3A_608 = tpu.dynamic_gather %add3A_606[%gather3A_607] in [0] : vector<16xf32>, vector<16xi32> -> vector<16xf32>
    %add3A_609 = arith.addf %add3A_606, %gather3A_608 : vector<16xf32>
    %gather3A_610 = vector.shape_cast %reshape3A_16 : vector<16x1xi32> to vector<16xi32>
    %gather3A_611 = tpu.dynamic_gather %add3A_609[%gather3A_610] in [0] : vector<16xf32>, vector<16xi32> -> vector<16xf32>
    %add3A_612 = arith.addf %add3A_609, %gather3A_611 : vector<16xf32>
    %gt3A_613 = arith.constant 0.000000e+00 : f32
    %gt3A_614 = vector.broadcast %gt3A_613 : f32 to vector<16xf32>
    %gt3A_615 = arith.cmpf ogt, %sub3A_506, %gt3A_614 : vector<16xf32>
    %jit3A_616 = arith.constant 1.000000e+00 : f32
    %jit3A_617 = arith.constant 0.000000e+00 : f32
    %broadcast_in_dim3A_618 = vector.broadcast %jit3A_616 : f32 to vector<16xf32>
    %broadcast_in_dim3A_619 = vector.broadcast %jit3A_617 : f32 to vector<16xf32>
    %select_n3A_620 = arith.select %gt3A_615, %broadcast_in_dim3A_618, %broadcast_in_dim3A_619 : vector<16xi1>, vector<16xf32>
    %mul3A_621 = arith.mulf %select_n3A_620, %max3A_542 : vector<16xf32>
    %sub3A_622 = arith.constant 1.000000e+00 : f32
    %sub3A_623 = vector.broadcast %sub3A_622 : f32 to vector<16xf32>
    %sub3A_624 = arith.subf %sub3A_623, %select_n3A_620 : vector<16xf32>
    %mul3A_625 = arith.mulf %sub3A_624, %add3A_504 : vector<16xf32>
    %add3A_626 = arith.addf %mul3A_621, %mul3A_625 : vector<16xf32>
    %mul3A_627 = arith.mulf %select_n3A_620, %add3A_612 : vector<16xf32>
    %sub3A_628 = arith.subf %sub3A_506, %mul3A_627 : vector<16xf32>
    %lt3A_629 = arith.cmpf olt, %scan3A_21#0, %max3A_542 : vector<16xf32>
    %select_n3A_630 = arith.select %lt3A_629, %scan3A_21#0, %broadcast_in_dim3A_17 : vector<16xi1>, vector<16xf32>
    %max3A_631 = arith.maximumf %broadcast_in_dim3A_17, %select_n3A_630 : vector<16xf32>
    %lt3A_632 = arith.cmpf olt, %scan3A_21#1, %max3A_542 : vector<16xf32>
    %select_n3A_633 = arith.select %lt3A_632, %scan3A_21#1, %broadcast_in_dim3A_17 : vector<16xi1>, vector<16xf32>
    %max3A_634 = arith.maximumf %max3A_631, %select_n3A_633 : vector<16xf32>
    %lt3A_635 = arith.cmpf olt, %scan3A_21#2, %max3A_542 : vector<16xf32>
    %select_n3A_636 = arith.select %lt3A_635, %scan3A_21#2, %broadcast_in_dim3A_17 : vector<16xi1>, vector<16xf32>
    %max3A_637 = arith.maximumf %max3A_634, %select_n3A_636 : vector<16xf32>
    %lt3A_638 = arith.cmpf olt, %scan3A_21#3, %max3A_542 : vector<16xf32>
    %select_n3A_639 = arith.select %lt3A_638, %scan3A_21#3, %broadcast_in_dim3A_17 : vector<16xi1>, vector<16xf32>
    %max3A_640 = arith.maximumf %max3A_637, %select_n3A_639 : vector<16xf32>
    %lt3A_641 = arith.cmpf olt, %scan3A_21#4, %max3A_542 : vector<16xf32>
    %select_n3A_642 = arith.select %lt3A_641, %scan3A_21#4, %broadcast_in_dim3A_17 : vector<16xi1>, vector<16xf32>
    %max3A_643 = arith.maximumf %max3A_640, %select_n3A_642 : vector<16xf32>
    %lt3A_644 = arith.cmpf olt, %scan3A_21#5, %max3A_542 : vector<16xf32>
    %select_n3A_645 = arith.select %lt3A_644, %scan3A_21#5, %broadcast_in_dim3A_17 : vector<16xi1>, vector<16xf32>
    %max3A_646 = arith.maximumf %max3A_643, %select_n3A_645 : vector<16xf32>
    %lt3A_647 = arith.cmpf olt, %scan3A_21#6, %max3A_542 : vector<16xf32>
    %select_n3A_648 = arith.select %lt3A_647, %scan3A_21#6, %broadcast_in_dim3A_17 : vector<16xi1>, vector<16xf32>
    %max3A_649 = arith.maximumf %max3A_646, %select_n3A_648 : vector<16xf32>
    %lt3A_650 = arith.cmpf olt, %scan3A_21#7, %max3A_542 : vector<16xf32>
    %select_n3A_651 = arith.select %lt3A_650, %scan3A_21#7, %broadcast_in_dim3A_17 : vector<16xi1>, vector<16xf32>
    %max3A_652 = arith.maximumf %max3A_649, %select_n3A_651 : vector<16xf32>
    %gather3A_653 = vector.shape_cast %reshape3A : vector<16x1xi32> to vector<16xi32>
    %gather3A_654 = tpu.dynamic_gather %max3A_652[%gather3A_653] in [0] : vector<16xf32>, vector<16xi32> -> vector<16xf32>
    %max3A_655 = arith.maximumf %max3A_652, %gather3A_654 : vector<16xf32>
    %gather3A_656 = vector.shape_cast %reshape3A_8 : vector<16x1xi32> to vector<16xi32>
    %gather3A_657 = tpu.dynamic_gather %max3A_655[%gather3A_656] in [0] : vector<16xf32>, vector<16xi32> -> vector<16xf32>
    %max3A_658 = arith.maximumf %max3A_655, %gather3A_657 : vector<16xf32>
    %gather3A_659 = vector.shape_cast %reshape3A_12 : vector<16x1xi32> to vector<16xi32>
    %gather3A_660 = tpu.dynamic_gather %max3A_658[%gather3A_659] in [0] : vector<16xf32>, vector<16xi32> -> vector<16xf32>
    %max3A_661 = arith.maximumf %max3A_658, %gather3A_660 : vector<16xf32>
    %gather3A_662 = vector.shape_cast %reshape3A_16 : vector<16x1xi32> to vector<16xi32>
    %gather3A_663 = tpu.dynamic_gather %max3A_661[%gather3A_662] in [0] : vector<16xf32>, vector<16xi32> -> vector<16xf32>
    %max3A_664 = arith.maximumf %max3A_661, %gather3A_663 : vector<16xf32>
    %broadcast_in_dim3A_665 = arith.constant 0.000000e+00 : f32
    %broadcast_in_dim3A_666 = vector.broadcast %broadcast_in_dim3A_665 : f32 to vector<16xf32>
    %eq3A_667 = arith.cmpf oeq, %scan3A_21#0, %max3A_664 : vector<16xf32>
    %jit3A_668 = arith.constant 1.000000e+00 : f32
    %jit3A_669 = arith.constant 0.000000e+00 : f32
    %broadcast_in_dim3A_670 = vector.broadcast %jit3A_668 : f32 to vector<16xf32>
    %broadcast_in_dim3A_671 = vector.broadcast %jit3A_669 : f32 to vector<16xf32>
    %select_n3A_672 = arith.select %eq3A_667, %broadcast_in_dim3A_670, %broadcast_in_dim3A_671 : vector<16xi1>, vector<16xf32>
    %add3A_673 = arith.addf %broadcast_in_dim3A_666, %select_n3A_672 : vector<16xf32>
    %eq3A_674 = arith.cmpf oeq, %scan3A_21#1, %max3A_664 : vector<16xf32>
    %jit3A_675 = arith.constant 1.000000e+00 : f32
    %jit3A_676 = arith.constant 0.000000e+00 : f32
    %broadcast_in_dim3A_677 = vector.broadcast %jit3A_675 : f32 to vector<16xf32>
    %broadcast_in_dim3A_678 = vector.broadcast %jit3A_676 : f32 to vector<16xf32>
    %select_n3A_679 = arith.select %eq3A_674, %broadcast_in_dim3A_677, %broadcast_in_dim3A_678 : vector<16xi1>, vector<16xf32>
    %add3A_680 = arith.addf %add3A_673, %select_n3A_679 : vector<16xf32>
    %eq3A_681 = arith.cmpf oeq, %scan3A_21#2, %max3A_664 : vector<16xf32>
    %jit3A_682 = arith.constant 1.000000e+00 : f32
    %jit3A_683 = arith.constant 0.000000e+00 : f32
    %broadcast_in_dim3A_684 = vector.broadcast %jit3A_682 : f32 to vector<16xf32>
    %broadcast_in_dim3A_685 = vector.broadcast %jit3A_683 : f32 to vector<16xf32>
    %select_n3A_686 = arith.select %eq3A_681, %broadcast_in_dim3A_684, %broadcast_in_dim3A_685 : vector<16xi1>, vector<16xf32>
    %add3A_687 = arith.addf %add3A_680, %select_n3A_686 : vector<16xf32>
    %eq3A_688 = arith.cmpf oeq, %scan3A_21#3, %max3A_664 : vector<16xf32>
    %jit3A_689 = arith.constant 1.000000e+00 : f32
    %jit3A_690 = arith.constant 0.000000e+00 : f32
    %broadcast_in_dim3A_691 = vector.broadcast %jit3A_689 : f32 to vector<16xf32>
    %broadcast_in_dim3A_692 = vector.broadcast %jit3A_690 : f32 to vector<16xf32>
    %select_n3A_693 = arith.select %eq3A_688, %broadcast_in_dim3A_691, %broadcast_in_dim3A_692 : vector<16xi1>, vector<16xf32>
    %add3A_694 = arith.addf %add3A_687, %select_n3A_693 : vector<16xf32>
    %eq3A_695 = arith.cmpf oeq, %scan3A_21#4, %max3A_664 : vector<16xf32>
    %jit3A_696 = arith.constant 1.000000e+00 : f32
    %jit3A_697 = arith.constant 0.000000e+00 : f32
    %broadcast_in_dim3A_698 = vector.broadcast %jit3A_696 : f32 to vector<16xf32>
    %broadcast_in_dim3A_699 = vector.broadcast %jit3A_697 : f32 to vector<16xf32>
    %select_n3A_700 = arith.select %eq3A_695, %broadcast_in_dim3A_698, %broadcast_in_dim3A_699 : vector<16xi1>, vector<16xf32>
    %add3A_701 = arith.addf %add3A_694, %select_n3A_700 : vector<16xf32>
    %eq3A_702 = arith.cmpf oeq, %scan3A_21#5, %max3A_664 : vector<16xf32>
    %jit3A_703 = arith.constant 1.000000e+00 : f32
    %jit3A_704 = arith.constant 0.000000e+00 : f32
    %broadcast_in_dim3A_705 = vector.broadcast %jit3A_703 : f32 to vector<16xf32>
    %broadcast_in_dim3A_706 = vector.broadcast %jit3A_704 : f32 to vector<16xf32>
    %select_n3A_707 = arith.select %eq3A_702, %broadcast_in_dim3A_705, %broadcast_in_dim3A_706 : vector<16xi1>, vector<16xf32>
    %add3A_708 = arith.addf %add3A_701, %select_n3A_707 : vector<16xf32>
    %eq3A_709 = arith.cmpf oeq, %scan3A_21#6, %max3A_664 : vector<16xf32>
    %jit3A_710 = arith.constant 1.000000e+00 : f32
    %jit3A_711 = arith.constant 0.000000e+00 : f32
    %broadcast_in_dim3A_712 = vector.broadcast %jit3A_710 : f32 to vector<16xf32>
    %broadcast_in_dim3A_713 = vector.broadcast %jit3A_711 : f32 to vector<16xf32>
    %select_n3A_714 = arith.select %eq3A_709, %broadcast_in_dim3A_712, %broadcast_in_dim3A_713 : vector<16xi1>, vector<16xf32>
    %add3A_715 = arith.addf %add3A_708, %select_n3A_714 : vector<16xf32>
    %eq3A_716 = arith.cmpf oeq, %scan3A_21#7, %max3A_664 : vector<16xf32>
    %jit3A_717 = arith.constant 1.000000e+00 : f32
    %jit3A_718 = arith.constant 0.000000e+00 : f32
    %broadcast_in_dim3A_719 = vector.broadcast %jit3A_717 : f32 to vector<16xf32>
    %broadcast_in_dim3A_720 = vector.broadcast %jit3A_718 : f32 to vector<16xf32>
    %select_n3A_721 = arith.select %eq3A_716, %broadcast_in_dim3A_719, %broadcast_in_dim3A_720 : vector<16xi1>, vector<16xf32>
    %add3A_722 = arith.addf %add3A_715, %select_n3A_721 : vector<16xf32>
    %gather3A_723 = vector.shape_cast %reshape3A : vector<16x1xi32> to vector<16xi32>
    %gather3A_724 = tpu.dynamic_gather %add3A_722[%gather3A_723] in [0] : vector<16xf32>, vector<16xi32> -> vector<16xf32>
    %add3A_725 = arith.addf %add3A_722, %gather3A_724 : vector<16xf32>
    %gather3A_726 = vector.shape_cast %reshape3A_8 : vector<16x1xi32> to vector<16xi32>
    %gather3A_727 = tpu.dynamic_gather %add3A_725[%gather3A_726] in [0] : vector<16xf32>, vector<16xi32> -> vector<16xf32>
    %add3A_728 = arith.addf %add3A_725, %gather3A_727 : vector<16xf32>
    %gather3A_729 = vector.shape_cast %reshape3A_12 : vector<16x1xi32> to vector<16xi32>
    %gather3A_730 = tpu.dynamic_gather %add3A_728[%gather3A_729] in [0] : vector<16xf32>, vector<16xi32> -> vector<16xf32>
    %add3A_731 = arith.addf %add3A_728, %gather3A_730 : vector<16xf32>
    %gather3A_732 = vector.shape_cast %reshape3A_16 : vector<16x1xi32> to vector<16xi32>
    %gather3A_733 = tpu.dynamic_gather %add3A_731[%gather3A_732] in [0] : vector<16xf32>, vector<16xi32> -> vector<16xf32>
    %add3A_734 = arith.addf %add3A_731, %gather3A_733 : vector<16xf32>
    %gt3A_735 = arith.constant 0.000000e+00 : f32
    %gt3A_736 = vector.broadcast %gt3A_735 : f32 to vector<16xf32>
    %gt3A_737 = arith.cmpf ogt, %sub3A_628, %gt3A_736 : vector<16xf32>
    %jit3A_738 = arith.constant 1.000000e+00 : f32
    %jit3A_739 = arith.constant 0.000000e+00 : f32
    %broadcast_in_dim3A_740 = vector.broadcast %jit3A_738 : f32 to vector<16xf32>
    %broadcast_in_dim3A_741 = vector.broadcast %jit3A_739 : f32 to vector<16xf32>
    %select_n3A_742 = arith.select %gt3A_737, %broadcast_in_dim3A_740, %broadcast_in_dim3A_741 : vector<16xi1>, vector<16xf32>
    %mul3A_743 = arith.mulf %select_n3A_742, %max3A_664 : vector<16xf32>
    %sub3A_744 = arith.constant 1.000000e+00 : f32
    %sub3A_745 = vector.broadcast %sub3A_744 : f32 to vector<16xf32>
    %sub3A_746 = arith.subf %sub3A_745, %select_n3A_742 : vector<16xf32>
    %mul3A_747 = arith.mulf %sub3A_746, %add3A_626 : vector<16xf32>
    %add3A_748 = arith.addf %mul3A_743, %mul3A_747 : vector<16xf32>
    %mul3A_749 = arith.mulf %select_n3A_742, %add3A_734 : vector<16xf32>
    %sub3A_750 = arith.subf %sub3A_628, %mul3A_749 : vector<16xf32>
    %lt3A_751 = arith.cmpf olt, %scan3A_21#0, %max3A_664 : vector<16xf32>
    %select_n3A_752 = arith.select %lt3A_751, %scan3A_21#0, %broadcast_in_dim3A_17 : vector<16xi1>, vector<16xf32>
    %max3A_753 = arith.maximumf %broadcast_in_dim3A_17, %select_n3A_752 : vector<16xf32>
    %lt3A_754 = arith.cmpf olt, %scan3A_21#1, %max3A_664 : vector<16xf32>
    %select_n3A_755 = arith.select %lt3A_754, %scan3A_21#1, %broadcast_in_dim3A_17 : vector<16xi1>, vector<16xf32>
    %max3A_756 = arith.maximumf %max3A_753, %select_n3A_755 : vector<16xf32>
    %lt3A_757 = arith.cmpf olt, %scan3A_21#2, %max3A_664 : vector<16xf32>
    %select_n3A_758 = arith.select %lt3A_757, %scan3A_21#2, %broadcast_in_dim3A_17 : vector<16xi1>, vector<16xf32>
    %max3A_759 = arith.maximumf %max3A_756, %select_n3A_758 : vector<16xf32>
    %lt3A_760 = arith.cmpf olt, %scan3A_21#3, %max3A_664 : vector<16xf32>
    %select_n3A_761 = arith.select %lt3A_760, %scan3A_21#3, %broadcast_in_dim3A_17 : vector<16xi1>, vector<16xf32>
    %max3A_762 = arith.maximumf %max3A_759, %select_n3A_761 : vector<16xf32>
    %lt3A_763 = arith.cmpf olt, %scan3A_21#4, %max3A_664 : vector<16xf32>
    %select_n3A_764 = arith.select %lt3A_763, %scan3A_21#4, %broadcast_in_dim3A_17 : vector<16xi1>, vector<16xf32>
    %max3A_765 = arith.maximumf %max3A_762, %select_n3A_764 : vector<16xf32>
    %lt3A_766 = arith.cmpf olt, %scan3A_21#5, %max3A_664 : vector<16xf32>
    %select_n3A_767 = arith.select %lt3A_766, %scan3A_21#5, %broadcast_in_dim3A_17 : vector<16xi1>, vector<16xf32>
    %max3A_768 = arith.maximumf %max3A_765, %select_n3A_767 : vector<16xf32>
    %lt3A_769 = arith.cmpf olt, %scan3A_21#6, %max3A_664 : vector<16xf32>
    %select_n3A_770 = arith.select %lt3A_769, %scan3A_21#6, %broadcast_in_dim3A_17 : vector<16xi1>, vector<16xf32>
    %max3A_771 = arith.maximumf %max3A_768, %select_n3A_770 : vector<16xf32>
    %lt3A_772 = arith.cmpf olt, %scan3A_21#7, %max3A_664 : vector<16xf32>
    %select_n3A_773 = arith.select %lt3A_772, %scan3A_21#7, %broadcast_in_dim3A_17 : vector<16xi1>, vector<16xf32>
    %max3A_774 = arith.maximumf %max3A_771, %select_n3A_773 : vector<16xf32>
    %gather3A_775 = vector.shape_cast %reshape3A : vector<16x1xi32> to vector<16xi32>
    %gather3A_776 = tpu.dynamic_gather %max3A_774[%gather3A_775] in [0] : vector<16xf32>, vector<16xi32> -> vector<16xf32>
    %max3A_777 = arith.maximumf %max3A_774, %gather3A_776 : vector<16xf32>
    %gather3A_778 = vector.shape_cast %reshape3A_8 : vector<16x1xi32> to vector<16xi32>
    %gather3A_779 = tpu.dynamic_gather %max3A_777[%gather3A_778] in [0] : vector<16xf32>, vector<16xi32> -> vector<16xf32>
    %max3A_780 = arith.maximumf %max3A_777, %gather3A_779 : vector<16xf32>
    %gather3A_781 = vector.shape_cast %reshape3A_12 : vector<16x1xi32> to vector<16xi32>
    %gather3A_782 = tpu.dynamic_gather %max3A_780[%gather3A_781] in [0] : vector<16xf32>, vector<16xi32> -> vector<16xf32>
    %max3A_783 = arith.maximumf %max3A_780, %gather3A_782 : vector<16xf32>
    %gather3A_784 = vector.shape_cast %reshape3A_16 : vector<16x1xi32> to vector<16xi32>
    %gather3A_785 = tpu.dynamic_gather %max3A_783[%gather3A_784] in [0] : vector<16xf32>, vector<16xi32> -> vector<16xf32>
    %max3A_786 = arith.maximumf %max3A_783, %gather3A_785 : vector<16xf32>
    %broadcast_in_dim3A_787 = arith.constant 0.000000e+00 : f32
    %broadcast_in_dim3A_788 = vector.broadcast %broadcast_in_dim3A_787 : f32 to vector<16xf32>
    %eq3A_789 = arith.cmpf oeq, %scan3A_21#0, %max3A_786 : vector<16xf32>
    %jit3A_790 = arith.constant 1.000000e+00 : f32
    %jit3A_791 = arith.constant 0.000000e+00 : f32
    %broadcast_in_dim3A_792 = vector.broadcast %jit3A_790 : f32 to vector<16xf32>
    %broadcast_in_dim3A_793 = vector.broadcast %jit3A_791 : f32 to vector<16xf32>
    %select_n3A_794 = arith.select %eq3A_789, %broadcast_in_dim3A_792, %broadcast_in_dim3A_793 : vector<16xi1>, vector<16xf32>
    %add3A_795 = arith.addf %broadcast_in_dim3A_788, %select_n3A_794 : vector<16xf32>
    %eq3A_796 = arith.cmpf oeq, %scan3A_21#1, %max3A_786 : vector<16xf32>
    %jit3A_797 = arith.constant 1.000000e+00 : f32
    %jit3A_798 = arith.constant 0.000000e+00 : f32
    %broadcast_in_dim3A_799 = vector.broadcast %jit3A_797 : f32 to vector<16xf32>
    %broadcast_in_dim3A_800 = vector.broadcast %jit3A_798 : f32 to vector<16xf32>
    %select_n3A_801 = arith.select %eq3A_796, %broadcast_in_dim3A_799, %broadcast_in_dim3A_800 : vector<16xi1>, vector<16xf32>
    %add3A_802 = arith.addf %add3A_795, %select_n3A_801 : vector<16xf32>
    %eq3A_803 = arith.cmpf oeq, %scan3A_21#2, %max3A_786 : vector<16xf32>
    %jit3A_804 = arith.constant 1.000000e+00 : f32
    %jit3A_805 = arith.constant 0.000000e+00 : f32
    %broadcast_in_dim3A_806 = vector.broadcast %jit3A_804 : f32 to vector<16xf32>
    %broadcast_in_dim3A_807 = vector.broadcast %jit3A_805 : f32 to vector<16xf32>
    %select_n3A_808 = arith.select %eq3A_803, %broadcast_in_dim3A_806, %broadcast_in_dim3A_807 : vector<16xi1>, vector<16xf32>
    %add3A_809 = arith.addf %add3A_802, %select_n3A_808 : vector<16xf32>
    %eq3A_810 = arith.cmpf oeq, %scan3A_21#3, %max3A_786 : vector<16xf32>
    %jit3A_811 = arith.constant 1.000000e+00 : f32
    %jit3A_812 = arith.constant 0.000000e+00 : f32
    %broadcast_in_dim3A_813 = vector.broadcast %jit3A_811 : f32 to vector<16xf32>
    %broadcast_in_dim3A_814 = vector.broadcast %jit3A_812 : f32 to vector<16xf32>
    %select_n3A_815 = arith.select %eq3A_810, %broadcast_in_dim3A_813, %broadcast_in_dim3A_814 : vector<16xi1>, vector<16xf32>
    %add3A_816 = arith.addf %add3A_809, %select_n3A_815 : vector<16xf32>
    %eq3A_817 = arith.cmpf oeq, %scan3A_21#4, %max3A_786 : vector<16xf32>
    %jit3A_818 = arith.constant 1.000000e+00 : f32
    %jit3A_819 = arith.constant 0.000000e+00 : f32
    %broadcast_in_dim3A_820 = vector.broadcast %jit3A_818 : f32 to vector<16xf32>
    %broadcast_in_dim3A_821 = vector.broadcast %jit3A_819 : f32 to vector<16xf32>
    %select_n3A_822 = arith.select %eq3A_817, %broadcast_in_dim3A_820, %broadcast_in_dim3A_821 : vector<16xi1>, vector<16xf32>
    %add3A_823 = arith.addf %add3A_816, %select_n3A_822 : vector<16xf32>
    %eq3A_824 = arith.cmpf oeq, %scan3A_21#5, %max3A_786 : vector<16xf32>
    %jit3A_825 = arith.constant 1.000000e+00 : f32
    %jit3A_826 = arith.constant 0.000000e+00 : f32
    %broadcast_in_dim3A_827 = vector.broadcast %jit3A_825 : f32 to vector<16xf32>
    %broadcast_in_dim3A_828 = vector.broadcast %jit3A_826 : f32 to vector<16xf32>
    %select_n3A_829 = arith.select %eq3A_824, %broadcast_in_dim3A_827, %broadcast_in_dim3A_828 : vector<16xi1>, vector<16xf32>
    %add3A_830 = arith.addf %add3A_823, %select_n3A_829 : vector<16xf32>
    %eq3A_831 = arith.cmpf oeq, %scan3A_21#6, %max3A_786 : vector<16xf32>
    %jit3A_832 = arith.constant 1.000000e+00 : f32
    %jit3A_833 = arith.constant 0.000000e+00 : f32
    %broadcast_in_dim3A_834 = vector.broadcast %jit3A_832 : f32 to vector<16xf32>
    %broadcast_in_dim3A_835 = vector.broadcast %jit3A_833 : f32 to vector<16xf32>
    %select_n3A_836 = arith.select %eq3A_831, %broadcast_in_dim3A_834, %broadcast_in_dim3A_835 : vector<16xi1>, vector<16xf32>
    %add3A_837 = arith.addf %add3A_830, %select_n3A_836 : vector<16xf32>
    %eq3A_838 = arith.cmpf oeq, %scan3A_21#7, %max3A_786 : vector<16xf32>
    %jit3A_839 = arith.constant 1.000000e+00 : f32
    %jit3A_840 = arith.constant 0.000000e+00 : f32
    %broadcast_in_dim3A_841 = vector.broadcast %jit3A_839 : f32 to vector<16xf32>
    %broadcast_in_dim3A_842 = vector.broadcast %jit3A_840 : f32 to vector<16xf32>
    %select_n3A_843 = arith.select %eq3A_838, %broadcast_in_dim3A_841, %broadcast_in_dim3A_842 : vector<16xi1>, vector<16xf32>
    %add3A_844 = arith.addf %add3A_837, %select_n3A_843 : vector<16xf32>
    %gather3A_845 = vector.shape_cast %reshape3A : vector<16x1xi32> to vector<16xi32>
    %gather3A_846 = tpu.dynamic_gather %add3A_844[%gather3A_845] in [0] : vector<16xf32>, vector<16xi32> -> vector<16xf32>
    %add3A_847 = arith.addf %add3A_844, %gather3A_846 : vector<16xf32>
    %gather3A_848 = vector.shape_cast %reshape3A_8 : vector<16x1xi32> to vector<16xi32>
    %gather3A_849 = tpu.dynamic_gather %add3A_847[%gather3A_848] in [0] : vector<16xf32>, vector<16xi32> -> vector<16xf32>
    %add3A_850 = arith.addf %add3A_847, %gather3A_849 : vector<16xf32>
    %gather3A_851 = vector.shape_cast %reshape3A_12 : vector<16x1xi32> to vector<16xi32>
    %gather3A_852 = tpu.dynamic_gather %add3A_850[%gather3A_851] in [0] : vector<16xf32>, vector<16xi32> -> vector<16xf32>
    %add3A_853 = arith.addf %add3A_850, %gather3A_852 : vector<16xf32>
    %gather3A_854 = vector.shape_cast %reshape3A_16 : vector<16x1xi32> to vector<16xi32>
    %gather3A_855 = tpu.dynamic_gather %add3A_853[%gather3A_854] in [0] : vector<16xf32>, vector<16xi32> -> vector<16xf32>
    %add3A_856 = arith.addf %add3A_853, %gather3A_855 : vector<16xf32>
    %gt3A_857 = arith.constant 0.000000e+00 : f32
    %gt3A_858 = vector.broadcast %gt3A_857 : f32 to vector<16xf32>
    %gt3A_859 = arith.cmpf ogt, %sub3A_750, %gt3A_858 : vector<16xf32>
    %jit3A_860 = arith.constant 1.000000e+00 : f32
    %jit3A_861 = arith.constant 0.000000e+00 : f32
    %broadcast_in_dim3A_862 = vector.broadcast %jit3A_860 : f32 to vector<16xf32>
    %broadcast_in_dim3A_863 = vector.broadcast %jit3A_861 : f32 to vector<16xf32>
    %select_n3A_864 = arith.select %gt3A_859, %broadcast_in_dim3A_862, %broadcast_in_dim3A_863 : vector<16xi1>, vector<16xf32>
    %mul3A_865 = arith.mulf %select_n3A_864, %max3A_786 : vector<16xf32>
    %sub3A_866 = arith.constant 1.000000e+00 : f32
    %sub3A_867 = vector.broadcast %sub3A_866 : f32 to vector<16xf32>
    %sub3A_868 = arith.subf %sub3A_867, %select_n3A_864 : vector<16xf32>
    %mul3A_869 = arith.mulf %sub3A_868, %add3A_748 : vector<16xf32>
    %add3A_870 = arith.addf %mul3A_865, %mul3A_869 : vector<16xf32>
    %mul3A_871 = arith.mulf %select_n3A_864, %add3A_856 : vector<16xf32>
    %sub3A_872 = arith.subf %sub3A_750, %mul3A_871 : vector<16xf32>
    %lt3A_873 = arith.cmpf olt, %scan3A_21#0, %max3A_786 : vector<16xf32>
    %select_n3A_874 = arith.select %lt3A_873, %scan3A_21#0, %broadcast_in_dim3A_17 : vector<16xi1>, vector<16xf32>
    %max3A_875 = arith.maximumf %broadcast_in_dim3A_17, %select_n3A_874 : vector<16xf32>
    %lt3A_876 = arith.cmpf olt, %scan3A_21#1, %max3A_786 : vector<16xf32>
    %select_n3A_877 = arith.select %lt3A_876, %scan3A_21#1, %broadcast_in_dim3A_17 : vector<16xi1>, vector<16xf32>
    %max3A_878 = arith.maximumf %max3A_875, %select_n3A_877 : vector<16xf32>
    %lt3A_879 = arith.cmpf olt, %scan3A_21#2, %max3A_786 : vector<16xf32>
    %select_n3A_880 = arith.select %lt3A_879, %scan3A_21#2, %broadcast_in_dim3A_17 : vector<16xi1>, vector<16xf32>
    %max3A_881 = arith.maximumf %max3A_878, %select_n3A_880 : vector<16xf32>
    %lt3A_882 = arith.cmpf olt, %scan3A_21#3, %max3A_786 : vector<16xf32>
    %select_n3A_883 = arith.select %lt3A_882, %scan3A_21#3, %broadcast_in_dim3A_17 : vector<16xi1>, vector<16xf32>
    %max3A_884 = arith.maximumf %max3A_881, %select_n3A_883 : vector<16xf32>
    %lt3A_885 = arith.cmpf olt, %scan3A_21#4, %max3A_786 : vector<16xf32>
    %select_n3A_886 = arith.select %lt3A_885, %scan3A_21#4, %broadcast_in_dim3A_17 : vector<16xi1>, vector<16xf32>
    %max3A_887 = arith.maximumf %max3A_884, %select_n3A_886 : vector<16xf32>
    %lt3A_888 = arith.cmpf olt, %scan3A_21#5, %max3A_786 : vector<16xf32>
    %select_n3A_889 = arith.select %lt3A_888, %scan3A_21#5, %broadcast_in_dim3A_17 : vector<16xi1>, vector<16xf32>
    %max3A_890 = arith.maximumf %max3A_887, %select_n3A_889 : vector<16xf32>
    %lt3A_891 = arith.cmpf olt, %scan3A_21#6, %max3A_786 : vector<16xf32>
    %select_n3A_892 = arith.select %lt3A_891, %scan3A_21#6, %broadcast_in_dim3A_17 : vector<16xi1>, vector<16xf32>
    %max3A_893 = arith.maximumf %max3A_890, %select_n3A_892 : vector<16xf32>
    %lt3A_894 = arith.cmpf olt, %scan3A_21#7, %max3A_786 : vector<16xf32>
    %select_n3A_895 = arith.select %lt3A_894, %scan3A_21#7, %broadcast_in_dim3A_17 : vector<16xi1>, vector<16xf32>
    %max3A_896 = arith.maximumf %max3A_893, %select_n3A_895 : vector<16xf32>
    %gather3A_897 = vector.shape_cast %reshape3A : vector<16x1xi32> to vector<16xi32>
    %gather3A_898 = tpu.dynamic_gather %max3A_896[%gather3A_897] in [0] : vector<16xf32>, vector<16xi32> -> vector<16xf32>
    %max3A_899 = arith.maximumf %max3A_896, %gather3A_898 : vector<16xf32>
    %gather3A_900 = vector.shape_cast %reshape3A_8 : vector<16x1xi32> to vector<16xi32>
    %gather3A_901 = tpu.dynamic_gather %max3A_899[%gather3A_900] in [0] : vector<16xf32>, vector<16xi32> -> vector<16xf32>
    %max3A_902 = arith.maximumf %max3A_899, %gather3A_901 : vector<16xf32>
    %gather3A_903 = vector.shape_cast %reshape3A_12 : vector<16x1xi32> to vector<16xi32>
    %gather3A_904 = tpu.dynamic_gather %max3A_902[%gather3A_903] in [0] : vector<16xf32>, vector<16xi32> -> vector<16xf32>
    %max3A_905 = arith.maximumf %max3A_902, %gather3A_904 : vector<16xf32>
    %gather3A_906 = vector.shape_cast %reshape3A_16 : vector<16x1xi32> to vector<16xi32>
    %gather3A_907 = tpu.dynamic_gather %max3A_905[%gather3A_906] in [0] : vector<16xf32>, vector<16xi32> -> vector<16xf32>
    %max3A_908 = arith.maximumf %max3A_905, %gather3A_907 : vector<16xf32>
    %broadcast_in_dim3A_909 = arith.constant 0.000000e+00 : f32
    %broadcast_in_dim3A_910 = vector.broadcast %broadcast_in_dim3A_909 : f32 to vector<16xf32>
    %eq3A_911 = arith.cmpf oeq, %scan3A_21#0, %max3A_908 : vector<16xf32>
    %jit3A_912 = arith.constant 1.000000e+00 : f32
    %jit3A_913 = arith.constant 0.000000e+00 : f32
    %broadcast_in_dim3A_914 = vector.broadcast %jit3A_912 : f32 to vector<16xf32>
    %broadcast_in_dim3A_915 = vector.broadcast %jit3A_913 : f32 to vector<16xf32>
    %select_n3A_916 = arith.select %eq3A_911, %broadcast_in_dim3A_914, %broadcast_in_dim3A_915 : vector<16xi1>, vector<16xf32>
    %add3A_917 = arith.addf %broadcast_in_dim3A_910, %select_n3A_916 : vector<16xf32>
    %eq3A_918 = arith.cmpf oeq, %scan3A_21#1, %max3A_908 : vector<16xf32>
    %jit3A_919 = arith.constant 1.000000e+00 : f32
    %jit3A_920 = arith.constant 0.000000e+00 : f32
    %broadcast_in_dim3A_921 = vector.broadcast %jit3A_919 : f32 to vector<16xf32>
    %broadcast_in_dim3A_922 = vector.broadcast %jit3A_920 : f32 to vector<16xf32>
    %select_n3A_923 = arith.select %eq3A_918, %broadcast_in_dim3A_921, %broadcast_in_dim3A_922 : vector<16xi1>, vector<16xf32>
    %add3A_924 = arith.addf %add3A_917, %select_n3A_923 : vector<16xf32>
    %eq3A_925 = arith.cmpf oeq, %scan3A_21#2, %max3A_908 : vector<16xf32>
    %jit3A_926 = arith.constant 1.000000e+00 : f32
    %jit3A_927 = arith.constant 0.000000e+00 : f32
    %broadcast_in_dim3A_928 = vector.broadcast %jit3A_926 : f32 to vector<16xf32>
    %broadcast_in_dim3A_929 = vector.broadcast %jit3A_927 : f32 to vector<16xf32>
    %select_n3A_930 = arith.select %eq3A_925, %broadcast_in_dim3A_928, %broadcast_in_dim3A_929 : vector<16xi1>, vector<16xf32>
    %add3A_931 = arith.addf %add3A_924, %select_n3A_930 : vector<16xf32>
    %eq3A_932 = arith.cmpf oeq, %scan3A_21#3, %max3A_908 : vector<16xf32>
    %jit3A_933 = arith.constant 1.000000e+00 : f32
    %jit3A_934 = arith.constant 0.000000e+00 : f32
    %broadcast_in_dim3A_935 = vector.broadcast %jit3A_933 : f32 to vector<16xf32>
    %broadcast_in_dim3A_936 = vector.broadcast %jit3A_934 : f32 to vector<16xf32>
    %select_n3A_937 = arith.select %eq3A_932, %broadcast_in_dim3A_935, %broadcast_in_dim3A_936 : vector<16xi1>, vector<16xf32>
    %add3A_938 = arith.addf %add3A_931, %select_n3A_937 : vector<16xf32>
    %eq3A_939 = arith.cmpf oeq, %scan3A_21#4, %max3A_908 : vector<16xf32>
    %jit3A_940 = arith.constant 1.000000e+00 : f32
    %jit3A_941 = arith.constant 0.000000e+00 : f32
    %broadcast_in_dim3A_942 = vector.broadcast %jit3A_940 : f32 to vector<16xf32>
    %broadcast_in_dim3A_943 = vector.broadcast %jit3A_941 : f32 to vector<16xf32>
    %select_n3A_944 = arith.select %eq3A_939, %broadcast_in_dim3A_942, %broadcast_in_dim3A_943 : vector<16xi1>, vector<16xf32>
    %add3A_945 = arith.addf %add3A_938, %select_n3A_944 : vector<16xf32>
    %eq3A_946 = arith.cmpf oeq, %scan3A_21#5, %max3A_908 : vector<16xf32>
    %jit3A_947 = arith.constant 1.000000e+00 : f32
    %jit3A_948 = arith.constant 0.000000e+00 : f32
    %broadcast_in_dim3A_949 = vector.broadcast %jit3A_947 : f32 to vector<16xf32>
    %broadcast_in_dim3A_950 = vector.broadcast %jit3A_948 : f32 to vector<16xf32>
    %select_n3A_951 = arith.select %eq3A_946, %broadcast_in_dim3A_949, %broadcast_in_dim3A_950 : vector<16xi1>, vector<16xf32>
    %add3A_952 = arith.addf %add3A_945, %select_n3A_951 : vector<16xf32>
    %eq3A_953 = arith.cmpf oeq, %scan3A_21#6, %max3A_908 : vector<16xf32>
    %jit3A_954 = arith.constant 1.000000e+00 : f32
    %jit3A_955 = arith.constant 0.000000e+00 : f32
    %broadcast_in_dim3A_956 = vector.broadcast %jit3A_954 : f32 to vector<16xf32>
    %broadcast_in_dim3A_957 = vector.broadcast %jit3A_955 : f32 to vector<16xf32>
    %select_n3A_958 = arith.select %eq3A_953, %broadcast_in_dim3A_956, %broadcast_in_dim3A_957 : vector<16xi1>, vector<16xf32>
    %add3A_959 = arith.addf %add3A_952, %select_n3A_958 : vector<16xf32>
    %eq3A_960 = arith.cmpf oeq, %scan3A_21#7, %max3A_908 : vector<16xf32>
    %jit3A_961 = arith.constant 1.000000e+00 : f32
    %jit3A_962 = arith.constant 0.000000e+00 : f32
    %broadcast_in_dim3A_963 = vector.broadcast %jit3A_961 : f32 to vector<16xf32>
    %broadcast_in_dim3A_964 = vector.broadcast %jit3A_962 : f32 to vector<16xf32>
    %select_n3A_965 = arith.select %eq3A_960, %broadcast_in_dim3A_963, %broadcast_in_dim3A_964 : vector<16xi1>, vector<16xf32>
    %add3A_966 = arith.addf %add3A_959, %select_n3A_965 : vector<16xf32>
    %gather3A_967 = vector.shape_cast %reshape3A : vector<16x1xi32> to vector<16xi32>
    %gather3A_968 = tpu.dynamic_gather %add3A_966[%gather3A_967] in [0] : vector<16xf32>, vector<16xi32> -> vector<16xf32>
    %add3A_969 = arith.addf %add3A_966, %gather3A_968 : vector<16xf32>
    %gather3A_970 = vector.shape_cast %reshape3A_8 : vector<16x1xi32> to vector<16xi32>
    %gather3A_971 = tpu.dynamic_gather %add3A_969[%gather3A_970] in [0] : vector<16xf32>, vector<16xi32> -> vector<16xf32>
    %add3A_972 = arith.addf %add3A_969, %gather3A_971 : vector<16xf32>
    %gather3A_973 = vector.shape_cast %reshape3A_12 : vector<16x1xi32> to vector<16xi32>
    %gather3A_974 = tpu.dynamic_gather %add3A_972[%gather3A_973] in [0] : vector<16xf32>, vector<16xi32> -> vector<16xf32>
    %add3A_975 = arith.addf %add3A_972, %gather3A_974 : vector<16xf32>
    %gather3A_976 = vector.shape_cast %reshape3A_16 : vector<16x1xi32> to vector<16xi32>
    %gather3A_977 = tpu.dynamic_gather %add3A_975[%gather3A_976] in [0] : vector<16xf32>, vector<16xi32> -> vector<16xf32>
    %add3A_978 = arith.addf %add3A_975, %gather3A_977 : vector<16xf32>
    %gt3A_979 = arith.constant 0.000000e+00 : f32
    %gt3A_980 = vector.broadcast %gt3A_979 : f32 to vector<16xf32>
    %gt3A_981 = arith.cmpf ogt, %sub3A_872, %gt3A_980 : vector<16xf32>
    %jit3A_982 = arith.constant 1.000000e+00 : f32
    %jit3A_983 = arith.constant 0.000000e+00 : f32
    %broadcast_in_dim3A_984 = vector.broadcast %jit3A_982 : f32 to vector<16xf32>
    %broadcast_in_dim3A_985 = vector.broadcast %jit3A_983 : f32 to vector<16xf32>
    %select_n3A_986 = arith.select %gt3A_981, %broadcast_in_dim3A_984, %broadcast_in_dim3A_985 : vector<16xi1>, vector<16xf32>
    %mul3A_987 = arith.mulf %select_n3A_986, %max3A_908 : vector<16xf32>
    %sub3A_988 = arith.constant 1.000000e+00 : f32
    %sub3A_989 = vector.broadcast %sub3A_988 : f32 to vector<16xf32>
    %sub3A_990 = arith.subf %sub3A_989, %select_n3A_986 : vector<16xf32>
    %mul3A_991 = arith.mulf %sub3A_990, %add3A_870 : vector<16xf32>
    %add3A_992 = arith.addf %mul3A_987, %mul3A_991 : vector<16xf32>
    %mul3A_993 = arith.mulf %select_n3A_986, %add3A_978 : vector<16xf32>
    %sub3A_994 = arith.subf %sub3A_872, %mul3A_993 : vector<16xf32>
    %scan3A_995 = arith.constant 0 : i32
    %scan3A_996 = arith.constant 0 : i32
    %scan3A_997 = arith.constant 32 : i32
    %scan3A_998 = arith.addi %scan3A_996, %scan3A_997 : i32
    %scan3A_999 = arith.constant 1 : i32
    scf.for %scan3A_1993 = %scan3A_996 to %scan3A_998 step %scan3A_999  : i32 {
      %mul3A_1994 = arith.constant 8 : i32
      %mul3A_1995 = arith.muli %scan3A_1993, %mul3A_1994 : i32
      %add3A_1996 = arith.constant 0 : i32
      %add3A_1997 = arith.addi %mul3A_1995, %add3A_1996 : i32
      %mul3A_1998 = arith.constant 16 : i32
      %mul3A_1999 = arith.muli %add3A_1997, %mul3A_1998 : i32
      %get3A = arith.constant 0 : i32
      %get3A_2000 = arith.index_cast %get3A : i32 to index
      %get3A_2001 = arith.index_cast %mul3A_1999 : i32 to index
      %get3A_2002 = tpu.vector_load %arg4[%get3A_2000, %get3A_2001] {strides = array<i32>} : memref<2x4096xf32, #tpu.memory_space<vmem>>, vector<1x16xf32>,
      %get3A_2003 = vector.shape_cast %get3A_2002 : vector<1x16xf32> to vector<16xf32>
      %ge3A = arith.cmpf oge, %get3A_2003, %add3A_992 : vector<16xf32>
      %jit3A_2004 = arith.constant 1.000000e+00 : f32
      %jit3A_2005 = arith.constant 0.000000e+00 : f32
      %broadcast_in_dim3A_2006 = vector.broadcast %jit3A_2004 : f32 to vector<16xf32>
      %broadcast_in_dim3A_2007 = vector.broadcast %jit3A_2005 : f32 to vector<16xf32>
      %select_n3A_2008 = arith.select %ge3A, %broadcast_in_dim3A_2006, %broadcast_in_dim3A_2007 : vector<16xi1>, vector<16xf32>
      %swap3A = arith.constant 0 : i32
      %swap3A_2009 = arith.index_cast %swap3A : i32 to index
      %swap3A_2010 = arith.index_cast %mul3A_1999 : i32 to index
      %swap3A_2011 = tpu.vector_load %arg5[%swap3A_2009, %swap3A_2010] {strides = array<i32>} : memref<2x4096xf32, #tpu.memory_space<vmem>>, vector<1x16xf32>,
      %swap3A_2012 = vector.shape_cast %swap3A_2011 : vector<1x16xf32> to vector<16xf32>
      %swap3A_2013 = vector.shape_cast %select_n3A_2008 : vector<16xf32> to vector<1x16xf32>
      tpu.vector_store %arg5[%swap3A_2009, %swap3A_2010], %swap3A_2013 {strides = array<i32>} : memref<2x4096xf32, #tpu.memory_space<vmem>>, vector<1x16xf32>,
      %mul3A_2014 = arith.constant 8 : i32
      %mul3A_2015 = arith.muli %scan3A_1993, %mul3A_2014 : i32
      %add3A_2016 = arith.constant 1 : i32
      %add3A_2017 = arith.addi %mul3A_2015, %add3A_2016 : i32
      %mul3A_2018 = arith.constant 16 : i32
      %mul3A_2019 = arith.muli %add3A_2017, %mul3A_2018 : i32
      %get3A_2020 = arith.constant 0 : i32
      %get3A_2021 = arith.index_cast %get3A_2020 : i32 to index
      %get3A_2022 = arith.index_cast %mul3A_2019 : i32 to index
      %get3A_2023 = tpu.vector_load %arg4[%get3A_2021, %get3A_2022] {strides = array<i32>} : memref<2x4096xf32, #tpu.memory_space<vmem>>, vector<1x16xf32>,
      %get3A_2024 = vector.shape_cast %get3A_2023 : vector<1x16xf32> to vector<16xf32>
      %ge3A_2025 = arith.cmpf oge, %get3A_2024, %add3A_992 : vector<16xf32>
      %jit3A_2026 = arith.constant 1.000000e+00 : f32
      %jit3A_2027 = arith.constant 0.000000e+00 : f32
      %broadcast_in_dim3A_2028 = vector.broadcast %jit3A_2026 : f32 to vector<16xf32>
      %broadcast_in_dim3A_2029 = vector.broadcast %jit3A_2027 : f32 to vector<16xf32>
      %select_n3A_2030 = arith.select %ge3A_2025, %broadcast_in_dim3A_2028, %broadcast_in_dim3A_2029 : vector<16xi1>, vector<16xf32>
      %swap3A_2031 = arith.constant 0 : i32
      %swap3A_2032 = arith.index_cast %swap3A_2031 : i32 to index
      %swap3A_2033 = arith.index_cast %mul3A_2019 : i32 to index
      %swap3A_2034 = tpu.vector_load %arg5[%swap3A_2032, %swap3A_2033] {strides = array<i32>} : memref<2x4096xf32, #tpu.memory_space<vmem>>, vector<1x16xf32>,
      %swap3A_2035 = vector.shape_cast %swap3A_2034 : vector<1x16xf32> to vector<16xf32>
      %swap3A_2036 = vector.shape_cast %select_n3A_2030 : vector<16xf32> to vector<1x16xf32>
      tpu.vector_store %arg5[%swap3A_2032, %swap3A_2033], %swap3A_2036 {strides = array<i32>} : memref<2x4096xf32, #tpu.memory_space<vmem>>, vector<1x16xf32>,
      %mul3A_2037 = arith.constant 8 : i32
      %mul3A_2038 = arith.muli %scan3A_1993, %mul3A_2037 : i32
      %add3A_2039 = arith.constant 2 : i32
      %add3A_2040 = arith.addi %mul3A_2038, %add3A_2039 : i32
      %mul3A_2041 = arith.constant 16 : i32
      %mul3A_2042 = arith.muli %add3A_2040, %mul3A_2041 : i32
      %get3A_2043 = arith.constant 0 : i32
      %get3A_2044 = arith.index_cast %get3A_2043 : i32 to index
      %get3A_2045 = arith.index_cast %mul3A_2042 : i32 to index
      %get3A_2046 = tpu.vector_load %arg4[%get3A_2044, %get3A_2045] {strides = array<i32>} : memref<2x4096xf32, #tpu.memory_space<vmem>>, vector<1x16xf32>,
      %get3A_2047 = vector.shape_cast %get3A_2046 : vector<1x16xf32> to vector<16xf32>
      %ge3A_2048 = arith.cmpf oge, %get3A_2047, %add3A_992 : vector<16xf32>
      %jit3A_2049 = arith.constant 1.000000e+00 : f32
      %jit3A_2050 = arith.constant 0.000000e+00 : f32
      %broadcast_in_dim3A_2051 = vector.broadcast %jit3A_2049 : f32 to vector<16xf32>
      %broadcast_in_dim3A_2052 = vector.broadcast %jit3A_2050 : f32 to vector<16xf32>
      %select_n3A_2053 = arith.select %ge3A_2048, %broadcast_in_dim3A_2051, %broadcast_in_dim3A_2052 : vector<16xi1>, vector<16xf32>
      %swap3A_2054 = arith.constant 0 : i32
      %swap3A_2055 = arith.index_cast %swap3A_2054 : i32 to index
      %swap3A_2056 = arith.index_cast %mul3A_2042 : i32 to index
      %swap3A_2057 = tpu.vector_load %arg5[%swap3A_2055, %swap3A_2056] {strides = array<i32>} : memref<2x4096xf32, #tpu.memory_space<vmem>>, vector<1x16xf32>,
      %swap3A_2058 = vector.shape_cast %swap3A_2057 : vector<1x16xf32> to vector<16xf32>
      %swap3A_2059 = vector.shape_cast %select_n3A_2053 : vector<16xf32> to vector<1x16xf32>
      tpu.vector_store %arg5[%swap3A_2055, %swap3A_2056], %swap3A_2059 {strides = array<i32>} : memref<2x4096xf32, #tpu.memory_space<vmem>>, vector<1x16xf32>,
      %mul3A_2060 = arith.constant 8 : i32
      %mul3A_2061 = arith.muli %scan3A_1993, %mul3A_2060 : i32
      %add3A_2062 = arith.constant 3 : i32
      %add3A_2063 = arith.addi %mul3A_2061, %add3A_2062 : i32
      %mul3A_2064 = arith.constant 16 : i32
      %mul3A_2065 = arith.muli %add3A_2063, %mul3A_2064 : i32
      %get3A_2066 = arith.constant 0 : i32
      %get3A_2067 = arith.index_cast %get3A_2066 : i32 to index
      %get3A_2068 = arith.index_cast %mul3A_2065 : i32 to index
      %get3A_2069 = tpu.vector_load %arg4[%get3A_2067, %get3A_2068] {strides = array<i32>} : memref<2x4096xf32, #tpu.memory_space<vmem>>, vector<1x16xf32>,
      %get3A_2070 = vector.shape_cast %get3A_2069 : vector<1x16xf32> to vector<16xf32>
      %ge3A_2071 = arith.cmpf oge, %get3A_2070, %add3A_992 : vector<16xf32>
      %jit3A_2072 = arith.constant 1.000000e+00 : f32
      %jit3A_2073 = arith.constant 0.000000e+00 : f32
      %broadcast_in_dim3A_2074 = vector.broadcast %jit3A_2072 : f32 to vector<16xf32>
      %broadcast_in_dim3A_2075 = vector.broadcast %jit3A_2073 : f32 to vector<16xf32>
      %select_n3A_2076 = arith.select %ge3A_2071, %broadcast_in_dim3A_2074, %broadcast_in_dim3A_2075 : vector<16xi1>, vector<16xf32>
      %swap3A_2077 = arith.constant 0 : i32
      %swap3A_2078 = arith.index_cast %swap3A_2077 : i32 to index
      %swap3A_2079 = arith.index_cast %mul3A_2065 : i32 to index
      %swap3A_2080 = tpu.vector_load %arg5[%swap3A_2078, %swap3A_2079] {strides = array<i32>} : memref<2x4096xf32, #tpu.memory_space<vmem>>, vector<1x16xf32>,
      %swap3A_2081 = vector.shape_cast %swap3A_2080 : vector<1x16xf32> to vector<16xf32>
      %swap3A_2082 = vector.shape_cast %select_n3A_2076 : vector<16xf32> to vector<1x16xf32>
      tpu.vector_store %arg5[%swap3A_2078, %swap3A_2079], %swap3A_2082 {strides = array<i32>} : memref<2x4096xf32, #tpu.memory_space<vmem>>, vector<1x16xf32>,
      %mul3A_2083 = arith.constant 8 : i32
      %mul3A_2084 = arith.muli %scan3A_1993, %mul3A_2083 : i32
      %add3A_2085 = arith.constant 4 : i32
      %add3A_2086 = arith.addi %mul3A_2084, %add3A_2085 : i32
      %mul3A_2087 = arith.constant 16 : i32
      %mul3A_2088 = arith.muli %add3A_2086, %mul3A_2087 : i32
      %get3A_2089 = arith.constant 0 : i32
      %get3A_2090 = arith.index_cast %get3A_2089 : i32 to index
      %get3A_2091 = arith.index_cast %mul3A_2088 : i32 to index
      %get3A_2092 = tpu.vector_load %arg4[%get3A_2090, %get3A_2091] {strides = array<i32>} : memref<2x4096xf32, #tpu.memory_space<vmem>>, vector<1x16xf32>,
      %get3A_2093 = vector.shape_cast %get3A_2092 : vector<1x16xf32> to vector<16xf32>
      %ge3A_2094 = arith.cmpf oge, %get3A_2093, %add3A_992 : vector<16xf32>
      %jit3A_2095 = arith.constant 1.000000e+00 : f32
      %jit3A_2096 = arith.constant 0.000000e+00 : f32
      %broadcast_in_dim3A_2097 = vector.broadcast %jit3A_2095 : f32 to vector<16xf32>
      %broadcast_in_dim3A_2098 = vector.broadcast %jit3A_2096 : f32 to vector<16xf32>
      %select_n3A_2099 = arith.select %ge3A_2094, %broadcast_in_dim3A_2097, %broadcast_in_dim3A_2098 : vector<16xi1>, vector<16xf32>
      %swap3A_2100 = arith.constant 0 : i32
      %swap3A_2101 = arith.index_cast %swap3A_2100 : i32 to index
      %swap3A_2102 = arith.index_cast %mul3A_2088 : i32 to index
      %swap3A_2103 = tpu.vector_load %arg5[%swap3A_2101, %swap3A_2102] {strides = array<i32>} : memref<2x4096xf32, #tpu.memory_space<vmem>>, vector<1x16xf32>,
      %swap3A_2104 = vector.shape_cast %swap3A_2103 : vector<1x16xf32> to vector<16xf32>
      %swap3A_2105 = vector.shape_cast %select_n3A_2099 : vector<16xf32> to vector<1x16xf32>
      tpu.vector_store %arg5[%swap3A_2101, %swap3A_2102], %swap3A_2105 {strides = array<i32>} : memref<2x4096xf32, #tpu.memory_space<vmem>>, vector<1x16xf32>,
      %mul3A_2106 = arith.constant 8 : i32
      %mul3A_2107 = arith.muli %scan3A_1993, %mul3A_2106 : i32
      %add3A_2108 = arith.constant 5 : i32
      %add3A_2109 = arith.addi %mul3A_2107, %add3A_2108 : i32
      %mul3A_2110 = arith.constant 16 : i32
      %mul3A_2111 = arith.muli %add3A_2109, %mul3A_2110 : i32
      %get3A_2112 = arith.constant 0 : i32
      %get3A_2113 = arith.index_cast %get3A_2112 : i32 to index
      %get3A_2114 = arith.index_cast %mul3A_2111 : i32 to index
      %get3A_2115 = tpu.vector_load %arg4[%get3A_2113, %get3A_2114] {strides = array<i32>} : memref<2x4096xf32, #tpu.memory_space<vmem>>, vector<1x16xf32>,
      %get3A_2116 = vector.shape_cast %get3A_2115 : vector<1x16xf32> to vector<16xf32>
      %ge3A_2117 = arith.cmpf oge, %get3A_2116, %add3A_992 : vector<16xf32>
      %jit3A_2118 = arith.constant 1.000000e+00 : f32
      %jit3A_2119 = arith.constant 0.000000e+00 : f32
      %broadcast_in_dim3A_2120 = vector.broadcast %jit3A_2118 : f32 to vector<16xf32>
      %broadcast_in_dim3A_2121 = vector.broadcast %jit3A_2119 : f32 to vector<16xf32>
      %select_n3A_2122 = arith.select %ge3A_2117, %broadcast_in_dim3A_2120, %broadcast_in_dim3A_2121 : vector<16xi1>, vector<16xf32>
      %swap3A_2123 = arith.constant 0 : i32
      %swap3A_2124 = arith.index_cast %swap3A_2123 : i32 to index
      %swap3A_2125 = arith.index_cast %mul3A_2111 : i32 to index
      %swap3A_2126 = tpu.vector_load %arg5[%swap3A_2124, %swap3A_2125] {strides = array<i32>} : memref<2x4096xf32, #tpu.memory_space<vmem>>, vector<1x16xf32>,
      %swap3A_2127 = vector.shape_cast %swap3A_2126 : vector<1x16xf32> to vector<16xf32>
      %swap3A_2128 = vector.shape_cast %select_n3A_2122 : vector<16xf32> to vector<1x16xf32>
      tpu.vector_store %arg5[%swap3A_2124, %swap3A_2125], %swap3A_2128 {strides = array<i32>} : memref<2x4096xf32, #tpu.memory_space<vmem>>, vector<1x16xf32>,
      %mul3A_2129 = arith.constant 8 : i32
      %mul3A_2130 = arith.muli %scan3A_1993, %mul3A_2129 : i32
      %add3A_2131 = arith.constant 6 : i32
      %add3A_2132 = arith.addi %mul3A_2130, %add3A_2131 : i32
      %mul3A_2133 = arith.constant 16 : i32
      %mul3A_2134 = arith.muli %add3A_2132, %mul3A_2133 : i32
      %get3A_2135 = arith.constant 0 : i32
      %get3A_2136 = arith.index_cast %get3A_2135 : i32 to index
      %get3A_2137 = arith.index_cast %mul3A_2134 : i32 to index
      %get3A_2138 = tpu.vector_load %arg4[%get3A_2136, %get3A_2137] {strides = array<i32>} : memref<2x4096xf32, #tpu.memory_space<vmem>>, vector<1x16xf32>,
      %get3A_2139 = vector.shape_cast %get3A_2138 : vector<1x16xf32> to vector<16xf32>
      %ge3A_2140 = arith.cmpf oge, %get3A_2139, %add3A_992 : vector<16xf32>
      %jit3A_2141 = arith.constant 1.000000e+00 : f32
      %jit3A_2142 = arith.constant 0.000000e+00 : f32
      %broadcast_in_dim3A_2143 = vector.broadcast %jit3A_2141 : f32 to vector<16xf32>
      %broadcast_in_dim3A_2144 = vector.broadcast %jit3A_2142 : f32 to vector<16xf32>
      %select_n3A_2145 = arith.select %ge3A_2140, %broadcast_in_dim3A_2143, %broadcast_in_dim3A_2144 : vector<16xi1>, vector<16xf32>
      %swap3A_2146 = arith.constant 0 : i32
      %swap3A_2147 = arith.index_cast %swap3A_2146 : i32 to index
      %swap3A_2148 = arith.index_cast %mul3A_2134 : i32 to index
      %swap3A_2149 = tpu.vector_load %arg5[%swap3A_2147, %swap3A_2148] {strides = array<i32>} : memref<2x4096xf32, #tpu.memory_space<vmem>>, vector<1x16xf32>,
      %swap3A_2150 = vector.shape_cast %swap3A_2149 : vector<1x16xf32> to vector<16xf32>
      %swap3A_2151 = vector.shape_cast %select_n3A_2145 : vector<16xf32> to vector<1x16xf32>
      tpu.vector_store %arg5[%swap3A_2147, %swap3A_2148], %swap3A_2151 {strides = array<i32>} : memref<2x4096xf32, #tpu.memory_space<vmem>>, vector<1x16xf32>,
      %mul3A_2152 = arith.constant 8 : i32
      %mul3A_2153 = arith.muli %scan3A_1993, %mul3A_2152 : i32
      %add3A_2154 = arith.constant 7 : i32
      %add3A_2155 = arith.addi %mul3A_2153, %add3A_2154 : i32
      %mul3A_2156 = arith.constant 16 : i32
      %mul3A_2157 = arith.muli %add3A_2155, %mul3A_2156 : i32
      %get3A_2158 = arith.constant 0 : i32
      %get3A_2159 = arith.index_cast %get3A_2158 : i32 to index
      %get3A_2160 = arith.index_cast %mul3A_2157 : i32 to index
      %get3A_2161 = tpu.vector_load %arg4[%get3A_2159, %get3A_2160] {strides = array<i32>} : memref<2x4096xf32, #tpu.memory_space<vmem>>, vector<1x16xf32>,
      %get3A_2162 = vector.shape_cast %get3A_2161 : vector<1x16xf32> to vector<16xf32>
      %ge3A_2163 = arith.cmpf oge, %get3A_2162, %add3A_992 : vector<16xf32>
      %jit3A_2164 = arith.constant 1.000000e+00 : f32
      %jit3A_2165 = arith.constant 0.000000e+00 : f32
      %broadcast_in_dim3A_2166 = vector.broadcast %jit3A_2164 : f32 to vector<16xf32>
      %broadcast_in_dim3A_2167 = vector.broadcast %jit3A_2165 : f32 to vector<16xf32>
      %select_n3A_2168 = arith.select %ge3A_2163, %broadcast_in_dim3A_2166, %broadcast_in_dim3A_2167 : vector<16xi1>, vector<16xf32>
      %swap3A_2169 = arith.constant 0 : i32
      %swap3A_2170 = arith.index_cast %swap3A_2169 : i32 to index
      %swap3A_2171 = arith.index_cast %mul3A_2157 : i32 to index
      %swap3A_2172 = tpu.vector_load %arg5[%swap3A_2170, %swap3A_2171] {strides = array<i32>} : memref<2x4096xf32, #tpu.memory_space<vmem>>, vector<1x16xf32>,
      %swap3A_2173 = vector.shape_cast %swap3A_2172 : vector<1x16xf32> to vector<16xf32>
      %swap3A_2174 = vector.shape_cast %select_n3A_2168 : vector<16xf32> to vector<1x16xf32>
      tpu.vector_store %arg5[%swap3A_2170, %swap3A_2171], %swap3A_2174 {strides = array<i32>} : memref<2x4096xf32, #tpu.memory_space<vmem>>, vector<1x16xf32>,
    }
    %scan3A_1000 = arith.constant 32 : i32
    %scan3A_1001 = arith.constant 0 : i32
    %scan3A_1002 = arith.constant 32 : i32
    %scan3A_1003 = arith.addi %scan3A_1001, %scan3A_1002 : i32
    %scan3A_1004 = arith.constant 1 : i32
    %scan3A_1005:8 = scf.for %scan3A_1993 = %scan3A_1001 to %scan3A_1003 step %scan3A_1004 iter_args(%scan3A_1994 = %broadcast_in_dim3A_17, %scan3A_1995 = %broadcast_in_dim3A_17, %scan3A_1996 = %broadcast_in_dim3A_17, %scan3A_1997 = %broadcast_in_dim3A_17, %scan3A_1998 = %broadcast_in_dim3A_17, %scan3A_1999 = %broadcast_in_dim3A_17, %scan3A_2000 = %broadcast_in_dim3A_17, %scan3A_2001 = %broadcast_in_dim3A_17) -> (vector<16xf32>, vector<16xf32>, vector<16xf32>, vector<16xf32>, vector<16xf32>, vector<16xf32>, vector<16xf32>, vector<16xf32>)  : i32 {
      %mul3A_2002 = arith.constant 8 : i32
      %mul3A_2003 = arith.muli %scan3A_1993, %mul3A_2002 : i32
      %add3A_2004 = arith.constant 0 : i32
      %add3A_2005 = arith.addi %mul3A_2003, %add3A_2004 : i32
      %mul3A_2006 = arith.constant 16 : i32
      %mul3A_2007 = arith.muli %add3A_2005, %mul3A_2006 : i32
      %get3A = arith.constant 1 : i32
      %get3A_2008 = arith.index_cast %get3A : i32 to index
      %get3A_2009 = arith.index_cast %mul3A_2007 : i32 to index
      %get3A_2010 = tpu.vector_load %arg4[%get3A_2008, %get3A_2009] {strides = array<i32>} : memref<2x4096xf32, #tpu.memory_space<vmem>>, vector<1x16xf32>,
      %get3A_2011 = vector.shape_cast %get3A_2010 : vector<1x16xf32> to vector<16xf32>
      %mul3A_2012 = arith.constant 8 : i32
      %mul3A_2013 = arith.muli %scan3A_1993, %mul3A_2012 : i32
      %add3A_2014 = arith.constant 1 : i32
      %add3A_2015 = arith.addi %mul3A_2013, %add3A_2014 : i32
      %mul3A_2016 = arith.constant 16 : i32
      %mul3A_2017 = arith.muli %add3A_2015, %mul3A_2016 : i32
      %get3A_2018 = arith.constant 1 : i32
      %get3A_2019 = arith.index_cast %get3A_2018 : i32 to index
      %get3A_2020 = arith.index_cast %mul3A_2017 : i32 to index
      %get3A_2021 = tpu.vector_load %arg4[%get3A_2019, %get3A_2020] {strides = array<i32>} : memref<2x4096xf32, #tpu.memory_space<vmem>>, vector<1x16xf32>,
      %get3A_2022 = vector.shape_cast %get3A_2021 : vector<1x16xf32> to vector<16xf32>
      %mul3A_2023 = arith.constant 8 : i32
      %mul3A_2024 = arith.muli %scan3A_1993, %mul3A_2023 : i32
      %add3A_2025 = arith.constant 2 : i32
      %add3A_2026 = arith.addi %mul3A_2024, %add3A_2025 : i32
      %mul3A_2027 = arith.constant 16 : i32
      %mul3A_2028 = arith.muli %add3A_2026, %mul3A_2027 : i32
      %get3A_2029 = arith.constant 1 : i32
      %get3A_2030 = arith.index_cast %get3A_2029 : i32 to index
      %get3A_2031 = arith.index_cast %mul3A_2028 : i32 to index
      %get3A_2032 = tpu.vector_load %arg4[%get3A_2030, %get3A_2031] {strides = array<i32>} : memref<2x4096xf32, #tpu.memory_space<vmem>>, vector<1x16xf32>,
      %get3A_2033 = vector.shape_cast %get3A_2032 : vector<1x16xf32> to vector<16xf32>
      %mul3A_2034 = arith.constant 8 : i32
      %mul3A_2035 = arith.muli %scan3A_1993, %mul3A_2034 : i32
      %add3A_2036 = arith.constant 3 : i32
      %add3A_2037 = arith.addi %mul3A_2035, %add3A_2036 : i32
      %mul3A_2038 = arith.constant 16 : i32
      %mul3A_2039 = arith.muli %add3A_2037, %mul3A_2038 : i32
      %get3A_2040 = arith.constant 1 : i32
      %get3A_2041 = arith.index_cast %get3A_2040 : i32 to index
      %get3A_2042 = arith.index_cast %mul3A_2039 : i32 to index
      %get3A_2043 = tpu.vector_load %arg4[%get3A_2041, %get3A_2042] {strides = array<i32>} : memref<2x4096xf32, #tpu.memory_space<vmem>>, vector<1x16xf32>,
      %get3A_2044 = vector.shape_cast %get3A_2043 : vector<1x16xf32> to vector<16xf32>
      %mul3A_2045 = arith.constant 8 : i32
      %mul3A_2046 = arith.muli %scan3A_1993, %mul3A_2045 : i32
      %add3A_2047 = arith.constant 4 : i32
      %add3A_2048 = arith.addi %mul3A_2046, %add3A_2047 : i32
      %mul3A_2049 = arith.constant 16 : i32
      %mul3A_2050 = arith.muli %add3A_2048, %mul3A_2049 : i32
      %get3A_2051 = arith.constant 1 : i32
      %get3A_2052 = arith.index_cast %get3A_2051 : i32 to index
      %get3A_2053 = arith.index_cast %mul3A_2050 : i32 to index
      %get3A_2054 = tpu.vector_load %arg4[%get3A_2052, %get3A_2053] {strides = array<i32>} : memref<2x4096xf32, #tpu.memory_space<vmem>>, vector<1x16xf32>,
      %get3A_2055 = vector.shape_cast %get3A_2054 : vector<1x16xf32> to vector<16xf32>
      %mul3A_2056 = arith.constant 8 : i32
      %mul3A_2057 = arith.muli %scan3A_1993, %mul3A_2056 : i32
      %add3A_2058 = arith.constant 5 : i32
      %add3A_2059 = arith.addi %mul3A_2057, %add3A_2058 : i32
      %mul3A_2060 = arith.constant 16 : i32
      %mul3A_2061 = arith.muli %add3A_2059, %mul3A_2060 : i32
      %get3A_2062 = arith.constant 1 : i32
      %get3A_2063 = arith.index_cast %get3A_2062 : i32 to index
      %get3A_2064 = arith.index_cast %mul3A_2061 : i32 to index
      %get3A_2065 = tpu.vector_load %arg4[%get3A_2063, %get3A_2064] {strides = array<i32>} : memref<2x4096xf32, #tpu.memory_space<vmem>>, vector<1x16xf32>,
      %get3A_2066 = vector.shape_cast %get3A_2065 : vector<1x16xf32> to vector<16xf32>
      %mul3A_2067 = arith.constant 8 : i32
      %mul3A_2068 = arith.muli %scan3A_1993, %mul3A_2067 : i32
      %add3A_2069 = arith.constant 6 : i32
      %add3A_2070 = arith.addi %mul3A_2068, %add3A_2069 : i32
      %mul3A_2071 = arith.constant 16 : i32
      %mul3A_2072 = arith.muli %add3A_2070, %mul3A_2071 : i32
      %get3A_2073 = arith.constant 1 : i32
      %get3A_2074 = arith.index_cast %get3A_2073 : i32 to index
      %get3A_2075 = arith.index_cast %mul3A_2072 : i32 to index
      %get3A_2076 = tpu.vector_load %arg4[%get3A_2074, %get3A_2075] {strides = array<i32>} : memref<2x4096xf32, #tpu.memory_space<vmem>>, vector<1x16xf32>,
      %get3A_2077 = vector.shape_cast %get3A_2076 : vector<1x16xf32> to vector<16xf32>
      %mul3A_2078 = arith.constant 8 : i32
      %mul3A_2079 = arith.muli %scan3A_1993, %mul3A_2078 : i32
      %add3A_2080 = arith.constant 7 : i32
      %add3A_2081 = arith.addi %mul3A_2079, %add3A_2080 : i32
      %mul3A_2082 = arith.constant 16 : i32
      %mul3A_2083 = arith.muli %add3A_2081, %mul3A_2082 : i32
      %get3A_2084 = arith.constant 1 : i32
      %get3A_2085 = arith.index_cast %get3A_2084 : i32 to index
      %get3A_2086 = arith.index_cast %mul3A_2083 : i32 to index
      %get3A_2087 = tpu.vector_load %arg4[%get3A_2085, %get3A_2086] {strides = array<i32>} : memref<2x4096xf32, #tpu.memory_space<vmem>>, vector<1x16xf32>,
      %get3A_2088 = vector.shape_cast %get3A_2087 : vector<1x16xf32> to vector<16xf32>
      %max3A_2089 = arith.maximumf %get3A_2011, %get3A_2022 : vector<16xf32>
      %min3A = arith.minimumf %get3A_2011, %get3A_2022 : vector<16xf32>
      %max3A_2090 = arith.maximumf %get3A_2033, %get3A_2044 : vector<16xf32>
      %min3A_2091 = arith.minimumf %get3A_2033, %get3A_2044 : vector<16xf32>
      %max3A_2092 = arith.maximumf %get3A_2055, %get3A_2066 : vector<16xf32>
      %min3A_2093 = arith.minimumf %get3A_2055, %get3A_2066 : vector<16xf32>
      %max3A_2094 = arith.maximumf %get3A_2077, %get3A_2088 : vector<16xf32>
      %min3A_2095 = arith.minimumf %get3A_2077, %get3A_2088 : vector<16xf32>
      %max3A_2096 = arith.maximumf %max3A_2089, %max3A_2090 : vector<16xf32>
      %min3A_2097 = arith.minimumf %max3A_2089, %max3A_2090 : vector<16xf32>
      %max3A_2098 = arith.maximumf %min3A, %min3A_2091 : vector<16xf32>
      %min3A_2099 = arith.minimumf %min3A, %min3A_2091 : vector<16xf32>
      %max3A_2100 = arith.maximumf %max3A_2092, %max3A_2094 : vector<16xf32>
      %min3A_2101 = arith.minimumf %max3A_2092, %max3A_2094 : vector<16xf32>
      %max3A_2102 = arith.maximumf %min3A_2093, %min3A_2095 : vector<16xf32>
      %min3A_2103 = arith.minimumf %min3A_2093, %min3A_2095 : vector<16xf32>
      %max3A_2104 = arith.maximumf %max3A_2098, %min3A_2097 : vector<16xf32>
      %min3A_2105 = arith.minimumf %max3A_2098, %min3A_2097 : vector<16xf32>
      %max3A_2106 = arith.maximumf %max3A_2102, %min3A_2101 : vector<16xf32>
      %min3A_2107 = arith.minimumf %max3A_2102, %min3A_2101 : vector<16xf32>
      %max3A_2108 = arith.maximumf %max3A_2096, %max3A_2100 : vector<16xf32>
      %min3A_2109 = arith.minimumf %max3A_2096, %max3A_2100 : vector<16xf32>
      %max3A_2110 = arith.maximumf %min3A_2099, %min3A_2103 : vector<16xf32>
      %min3A_2111 = arith.minimumf %min3A_2099, %min3A_2103 : vector<16xf32>
      %max3A_2112 = arith.maximumf %max3A_2104, %max3A_2106 : vector<16xf32>
      %min3A_2113 = arith.minimumf %max3A_2104, %max3A_2106 : vector<16xf32>
      %max3A_2114 = arith.maximumf %min3A_2105, %min3A_2107 : vector<16xf32>
      %min3A_2115 = arith.minimumf %min3A_2105, %min3A_2107 : vector<16xf32>
      %max3A_2116 = arith.maximumf %max3A_2112, %min3A_2109 : vector<16xf32>
      %min3A_2117 = arith.minimumf %max3A_2112, %min3A_2109 : vector<16xf32>
      %max3A_2118 = arith.maximumf %max3A_2110, %min3A_2115 : vector<16xf32>
      %min3A_2119 = arith.minimumf %max3A_2110, %min3A_2115 : vector<16xf32>
      %max3A_2120 = arith.maximumf %max3A_2114, %min3A_2117 : vector<16xf32>
      %min3A_2121 = arith.minimumf %max3A_2114, %min3A_2117 : vector<16xf32>
      %max3A_2122 = arith.maximumf %max3A_2118, %min3A_2113 : vector<16xf32>
      %min3A_2123 = arith.minimumf %max3A_2118, %min3A_2113 : vector<16xf32>
      %max3A_2124 = arith.maximumf %max3A_2122, %min3A_2121 : vector<16xf32>
      %min3A_2125 = arith.minimumf %max3A_2122, %min3A_2121 : vector<16xf32>
      %max3A_2126 = arith.maximumf %scan3A_1994, %max3A_2108 : vector<16xf32>
      %min3A_2127 = arith.minimumf %scan3A_1994, %max3A_2108 : vector<16xf32>
      %max3A_2128 = arith.maximumf %scan3A_1995, %min3A_2127 : vector<16xf32>
      %min3A_2129 = arith.minimumf %scan3A_1995, %min3A_2127 : vector<16xf32>
      %max3A_2130 = arith.maximumf %scan3A_1996, %min3A_2129 : vector<16xf32>
      %min3A_2131 = arith.minimumf %scan3A_1996, %min3A_2129 : vector<16xf32>
      %max3A_2132 = arith.maximumf %scan3A_1997, %min3A_2131 : vector<16xf32>
      %min3A_2133 = arith.minimumf %scan3A_1997, %min3A_2131 : vector<16xf32>
      %max3A_2134 = arith.maximumf %scan3A_1998, %min3A_2133 : vector<16xf32>
      %min3A_2135 = arith.minimumf %scan3A_1998, %min3A_2133 : vector<16xf32>
      %max3A_2136 = arith.maximumf %scan3A_1999, %min3A_2135 : vector<16xf32>
      %min3A_2137 = arith.minimumf %scan3A_1999, %min3A_2135 : vector<16xf32>
      %max3A_2138 = arith.maximumf %scan3A_2000, %min3A_2137 : vector<16xf32>
      %min3A_2139 = arith.minimumf %scan3A_2000, %min3A_2137 : vector<16xf32>
      %max3A_2140 = arith.maximumf %scan3A_2001, %min3A_2139 : vector<16xf32>
      %min3A_2141 = arith.minimumf %scan3A_2001, %min3A_2139 : vector<16xf32>
      %max3A_2142 = arith.maximumf %max3A_2128, %max3A_2116 : vector<16xf32>
      %min3A_2143 = arith.minimumf %max3A_2128, %max3A_2116 : vector<16xf32>
      %max3A_2144 = arith.maximumf %max3A_2130, %min3A_2143 : vector<16xf32>
      %min3A_2145 = arith.minimumf %max3A_2130, %min3A_2143 : vector<16xf32>
      %max3A_2146 = arith.maximumf %max3A_2132, %min3A_2145 : vector<16xf32>
      %min3A_2147 = arith.minimumf %max3A_2132, %min3A_2145 : vector<16xf32>
      %max3A_2148 = arith.maximumf %max3A_2134, %min3A_2147 : vector<16xf32>
      %min3A_2149 = arith.minimumf %max3A_2134, %min3A_2147 : vector<16xf32>
      %max3A_2150 = arith.maximumf %max3A_2136, %min3A_2149 : vector<16xf32>
      %min3A_2151 = arith.minimumf %max3A_2136, %min3A_2149 : vector<16xf32>
      %max3A_2152 = arith.maximumf %max3A_2138, %min3A_2151 : vector<16xf32>
      %min3A_2153 = arith.minimumf %max3A_2138, %min3A_2151 : vector<16xf32>
      %max3A_2154 = arith.maximumf %max3A_2140, %min3A_2153 : vector<16xf32>
      %min3A_2155 = arith.minimumf %max3A_2140, %min3A_2153 : vector<16xf32>
      %max3A_2156 = arith.maximumf %max3A_2144, %max3A_2120 : vector<16xf32>
      %min3A_2157 = arith.minimumf %max3A_2144, %max3A_2120 : vector<16xf32>
      %max3A_2158 = arith.maximumf %max3A_2146, %min3A_2157 : vector<16xf32>
      %min3A_2159 = arith.minimumf %max3A_2146, %min3A_2157 : vector<16xf32>
      %max3A_2160 = arith.maximumf %max3A_2148, %min3A_2159 : vector<16xf32>
      %min3A_2161 = arith.minimumf %max3A_2148, %min3A_2159 : vector<16xf32>
      %max3A_2162 = arith.maximumf %max3A_2150, %min3A_2161 : vector<16xf32>
      %min3A_2163 = arith.minimumf %max3A_2150, %min3A_2161 : vector<16xf32>
      %max3A_2164 = arith.maximumf %max3A_2152, %min3A_2163 : vector<16xf32>
      %min3A_2165 = arith.minimumf %max3A_2152, %min3A_2163 : vector<16xf32>
      %max3A_2166 = arith.maximumf %max3A_2154, %min3A_2165 : vector<16xf32>
      %min3A_2167 = arith.minimumf %max3A_2154, %min3A_2165 : vector<16xf32>
      %max3A_2168 = arith.maximumf %max3A_2158, %max3A_2124 : vector<16xf32>
      %min3A_2169 = arith.minimumf %max3A_2158, %max3A_2124 : vector<16xf32>
      %max3A_2170 = arith.maximumf %max3A_2160, %min3A_2169 : vector<16xf32>
      %min3A_2171 = arith.minimumf %max3A_2160, %min3A_2169 : vector<16xf32>
      %max3A_2172 = arith.maximumf %max3A_2162, %min3A_2171 : vector<16xf32>
      %min3A_2173 = arith.minimumf %max3A_2162, %min3A_2171 : vector<16xf32>
      %max3A_2174 = arith.maximumf %max3A_2164, %min3A_2173 : vector<16xf32>
      %min3A_2175 = arith.minimumf %max3A_2164, %min3A_2173 : vector<16xf32>
      %max3A_2176 = arith.maximumf %max3A_2166, %min3A_2175 : vector<16xf32>
      %min3A_2177 = arith.minimumf %max3A_2166, %min3A_2175 : vector<16xf32>
      %max3A_2178 = arith.maximumf %max3A_2170, %min3A_2125 : vector<16xf32>
      %min3A_2179 = arith.minimumf %max3A_2170, %min3A_2125 : vector<16xf32>
      %max3A_2180 = arith.maximumf %max3A_2172, %min3A_2179 : vector<16xf32>
      %min3A_2181 = arith.minimumf %max3A_2172, %min3A_2179 : vector<16xf32>
      %max3A_2182 = arith.maximumf %max3A_2174, %min3A_2181 : vector<16xf32>
      %min3A_2183 = arith.minimumf %max3A_2174, %min3A_2181 : vector<16xf32>
      %max3A_2184 = arith.maximumf %max3A_2176, %min3A_2183 : vector<16xf32>
      %min3A_2185 = arith.minimumf %max3A_2176, %min3A_2183 : vector<16xf32>
      %max3A_2186 = arith.maximumf %max3A_2180, %min3A_2123 : vector<16xf32>
      %min3A_2187 = arith.minimumf %max3A_2180, %min3A_2123 : vector<16xf32>
      %max3A_2188 = arith.maximumf %max3A_2182, %min3A_2187 : vector<16xf32>
      %min3A_2189 = arith.minimumf %max3A_2182, %min3A_2187 : vector<16xf32>
      %max3A_2190 = arith.maximumf %max3A_2184, %min3A_2189 : vector<16xf32>
      %min3A_2191 = arith.minimumf %max3A_2184, %min3A_2189 : vector<16xf32>
      %max3A_2192 = arith.maximumf %max3A_2188, %min3A_2119 : vector<16xf32>
      %min3A_2193 = arith.minimumf %max3A_2188, %min3A_2119 : vector<16xf32>
      %max3A_2194 = arith.maximumf %max3A_2190, %min3A_2193 : vector<16xf32>
      %min3A_2195 = arith.minimumf %max3A_2190, %min3A_2193 : vector<16xf32>
      %max3A_2196 = arith.maximumf %max3A_2194, %min3A_2111 : vector<16xf32>
      %min3A_2197 = arith.minimumf %max3A_2194, %min3A_2111 : vector<16xf32>
      scf.yield %max3A_2126, %max3A_2142, %max3A_2156, %max3A_2168, %max3A_2178, %max3A_2186, %max3A_2192, %max3A_2196 : vector<16xf32>, vector<16xf32>, vector<16xf32>, vector<16xf32>, vector<16xf32>, vector<16xf32>, vector<16xf32>, vector<16xf32>
    }
    %scan3A_1006 = arith.constant 32 : i32
    %broadcast_in_dim3A_1007 = arith.constant 3.000000e+38 : f32
    %broadcast_in_dim3A_1008 = vector.broadcast %broadcast_in_dim3A_1007 : f32 to vector<16xf32>
    %broadcast_in_dim3A_1009 = arith.constant 8.000000e+00 : f32
    %broadcast_in_dim3A_1010 = vector.broadcast %broadcast_in_dim3A_1009 : f32 to vector<16xf32>
    %lt3A_1011 = arith.cmpf olt, %scan3A_1005#0, %broadcast_in_dim3A_1008 : vector<16xf32>
    %select_n3A_1012 = arith.select %lt3A_1011, %scan3A_1005#0, %broadcast_in_dim3A_17 : vector<16xi1>, vector<16xf32>
    %max3A_1013 = arith.maximumf %broadcast_in_dim3A_17, %select_n3A_1012 : vector<16xf32>
    %lt3A_1014 = arith.cmpf olt, %scan3A_1005#1, %broadcast_in_dim3A_1008 : vector<16xf32>
    %select_n3A_1015 = arith.select %lt3A_1014, %scan3A_1005#1, %broadcast_in_dim3A_17 : vector<16xi1>, vector<16xf32>
    %max3A_1016 = arith.maximumf %max3A_1013, %select_n3A_1015 : vector<16xf32>
    %lt3A_1017 = arith.cmpf olt, %scan3A_1005#2, %broadcast_in_dim3A_1008 : vector<16xf32>
    %select_n3A_1018 = arith.select %lt3A_1017, %scan3A_1005#2, %broadcast_in_dim3A_17 : vector<16xi1>, vector<16xf32>
    %max3A_1019 = arith.maximumf %max3A_1016, %select_n3A_1018 : vector<16xf32>
    %lt3A_1020 = arith.cmpf olt, %scan3A_1005#3, %broadcast_in_dim3A_1008 : vector<16xf32>
    %select_n3A_1021 = arith.select %lt3A_1020, %scan3A_1005#3, %broadcast_in_dim3A_17 : vector<16xi1>, vector<16xf32>
    %max3A_1022 = arith.maximumf %max3A_1019, %select_n3A_1021 : vector<16xf32>
    %lt3A_1023 = arith.cmpf olt, %scan3A_1005#4, %broadcast_in_dim3A_1008 : vector<16xf32>
    %select_n3A_1024 = arith.select %lt3A_1023, %scan3A_1005#4, %broadcast_in_dim3A_17 : vector<16xi1>, vector<16xf32>
    %max3A_1025 = arith.maximumf %max3A_1022, %select_n3A_1024 : vector<16xf32>
    %lt3A_1026 = arith.cmpf olt, %scan3A_1005#5, %broadcast_in_dim3A_1008 : vector<16xf32>
    %select_n3A_1027 = arith.select %lt3A_1026, %scan3A_1005#5, %broadcast_in_dim3A_17 : vector<16xi1>, vector<16xf32>
    %max3A_1028 = arith.maximumf %max3A_1025, %select_n3A_1027 : vector<16xf32>
    %lt3A_1029 = arith.cmpf olt, %scan3A_1005#6, %broadcast_in_dim3A_1008 : vector<16xf32>
    %select_n3A_1030 = arith.select %lt3A_1029, %scan3A_1005#6, %broadcast_in_dim3A_17 : vector<16xi1>, vector<16xf32>
    %max3A_1031 = arith.maximumf %max3A_1028, %select_n3A_1030 : vector<16xf32>
    %lt3A_1032 = arith.cmpf olt, %scan3A_1005#7, %broadcast_in_dim3A_1008 : vector<16xf32>
    %select_n3A_1033 = arith.select %lt3A_1032, %scan3A_1005#7, %broadcast_in_dim3A_17 : vector<16xi1>, vector<16xf32>
    %max3A_1034 = arith.maximumf %max3A_1031, %select_n3A_1033 : vector<16xf32>
    %gather3A_1035 = vector.shape_cast %reshape3A : vector<16x1xi32> to vector<16xi32>
    %gather3A_1036 = tpu.dynamic_gather %max3A_1034[%gather3A_1035] in [0] : vector<16xf32>, vector<16xi32> -> vector<16xf32>
    %max3A_1037 = arith.maximumf %max3A_1034, %gather3A_1036 : vector<16xf32>
    %gather3A_1038 = vector.shape_cast %reshape3A_8 : vector<16x1xi32> to vector<16xi32>
    %gather3A_1039 = tpu.dynamic_gather %max3A_1037[%gather3A_1038] in [0] : vector<16xf32>, vector<16xi32> -> vector<16xf32>
    %max3A_1040 = arith.maximumf %max3A_1037, %gather3A_1039 : vector<16xf32>
    %gather3A_1041 = vector.shape_cast %reshape3A_12 : vector<16x1xi32> to vector<16xi32>
    %gather3A_1042 = tpu.dynamic_gather %max3A_1040[%gather3A_1041] in [0] : vector<16xf32>, vector<16xi32> -> vector<16xf32>
    %max3A_1043 = arith.maximumf %max3A_1040, %gather3A_1042 : vector<16xf32>
    %gather3A_1044 = vector.shape_cast %reshape3A_16 : vector<16x1xi32> to vector<16xi32>
    %gather3A_1045 = tpu.dynamic_gather %max3A_1043[%gather3A_1044] in [0] : vector<16xf32>, vector<16xi32> -> vector<16xf32>
    %max3A_1046 = arith.maximumf %max3A_1043, %gather3A_1045 : vector<16xf32>
    %broadcast_in_dim3A_1047 = arith.constant 0.000000e+00 : f32
    %broadcast_in_dim3A_1048 = vector.broadcast %broadcast_in_dim3A_1047 : f32 to vector<16xf32>
    %eq3A_1049 = arith.cmpf oeq, %scan3A_1005#0, %max3A_1046 : vector<16xf32>
    %jit3A_1050 = arith.constant 1.000000e+00 : f32
    %jit3A_1051 = arith.constant 0.000000e+00 : f32
    %broadcast_in_dim3A_1052 = vector.broadcast %jit3A_1050 : f32 to vector<16xf32>
    %broadcast_in_dim3A_1053 = vector.broadcast %jit3A_1051 : f32 to vector<16xf32>
    %select_n3A_1054 = arith.select %eq3A_1049, %broadcast_in_dim3A_1052, %broadcast_in_dim3A_1053 : vector<16xi1>, vector<16xf32>
    %add3A_1055 = arith.addf %broadcast_in_dim3A_1048, %select_n3A_1054 : vector<16xf32>
    %eq3A_1056 = arith.cmpf oeq, %scan3A_1005#1, %max3A_1046 : vector<16xf32>
    %jit3A_1057 = arith.constant 1.000000e+00 : f32
    %jit3A_1058 = arith.constant 0.000000e+00 : f32
    %broadcast_in_dim3A_1059 = vector.broadcast %jit3A_1057 : f32 to vector<16xf32>
    %broadcast_in_dim3A_1060 = vector.broadcast %jit3A_1058 : f32 to vector<16xf32>
    %select_n3A_1061 = arith.select %eq3A_1056, %broadcast_in_dim3A_1059, %broadcast_in_dim3A_1060 : vector<16xi1>, vector<16xf32>
    %add3A_1062 = arith.addf %add3A_1055, %select_n3A_1061 : vector<16xf32>
    %eq3A_1063 = arith.cmpf oeq, %scan3A_1005#2, %max3A_1046 : vector<16xf32>
    %jit3A_1064 = arith.constant 1.000000e+00 : f32
    %jit3A_1065 = arith.constant 0.000000e+00 : f32
    %broadcast_in_dim3A_1066 = vector.broadcast %jit3A_1064 : f32 to vector<16xf32>
    %broadcast_in_dim3A_1067 = vector.broadcast %jit3A_1065 : f32 to vector<16xf32>
    %select_n3A_1068 = arith.select %eq3A_1063, %broadcast_in_dim3A_1066, %broadcast_in_dim3A_1067 : vector<16xi1>, vector<16xf32>
    %add3A_1069 = arith.addf %add3A_1062, %select_n3A_1068 : vector<16xf32>
    %eq3A_1070 = arith.cmpf oeq, %scan3A_1005#3, %max3A_1046 : vector<16xf32>
    %jit3A_1071 = arith.constant 1.000000e+00 : f32
    %jit3A_1072 = arith.constant 0.000000e+00 : f32
    %broadcast_in_dim3A_1073 = vector.broadcast %jit3A_1071 : f32 to vector<16xf32>
    %broadcast_in_dim3A_1074 = vector.broadcast %jit3A_1072 : f32 to vector<16xf32>
    %select_n3A_1075 = arith.select %eq3A_1070, %broadcast_in_dim3A_1073, %broadcast_in_dim3A_1074 : vector<16xi1>, vector<16xf32>
    %add3A_1076 = arith.addf %add3A_1069, %select_n3A_1075 : vector<16xf32>
    %eq3A_1077 = arith.cmpf oeq, %scan3A_1005#4, %max3A_1046 : vector<16xf32>
    %jit3A_1078 = arith.constant 1.000000e+00 : f32
    %jit3A_1079 = arith.constant 0.000000e+00 : f32
    %broadcast_in_dim3A_1080 = vector.broadcast %jit3A_1078 : f32 to vector<16xf32>
    %broadcast_in_dim3A_1081 = vector.broadcast %jit3A_1079 : f32 to vector<16xf32>
    %select_n3A_1082 = arith.select %eq3A_1077, %broadcast_in_dim3A_1080, %broadcast_in_dim3A_1081 : vector<16xi1>, vector<16xf32>
    %add3A_1083 = arith.addf %add3A_1076, %select_n3A_1082 : vector<16xf32>
    %eq3A_1084 = arith.cmpf oeq, %scan3A_1005#5, %max3A_1046 : vector<16xf32>
    %jit3A_1085 = arith.constant 1.000000e+00 : f32
    %jit3A_1086 = arith.constant 0.000000e+00 : f32
    %broadcast_in_dim3A_1087 = vector.broadcast %jit3A_1085 : f32 to vector<16xf32>
    %broadcast_in_dim3A_1088 = vector.broadcast %jit3A_1086 : f32 to vector<16xf32>
    %select_n3A_1089 = arith.select %eq3A_1084, %broadcast_in_dim3A_1087, %broadcast_in_dim3A_1088 : vector<16xi1>, vector<16xf32>
    %add3A_1090 = arith.addf %add3A_1083, %select_n3A_1089 : vector<16xf32>
    %eq3A_1091 = arith.cmpf oeq, %scan3A_1005#6, %max3A_1046 : vector<16xf32>
    %jit3A_1092 = arith.constant 1.000000e+00 : f32
    %jit3A_1093 = arith.constant 0.000000e+00 : f32
    %broadcast_in_dim3A_1094 = vector.broadcast %jit3A_1092 : f32 to vector<16xf32>
    %broadcast_in_dim3A_1095 = vector.broadcast %jit3A_1093 : f32 to vector<16xf32>
    %select_n3A_1096 = arith.select %eq3A_1091, %broadcast_in_dim3A_1094, %broadcast_in_dim3A_1095 : vector<16xi1>, vector<16xf32>
    %add3A_1097 = arith.addf %add3A_1090, %select_n3A_1096 : vector<16xf32>
    %eq3A_1098 = arith.cmpf oeq, %scan3A_1005#7, %max3A_1046 : vector<16xf32>
    %jit3A_1099 = arith.constant 1.000000e+00 : f32
    %jit3A_1100 = arith.constant 0.000000e+00 : f32
    %broadcast_in_dim3A_1101 = vector.broadcast %jit3A_1099 : f32 to vector<16xf32>
    %broadcast_in_dim3A_1102 = vector.broadcast %jit3A_1100 : f32 to vector<16xf32>
    %select_n3A_1103 = arith.select %eq3A_1098, %broadcast_in_dim3A_1101, %broadcast_in_dim3A_1102 : vector<16xi1>, vector<16xf32>
    %add3A_1104 = arith.addf %add3A_1097, %select_n3A_1103 : vector<16xf32>
    %gather3A_1105 = vector.shape_cast %reshape3A : vector<16x1xi32> to vector<16xi32>
    %gather3A_1106 = tpu.dynamic_gather %add3A_1104[%gather3A_1105] in [0] : vector<16xf32>, vector<16xi32> -> vector<16xf32>
    %add3A_1107 = arith.addf %add3A_1104, %gather3A_1106 : vector<16xf32>
    %gather3A_1108 = vector.shape_cast %reshape3A_8 : vector<16x1xi32> to vector<16xi32>
    %gather3A_1109 = tpu.dynamic_gather %add3A_1107[%gather3A_1108] in [0] : vector<16xf32>, vector<16xi32> -> vector<16xf32>
    %add3A_1110 = arith.addf %add3A_1107, %gather3A_1109 : vector<16xf32>
    %gather3A_1111 = vector.shape_cast %reshape3A_12 : vector<16x1xi32> to vector<16xi32>
    %gather3A_1112 = tpu.dynamic_gather %add3A_1110[%gather3A_1111] in [0] : vector<16xf32>, vector<16xi32> -> vector<16xf32>
    %add3A_1113 = arith.addf %add3A_1110, %gather3A_1112 : vector<16xf32>
    %gather3A_1114 = vector.shape_cast %reshape3A_16 : vector<16x1xi32> to vector<16xi32>
    %gather3A_1115 = tpu.dynamic_gather %add3A_1113[%gather3A_1114] in [0] : vector<16xf32>, vector<16xi32> -> vector<16xf32>
    %add3A_1116 = arith.addf %add3A_1113, %gather3A_1115 : vector<16xf32>
    %gt3A_1117 = arith.constant 0.000000e+00 : f32
    %gt3A_1118 = vector.broadcast %gt3A_1117 : f32 to vector<16xf32>
    %gt3A_1119 = arith.cmpf ogt, %broadcast_in_dim3A_1010, %gt3A_1118 : vector<16xf32>
    %jit3A_1120 = arith.constant 1.000000e+00 : f32
    %jit3A_1121 = arith.constant 0.000000e+00 : f32
    %broadcast_in_dim3A_1122 = vector.broadcast %jit3A_1120 : f32 to vector<16xf32>
    %broadcast_in_dim3A_1123 = vector.broadcast %jit3A_1121 : f32 to vector<16xf32>
    %select_n3A_1124 = arith.select %gt3A_1119, %broadcast_in_dim3A_1122, %broadcast_in_dim3A_1123 : vector<16xi1>, vector<16xf32>
    %mul3A_1125 = arith.mulf %select_n3A_1124, %max3A_1046 : vector<16xf32>
    %sub3A_1126 = arith.constant 1.000000e+00 : f32
    %sub3A_1127 = vector.broadcast %sub3A_1126 : f32 to vector<16xf32>
    %sub3A_1128 = arith.subf %sub3A_1127, %select_n3A_1124 : vector<16xf32>
    %mul3A_1129 = arith.mulf %sub3A_1128, %broadcast_in_dim3A_17 : vector<16xf32>
    %add3A_1130 = arith.addf %mul3A_1125, %mul3A_1129 : vector<16xf32>
    %mul3A_1131 = arith.mulf %select_n3A_1124, %add3A_1116 : vector<16xf32>
    %sub3A_1132 = arith.subf %broadcast_in_dim3A_1010, %mul3A_1131 : vector<16xf32>
    %lt3A_1133 = arith.cmpf olt, %scan3A_1005#0, %max3A_1046 : vector<16xf32>
    %select_n3A_1134 = arith.select %lt3A_1133, %scan3A_1005#0, %broadcast_in_dim3A_17 : vector<16xi1>, vector<16xf32>
    %max3A_1135 = arith.maximumf %broadcast_in_dim3A_17, %select_n3A_1134 : vector<16xf32>
    %lt3A_1136 = arith.cmpf olt, %scan3A_1005#1, %max3A_1046 : vector<16xf32>
    %select_n3A_1137 = arith.select %lt3A_1136, %scan3A_1005#1, %broadcast_in_dim3A_17 : vector<16xi1>, vector<16xf32>
    %max3A_1138 = arith.maximumf %max3A_1135, %select_n3A_1137 : vector<16xf32>
    %lt3A_1139 = arith.cmpf olt, %scan3A_1005#2, %max3A_1046 : vector<16xf32>
    %select_n3A_1140 = arith.select %lt3A_1139, %scan3A_1005#2, %broadcast_in_dim3A_17 : vector<16xi1>, vector<16xf32>
    %max3A_1141 = arith.maximumf %max3A_1138, %select_n3A_1140 : vector<16xf32>
    %lt3A_1142 = arith.cmpf olt, %scan3A_1005#3, %max3A_1046 : vector<16xf32>
    %select_n3A_1143 = arith.select %lt3A_1142, %scan3A_1005#3, %broadcast_in_dim3A_17 : vector<16xi1>, vector<16xf32>
    %max3A_1144 = arith.maximumf %max3A_1141, %select_n3A_1143 : vector<16xf32>
    %lt3A_1145 = arith.cmpf olt, %scan3A_1005#4, %max3A_1046 : vector<16xf32>
    %select_n3A_1146 = arith.select %lt3A_1145, %scan3A_1005#4, %broadcast_in_dim3A_17 : vector<16xi1>, vector<16xf32>
    %max3A_1147 = arith.maximumf %max3A_1144, %select_n3A_1146 : vector<16xf32>
    %lt3A_1148 = arith.cmpf olt, %scan3A_1005#5, %max3A_1046 : vector<16xf32>
    %select_n3A_1149 = arith.select %lt3A_1148, %scan3A_1005#5, %broadcast_in_dim3A_17 : vector<16xi1>, vector<16xf32>
    %max3A_1150 = arith.maximumf %max3A_1147, %select_n3A_1149 : vector<16xf32>
    %lt3A_1151 = arith.cmpf olt, %scan3A_1005#6, %max3A_1046 : vector<16xf32>
    %select_n3A_1152 = arith.select %lt3A_1151, %scan3A_1005#6, %broadcast_in_dim3A_17 : vector<16xi1>, vector<16xf32>
    %max3A_1153 = arith.maximumf %max3A_1150, %select_n3A_1152 : vector<16xf32>
    %lt3A_1154 = arith.cmpf olt, %scan3A_1005#7, %max3A_1046 : vector<16xf32>
    %select_n3A_1155 = arith.select %lt3A_1154, %scan3A_1005#7, %broadcast_in_dim3A_17 : vector<16xi1>, vector<16xf32>
    %max3A_1156 = arith.maximumf %max3A_1153, %select_n3A_1155 : vector<16xf32>
    %gather3A_1157 = vector.shape_cast %reshape3A : vector<16x1xi32> to vector<16xi32>
    %gather3A_1158 = tpu.dynamic_gather %max3A_1156[%gather3A_1157] in [0] : vector<16xf32>, vector<16xi32> -> vector<16xf32>
    %max3A_1159 = arith.maximumf %max3A_1156, %gather3A_1158 : vector<16xf32>
    %gather3A_1160 = vector.shape_cast %reshape3A_8 : vector<16x1xi32> to vector<16xi32>
    %gather3A_1161 = tpu.dynamic_gather %max3A_1159[%gather3A_1160] in [0] : vector<16xf32>, vector<16xi32> -> vector<16xf32>
    %max3A_1162 = arith.maximumf %max3A_1159, %gather3A_1161 : vector<16xf32>
    %gather3A_1163 = vector.shape_cast %reshape3A_12 : vector<16x1xi32> to vector<16xi32>
    %gather3A_1164 = tpu.dynamic_gather %max3A_1162[%gather3A_1163] in [0] : vector<16xf32>, vector<16xi32> -> vector<16xf32>
    %max3A_1165 = arith.maximumf %max3A_1162, %gather3A_1164 : vector<16xf32>
    %gather3A_1166 = vector.shape_cast %reshape3A_16 : vector<16x1xi32> to vector<16xi32>
    %gather3A_1167 = tpu.dynamic_gather %max3A_1165[%gather3A_1166] in [0] : vector<16xf32>, vector<16xi32> -> vector<16xf32>
    %max3A_1168 = arith.maximumf %max3A_1165, %gather3A_1167 : vector<16xf32>
    %broadcast_in_dim3A_1169 = arith.constant 0.000000e+00 : f32
    %broadcast_in_dim3A_1170 = vector.broadcast %broadcast_in_dim3A_1169 : f32 to vector<16xf32>
    %eq3A_1171 = arith.cmpf oeq, %scan3A_1005#0, %max3A_1168 : vector<16xf32>
    %jit3A_1172 = arith.constant 1.000000e+00 : f32
    %jit3A_1173 = arith.constant 0.000000e+00 : f32
    %broadcast_in_dim3A_1174 = vector.broadcast %jit3A_1172 : f32 to vector<16xf32>
    %broadcast_in_dim3A_1175 = vector.broadcast %jit3A_1173 : f32 to vector<16xf32>
    %select_n3A_1176 = arith.select %eq3A_1171, %broadcast_in_dim3A_1174, %broadcast_in_dim3A_1175 : vector<16xi1>, vector<16xf32>
    %add3A_1177 = arith.addf %broadcast_in_dim3A_1170, %select_n3A_1176 : vector<16xf32>
    %eq3A_1178 = arith.cmpf oeq, %scan3A_1005#1, %max3A_1168 : vector<16xf32>
    %jit3A_1179 = arith.constant 1.000000e+00 : f32
    %jit3A_1180 = arith.constant 0.000000e+00 : f32
    %broadcast_in_dim3A_1181 = vector.broadcast %jit3A_1179 : f32 to vector<16xf32>
    %broadcast_in_dim3A_1182 = vector.broadcast %jit3A_1180 : f32 to vector<16xf32>
    %select_n3A_1183 = arith.select %eq3A_1178, %broadcast_in_dim3A_1181, %broadcast_in_dim3A_1182 : vector<16xi1>, vector<16xf32>
    %add3A_1184 = arith.addf %add3A_1177, %select_n3A_1183 : vector<16xf32>
    %eq3A_1185 = arith.cmpf oeq, %scan3A_1005#2, %max3A_1168 : vector<16xf32>
    %jit3A_1186 = arith.constant 1.000000e+00 : f32
    %jit3A_1187 = arith.constant 0.000000e+00 : f32
    %broadcast_in_dim3A_1188 = vector.broadcast %jit3A_1186 : f32 to vector<16xf32>
    %broadcast_in_dim3A_1189 = vector.broadcast %jit3A_1187 : f32 to vector<16xf32>
    %select_n3A_1190 = arith.select %eq3A_1185, %broadcast_in_dim3A_1188, %broadcast_in_dim3A_1189 : vector<16xi1>, vector<16xf32>
    %add3A_1191 = arith.addf %add3A_1184, %select_n3A_1190 : vector<16xf32>
    %eq3A_1192 = arith.cmpf oeq, %scan3A_1005#3, %max3A_1168 : vector<16xf32>
    %jit3A_1193 = arith.constant 1.000000e+00 : f32
    %jit3A_1194 = arith.constant 0.000000e+00 : f32
    %broadcast_in_dim3A_1195 = vector.broadcast %jit3A_1193 : f32 to vector<16xf32>
    %broadcast_in_dim3A_1196 = vector.broadcast %jit3A_1194 : f32 to vector<16xf32>
    %select_n3A_1197 = arith.select %eq3A_1192, %broadcast_in_dim3A_1195, %broadcast_in_dim3A_1196 : vector<16xi1>, vector<16xf32>
    %add3A_1198 = arith.addf %add3A_1191, %select_n3A_1197 : vector<16xf32>
    %eq3A_1199 = arith.cmpf oeq, %scan3A_1005#4, %max3A_1168 : vector<16xf32>
    %jit3A_1200 = arith.constant 1.000000e+00 : f32
    %jit3A_1201 = arith.constant 0.000000e+00 : f32
    %broadcast_in_dim3A_1202 = vector.broadcast %jit3A_1200 : f32 to vector<16xf32>
    %broadcast_in_dim3A_1203 = vector.broadcast %jit3A_1201 : f32 to vector<16xf32>
    %select_n3A_1204 = arith.select %eq3A_1199, %broadcast_in_dim3A_1202, %broadcast_in_dim3A_1203 : vector<16xi1>, vector<16xf32>
    %add3A_1205 = arith.addf %add3A_1198, %select_n3A_1204 : vector<16xf32>
    %eq3A_1206 = arith.cmpf oeq, %scan3A_1005#5, %max3A_1168 : vector<16xf32>
    %jit3A_1207 = arith.constant 1.000000e+00 : f32
    %jit3A_1208 = arith.constant 0.000000e+00 : f32
    %broadcast_in_dim3A_1209 = vector.broadcast %jit3A_1207 : f32 to vector<16xf32>
    %broadcast_in_dim3A_1210 = vector.broadcast %jit3A_1208 : f32 to vector<16xf32>
    %select_n3A_1211 = arith.select %eq3A_1206, %broadcast_in_dim3A_1209, %broadcast_in_dim3A_1210 : vector<16xi1>, vector<16xf32>
    %add3A_1212 = arith.addf %add3A_1205, %select_n3A_1211 : vector<16xf32>
    %eq3A_1213 = arith.cmpf oeq, %scan3A_1005#6, %max3A_1168 : vector<16xf32>
    %jit3A_1214 = arith.constant 1.000000e+00 : f32
    %jit3A_1215 = arith.constant 0.000000e+00 : f32
    %broadcast_in_dim3A_1216 = vector.broadcast %jit3A_1214 : f32 to vector<16xf32>
    %broadcast_in_dim3A_1217 = vector.broadcast %jit3A_1215 : f32 to vector<16xf32>
    %select_n3A_1218 = arith.select %eq3A_1213, %broadcast_in_dim3A_1216, %broadcast_in_dim3A_1217 : vector<16xi1>, vector<16xf32>
    %add3A_1219 = arith.addf %add3A_1212, %select_n3A_1218 : vector<16xf32>
    %eq3A_1220 = arith.cmpf oeq, %scan3A_1005#7, %max3A_1168 : vector<16xf32>
    %jit3A_1221 = arith.constant 1.000000e+00 : f32
    %jit3A_1222 = arith.constant 0.000000e+00 : f32
    %broadcast_in_dim3A_1223 = vector.broadcast %jit3A_1221 : f32 to vector<16xf32>
    %broadcast_in_dim3A_1224 = vector.broadcast %jit3A_1222 : f32 to vector<16xf32>
    %select_n3A_1225 = arith.select %eq3A_1220, %broadcast_in_dim3A_1223, %broadcast_in_dim3A_1224 : vector<16xi1>, vector<16xf32>
    %add3A_1226 = arith.addf %add3A_1219, %select_n3A_1225 : vector<16xf32>
    %gather3A_1227 = vector.shape_cast %reshape3A : vector<16x1xi32> to vector<16xi32>
    %gather3A_1228 = tpu.dynamic_gather %add3A_1226[%gather3A_1227] in [0] : vector<16xf32>, vector<16xi32> -> vector<16xf32>
    %add3A_1229 = arith.addf %add3A_1226, %gather3A_1228 : vector<16xf32>
    %gather3A_1230 = vector.shape_cast %reshape3A_8 : vector<16x1xi32> to vector<16xi32>
    %gather3A_1231 = tpu.dynamic_gather %add3A_1229[%gather3A_1230] in [0] : vector<16xf32>, vector<16xi32> -> vector<16xf32>
    %add3A_1232 = arith.addf %add3A_1229, %gather3A_1231 : vector<16xf32>
    %gather3A_1233 = vector.shape_cast %reshape3A_12 : vector<16x1xi32> to vector<16xi32>
    %gather3A_1234 = tpu.dynamic_gather %add3A_1232[%gather3A_1233] in [0] : vector<16xf32>, vector<16xi32> -> vector<16xf32>
    %add3A_1235 = arith.addf %add3A_1232, %gather3A_1234 : vector<16xf32>
    %gather3A_1236 = vector.shape_cast %reshape3A_16 : vector<16x1xi32> to vector<16xi32>
    %gather3A_1237 = tpu.dynamic_gather %add3A_1235[%gather3A_1236] in [0] : vector<16xf32>, vector<16xi32> -> vector<16xf32>
    %add3A_1238 = arith.addf %add3A_1235, %gather3A_1237 : vector<16xf32>
    %gt3A_1239 = arith.constant 0.000000e+00 : f32
    %gt3A_1240 = vector.broadcast %gt3A_1239 : f32 to vector<16xf32>
    %gt3A_1241 = arith.cmpf ogt, %sub3A_1132, %gt3A_1240 : vector<16xf32>
    %jit3A_1242 = arith.constant 1.000000e+00 : f32
    %jit3A_1243 = arith.constant 0.000000e+00 : f32
    %broadcast_in_dim3A_1244 = vector.broadcast %jit3A_1242 : f32 to vector<16xf32>
    %broadcast_in_dim3A_1245 = vector.broadcast %jit3A_1243 : f32 to vector<16xf32>
    %select_n3A_1246 = arith.select %gt3A_1241, %broadcast_in_dim3A_1244, %broadcast_in_dim3A_1245 : vector<16xi1>, vector<16xf32>
    %mul3A_1247 = arith.mulf %select_n3A_1246, %max3A_1168 : vector<16xf32>
    %sub3A_1248 = arith.constant 1.000000e+00 : f32
    %sub3A_1249 = vector.broadcast %sub3A_1248 : f32 to vector<16xf32>
    %sub3A_1250 = arith.subf %sub3A_1249, %select_n3A_1246 : vector<16xf32>
    %mul3A_1251 = arith.mulf %sub3A_1250, %add3A_1130 : vector<16xf32>
    %add3A_1252 = arith.addf %mul3A_1247, %mul3A_1251 : vector<16xf32>
    %mul3A_1253 = arith.mulf %select_n3A_1246, %add3A_1238 : vector<16xf32>
    %sub3A_1254 = arith.subf %sub3A_1132, %mul3A_1253 : vector<16xf32>
    %lt3A_1255 = arith.cmpf olt, %scan3A_1005#0, %max3A_1168 : vector<16xf32>
    %select_n3A_1256 = arith.select %lt3A_1255, %scan3A_1005#0, %broadcast_in_dim3A_17 : vector<16xi1>, vector<16xf32>
    %max3A_1257 = arith.maximumf %broadcast_in_dim3A_17, %select_n3A_1256 : vector<16xf32>
    %lt3A_1258 = arith.cmpf olt, %scan3A_1005#1, %max3A_1168 : vector<16xf32>
    %select_n3A_1259 = arith.select %lt3A_1258, %scan3A_1005#1, %broadcast_in_dim3A_17 : vector<16xi1>, vector<16xf32>
    %max3A_1260 = arith.maximumf %max3A_1257, %select_n3A_1259 : vector<16xf32>
    %lt3A_1261 = arith.cmpf olt, %scan3A_1005#2, %max3A_1168 : vector<16xf32>
    %select_n3A_1262 = arith.select %lt3A_1261, %scan3A_1005#2, %broadcast_in_dim3A_17 : vector<16xi1>, vector<16xf32>
    %max3A_1263 = arith.maximumf %max3A_1260, %select_n3A_1262 : vector<16xf32>
    %lt3A_1264 = arith.cmpf olt, %scan3A_1005#3, %max3A_1168 : vector<16xf32>
    %select_n3A_1265 = arith.select %lt3A_1264, %scan3A_1005#3, %broadcast_in_dim3A_17 : vector<16xi1>, vector<16xf32>
    %max3A_1266 = arith.maximumf %max3A_1263, %select_n3A_1265 : vector<16xf32>
    %lt3A_1267 = arith.cmpf olt, %scan3A_1005#4, %max3A_1168 : vector<16xf32>
    %select_n3A_1268 = arith.select %lt3A_1267, %scan3A_1005#4, %broadcast_in_dim3A_17 : vector<16xi1>, vector<16xf32>
    %max3A_1269 = arith.maximumf %max3A_1266, %select_n3A_1268 : vector<16xf32>
    %lt3A_1270 = arith.cmpf olt, %scan3A_1005#5, %max3A_1168 : vector<16xf32>
    %select_n3A_1271 = arith.select %lt3A_1270, %scan3A_1005#5, %broadcast_in_dim3A_17 : vector<16xi1>, vector<16xf32>
    %max3A_1272 = arith.maximumf %max3A_1269, %select_n3A_1271 : vector<16xf32>
    %lt3A_1273 = arith.cmpf olt, %scan3A_1005#6, %max3A_1168 : vector<16xf32>
    %select_n3A_1274 = arith.select %lt3A_1273, %scan3A_1005#6, %broadcast_in_dim3A_17 : vector<16xi1>, vector<16xf32>
    %max3A_1275 = arith.maximumf %max3A_1272, %select_n3A_1274 : vector<16xf32>
    %lt3A_1276 = arith.cmpf olt, %scan3A_1005#7, %max3A_1168 : vector<16xf32>
    %select_n3A_1277 = arith.select %lt3A_1276, %scan3A_1005#7, %broadcast_in_dim3A_17 : vector<16xi1>, vector<16xf32>
    %max3A_1278 = arith.maximumf %max3A_1275, %select_n3A_1277 : vector<16xf32>
    %gather3A_1279 = vector.shape_cast %reshape3A : vector<16x1xi32> to vector<16xi32>
    %gather3A_1280 = tpu.dynamic_gather %max3A_1278[%gather3A_1279] in [0] : vector<16xf32>, vector<16xi32> -> vector<16xf32>
    %max3A_1281 = arith.maximumf %max3A_1278, %gather3A_1280 : vector<16xf32>
    %gather3A_1282 = vector.shape_cast %reshape3A_8 : vector<16x1xi32> to vector<16xi32>
    %gather3A_1283 = tpu.dynamic_gather %max3A_1281[%gather3A_1282] in [0] : vector<16xf32>, vector<16xi32> -> vector<16xf32>
    %max3A_1284 = arith.maximumf %max3A_1281, %gather3A_1283 : vector<16xf32>
    %gather3A_1285 = vector.shape_cast %reshape3A_12 : vector<16x1xi32> to vector<16xi32>
    %gather3A_1286 = tpu.dynamic_gather %max3A_1284[%gather3A_1285] in [0] : vector<16xf32>, vector<16xi32> -> vector<16xf32>
    %max3A_1287 = arith.maximumf %max3A_1284, %gather3A_1286 : vector<16xf32>
    %gather3A_1288 = vector.shape_cast %reshape3A_16 : vector<16x1xi32> to vector<16xi32>
    %gather3A_1289 = tpu.dynamic_gather %max3A_1287[%gather3A_1288] in [0] : vector<16xf32>, vector<16xi32> -> vector<16xf32>
    %max3A_1290 = arith.maximumf %max3A_1287, %gather3A_1289 : vector<16xf32>
    %broadcast_in_dim3A_1291 = arith.constant 0.000000e+00 : f32
    %broadcast_in_dim3A_1292 = vector.broadcast %broadcast_in_dim3A_1291 : f32 to vector<16xf32>
    %eq3A_1293 = arith.cmpf oeq, %scan3A_1005#0, %max3A_1290 : vector<16xf32>
    %jit3A_1294 = arith.constant 1.000000e+00 : f32
    %jit3A_1295 = arith.constant 0.000000e+00 : f32
    %broadcast_in_dim3A_1296 = vector.broadcast %jit3A_1294 : f32 to vector<16xf32>
    %broadcast_in_dim3A_1297 = vector.broadcast %jit3A_1295 : f32 to vector<16xf32>
    %select_n3A_1298 = arith.select %eq3A_1293, %broadcast_in_dim3A_1296, %broadcast_in_dim3A_1297 : vector<16xi1>, vector<16xf32>
    %add3A_1299 = arith.addf %broadcast_in_dim3A_1292, %select_n3A_1298 : vector<16xf32>
    %eq3A_1300 = arith.cmpf oeq, %scan3A_1005#1, %max3A_1290 : vector<16xf32>
    %jit3A_1301 = arith.constant 1.000000e+00 : f32
    %jit3A_1302 = arith.constant 0.000000e+00 : f32
    %broadcast_in_dim3A_1303 = vector.broadcast %jit3A_1301 : f32 to vector<16xf32>
    %broadcast_in_dim3A_1304 = vector.broadcast %jit3A_1302 : f32 to vector<16xf32>
    %select_n3A_1305 = arith.select %eq3A_1300, %broadcast_in_dim3A_1303, %broadcast_in_dim3A_1304 : vector<16xi1>, vector<16xf32>
    %add3A_1306 = arith.addf %add3A_1299, %select_n3A_1305 : vector<16xf32>
    %eq3A_1307 = arith.cmpf oeq, %scan3A_1005#2, %max3A_1290 : vector<16xf32>
    %jit3A_1308 = arith.constant 1.000000e+00 : f32
    %jit3A_1309 = arith.constant 0.000000e+00 : f32
    %broadcast_in_dim3A_1310 = vector.broadcast %jit3A_1308 : f32 to vector<16xf32>
    %broadcast_in_dim3A_1311 = vector.broadcast %jit3A_1309 : f32 to vector<16xf32>
    %select_n3A_1312 = arith.select %eq3A_1307, %broadcast_in_dim3A_1310, %broadcast_in_dim3A_1311 : vector<16xi1>, vector<16xf32>
    %add3A_1313 = arith.addf %add3A_1306, %select_n3A_1312 : vector<16xf32>
    %eq3A_1314 = arith.cmpf oeq, %scan3A_1005#3, %max3A_1290 : vector<16xf32>
    %jit3A_1315 = arith.constant 1.000000e+00 : f32
    %jit3A_1316 = arith.constant 0.000000e+00 : f32
    %broadcast_in_dim3A_1317 = vector.broadcast %jit3A_1315 : f32 to vector<16xf32>
    %broadcast_in_dim3A_1318 = vector.broadcast %jit3A_1316 : f32 to vector<16xf32>
    %select_n3A_1319 = arith.select %eq3A_1314, %broadcast_in_dim3A_1317, %broadcast_in_dim3A_1318 : vector<16xi1>, vector<16xf32>
    %add3A_1320 = arith.addf %add3A_1313, %select_n3A_1319 : vector<16xf32>
    %eq3A_1321 = arith.cmpf oeq, %scan3A_1005#4, %max3A_1290 : vector<16xf32>
    %jit3A_1322 = arith.constant 1.000000e+00 : f32
    %jit3A_1323 = arith.constant 0.000000e+00 : f32
    %broadcast_in_dim3A_1324 = vector.broadcast %jit3A_1322 : f32 to vector<16xf32>
    %broadcast_in_dim3A_1325 = vector.broadcast %jit3A_1323 : f32 to vector<16xf32>
    %select_n3A_1326 = arith.select %eq3A_1321, %broadcast_in_dim3A_1324, %broadcast_in_dim3A_1325 : vector<16xi1>, vector<16xf32>
    %add3A_1327 = arith.addf %add3A_1320, %select_n3A_1326 : vector<16xf32>
    %eq3A_1328 = arith.cmpf oeq, %scan3A_1005#5, %max3A_1290 : vector<16xf32>
    %jit3A_1329 = arith.constant 1.000000e+00 : f32
    %jit3A_1330 = arith.constant 0.000000e+00 : f32
    %broadcast_in_dim3A_1331 = vector.broadcast %jit3A_1329 : f32 to vector<16xf32>
    %broadcast_in_dim3A_1332 = vector.broadcast %jit3A_1330 : f32 to vector<16xf32>
    %select_n3A_1333 = arith.select %eq3A_1328, %broadcast_in_dim3A_1331, %broadcast_in_dim3A_1332 : vector<16xi1>, vector<16xf32>
    %add3A_1334 = arith.addf %add3A_1327, %select_n3A_1333 : vector<16xf32>
    %eq3A_1335 = arith.cmpf oeq, %scan3A_1005#6, %max3A_1290 : vector<16xf32>
    %jit3A_1336 = arith.constant 1.000000e+00 : f32
    %jit3A_1337 = arith.constant 0.000000e+00 : f32
    %broadcast_in_dim3A_1338 = vector.broadcast %jit3A_1336 : f32 to vector<16xf32>
    %broadcast_in_dim3A_1339 = vector.broadcast %jit3A_1337 : f32 to vector<16xf32>
    %select_n3A_1340 = arith.select %eq3A_1335, %broadcast_in_dim3A_1338, %broadcast_in_dim3A_1339 : vector<16xi1>, vector<16xf32>
    %add3A_1341 = arith.addf %add3A_1334, %select_n3A_1340 : vector<16xf32>
    %eq3A_1342 = arith.cmpf oeq, %scan3A_1005#7, %max3A_1290 : vector<16xf32>
    %jit3A_1343 = arith.constant 1.000000e+00 : f32
    %jit3A_1344 = arith.constant 0.000000e+00 : f32
    %broadcast_in_dim3A_1345 = vector.broadcast %jit3A_1343 : f32 to vector<16xf32>
    %broadcast_in_dim3A_1346 = vector.broadcast %jit3A_1344 : f32 to vector<16xf32>
    %select_n3A_1347 = arith.select %eq3A_1342, %broadcast_in_dim3A_1345, %broadcast_in_dim3A_1346 : vector<16xi1>, vector<16xf32>
    %add3A_1348 = arith.addf %add3A_1341, %select_n3A_1347 : vector<16xf32>
    %gather3A_1349 = vector.shape_cast %reshape3A : vector<16x1xi32> to vector<16xi32>
    %gather3A_1350 = tpu.dynamic_gather %add3A_1348[%gather3A_1349] in [0] : vector<16xf32>, vector<16xi32> -> vector<16xf32>
    %add3A_1351 = arith.addf %add3A_1348, %gather3A_1350 : vector<16xf32>
    %gather3A_1352 = vector.shape_cast %reshape3A_8 : vector<16x1xi32> to vector<16xi32>
    %gather3A_1353 = tpu.dynamic_gather %add3A_1351[%gather3A_1352] in [0] : vector<16xf32>, vector<16xi32> -> vector<16xf32>
    %add3A_1354 = arith.addf %add3A_1351, %gather3A_1353 : vector<16xf32>
    %gather3A_1355 = vector.shape_cast %reshape3A_12 : vector<16x1xi32> to vector<16xi32>
    %gather3A_1356 = tpu.dynamic_gather %add3A_1354[%gather3A_1355] in [0] : vector<16xf32>, vector<16xi32> -> vector<16xf32>
    %add3A_1357 = arith.addf %add3A_1354, %gather3A_1356 : vector<16xf32>
    %gather3A_1358 = vector.shape_cast %reshape3A_16 : vector<16x1xi32> to vector<16xi32>
    %gather3A_1359 = tpu.dynamic_gather %add3A_1357[%gather3A_1358] in [0] : vector<16xf32>, vector<16xi32> -> vector<16xf32>
    %add3A_1360 = arith.addf %add3A_1357, %gather3A_1359 : vector<16xf32>
    %gt3A_1361 = arith.constant 0.000000e+00 : f32
    %gt3A_1362 = vector.broadcast %gt3A_1361 : f32 to vector<16xf32>
    %gt3A_1363 = arith.cmpf ogt, %sub3A_1254, %gt3A_1362 : vector<16xf32>
    %jit3A_1364 = arith.constant 1.000000e+00 : f32
    %jit3A_1365 = arith.constant 0.000000e+00 : f32
    %broadcast_in_dim3A_1366 = vector.broadcast %jit3A_1364 : f32 to vector<16xf32>
    %broadcast_in_dim3A_1367 = vector.broadcast %jit3A_1365 : f32 to vector<16xf32>
    %select_n3A_1368 = arith.select %gt3A_1363, %broadcast_in_dim3A_1366, %broadcast_in_dim3A_1367 : vector<16xi1>, vector<16xf32>
    %mul3A_1369 = arith.mulf %select_n3A_1368, %max3A_1290 : vector<16xf32>
    %sub3A_1370 = arith.constant 1.000000e+00 : f32
    %sub3A_1371 = vector.broadcast %sub3A_1370 : f32 to vector<16xf32>
    %sub3A_1372 = arith.subf %sub3A_1371, %select_n3A_1368 : vector<16xf32>
    %mul3A_1373 = arith.mulf %sub3A_1372, %add3A_1252 : vector<16xf32>
    %add3A_1374 = arith.addf %mul3A_1369, %mul3A_1373 : vector<16xf32>
    %mul3A_1375 = arith.mulf %select_n3A_1368, %add3A_1360 : vector<16xf32>
    %sub3A_1376 = arith.subf %sub3A_1254, %mul3A_1375 : vector<16xf32>
    %lt3A_1377 = arith.cmpf olt, %scan3A_1005#0, %max3A_1290 : vector<16xf32>
    %select_n3A_1378 = arith.select %lt3A_1377, %scan3A_1005#0, %broadcast_in_dim3A_17 : vector<16xi1>, vector<16xf32>
    %max3A_1379 = arith.maximumf %broadcast_in_dim3A_17, %select_n3A_1378 : vector<16xf32>
    %lt3A_1380 = arith.cmpf olt, %scan3A_1005#1, %max3A_1290 : vector<16xf32>
    %select_n3A_1381 = arith.select %lt3A_1380, %scan3A_1005#1, %broadcast_in_dim3A_17 : vector<16xi1>, vector<16xf32>
    %max3A_1382 = arith.maximumf %max3A_1379, %select_n3A_1381 : vector<16xf32>
    %lt3A_1383 = arith.cmpf olt, %scan3A_1005#2, %max3A_1290 : vector<16xf32>
    %select_n3A_1384 = arith.select %lt3A_1383, %scan3A_1005#2, %broadcast_in_dim3A_17 : vector<16xi1>, vector<16xf32>
    %max3A_1385 = arith.maximumf %max3A_1382, %select_n3A_1384 : vector<16xf32>
    %lt3A_1386 = arith.cmpf olt, %scan3A_1005#3, %max3A_1290 : vector<16xf32>
    %select_n3A_1387 = arith.select %lt3A_1386, %scan3A_1005#3, %broadcast_in_dim3A_17 : vector<16xi1>, vector<16xf32>
    %max3A_1388 = arith.maximumf %max3A_1385, %select_n3A_1387 : vector<16xf32>
    %lt3A_1389 = arith.cmpf olt, %scan3A_1005#4, %max3A_1290 : vector<16xf32>
    %select_n3A_1390 = arith.select %lt3A_1389, %scan3A_1005#4, %broadcast_in_dim3A_17 : vector<16xi1>, vector<16xf32>
    %max3A_1391 = arith.maximumf %max3A_1388, %select_n3A_1390 : vector<16xf32>
    %lt3A_1392 = arith.cmpf olt, %scan3A_1005#5, %max3A_1290 : vector<16xf32>
    %select_n3A_1393 = arith.select %lt3A_1392, %scan3A_1005#5, %broadcast_in_dim3A_17 : vector<16xi1>, vector<16xf32>
    %max3A_1394 = arith.maximumf %max3A_1391, %select_n3A_1393 : vector<16xf32>
    %lt3A_1395 = arith.cmpf olt, %scan3A_1005#6, %max3A_1290 : vector<16xf32>
    %select_n3A_1396 = arith.select %lt3A_1395, %scan3A_1005#6, %broadcast_in_dim3A_17 : vector<16xi1>, vector<16xf32>
    %max3A_1397 = arith.maximumf %max3A_1394, %select_n3A_1396 : vector<16xf32>
    %lt3A_1398 = arith.cmpf olt, %scan3A_1005#7, %max3A_1290 : vector<16xf32>
    %select_n3A_1399 = arith.select %lt3A_1398, %scan3A_1005#7, %broadcast_in_dim3A_17 : vector<16xi1>, vector<16xf32>
    %max3A_1400 = arith.maximumf %max3A_1397, %select_n3A_1399 : vector<16xf32>
    %gather3A_1401 = vector.shape_cast %reshape3A : vector<16x1xi32> to vector<16xi32>
    %gather3A_1402 = tpu.dynamic_gather %max3A_1400[%gather3A_1401] in [0] : vector<16xf32>, vector<16xi32> -> vector<16xf32>
    %max3A_1403 = arith.maximumf %max3A_1400, %gather3A_1402 : vector<16xf32>
    %gather3A_1404 = vector.shape_cast %reshape3A_8 : vector<16x1xi32> to vector<16xi32>
    %gather3A_1405 = tpu.dynamic_gather %max3A_1403[%gather3A_1404] in [0] : vector<16xf32>, vector<16xi32> -> vector<16xf32>
    %max3A_1406 = arith.maximumf %max3A_1403, %gather3A_1405 : vector<16xf32>
    %gather3A_1407 = vector.shape_cast %reshape3A_12 : vector<16x1xi32> to vector<16xi32>
    %gather3A_1408 = tpu.dynamic_gather %max3A_1406[%gather3A_1407] in [0] : vector<16xf32>, vector<16xi32> -> vector<16xf32>
    %max3A_1409 = arith.maximumf %max3A_1406, %gather3A_1408 : vector<16xf32>
    %gather3A_1410 = vector.shape_cast %reshape3A_16 : vector<16x1xi32> to vector<16xi32>
    %gather3A_1411 = tpu.dynamic_gather %max3A_1409[%gather3A_1410] in [0] : vector<16xf32>, vector<16xi32> -> vector<16xf32>
    %max3A_1412 = arith.maximumf %max3A_1409, %gather3A_1411 : vector<16xf32>
    %broadcast_in_dim3A_1413 = arith.constant 0.000000e+00 : f32
    %broadcast_in_dim3A_1414 = vector.broadcast %broadcast_in_dim3A_1413 : f32 to vector<16xf32>
    %eq3A_1415 = arith.cmpf oeq, %scan3A_1005#0, %max3A_1412 : vector<16xf32>
    %jit3A_1416 = arith.constant 1.000000e+00 : f32
    %jit3A_1417 = arith.constant 0.000000e+00 : f32
    %broadcast_in_dim3A_1418 = vector.broadcast %jit3A_1416 : f32 to vector<16xf32>
    %broadcast_in_dim3A_1419 = vector.broadcast %jit3A_1417 : f32 to vector<16xf32>
    %select_n3A_1420 = arith.select %eq3A_1415, %broadcast_in_dim3A_1418, %broadcast_in_dim3A_1419 : vector<16xi1>, vector<16xf32>
    %add3A_1421 = arith.addf %broadcast_in_dim3A_1414, %select_n3A_1420 : vector<16xf32>
    %eq3A_1422 = arith.cmpf oeq, %scan3A_1005#1, %max3A_1412 : vector<16xf32>
    %jit3A_1423 = arith.constant 1.000000e+00 : f32
    %jit3A_1424 = arith.constant 0.000000e+00 : f32
    %broadcast_in_dim3A_1425 = vector.broadcast %jit3A_1423 : f32 to vector<16xf32>
    %broadcast_in_dim3A_1426 = vector.broadcast %jit3A_1424 : f32 to vector<16xf32>
    %select_n3A_1427 = arith.select %eq3A_1422, %broadcast_in_dim3A_1425, %broadcast_in_dim3A_1426 : vector<16xi1>, vector<16xf32>
    %add3A_1428 = arith.addf %add3A_1421, %select_n3A_1427 : vector<16xf32>
    %eq3A_1429 = arith.cmpf oeq, %scan3A_1005#2, %max3A_1412 : vector<16xf32>
    %jit3A_1430 = arith.constant 1.000000e+00 : f32
    %jit3A_1431 = arith.constant 0.000000e+00 : f32
    %broadcast_in_dim3A_1432 = vector.broadcast %jit3A_1430 : f32 to vector<16xf32>
    %broadcast_in_dim3A_1433 = vector.broadcast %jit3A_1431 : f32 to vector<16xf32>
    %select_n3A_1434 = arith.select %eq3A_1429, %broadcast_in_dim3A_1432, %broadcast_in_dim3A_1433 : vector<16xi1>, vector<16xf32>
    %add3A_1435 = arith.addf %add3A_1428, %select_n3A_1434 : vector<16xf32>
    %eq3A_1436 = arith.cmpf oeq, %scan3A_1005#3, %max3A_1412 : vector<16xf32>
    %jit3A_1437 = arith.constant 1.000000e+00 : f32
    %jit3A_1438 = arith.constant 0.000000e+00 : f32
    %broadcast_in_dim3A_1439 = vector.broadcast %jit3A_1437 : f32 to vector<16xf32>
    %broadcast_in_dim3A_1440 = vector.broadcast %jit3A_1438 : f32 to vector<16xf32>
    %select_n3A_1441 = arith.select %eq3A_1436, %broadcast_in_dim3A_1439, %broadcast_in_dim3A_1440 : vector<16xi1>, vector<16xf32>
    %add3A_1442 = arith.addf %add3A_1435, %select_n3A_1441 : vector<16xf32>
    %eq3A_1443 = arith.cmpf oeq, %scan3A_1005#4, %max3A_1412 : vector<16xf32>
    %jit3A_1444 = arith.constant 1.000000e+00 : f32
    %jit3A_1445 = arith.constant 0.000000e+00 : f32
    %broadcast_in_dim3A_1446 = vector.broadcast %jit3A_1444 : f32 to vector<16xf32>
    %broadcast_in_dim3A_1447 = vector.broadcast %jit3A_1445 : f32 to vector<16xf32>
    %select_n3A_1448 = arith.select %eq3A_1443, %broadcast_in_dim3A_1446, %broadcast_in_dim3A_1447 : vector<16xi1>, vector<16xf32>
    %add3A_1449 = arith.addf %add3A_1442, %select_n3A_1448 : vector<16xf32>
    %eq3A_1450 = arith.cmpf oeq, %scan3A_1005#5, %max3A_1412 : vector<16xf32>
    %jit3A_1451 = arith.constant 1.000000e+00 : f32
    %jit3A_1452 = arith.constant 0.000000e+00 : f32
    %broadcast_in_dim3A_1453 = vector.broadcast %jit3A_1451 : f32 to vector<16xf32>
    %broadcast_in_dim3A_1454 = vector.broadcast %jit3A_1452 : f32 to vector<16xf32>
    %select_n3A_1455 = arith.select %eq3A_1450, %broadcast_in_dim3A_1453, %broadcast_in_dim3A_1454 : vector<16xi1>, vector<16xf32>
    %add3A_1456 = arith.addf %add3A_1449, %select_n3A_1455 : vector<16xf32>
    %eq3A_1457 = arith.cmpf oeq, %scan3A_1005#6, %max3A_1412 : vector<16xf32>
    %jit3A_1458 = arith.constant 1.000000e+00 : f32
    %jit3A_1459 = arith.constant 0.000000e+00 : f32
    %broadcast_in_dim3A_1460 = vector.broadcast %jit3A_1458 : f32 to vector<16xf32>
    %broadcast_in_dim3A_1461 = vector.broadcast %jit3A_1459 : f32 to vector<16xf32>
    %select_n3A_1462 = arith.select %eq3A_1457, %broadcast_in_dim3A_1460, %broadcast_in_dim3A_1461 : vector<16xi1>, vector<16xf32>
    %add3A_1463 = arith.addf %add3A_1456, %select_n3A_1462 : vector<16xf32>
    %eq3A_1464 = arith.cmpf oeq, %scan3A_1005#7, %max3A_1412 : vector<16xf32>
    %jit3A_1465 = arith.constant 1.000000e+00 : f32
    %jit3A_1466 = arith.constant 0.000000e+00 : f32
    %broadcast_in_dim3A_1467 = vector.broadcast %jit3A_1465 : f32 to vector<16xf32>
    %broadcast_in_dim3A_1468 = vector.broadcast %jit3A_1466 : f32 to vector<16xf32>
    %select_n3A_1469 = arith.select %eq3A_1464, %broadcast_in_dim3A_1467, %broadcast_in_dim3A_1468 : vector<16xi1>, vector<16xf32>
    %add3A_1470 = arith.addf %add3A_1463, %select_n3A_1469 : vector<16xf32>
    %gather3A_1471 = vector.shape_cast %reshape3A : vector<16x1xi32> to vector<16xi32>
    %gather3A_1472 = tpu.dynamic_gather %add3A_1470[%gather3A_1471] in [0] : vector<16xf32>, vector<16xi32> -> vector<16xf32>
    %add3A_1473 = arith.addf %add3A_1470, %gather3A_1472 : vector<16xf32>
    %gather3A_1474 = vector.shape_cast %reshape3A_8 : vector<16x1xi32> to vector<16xi32>
    %gather3A_1475 = tpu.dynamic_gather %add3A_1473[%gather3A_1474] in [0] : vector<16xf32>, vector<16xi32> -> vector<16xf32>
    %add3A_1476 = arith.addf %add3A_1473, %gather3A_1475 : vector<16xf32>
    %gather3A_1477 = vector.shape_cast %reshape3A_12 : vector<16x1xi32> to vector<16xi32>
    %gather3A_1478 = tpu.dynamic_gather %add3A_1476[%gather3A_1477] in [0] : vector<16xf32>, vector<16xi32> -> vector<16xf32>
    %add3A_1479 = arith.addf %add3A_1476, %gather3A_1478 : vector<16xf32>
    %gather3A_1480 = vector.shape_cast %reshape3A_16 : vector<16x1xi32> to vector<16xi32>
    %gather3A_1481 = tpu.dynamic_gather %add3A_1479[%gather3A_1480] in [0] : vector<16xf32>, vector<16xi32> -> vector<16xf32>
    %add3A_1482 = arith.addf %add3A_1479, %gather3A_1481 : vector<16xf32>
    %gt3A_1483 = arith.constant 0.000000e+00 : f32
    %gt3A_1484 = vector.broadcast %gt3A_1483 : f32 to vector<16xf32>
    %gt3A_1485 = arith.cmpf ogt, %sub3A_1376, %gt3A_1484 : vector<16xf32>
    %jit3A_1486 = arith.constant 1.000000e+00 : f32
    %jit3A_1487 = arith.constant 0.000000e+00 : f32
    %broadcast_in_dim3A_1488 = vector.broadcast %jit3A_1486 : f32 to vector<16xf32>
    %broadcast_in_dim3A_1489 = vector.broadcast %jit3A_1487 : f32 to vector<16xf32>
    %select_n3A_1490 = arith.select %gt3A_1485, %broadcast_in_dim3A_1488, %broadcast_in_dim3A_1489 : vector<16xi1>, vector<16xf32>
    %mul3A_1491 = arith.mulf %select_n3A_1490, %max3A_1412 : vector<16xf32>
    %sub3A_1492 = arith.constant 1.000000e+00 : f32
    %sub3A_1493 = vector.broadcast %sub3A_1492 : f32 to vector<16xf32>
    %sub3A_1494 = arith.subf %sub3A_1493, %select_n3A_1490 : vector<16xf32>
    %mul3A_1495 = arith.mulf %sub3A_1494, %add3A_1374 : vector<16xf32>
    %add3A_1496 = arith.addf %mul3A_1491, %mul3A_1495 : vector<16xf32>
    %mul3A_1497 = arith.mulf %select_n3A_1490, %add3A_1482 : vector<16xf32>
    %sub3A_1498 = arith.subf %sub3A_1376, %mul3A_1497 : vector<16xf32>
    %lt3A_1499 = arith.cmpf olt, %scan3A_1005#0, %max3A_1412 : vector<16xf32>
    %select_n3A_1500 = arith.select %lt3A_1499, %scan3A_1005#0, %broadcast_in_dim3A_17 : vector<16xi1>, vector<16xf32>
    %max3A_1501 = arith.maximumf %broadcast_in_dim3A_17, %select_n3A_1500 : vector<16xf32>
    %lt3A_1502 = arith.cmpf olt, %scan3A_1005#1, %max3A_1412 : vector<16xf32>
    %select_n3A_1503 = arith.select %lt3A_1502, %scan3A_1005#1, %broadcast_in_dim3A_17 : vector<16xi1>, vector<16xf32>
    %max3A_1504 = arith.maximumf %max3A_1501, %select_n3A_1503 : vector<16xf32>
    %lt3A_1505 = arith.cmpf olt, %scan3A_1005#2, %max3A_1412 : vector<16xf32>
    %select_n3A_1506 = arith.select %lt3A_1505, %scan3A_1005#2, %broadcast_in_dim3A_17 : vector<16xi1>, vector<16xf32>
    %max3A_1507 = arith.maximumf %max3A_1504, %select_n3A_1506 : vector<16xf32>
    %lt3A_1508 = arith.cmpf olt, %scan3A_1005#3, %max3A_1412 : vector<16xf32>
    %select_n3A_1509 = arith.select %lt3A_1508, %scan3A_1005#3, %broadcast_in_dim3A_17 : vector<16xi1>, vector<16xf32>
    %max3A_1510 = arith.maximumf %max3A_1507, %select_n3A_1509 : vector<16xf32>
    %lt3A_1511 = arith.cmpf olt, %scan3A_1005#4, %max3A_1412 : vector<16xf32>
    %select_n3A_1512 = arith.select %lt3A_1511, %scan3A_1005#4, %broadcast_in_dim3A_17 : vector<16xi1>, vector<16xf32>
    %max3A_1513 = arith.maximumf %max3A_1510, %select_n3A_1512 : vector<16xf32>
    %lt3A_1514 = arith.cmpf olt, %scan3A_1005#5, %max3A_1412 : vector<16xf32>
    %select_n3A_1515 = arith.select %lt3A_1514, %scan3A_1005#5, %broadcast_in_dim3A_17 : vector<16xi1>, vector<16xf32>
    %max3A_1516 = arith.maximumf %max3A_1513, %select_n3A_1515 : vector<16xf32>
    %lt3A_1517 = arith.cmpf olt, %scan3A_1005#6, %max3A_1412 : vector<16xf32>
    %select_n3A_1518 = arith.select %lt3A_1517, %scan3A_1005#6, %broadcast_in_dim3A_17 : vector<16xi1>, vector<16xf32>
    %max3A_1519 = arith.maximumf %max3A_1516, %select_n3A_1518 : vector<16xf32>
    %lt3A_1520 = arith.cmpf olt, %scan3A_1005#7, %max3A_1412 : vector<16xf32>
    %select_n3A_1521 = arith.select %lt3A_1520, %scan3A_1005#7, %broadcast_in_dim3A_17 : vector<16xi1>, vector<16xf32>
    %max3A_1522 = arith.maximumf %max3A_1519, %select_n3A_1521 : vector<16xf32>
    %gather3A_1523 = vector.shape_cast %reshape3A : vector<16x1xi32> to vector<16xi32>
    %gather3A_1524 = tpu.dynamic_gather %max3A_1522[%gather3A_1523] in [0] : vector<16xf32>, vector<16xi32> -> vector<16xf32>
    %max3A_1525 = arith.maximumf %max3A_1522, %gather3A_1524 : vector<16xf32>
    %gather3A_1526 = vector.shape_cast %reshape3A_8 : vector<16x1xi32> to vector<16xi32>
    %gather3A_1527 = tpu.dynamic_gather %max3A_1525[%gather3A_1526] in [0] : vector<16xf32>, vector<16xi32> -> vector<16xf32>
    %max3A_1528 = arith.maximumf %max3A_1525, %gather3A_1527 : vector<16xf32>
    %gather3A_1529 = vector.shape_cast %reshape3A_12 : vector<16x1xi32> to vector<16xi32>
    %gather3A_1530 = tpu.dynamic_gather %max3A_1528[%gather3A_1529] in [0] : vector<16xf32>, vector<16xi32> -> vector<16xf32>
    %max3A_1531 = arith.maximumf %max3A_1528, %gather3A_1530 : vector<16xf32>
    %gather3A_1532 = vector.shape_cast %reshape3A_16 : vector<16x1xi32> to vector<16xi32>
    %gather3A_1533 = tpu.dynamic_gather %max3A_1531[%gather3A_1532] in [0] : vector<16xf32>, vector<16xi32> -> vector<16xf32>
    %max3A_1534 = arith.maximumf %max3A_1531, %gather3A_1533 : vector<16xf32>
    %broadcast_in_dim3A_1535 = arith.constant 0.000000e+00 : f32
    %broadcast_in_dim3A_1536 = vector.broadcast %broadcast_in_dim3A_1535 : f32 to vector<16xf32>
    %eq3A_1537 = arith.cmpf oeq, %scan3A_1005#0, %max3A_1534 : vector<16xf32>
    %jit3A_1538 = arith.constant 1.000000e+00 : f32
    %jit3A_1539 = arith.constant 0.000000e+00 : f32
    %broadcast_in_dim3A_1540 = vector.broadcast %jit3A_1538 : f32 to vector<16xf32>
    %broadcast_in_dim3A_1541 = vector.broadcast %jit3A_1539 : f32 to vector<16xf32>
    %select_n3A_1542 = arith.select %eq3A_1537, %broadcast_in_dim3A_1540, %broadcast_in_dim3A_1541 : vector<16xi1>, vector<16xf32>
    %add3A_1543 = arith.addf %broadcast_in_dim3A_1536, %select_n3A_1542 : vector<16xf32>
    %eq3A_1544 = arith.cmpf oeq, %scan3A_1005#1, %max3A_1534 : vector<16xf32>
    %jit3A_1545 = arith.constant 1.000000e+00 : f32
    %jit3A_1546 = arith.constant 0.000000e+00 : f32
    %broadcast_in_dim3A_1547 = vector.broadcast %jit3A_1545 : f32 to vector<16xf32>
    %broadcast_in_dim3A_1548 = vector.broadcast %jit3A_1546 : f32 to vector<16xf32>
    %select_n3A_1549 = arith.select %eq3A_1544, %broadcast_in_dim3A_1547, %broadcast_in_dim3A_1548 : vector<16xi1>, vector<16xf32>
    %add3A_1550 = arith.addf %add3A_1543, %select_n3A_1549 : vector<16xf32>
    %eq3A_1551 = arith.cmpf oeq, %scan3A_1005#2, %max3A_1534 : vector<16xf32>
    %jit3A_1552 = arith.constant 1.000000e+00 : f32
    %jit3A_1553 = arith.constant 0.000000e+00 : f32
    %broadcast_in_dim3A_1554 = vector.broadcast %jit3A_1552 : f32 to vector<16xf32>
    %broadcast_in_dim3A_1555 = vector.broadcast %jit3A_1553 : f32 to vector<16xf32>
    %select_n3A_1556 = arith.select %eq3A_1551, %broadcast_in_dim3A_1554, %broadcast_in_dim3A_1555 : vector<16xi1>, vector<16xf32>
    %add3A_1557 = arith.addf %add3A_1550, %select_n3A_1556 : vector<16xf32>
    %eq3A_1558 = arith.cmpf oeq, %scan3A_1005#3, %max3A_1534 : vector<16xf32>
    %jit3A_1559 = arith.constant 1.000000e+00 : f32
    %jit3A_1560 = arith.constant 0.000000e+00 : f32
    %broadcast_in_dim3A_1561 = vector.broadcast %jit3A_1559 : f32 to vector<16xf32>
    %broadcast_in_dim3A_1562 = vector.broadcast %jit3A_1560 : f32 to vector<16xf32>
    %select_n3A_1563 = arith.select %eq3A_1558, %broadcast_in_dim3A_1561, %broadcast_in_dim3A_1562 : vector<16xi1>, vector<16xf32>
    %add3A_1564 = arith.addf %add3A_1557, %select_n3A_1563 : vector<16xf32>
    %eq3A_1565 = arith.cmpf oeq, %scan3A_1005#4, %max3A_1534 : vector<16xf32>
    %jit3A_1566 = arith.constant 1.000000e+00 : f32
    %jit3A_1567 = arith.constant 0.000000e+00 : f32
    %broadcast_in_dim3A_1568 = vector.broadcast %jit3A_1566 : f32 to vector<16xf32>
    %broadcast_in_dim3A_1569 = vector.broadcast %jit3A_1567 : f32 to vector<16xf32>
    %select_n3A_1570 = arith.select %eq3A_1565, %broadcast_in_dim3A_1568, %broadcast_in_dim3A_1569 : vector<16xi1>, vector<16xf32>
    %add3A_1571 = arith.addf %add3A_1564, %select_n3A_1570 : vector<16xf32>
    %eq3A_1572 = arith.cmpf oeq, %scan3A_1005#5, %max3A_1534 : vector<16xf32>
    %jit3A_1573 = arith.constant 1.000000e+00 : f32
    %jit3A_1574 = arith.constant 0.000000e+00 : f32
    %broadcast_in_dim3A_1575 = vector.broadcast %jit3A_1573 : f32 to vector<16xf32>
    %broadcast_in_dim3A_1576 = vector.broadcast %jit3A_1574 : f32 to vector<16xf32>
    %select_n3A_1577 = arith.select %eq3A_1572, %broadcast_in_dim3A_1575, %broadcast_in_dim3A_1576 : vector<16xi1>, vector<16xf32>
    %add3A_1578 = arith.addf %add3A_1571, %select_n3A_1577 : vector<16xf32>
    %eq3A_1579 = arith.cmpf oeq, %scan3A_1005#6, %max3A_1534 : vector<16xf32>
    %jit3A_1580 = arith.constant 1.000000e+00 : f32
    %jit3A_1581 = arith.constant 0.000000e+00 : f32
    %broadcast_in_dim3A_1582 = vector.broadcast %jit3A_1580 : f32 to vector<16xf32>
    %broadcast_in_dim3A_1583 = vector.broadcast %jit3A_1581 : f32 to vector<16xf32>
    %select_n3A_1584 = arith.select %eq3A_1579, %broadcast_in_dim3A_1582, %broadcast_in_dim3A_1583 : vector<16xi1>, vector<16xf32>
    %add3A_1585 = arith.addf %add3A_1578, %select_n3A_1584 : vector<16xf32>
    %eq3A_1586 = arith.cmpf oeq, %scan3A_1005#7, %max3A_1534 : vector<16xf32>
    %jit3A_1587 = arith.constant 1.000000e+00 : f32
    %jit3A_1588 = arith.constant 0.000000e+00 : f32
    %broadcast_in_dim3A_1589 = vector.broadcast %jit3A_1587 : f32 to vector<16xf32>
    %broadcast_in_dim3A_1590 = vector.broadcast %jit3A_1588 : f32 to vector<16xf32>
    %select_n3A_1591 = arith.select %eq3A_1586, %broadcast_in_dim3A_1589, %broadcast_in_dim3A_1590 : vector<16xi1>, vector<16xf32>
    %add3A_1592 = arith.addf %add3A_1585, %select_n3A_1591 : vector<16xf32>
    %gather3A_1593 = vector.shape_cast %reshape3A : vector<16x1xi32> to vector<16xi32>
    %gather3A_1594 = tpu.dynamic_gather %add3A_1592[%gather3A_1593] in [0] : vector<16xf32>, vector<16xi32> -> vector<16xf32>
    %add3A_1595 = arith.addf %add3A_1592, %gather3A_1594 : vector<16xf32>
    %gather3A_1596 = vector.shape_cast %reshape3A_8 : vector<16x1xi32> to vector<16xi32>
    %gather3A_1597 = tpu.dynamic_gather %add3A_1595[%gather3A_1596] in [0] : vector<16xf32>, vector<16xi32> -> vector<16xf32>
    %add3A_1598 = arith.addf %add3A_1595, %gather3A_1597 : vector<16xf32>
    %gather3A_1599 = vector.shape_cast %reshape3A_12 : vector<16x1xi32> to vector<16xi32>
    %gather3A_1600 = tpu.dynamic_gather %add3A_1598[%gather3A_1599] in [0] : vector<16xf32>, vector<16xi32> -> vector<16xf32>
    %add3A_1601 = arith.addf %add3A_1598, %gather3A_1600 : vector<16xf32>
    %gather3A_1602 = vector.shape_cast %reshape3A_16 : vector<16x1xi32> to vector<16xi32>
    %gather3A_1603 = tpu.dynamic_gather %add3A_1601[%gather3A_1602] in [0] : vector<16xf32>, vector<16xi32> -> vector<16xf32>
    %add3A_1604 = arith.addf %add3A_1601, %gather3A_1603 : vector<16xf32>
    %gt3A_1605 = arith.constant 0.000000e+00 : f32
    %gt3A_1606 = vector.broadcast %gt3A_1605 : f32 to vector<16xf32>
    %gt3A_1607 = arith.cmpf ogt, %sub3A_1498, %gt3A_1606 : vector<16xf32>
    %jit3A_1608 = arith.constant 1.000000e+00 : f32
    %jit3A_1609 = arith.constant 0.000000e+00 : f32
    %broadcast_in_dim3A_1610 = vector.broadcast %jit3A_1608 : f32 to vector<16xf32>
    %broadcast_in_dim3A_1611 = vector.broadcast %jit3A_1609 : f32 to vector<16xf32>
    %select_n3A_1612 = arith.select %gt3A_1607, %broadcast_in_dim3A_1610, %broadcast_in_dim3A_1611 : vector<16xi1>, vector<16xf32>
    %mul3A_1613 = arith.mulf %select_n3A_1612, %max3A_1534 : vector<16xf32>
    %sub3A_1614 = arith.constant 1.000000e+00 : f32
    %sub3A_1615 = vector.broadcast %sub3A_1614 : f32 to vector<16xf32>
    %sub3A_1616 = arith.subf %sub3A_1615, %select_n3A_1612 : vector<16xf32>
    %mul3A_1617 = arith.mulf %sub3A_1616, %add3A_1496 : vector<16xf32>
    %add3A_1618 = arith.addf %mul3A_1613, %mul3A_1617 : vector<16xf32>
    %mul3A_1619 = arith.mulf %select_n3A_1612, %add3A_1604 : vector<16xf32>
    %sub3A_1620 = arith.subf %sub3A_1498, %mul3A_1619 : vector<16xf32>
    %lt3A_1621 = arith.cmpf olt, %scan3A_1005#0, %max3A_1534 : vector<16xf32>
    %select_n3A_1622 = arith.select %lt3A_1621, %scan3A_1005#0, %broadcast_in_dim3A_17 : vector<16xi1>, vector<16xf32>
    %max3A_1623 = arith.maximumf %broadcast_in_dim3A_17, %select_n3A_1622 : vector<16xf32>
    %lt3A_1624 = arith.cmpf olt, %scan3A_1005#1, %max3A_1534 : vector<16xf32>
    %select_n3A_1625 = arith.select %lt3A_1624, %scan3A_1005#1, %broadcast_in_dim3A_17 : vector<16xi1>, vector<16xf32>
    %max3A_1626 = arith.maximumf %max3A_1623, %select_n3A_1625 : vector<16xf32>
    %lt3A_1627 = arith.cmpf olt, %scan3A_1005#2, %max3A_1534 : vector<16xf32>
    %select_n3A_1628 = arith.select %lt3A_1627, %scan3A_1005#2, %broadcast_in_dim3A_17 : vector<16xi1>, vector<16xf32>
    %max3A_1629 = arith.maximumf %max3A_1626, %select_n3A_1628 : vector<16xf32>
    %lt3A_1630 = arith.cmpf olt, %scan3A_1005#3, %max3A_1534 : vector<16xf32>
    %select_n3A_1631 = arith.select %lt3A_1630, %scan3A_1005#3, %broadcast_in_dim3A_17 : vector<16xi1>, vector<16xf32>
    %max3A_1632 = arith.maximumf %max3A_1629, %select_n3A_1631 : vector<16xf32>
    %lt3A_1633 = arith.cmpf olt, %scan3A_1005#4, %max3A_1534 : vector<16xf32>
    %select_n3A_1634 = arith.select %lt3A_1633, %scan3A_1005#4, %broadcast_in_dim3A_17 : vector<16xi1>, vector<16xf32>
    %max3A_1635 = arith.maximumf %max3A_1632, %select_n3A_1634 : vector<16xf32>
    %lt3A_1636 = arith.cmpf olt, %scan3A_1005#5, %max3A_1534 : vector<16xf32>
    %select_n3A_1637 = arith.select %lt3A_1636, %scan3A_1005#5, %broadcast_in_dim3A_17 : vector<16xi1>, vector<16xf32>
    %max3A_1638 = arith.maximumf %max3A_1635, %select_n3A_1637 : vector<16xf32>
    %lt3A_1639 = arith.cmpf olt, %scan3A_1005#6, %max3A_1534 : vector<16xf32>
    %select_n3A_1640 = arith.select %lt3A_1639, %scan3A_1005#6, %broadcast_in_dim3A_17 : vector<16xi1>, vector<16xf32>
    %max3A_1641 = arith.maximumf %max3A_1638, %select_n3A_1640 : vector<16xf32>
    %lt3A_1642 = arith.cmpf olt, %scan3A_1005#7, %max3A_1534 : vector<16xf32>
    %select_n3A_1643 = arith.select %lt3A_1642, %scan3A_1005#7, %broadcast_in_dim3A_17 : vector<16xi1>, vector<16xf32>
    %max3A_1644 = arith.maximumf %max3A_1641, %select_n3A_1643 : vector<16xf32>
    %gather3A_1645 = vector.shape_cast %reshape3A : vector<16x1xi32> to vector<16xi32>
    %gather3A_1646 = tpu.dynamic_gather %max3A_1644[%gather3A_1645] in [0] : vector<16xf32>, vector<16xi32> -> vector<16xf32>
    %max3A_1647 = arith.maximumf %max3A_1644, %gather3A_1646 : vector<16xf32>
    %gather3A_1648 = vector.shape_cast %reshape3A_8 : vector<16x1xi32> to vector<16xi32>
    %gather3A_1649 = tpu.dynamic_gather %max3A_1647[%gather3A_1648] in [0] : vector<16xf32>, vector<16xi32> -> vector<16xf32>
    %max3A_1650 = arith.maximumf %max3A_1647, %gather3A_1649 : vector<16xf32>
    %gather3A_1651 = vector.shape_cast %reshape3A_12 : vector<16x1xi32> to vector<16xi32>
    %gather3A_1652 = tpu.dynamic_gather %max3A_1650[%gather3A_1651] in [0] : vector<16xf32>, vector<16xi32> -> vector<16xf32>
    %max3A_1653 = arith.maximumf %max3A_1650, %gather3A_1652 : vector<16xf32>
    %gather3A_1654 = vector.shape_cast %reshape3A_16 : vector<16x1xi32> to vector<16xi32>
    %gather3A_1655 = tpu.dynamic_gather %max3A_1653[%gather3A_1654] in [0] : vector<16xf32>, vector<16xi32> -> vector<16xf32>
    %max3A_1656 = arith.maximumf %max3A_1653, %gather3A_1655 : vector<16xf32>
    %broadcast_in_dim3A_1657 = arith.constant 0.000000e+00 : f32
    %broadcast_in_dim3A_1658 = vector.broadcast %broadcast_in_dim3A_1657 : f32 to vector<16xf32>
    %eq3A_1659 = arith.cmpf oeq, %scan3A_1005#0, %max3A_1656 : vector<16xf32>
    %jit3A_1660 = arith.constant 1.000000e+00 : f32
    %jit3A_1661 = arith.constant 0.000000e+00 : f32
    %broadcast_in_dim3A_1662 = vector.broadcast %jit3A_1660 : f32 to vector<16xf32>
    %broadcast_in_dim3A_1663 = vector.broadcast %jit3A_1661 : f32 to vector<16xf32>
    %select_n3A_1664 = arith.select %eq3A_1659, %broadcast_in_dim3A_1662, %broadcast_in_dim3A_1663 : vector<16xi1>, vector<16xf32>
    %add3A_1665 = arith.addf %broadcast_in_dim3A_1658, %select_n3A_1664 : vector<16xf32>
    %eq3A_1666 = arith.cmpf oeq, %scan3A_1005#1, %max3A_1656 : vector<16xf32>
    %jit3A_1667 = arith.constant 1.000000e+00 : f32
    %jit3A_1668 = arith.constant 0.000000e+00 : f32
    %broadcast_in_dim3A_1669 = vector.broadcast %jit3A_1667 : f32 to vector<16xf32>
    %broadcast_in_dim3A_1670 = vector.broadcast %jit3A_1668 : f32 to vector<16xf32>
    %select_n3A_1671 = arith.select %eq3A_1666, %broadcast_in_dim3A_1669, %broadcast_in_dim3A_1670 : vector<16xi1>, vector<16xf32>
    %add3A_1672 = arith.addf %add3A_1665, %select_n3A_1671 : vector<16xf32>
    %eq3A_1673 = arith.cmpf oeq, %scan3A_1005#2, %max3A_1656 : vector<16xf32>
    %jit3A_1674 = arith.constant 1.000000e+00 : f32
    %jit3A_1675 = arith.constant 0.000000e+00 : f32
    %broadcast_in_dim3A_1676 = vector.broadcast %jit3A_1674 : f32 to vector<16xf32>
    %broadcast_in_dim3A_1677 = vector.broadcast %jit3A_1675 : f32 to vector<16xf32>
    %select_n3A_1678 = arith.select %eq3A_1673, %broadcast_in_dim3A_1676, %broadcast_in_dim3A_1677 : vector<16xi1>, vector<16xf32>
    %add3A_1679 = arith.addf %add3A_1672, %select_n3A_1678 : vector<16xf32>
    %eq3A_1680 = arith.cmpf oeq, %scan3A_1005#3, %max3A_1656 : vector<16xf32>
    %jit3A_1681 = arith.constant 1.000000e+00 : f32
    %jit3A_1682 = arith.constant 0.000000e+00 : f32
    %broadcast_in_dim3A_1683 = vector.broadcast %jit3A_1681 : f32 to vector<16xf32>
    %broadcast_in_dim3A_1684 = vector.broadcast %jit3A_1682 : f32 to vector<16xf32>
    %select_n3A_1685 = arith.select %eq3A_1680, %broadcast_in_dim3A_1683, %broadcast_in_dim3A_1684 : vector<16xi1>, vector<16xf32>
    %add3A_1686 = arith.addf %add3A_1679, %select_n3A_1685 : vector<16xf32>
    %eq3A_1687 = arith.cmpf oeq, %scan3A_1005#4, %max3A_1656 : vector<16xf32>
    %jit3A_1688 = arith.constant 1.000000e+00 : f32
    %jit3A_1689 = arith.constant 0.000000e+00 : f32
    %broadcast_in_dim3A_1690 = vector.broadcast %jit3A_1688 : f32 to vector<16xf32>
    %broadcast_in_dim3A_1691 = vector.broadcast %jit3A_1689 : f32 to vector<16xf32>
    %select_n3A_1692 = arith.select %eq3A_1687, %broadcast_in_dim3A_1690, %broadcast_in_dim3A_1691 : vector<16xi1>, vector<16xf32>
    %add3A_1693 = arith.addf %add3A_1686, %select_n3A_1692 : vector<16xf32>
    %eq3A_1694 = arith.cmpf oeq, %scan3A_1005#5, %max3A_1656 : vector<16xf32>
    %jit3A_1695 = arith.constant 1.000000e+00 : f32
    %jit3A_1696 = arith.constant 0.000000e+00 : f32
    %broadcast_in_dim3A_1697 = vector.broadcast %jit3A_1695 : f32 to vector<16xf32>
    %broadcast_in_dim3A_1698 = vector.broadcast %jit3A_1696 : f32 to vector<16xf32>
    %select_n3A_1699 = arith.select %eq3A_1694, %broadcast_in_dim3A_1697, %broadcast_in_dim3A_1698 : vector<16xi1>, vector<16xf32>
    %add3A_1700 = arith.addf %add3A_1693, %select_n3A_1699 : vector<16xf32>
    %eq3A_1701 = arith.cmpf oeq, %scan3A_1005#6, %max3A_1656 : vector<16xf32>
    %jit3A_1702 = arith.constant 1.000000e+00 : f32
    %jit3A_1703 = arith.constant 0.000000e+00 : f32
    %broadcast_in_dim3A_1704 = vector.broadcast %jit3A_1702 : f32 to vector<16xf32>
    %broadcast_in_dim3A_1705 = vector.broadcast %jit3A_1703 : f32 to vector<16xf32>
    %select_n3A_1706 = arith.select %eq3A_1701, %broadcast_in_dim3A_1704, %broadcast_in_dim3A_1705 : vector<16xi1>, vector<16xf32>
    %add3A_1707 = arith.addf %add3A_1700, %select_n3A_1706 : vector<16xf32>
    %eq3A_1708 = arith.cmpf oeq, %scan3A_1005#7, %max3A_1656 : vector<16xf32>
    %jit3A_1709 = arith.constant 1.000000e+00 : f32
    %jit3A_1710 = arith.constant 0.000000e+00 : f32
    %broadcast_in_dim3A_1711 = vector.broadcast %jit3A_1709 : f32 to vector<16xf32>
    %broadcast_in_dim3A_1712 = vector.broadcast %jit3A_1710 : f32 to vector<16xf32>
    %select_n3A_1713 = arith.select %eq3A_1708, %broadcast_in_dim3A_1711, %broadcast_in_dim3A_1712 : vector<16xi1>, vector<16xf32>
    %add3A_1714 = arith.addf %add3A_1707, %select_n3A_1713 : vector<16xf32>
    %gather3A_1715 = vector.shape_cast %reshape3A : vector<16x1xi32> to vector<16xi32>
    %gather3A_1716 = tpu.dynamic_gather %add3A_1714[%gather3A_1715] in [0] : vector<16xf32>, vector<16xi32> -> vector<16xf32>
    %add3A_1717 = arith.addf %add3A_1714, %gather3A_1716 : vector<16xf32>
    %gather3A_1718 = vector.shape_cast %reshape3A_8 : vector<16x1xi32> to vector<16xi32>
    %gather3A_1719 = tpu.dynamic_gather %add3A_1717[%gather3A_1718] in [0] : vector<16xf32>, vector<16xi32> -> vector<16xf32>
    %add3A_1720 = arith.addf %add3A_1717, %gather3A_1719 : vector<16xf32>
    %gather3A_1721 = vector.shape_cast %reshape3A_12 : vector<16x1xi32> to vector<16xi32>
    %gather3A_1722 = tpu.dynamic_gather %add3A_1720[%gather3A_1721] in [0] : vector<16xf32>, vector<16xi32> -> vector<16xf32>
    %add3A_1723 = arith.addf %add3A_1720, %gather3A_1722 : vector<16xf32>
    %gather3A_1724 = vector.shape_cast %reshape3A_16 : vector<16x1xi32> to vector<16xi32>
    %gather3A_1725 = tpu.dynamic_gather %add3A_1723[%gather3A_1724] in [0] : vector<16xf32>, vector<16xi32> -> vector<16xf32>
    %add3A_1726 = arith.addf %add3A_1723, %gather3A_1725 : vector<16xf32>
    %gt3A_1727 = arith.constant 0.000000e+00 : f32
    %gt3A_1728 = vector.broadcast %gt3A_1727 : f32 to vector<16xf32>
    %gt3A_1729 = arith.cmpf ogt, %sub3A_1620, %gt3A_1728 : vector<16xf32>
    %jit3A_1730 = arith.constant 1.000000e+00 : f32
    %jit3A_1731 = arith.constant 0.000000e+00 : f32
    %broadcast_in_dim3A_1732 = vector.broadcast %jit3A_1730 : f32 to vector<16xf32>
    %broadcast_in_dim3A_1733 = vector.broadcast %jit3A_1731 : f32 to vector<16xf32>
    %select_n3A_1734 = arith.select %gt3A_1729, %broadcast_in_dim3A_1732, %broadcast_in_dim3A_1733 : vector<16xi1>, vector<16xf32>
    %mul3A_1735 = arith.mulf %select_n3A_1734, %max3A_1656 : vector<16xf32>
    %sub3A_1736 = arith.constant 1.000000e+00 : f32
    %sub3A_1737 = vector.broadcast %sub3A_1736 : f32 to vector<16xf32>
    %sub3A_1738 = arith.subf %sub3A_1737, %select_n3A_1734 : vector<16xf32>
    %mul3A_1739 = arith.mulf %sub3A_1738, %add3A_1618 : vector<16xf32>
    %add3A_1740 = arith.addf %mul3A_1735, %mul3A_1739 : vector<16xf32>
    %mul3A_1741 = arith.mulf %select_n3A_1734, %add3A_1726 : vector<16xf32>
    %sub3A_1742 = arith.subf %sub3A_1620, %mul3A_1741 : vector<16xf32>
    %lt3A_1743 = arith.cmpf olt, %scan3A_1005#0, %max3A_1656 : vector<16xf32>
    %select_n3A_1744 = arith.select %lt3A_1743, %scan3A_1005#0, %broadcast_in_dim3A_17 : vector<16xi1>, vector<16xf32>
    %max3A_1745 = arith.maximumf %broadcast_in_dim3A_17, %select_n3A_1744 : vector<16xf32>
    %lt3A_1746 = arith.cmpf olt, %scan3A_1005#1, %max3A_1656 : vector<16xf32>
    %select_n3A_1747 = arith.select %lt3A_1746, %scan3A_1005#1, %broadcast_in_dim3A_17 : vector<16xi1>, vector<16xf32>
    %max3A_1748 = arith.maximumf %max3A_1745, %select_n3A_1747 : vector<16xf32>
    %lt3A_1749 = arith.cmpf olt, %scan3A_1005#2, %max3A_1656 : vector<16xf32>
    %select_n3A_1750 = arith.select %lt3A_1749, %scan3A_1005#2, %broadcast_in_dim3A_17 : vector<16xi1>, vector<16xf32>
    %max3A_1751 = arith.maximumf %max3A_1748, %select_n3A_1750 : vector<16xf32>
    %lt3A_1752 = arith.cmpf olt, %scan3A_1005#3, %max3A_1656 : vector<16xf32>
    %select_n3A_1753 = arith.select %lt3A_1752, %scan3A_1005#3, %broadcast_in_dim3A_17 : vector<16xi1>, vector<16xf32>
    %max3A_1754 = arith.maximumf %max3A_1751, %select_n3A_1753 : vector<16xf32>
    %lt3A_1755 = arith.cmpf olt, %scan3A_1005#4, %max3A_1656 : vector<16xf32>
    %select_n3A_1756 = arith.select %lt3A_1755, %scan3A_1005#4, %broadcast_in_dim3A_17 : vector<16xi1>, vector<16xf32>
    %max3A_1757 = arith.maximumf %max3A_1754, %select_n3A_1756 : vector<16xf32>
    %lt3A_1758 = arith.cmpf olt, %scan3A_1005#5, %max3A_1656 : vector<16xf32>
    %select_n3A_1759 = arith.select %lt3A_1758, %scan3A_1005#5, %broadcast_in_dim3A_17 : vector<16xi1>, vector<16xf32>
    %max3A_1760 = arith.maximumf %max3A_1757, %select_n3A_1759 : vector<16xf32>
    %lt3A_1761 = arith.cmpf olt, %scan3A_1005#6, %max3A_1656 : vector<16xf32>
    %select_n3A_1762 = arith.select %lt3A_1761, %scan3A_1005#6, %broadcast_in_dim3A_17 : vector<16xi1>, vector<16xf32>
    %max3A_1763 = arith.maximumf %max3A_1760, %select_n3A_1762 : vector<16xf32>
    %lt3A_1764 = arith.cmpf olt, %scan3A_1005#7, %max3A_1656 : vector<16xf32>
    %select_n3A_1765 = arith.select %lt3A_1764, %scan3A_1005#7, %broadcast_in_dim3A_17 : vector<16xi1>, vector<16xf32>
    %max3A_1766 = arith.maximumf %max3A_1763, %select_n3A_1765 : vector<16xf32>
    %gather3A_1767 = vector.shape_cast %reshape3A : vector<16x1xi32> to vector<16xi32>
    %gather3A_1768 = tpu.dynamic_gather %max3A_1766[%gather3A_1767] in [0] : vector<16xf32>, vector<16xi32> -> vector<16xf32>
    %max3A_1769 = arith.maximumf %max3A_1766, %gather3A_1768 : vector<16xf32>
    %gather3A_1770 = vector.shape_cast %reshape3A_8 : vector<16x1xi32> to vector<16xi32>
    %gather3A_1771 = tpu.dynamic_gather %max3A_1769[%gather3A_1770] in [0] : vector<16xf32>, vector<16xi32> -> vector<16xf32>
    %max3A_1772 = arith.maximumf %max3A_1769, %gather3A_1771 : vector<16xf32>
    %gather3A_1773 = vector.shape_cast %reshape3A_12 : vector<16x1xi32> to vector<16xi32>
    %gather3A_1774 = tpu.dynamic_gather %max3A_1772[%gather3A_1773] in [0] : vector<16xf32>, vector<16xi32> -> vector<16xf32>
    %max3A_1775 = arith.maximumf %max3A_1772, %gather3A_1774 : vector<16xf32>
    %gather3A_1776 = vector.shape_cast %reshape3A_16 : vector<16x1xi32> to vector<16xi32>
    %gather3A_1777 = tpu.dynamic_gather %max3A_1775[%gather3A_1776] in [0] : vector<16xf32>, vector<16xi32> -> vector<16xf32>
    %max3A_1778 = arith.maximumf %max3A_1775, %gather3A_1777 : vector<16xf32>
    %broadcast_in_dim3A_1779 = arith.constant 0.000000e+00 : f32
    %broadcast_in_dim3A_1780 = vector.broadcast %broadcast_in_dim3A_1779 : f32 to vector<16xf32>
    %eq3A_1781 = arith.cmpf oeq, %scan3A_1005#0, %max3A_1778 : vector<16xf32>
    %jit3A_1782 = arith.constant 1.000000e+00 : f32
    %jit3A_1783 = arith.constant 0.000000e+00 : f32
    %broadcast_in_dim3A_1784 = vector.broadcast %jit3A_1782 : f32 to vector<16xf32>
    %broadcast_in_dim3A_1785 = vector.broadcast %jit3A_1783 : f32 to vector<16xf32>
    %select_n3A_1786 = arith.select %eq3A_1781, %broadcast_in_dim3A_1784, %broadcast_in_dim3A_1785 : vector<16xi1>, vector<16xf32>
    %add3A_1787 = arith.addf %broadcast_in_dim3A_1780, %select_n3A_1786 : vector<16xf32>
    %eq3A_1788 = arith.cmpf oeq, %scan3A_1005#1, %max3A_1778 : vector<16xf32>
    %jit3A_1789 = arith.constant 1.000000e+00 : f32
    %jit3A_1790 = arith.constant 0.000000e+00 : f32
    %broadcast_in_dim3A_1791 = vector.broadcast %jit3A_1789 : f32 to vector<16xf32>
    %broadcast_in_dim3A_1792 = vector.broadcast %jit3A_1790 : f32 to vector<16xf32>
    %select_n3A_1793 = arith.select %eq3A_1788, %broadcast_in_dim3A_1791, %broadcast_in_dim3A_1792 : vector<16xi1>, vector<16xf32>
    %add3A_1794 = arith.addf %add3A_1787, %select_n3A_1793 : vector<16xf32>
    %eq3A_1795 = arith.cmpf oeq, %scan3A_1005#2, %max3A_1778 : vector<16xf32>
    %jit3A_1796 = arith.constant 1.000000e+00 : f32
    %jit3A_1797 = arith.constant 0.000000e+00 : f32
    %broadcast_in_dim3A_1798 = vector.broadcast %jit3A_1796 : f32 to vector<16xf32>
    %broadcast_in_dim3A_1799 = vector.broadcast %jit3A_1797 : f32 to vector<16xf32>
    %select_n3A_1800 = arith.select %eq3A_1795, %broadcast_in_dim3A_1798, %broadcast_in_dim3A_1799 : vector<16xi1>, vector<16xf32>
    %add3A_1801 = arith.addf %add3A_1794, %select_n3A_1800 : vector<16xf32>
    %eq3A_1802 = arith.cmpf oeq, %scan3A_1005#3, %max3A_1778 : vector<16xf32>
    %jit3A_1803 = arith.constant 1.000000e+00 : f32
    %jit3A_1804 = arith.constant 0.000000e+00 : f32
    %broadcast_in_dim3A_1805 = vector.broadcast %jit3A_1803 : f32 to vector<16xf32>
    %broadcast_in_dim3A_1806 = vector.broadcast %jit3A_1804 : f32 to vector<16xf32>
    %select_n3A_1807 = arith.select %eq3A_1802, %broadcast_in_dim3A_1805, %broadcast_in_dim3A_1806 : vector<16xi1>, vector<16xf32>
    %add3A_1808 = arith.addf %add3A_1801, %select_n3A_1807 : vector<16xf32>
    %eq3A_1809 = arith.cmpf oeq, %scan3A_1005#4, %max3A_1778 : vector<16xf32>
    %jit3A_1810 = arith.constant 1.000000e+00 : f32
    %jit3A_1811 = arith.constant 0.000000e+00 : f32
    %broadcast_in_dim3A_1812 = vector.broadcast %jit3A_1810 : f32 to vector<16xf32>
    %broadcast_in_dim3A_1813 = vector.broadcast %jit3A_1811 : f32 to vector<16xf32>
    %select_n3A_1814 = arith.select %eq3A_1809, %broadcast_in_dim3A_1812, %broadcast_in_dim3A_1813 : vector<16xi1>, vector<16xf32>
    %add3A_1815 = arith.addf %add3A_1808, %select_n3A_1814 : vector<16xf32>
    %eq3A_1816 = arith.cmpf oeq, %scan3A_1005#5, %max3A_1778 : vector<16xf32>
    %jit3A_1817 = arith.constant 1.000000e+00 : f32
    %jit3A_1818 = arith.constant 0.000000e+00 : f32
    %broadcast_in_dim3A_1819 = vector.broadcast %jit3A_1817 : f32 to vector<16xf32>
    %broadcast_in_dim3A_1820 = vector.broadcast %jit3A_1818 : f32 to vector<16xf32>
    %select_n3A_1821 = arith.select %eq3A_1816, %broadcast_in_dim3A_1819, %broadcast_in_dim3A_1820 : vector<16xi1>, vector<16xf32>
    %add3A_1822 = arith.addf %add3A_1815, %select_n3A_1821 : vector<16xf32>
    %eq3A_1823 = arith.cmpf oeq, %scan3A_1005#6, %max3A_1778 : vector<16xf32>
    %jit3A_1824 = arith.constant 1.000000e+00 : f32
    %jit3A_1825 = arith.constant 0.000000e+00 : f32
    %broadcast_in_dim3A_1826 = vector.broadcast %jit3A_1824 : f32 to vector<16xf32>
    %broadcast_in_dim3A_1827 = vector.broadcast %jit3A_1825 : f32 to vector<16xf32>
    %select_n3A_1828 = arith.select %eq3A_1823, %broadcast_in_dim3A_1826, %broadcast_in_dim3A_1827 : vector<16xi1>, vector<16xf32>
    %add3A_1829 = arith.addf %add3A_1822, %select_n3A_1828 : vector<16xf32>
    %eq3A_1830 = arith.cmpf oeq, %scan3A_1005#7, %max3A_1778 : vector<16xf32>
    %jit3A_1831 = arith.constant 1.000000e+00 : f32
    %jit3A_1832 = arith.constant 0.000000e+00 : f32
    %broadcast_in_dim3A_1833 = vector.broadcast %jit3A_1831 : f32 to vector<16xf32>
    %broadcast_in_dim3A_1834 = vector.broadcast %jit3A_1832 : f32 to vector<16xf32>
    %select_n3A_1835 = arith.select %eq3A_1830, %broadcast_in_dim3A_1833, %broadcast_in_dim3A_1834 : vector<16xi1>, vector<16xf32>
    %add3A_1836 = arith.addf %add3A_1829, %select_n3A_1835 : vector<16xf32>
    %gather3A_1837 = vector.shape_cast %reshape3A : vector<16x1xi32> to vector<16xi32>
    %gather3A_1838 = tpu.dynamic_gather %add3A_1836[%gather3A_1837] in [0] : vector<16xf32>, vector<16xi32> -> vector<16xf32>
    %add3A_1839 = arith.addf %add3A_1836, %gather3A_1838 : vector<16xf32>
    %gather3A_1840 = vector.shape_cast %reshape3A_8 : vector<16x1xi32> to vector<16xi32>
    %gather3A_1841 = tpu.dynamic_gather %add3A_1839[%gather3A_1840] in [0] : vector<16xf32>, vector<16xi32> -> vector<16xf32>
    %add3A_1842 = arith.addf %add3A_1839, %gather3A_1841 : vector<16xf32>
    %gather3A_1843 = vector.shape_cast %reshape3A_12 : vector<16x1xi32> to vector<16xi32>
    %gather3A_1844 = tpu.dynamic_gather %add3A_1842[%gather3A_1843] in [0] : vector<16xf32>, vector<16xi32> -> vector<16xf32>
    %add3A_1845 = arith.addf %add3A_1842, %gather3A_1844 : vector<16xf32>
    %gather3A_1846 = vector.shape_cast %reshape3A_16 : vector<16x1xi32> to vector<16xi32>
    %gather3A_1847 = tpu.dynamic_gather %add3A_1845[%gather3A_1846] in [0] : vector<16xf32>, vector<16xi32> -> vector<16xf32>
    %add3A_1848 = arith.addf %add3A_1845, %gather3A_1847 : vector<16xf32>
    %gt3A_1849 = arith.constant 0.000000e+00 : f32
    %gt3A_1850 = vector.broadcast %gt3A_1849 : f32 to vector<16xf32>
    %gt3A_1851 = arith.cmpf ogt, %sub3A_1742, %gt3A_1850 : vector<16xf32>
    %jit3A_1852 = arith.constant 1.000000e+00 : f32
    %jit3A_1853 = arith.constant 0.000000e+00 : f32
    %broadcast_in_dim3A_1854 = vector.broadcast %jit3A_1852 : f32 to vector<16xf32>
    %broadcast_in_dim3A_1855 = vector.broadcast %jit3A_1853 : f32 to vector<16xf32>
    %select_n3A_1856 = arith.select %gt3A_1851, %broadcast_in_dim3A_1854, %broadcast_in_dim3A_1855 : vector<16xi1>, vector<16xf32>
    %mul3A_1857 = arith.mulf %select_n3A_1856, %max3A_1778 : vector<16xf32>
    %sub3A_1858 = arith.constant 1.000000e+00 : f32
    %sub3A_1859 = vector.broadcast %sub3A_1858 : f32 to vector<16xf32>
    %sub3A_1860 = arith.subf %sub3A_1859, %select_n3A_1856 : vector<16xf32>
    %mul3A_1861 = arith.mulf %sub3A_1860, %add3A_1740 : vector<16xf32>
    %add3A_1862 = arith.addf %mul3A_1857, %mul3A_1861 : vector<16xf32>
    %mul3A_1863 = arith.mulf %select_n3A_1856, %add3A_1848 : vector<16xf32>
    %sub3A_1864 = arith.subf %sub3A_1742, %mul3A_1863 : vector<16xf32>
    %lt3A_1865 = arith.cmpf olt, %scan3A_1005#0, %max3A_1778 : vector<16xf32>
    %select_n3A_1866 = arith.select %lt3A_1865, %scan3A_1005#0, %broadcast_in_dim3A_17 : vector<16xi1>, vector<16xf32>
    %max3A_1867 = arith.maximumf %broadcast_in_dim3A_17, %select_n3A_1866 : vector<16xf32>
    %lt3A_1868 = arith.cmpf olt, %scan3A_1005#1, %max3A_1778 : vector<16xf32>
    %select_n3A_1869 = arith.select %lt3A_1868, %scan3A_1005#1, %broadcast_in_dim3A_17 : vector<16xi1>, vector<16xf32>
    %max3A_1870 = arith.maximumf %max3A_1867, %select_n3A_1869 : vector<16xf32>
    %lt3A_1871 = arith.cmpf olt, %scan3A_1005#2, %max3A_1778 : vector<16xf32>
    %select_n3A_1872 = arith.select %lt3A_1871, %scan3A_1005#2, %broadcast_in_dim3A_17 : vector<16xi1>, vector<16xf32>
    %max3A_1873 = arith.maximumf %max3A_1870, %select_n3A_1872 : vector<16xf32>
    %lt3A_1874 = arith.cmpf olt, %scan3A_1005#3, %max3A_1778 : vector<16xf32>
    %select_n3A_1875 = arith.select %lt3A_1874, %scan3A_1005#3, %broadcast_in_dim3A_17 : vector<16xi1>, vector<16xf32>
    %max3A_1876 = arith.maximumf %max3A_1873, %select_n3A_1875 : vector<16xf32>
    %lt3A_1877 = arith.cmpf olt, %scan3A_1005#4, %max3A_1778 : vector<16xf32>
    %select_n3A_1878 = arith.select %lt3A_1877, %scan3A_1005#4, %broadcast_in_dim3A_17 : vector<16xi1>, vector<16xf32>
    %max3A_1879 = arith.maximumf %max3A_1876, %select_n3A_1878 : vector<16xf32>
    %lt3A_1880 = arith.cmpf olt, %scan3A_1005#5, %max3A_1778 : vector<16xf32>
    %select_n3A_1881 = arith.select %lt3A_1880, %scan3A_1005#5, %broadcast_in_dim3A_17 : vector<16xi1>, vector<16xf32>
    %max3A_1882 = arith.maximumf %max3A_1879, %select_n3A_1881 : vector<16xf32>
    %lt3A_1883 = arith.cmpf olt, %scan3A_1005#6, %max3A_1778 : vector<16xf32>
    %select_n3A_1884 = arith.select %lt3A_1883, %scan3A_1005#6, %broadcast_in_dim3A_17 : vector<16xi1>, vector<16xf32>
    %max3A_1885 = arith.maximumf %max3A_1882, %select_n3A_1884 : vector<16xf32>
    %lt3A_1886 = arith.cmpf olt, %scan3A_1005#7, %max3A_1778 : vector<16xf32>
    %select_n3A_1887 = arith.select %lt3A_1886, %scan3A_1005#7, %broadcast_in_dim3A_17 : vector<16xi1>, vector<16xf32>
    %max3A_1888 = arith.maximumf %max3A_1885, %select_n3A_1887 : vector<16xf32>
    %gather3A_1889 = vector.shape_cast %reshape3A : vector<16x1xi32> to vector<16xi32>
    %gather3A_1890 = tpu.dynamic_gather %max3A_1888[%gather3A_1889] in [0] : vector<16xf32>, vector<16xi32> -> vector<16xf32>
    %max3A_1891 = arith.maximumf %max3A_1888, %gather3A_1890 : vector<16xf32>
    %gather3A_1892 = vector.shape_cast %reshape3A_8 : vector<16x1xi32> to vector<16xi32>
    %gather3A_1893 = tpu.dynamic_gather %max3A_1891[%gather3A_1892] in [0] : vector<16xf32>, vector<16xi32> -> vector<16xf32>
    %max3A_1894 = arith.maximumf %max3A_1891, %gather3A_1893 : vector<16xf32>
    %gather3A_1895 = vector.shape_cast %reshape3A_12 : vector<16x1xi32> to vector<16xi32>
    %gather3A_1896 = tpu.dynamic_gather %max3A_1894[%gather3A_1895] in [0] : vector<16xf32>, vector<16xi32> -> vector<16xf32>
    %max3A_1897 = arith.maximumf %max3A_1894, %gather3A_1896 : vector<16xf32>
    %gather3A_1898 = vector.shape_cast %reshape3A_16 : vector<16x1xi32> to vector<16xi32>
    %gather3A_1899 = tpu.dynamic_gather %max3A_1897[%gather3A_1898] in [0] : vector<16xf32>, vector<16xi32> -> vector<16xf32>
    %max3A_1900 = arith.maximumf %max3A_1897, %gather3A_1899 : vector<16xf32>
    %broadcast_in_dim3A_1901 = arith.constant 0.000000e+00 : f32
    %broadcast_in_dim3A_1902 = vector.broadcast %broadcast_in_dim3A_1901 : f32 to vector<16xf32>
    %eq3A_1903 = arith.cmpf oeq, %scan3A_1005#0, %max3A_1900 : vector<16xf32>
    %jit3A_1904 = arith.constant 1.000000e+00 : f32
    %jit3A_1905 = arith.constant 0.000000e+00 : f32
    %broadcast_in_dim3A_1906 = vector.broadcast %jit3A_1904 : f32 to vector<16xf32>
    %broadcast_in_dim3A_1907 = vector.broadcast %jit3A_1905 : f32 to vector<16xf32>
    %select_n3A_1908 = arith.select %eq3A_1903, %broadcast_in_dim3A_1906, %broadcast_in_dim3A_1907 : vector<16xi1>, vector<16xf32>
    %add3A_1909 = arith.addf %broadcast_in_dim3A_1902, %select_n3A_1908 : vector<16xf32>
    %eq3A_1910 = arith.cmpf oeq, %scan3A_1005#1, %max3A_1900 : vector<16xf32>
    %jit3A_1911 = arith.constant 1.000000e+00 : f32
    %jit3A_1912 = arith.constant 0.000000e+00 : f32
    %broadcast_in_dim3A_1913 = vector.broadcast %jit3A_1911 : f32 to vector<16xf32>
    %broadcast_in_dim3A_1914 = vector.broadcast %jit3A_1912 : f32 to vector<16xf32>
    %select_n3A_1915 = arith.select %eq3A_1910, %broadcast_in_dim3A_1913, %broadcast_in_dim3A_1914 : vector<16xi1>, vector<16xf32>
    %add3A_1916 = arith.addf %add3A_1909, %select_n3A_1915 : vector<16xf32>
    %eq3A_1917 = arith.cmpf oeq, %scan3A_1005#2, %max3A_1900 : vector<16xf32>
    %jit3A_1918 = arith.constant 1.000000e+00 : f32
    %jit3A_1919 = arith.constant 0.000000e+00 : f32
    %broadcast_in_dim3A_1920 = vector.broadcast %jit3A_1918 : f32 to vector<16xf32>
    %broadcast_in_dim3A_1921 = vector.broadcast %jit3A_1919 : f32 to vector<16xf32>
    %select_n3A_1922 = arith.select %eq3A_1917, %broadcast_in_dim3A_1920, %broadcast_in_dim3A_1921 : vector<16xi1>, vector<16xf32>
    %add3A_1923 = arith.addf %add3A_1916, %select_n3A_1922 : vector<16xf32>
    %eq3A_1924 = arith.cmpf oeq, %scan3A_1005#3, %max3A_1900 : vector<16xf32>
    %jit3A_1925 = arith.constant 1.000000e+00 : f32
    %jit3A_1926 = arith.constant 0.000000e+00 : f32
    %broadcast_in_dim3A_1927 = vector.broadcast %jit3A_1925 : f32 to vector<16xf32>
    %broadcast_in_dim3A_1928 = vector.broadcast %jit3A_1926 : f32 to vector<16xf32>
    %select_n3A_1929 = arith.select %eq3A_1924, %broadcast_in_dim3A_1927, %broadcast_in_dim3A_1928 : vector<16xi1>, vector<16xf32>
    %add3A_1930 = arith.addf %add3A_1923, %select_n3A_1929 : vector<16xf32>
    %eq3A_1931 = arith.cmpf oeq, %scan3A_1005#4, %max3A_1900 : vector<16xf32>
    %jit3A_1932 = arith.constant 1.000000e+00 : f32
    %jit3A_1933 = arith.constant 0.000000e+00 : f32
    %broadcast_in_dim3A_1934 = vector.broadcast %jit3A_1932 : f32 to vector<16xf32>
    %broadcast_in_dim3A_1935 = vector.broadcast %jit3A_1933 : f32 to vector<16xf32>
    %select_n3A_1936 = arith.select %eq3A_1931, %broadcast_in_dim3A_1934, %broadcast_in_dim3A_1935 : vector<16xi1>, vector<16xf32>
    %add3A_1937 = arith.addf %add3A_1930, %select_n3A_1936 : vector<16xf32>
    %eq3A_1938 = arith.cmpf oeq, %scan3A_1005#5, %max3A_1900 : vector<16xf32>
    %jit3A_1939 = arith.constant 1.000000e+00 : f32
    %jit3A_1940 = arith.constant 0.000000e+00 : f32
    %broadcast_in_dim3A_1941 = vector.broadcast %jit3A_1939 : f32 to vector<16xf32>
    %broadcast_in_dim3A_1942 = vector.broadcast %jit3A_1940 : f32 to vector<16xf32>
    %select_n3A_1943 = arith.select %eq3A_1938, %broadcast_in_dim3A_1941, %broadcast_in_dim3A_1942 : vector<16xi1>, vector<16xf32>
    %add3A_1944 = arith.addf %add3A_1937, %select_n3A_1943 : vector<16xf32>
    %eq3A_1945 = arith.cmpf oeq, %scan3A_1005#6, %max3A_1900 : vector<16xf32>
    %jit3A_1946 = arith.constant 1.000000e+00 : f32
    %jit3A_1947 = arith.constant 0.000000e+00 : f32
    %broadcast_in_dim3A_1948 = vector.broadcast %jit3A_1946 : f32 to vector<16xf32>
    %broadcast_in_dim3A_1949 = vector.broadcast %jit3A_1947 : f32 to vector<16xf32>
    %select_n3A_1950 = arith.select %eq3A_1945, %broadcast_in_dim3A_1948, %broadcast_in_dim3A_1949 : vector<16xi1>, vector<16xf32>
    %add3A_1951 = arith.addf %add3A_1944, %select_n3A_1950 : vector<16xf32>
    %eq3A_1952 = arith.cmpf oeq, %scan3A_1005#7, %max3A_1900 : vector<16xf32>
    %jit3A_1953 = arith.constant 1.000000e+00 : f32
    %jit3A_1954 = arith.constant 0.000000e+00 : f32
    %broadcast_in_dim3A_1955 = vector.broadcast %jit3A_1953 : f32 to vector<16xf32>
    %broadcast_in_dim3A_1956 = vector.broadcast %jit3A_1954 : f32 to vector<16xf32>
    %select_n3A_1957 = arith.select %eq3A_1952, %broadcast_in_dim3A_1955, %broadcast_in_dim3A_1956 : vector<16xi1>, vector<16xf32>
    %add3A_1958 = arith.addf %add3A_1951, %select_n3A_1957 : vector<16xf32>
    %gather3A_1959 = vector.shape_cast %reshape3A : vector<16x1xi32> to vector<16xi32>
    %gather3A_1960 = tpu.dynamic_gather %add3A_1958[%gather3A_1959] in [0] : vector<16xf32>, vector<16xi32> -> vector<16xf32>
    %add3A_1961 = arith.addf %add3A_1958, %gather3A_1960 : vector<16xf32>
    %gather3A_1962 = vector.shape_cast %reshape3A_8 : vector<16x1xi32> to vector<16xi32>
    %gather3A_1963 = tpu.dynamic_gather %add3A_1961[%gather3A_1962] in [0] : vector<16xf32>, vector<16xi32> -> vector<16xf32>
    %add3A_1964 = arith.addf %add3A_1961, %gather3A_1963 : vector<16xf32>
    %gather3A_1965 = vector.shape_cast %reshape3A_12 : vector<16x1xi32> to vector<16xi32>
    %gather3A_1966 = tpu.dynamic_gather %add3A_1964[%gather3A_1965] in [0] : vector<16xf32>, vector<16xi32> -> vector<16xf32>
    %add3A_1967 = arith.addf %add3A_1964, %gather3A_1966 : vector<16xf32>
    %gather3A_1968 = vector.shape_cast %reshape3A_16 : vector<16x1xi32> to vector<16xi32>
    %gather3A_1969 = tpu.dynamic_gather %add3A_1967[%gather3A_1968] in [0] : vector<16xf32>, vector<16xi32> -> vector<16xf32>
    %add3A_1970 = arith.addf %add3A_1967, %gather3A_1969 : vector<16xf32>
    %gt3A_1971 = arith.constant 0.000000e+00 : f32
    %gt3A_1972 = vector.broadcast %gt3A_1971 : f32 to vector<16xf32>
    %gt3A_1973 = arith.cmpf ogt, %sub3A_1864, %gt3A_1972 : vector<16xf32>
    %jit3A_1974 = arith.constant 1.000000e+00 : f32
    %jit3A_1975 = arith.constant 0.000000e+00 : f32
    %broadcast_in_dim3A_1976 = vector.broadcast %jit3A_1974 : f32 to vector<16xf32>
    %broadcast_in_dim3A_1977 = vector.broadcast %jit3A_1975 : f32 to vector<16xf32>
    %select_n3A_1978 = arith.select %gt3A_1973, %broadcast_in_dim3A_1976, %broadcast_in_dim3A_1977 : vector<16xi1>, vector<16xf32>
    %mul3A_1979 = arith.mulf %select_n3A_1978, %max3A_1900 : vector<16xf32>
    %sub3A_1980 = arith.constant 1.000000e+00 : f32
    %sub3A_1981 = vector.broadcast %sub3A_1980 : f32 to vector<16xf32>
    %sub3A_1982 = arith.subf %sub3A_1981, %select_n3A_1978 : vector<16xf32>
    %mul3A_1983 = arith.mulf %sub3A_1982, %add3A_1862 : vector<16xf32>
    %add3A_1984 = arith.addf %mul3A_1979, %mul3A_1983 : vector<16xf32>
    %mul3A_1985 = arith.mulf %select_n3A_1978, %add3A_1970 : vector<16xf32>
    %sub3A_1986 = arith.subf %sub3A_1864, %mul3A_1985 : vector<16xf32>
    %scan3A_1987 = arith.constant 0 : i32
    %scan3A_1988 = arith.constant 0 : i32
    %scan3A_1989 = arith.constant 32 : i32
    %scan3A_1990 = arith.addi %scan3A_1988, %scan3A_1989 : i32
    %scan3A_1991 = arith.constant 1 : i32
    scf.for %scan3A_1993 = %scan3A_1988 to %scan3A_1990 step %scan3A_1991  : i32 {
      %mul3A_1994 = arith.constant 8 : i32
      %mul3A_1995 = arith.muli %scan3A_1993, %mul3A_1994 : i32
      %add3A_1996 = arith.constant 0 : i32
      %add3A_1997 = arith.addi %mul3A_1995, %add3A_1996 : i32
      %mul3A_1998 = arith.constant 16 : i32
      %mul3A_1999 = arith.muli %add3A_1997, %mul3A_1998 : i32
      %get3A = arith.constant 1 : i32
      %get3A_2000 = arith.index_cast %get3A : i32 to index
      %get3A_2001 = arith.index_cast %mul3A_1999 : i32 to index
      %get3A_2002 = tpu.vector_load %arg4[%get3A_2000, %get3A_2001] {strides = array<i32>} : memref<2x4096xf32, #tpu.memory_space<vmem>>, vector<1x16xf32>,
      %get3A_2003 = vector.shape_cast %get3A_2002 : vector<1x16xf32> to vector<16xf32>
      %ge3A = arith.cmpf oge, %get3A_2003, %add3A_1984 : vector<16xf32>
      %jit3A_2004 = arith.constant 1.000000e+00 : f32
      %jit3A_2005 = arith.constant 0.000000e+00 : f32
      %broadcast_in_dim3A_2006 = vector.broadcast %jit3A_2004 : f32 to vector<16xf32>
      %broadcast_in_dim3A_2007 = vector.broadcast %jit3A_2005 : f32 to vector<16xf32>
      %select_n3A_2008 = arith.select %ge3A, %broadcast_in_dim3A_2006, %broadcast_in_dim3A_2007 : vector<16xi1>, vector<16xf32>
      %swap3A = arith.constant 1 : i32
      %swap3A_2009 = arith.index_cast %swap3A : i32 to index
      %swap3A_2010 = arith.index_cast %mul3A_1999 : i32 to index
      %swap3A_2011 = tpu.vector_load %arg5[%swap3A_2009, %swap3A_2010] {strides = array<i32>} : memref<2x4096xf32, #tpu.memory_space<vmem>>, vector<1x16xf32>,
      %swap3A_2012 = vector.shape_cast %swap3A_2011 : vector<1x16xf32> to vector<16xf32>
      %swap3A_2013 = vector.shape_cast %select_n3A_2008 : vector<16xf32> to vector<1x16xf32>
      tpu.vector_store %arg5[%swap3A_2009, %swap3A_2010], %swap3A_2013 {strides = array<i32>} : memref<2x4096xf32, #tpu.memory_space<vmem>>, vector<1x16xf32>,
      %mul3A_2014 = arith.constant 8 : i32
      %mul3A_2015 = arith.muli %scan3A_1993, %mul3A_2014 : i32
      %add3A_2016 = arith.constant 1 : i32
      %add3A_2017 = arith.addi %mul3A_2015, %add3A_2016 : i32
      %mul3A_2018 = arith.constant 16 : i32
      %mul3A_2019 = arith.muli %add3A_2017, %mul3A_2018 : i32
      %get3A_2020 = arith.constant 1 : i32
      %get3A_2021 = arith.index_cast %get3A_2020 : i32 to index
      %get3A_2022 = arith.index_cast %mul3A_2019 : i32 to index
      %get3A_2023 = tpu.vector_load %arg4[%get3A_2021, %get3A_2022] {strides = array<i32>} : memref<2x4096xf32, #tpu.memory_space<vmem>>, vector<1x16xf32>,
      %get3A_2024 = vector.shape_cast %get3A_2023 : vector<1x16xf32> to vector<16xf32>
      %ge3A_2025 = arith.cmpf oge, %get3A_2024, %add3A_1984 : vector<16xf32>
      %jit3A_2026 = arith.constant 1.000000e+00 : f32
      %jit3A_2027 = arith.constant 0.000000e+00 : f32
      %broadcast_in_dim3A_2028 = vector.broadcast %jit3A_2026 : f32 to vector<16xf32>
      %broadcast_in_dim3A_2029 = vector.broadcast %jit3A_2027 : f32 to vector<16xf32>
      %select_n3A_2030 = arith.select %ge3A_2025, %broadcast_in_dim3A_2028, %broadcast_in_dim3A_2029 : vector<16xi1>, vector<16xf32>
      %swap3A_2031 = arith.constant 1 : i32
      %swap3A_2032 = arith.index_cast %swap3A_2031 : i32 to index
      %swap3A_2033 = arith.index_cast %mul3A_2019 : i32 to index
      %swap3A_2034 = tpu.vector_load %arg5[%swap3A_2032, %swap3A_2033] {strides = array<i32>} : memref<2x4096xf32, #tpu.memory_space<vmem>>, vector<1x16xf32>,
      %swap3A_2035 = vector.shape_cast %swap3A_2034 : vector<1x16xf32> to vector<16xf32>
      %swap3A_2036 = vector.shape_cast %select_n3A_2030 : vector<16xf32> to vector<1x16xf32>
      tpu.vector_store %arg5[%swap3A_2032, %swap3A_2033], %swap3A_2036 {strides = array<i32>} : memref<2x4096xf32, #tpu.memory_space<vmem>>, vector<1x16xf32>,
      %mul3A_2037 = arith.constant 8 : i32
      %mul3A_2038 = arith.muli %scan3A_1993, %mul3A_2037 : i32
      %add3A_2039 = arith.constant 2 : i32
      %add3A_2040 = arith.addi %mul3A_2038, %add3A_2039 : i32
      %mul3A_2041 = arith.constant 16 : i32
      %mul3A_2042 = arith.muli %add3A_2040, %mul3A_2041 : i32
      %get3A_2043 = arith.constant 1 : i32
      %get3A_2044 = arith.index_cast %get3A_2043 : i32 to index
      %get3A_2045 = arith.index_cast %mul3A_2042 : i32 to index
      %get3A_2046 = tpu.vector_load %arg4[%get3A_2044, %get3A_2045] {strides = array<i32>} : memref<2x4096xf32, #tpu.memory_space<vmem>>, vector<1x16xf32>,
      %get3A_2047 = vector.shape_cast %get3A_2046 : vector<1x16xf32> to vector<16xf32>
      %ge3A_2048 = arith.cmpf oge, %get3A_2047, %add3A_1984 : vector<16xf32>
      %jit3A_2049 = arith.constant 1.000000e+00 : f32
      %jit3A_2050 = arith.constant 0.000000e+00 : f32
      %broadcast_in_dim3A_2051 = vector.broadcast %jit3A_2049 : f32 to vector<16xf32>
      %broadcast_in_dim3A_2052 = vector.broadcast %jit3A_2050 : f32 to vector<16xf32>
      %select_n3A_2053 = arith.select %ge3A_2048, %broadcast_in_dim3A_2051, %broadcast_in_dim3A_2052 : vector<16xi1>, vector<16xf32>
      %swap3A_2054 = arith.constant 1 : i32
      %swap3A_2055 = arith.index_cast %swap3A_2054 : i32 to index
      %swap3A_2056 = arith.index_cast %mul3A_2042 : i32 to index
      %swap3A_2057 = tpu.vector_load %arg5[%swap3A_2055, %swap3A_2056] {strides = array<i32>} : memref<2x4096xf32, #tpu.memory_space<vmem>>, vector<1x16xf32>,
      %swap3A_2058 = vector.shape_cast %swap3A_2057 : vector<1x16xf32> to vector<16xf32>
      %swap3A_2059 = vector.shape_cast %select_n3A_2053 : vector<16xf32> to vector<1x16xf32>
      tpu.vector_store %arg5[%swap3A_2055, %swap3A_2056], %swap3A_2059 {strides = array<i32>} : memref<2x4096xf32, #tpu.memory_space<vmem>>, vector<1x16xf32>,
      %mul3A_2060 = arith.constant 8 : i32
      %mul3A_2061 = arith.muli %scan3A_1993, %mul3A_2060 : i32
      %add3A_2062 = arith.constant 3 : i32
      %add3A_2063 = arith.addi %mul3A_2061, %add3A_2062 : i32
      %mul3A_2064 = arith.constant 16 : i32
      %mul3A_2065 = arith.muli %add3A_2063, %mul3A_2064 : i32
      %get3A_2066 = arith.constant 1 : i32
      %get3A_2067 = arith.index_cast %get3A_2066 : i32 to index
      %get3A_2068 = arith.index_cast %mul3A_2065 : i32 to index
      %get3A_2069 = tpu.vector_load %arg4[%get3A_2067, %get3A_2068] {strides = array<i32>} : memref<2x4096xf32, #tpu.memory_space<vmem>>, vector<1x16xf32>,
      %get3A_2070 = vector.shape_cast %get3A_2069 : vector<1x16xf32> to vector<16xf32>
      %ge3A_2071 = arith.cmpf oge, %get3A_2070, %add3A_1984 : vector<16xf32>
      %jit3A_2072 = arith.constant 1.000000e+00 : f32
      %jit3A_2073 = arith.constant 0.000000e+00 : f32
      %broadcast_in_dim3A_2074 = vector.broadcast %jit3A_2072 : f32 to vector<16xf32>
      %broadcast_in_dim3A_2075 = vector.broadcast %jit3A_2073 : f32 to vector<16xf32>
      %select_n3A_2076 = arith.select %ge3A_2071, %broadcast_in_dim3A_2074, %broadcast_in_dim3A_2075 : vector<16xi1>, vector<16xf32>
      %swap3A_2077 = arith.constant 1 : i32
      %swap3A_2078 = arith.index_cast %swap3A_2077 : i32 to index
      %swap3A_2079 = arith.index_cast %mul3A_2065 : i32 to index
      %swap3A_2080 = tpu.vector_load %arg5[%swap3A_2078, %swap3A_2079] {strides = array<i32>} : memref<2x4096xf32, #tpu.memory_space<vmem>>, vector<1x16xf32>,
      %swap3A_2081 = vector.shape_cast %swap3A_2080 : vector<1x16xf32> to vector<16xf32>
      %swap3A_2082 = vector.shape_cast %select_n3A_2076 : vector<16xf32> to vector<1x16xf32>
      tpu.vector_store %arg5[%swap3A_2078, %swap3A_2079], %swap3A_2082 {strides = array<i32>} : memref<2x4096xf32, #tpu.memory_space<vmem>>, vector<1x16xf32>,
      %mul3A_2083 = arith.constant 8 : i32
      %mul3A_2084 = arith.muli %scan3A_1993, %mul3A_2083 : i32
      %add3A_2085 = arith.constant 4 : i32
      %add3A_2086 = arith.addi %mul3A_2084, %add3A_2085 : i32
      %mul3A_2087 = arith.constant 16 : i32
      %mul3A_2088 = arith.muli %add3A_2086, %mul3A_2087 : i32
      %get3A_2089 = arith.constant 1 : i32
      %get3A_2090 = arith.index_cast %get3A_2089 : i32 to index
      %get3A_2091 = arith.index_cast %mul3A_2088 : i32 to index
      %get3A_2092 = tpu.vector_load %arg4[%get3A_2090, %get3A_2091] {strides = array<i32>} : memref<2x4096xf32, #tpu.memory_space<vmem>>, vector<1x16xf32>,
      %get3A_2093 = vector.shape_cast %get3A_2092 : vector<1x16xf32> to vector<16xf32>
      %ge3A_2094 = arith.cmpf oge, %get3A_2093, %add3A_1984 : vector<16xf32>
      %jit3A_2095 = arith.constant 1.000000e+00 : f32
      %jit3A_2096 = arith.constant 0.000000e+00 : f32
      %broadcast_in_dim3A_2097 = vector.broadcast %jit3A_2095 : f32 to vector<16xf32>
      %broadcast_in_dim3A_2098 = vector.broadcast %jit3A_2096 : f32 to vector<16xf32>
      %select_n3A_2099 = arith.select %ge3A_2094, %broadcast_in_dim3A_2097, %broadcast_in_dim3A_2098 : vector<16xi1>, vector<16xf32>
      %swap3A_2100 = arith.constant 1 : i32
      %swap3A_2101 = arith.index_cast %swap3A_2100 : i32 to index
      %swap3A_2102 = arith.index_cast %mul3A_2088 : i32 to index
      %swap3A_2103 = tpu.vector_load %arg5[%swap3A_2101, %swap3A_2102] {strides = array<i32>} : memref<2x4096xf32, #tpu.memory_space<vmem>>, vector<1x16xf32>,
      %swap3A_2104 = vector.shape_cast %swap3A_2103 : vector<1x16xf32> to vector<16xf32>
      %swap3A_2105 = vector.shape_cast %select_n3A_2099 : vector<16xf32> to vector<1x16xf32>
      tpu.vector_store %arg5[%swap3A_2101, %swap3A_2102], %swap3A_2105 {strides = array<i32>} : memref<2x4096xf32, #tpu.memory_space<vmem>>, vector<1x16xf32>,
      %mul3A_2106 = arith.constant 8 : i32
      %mul3A_2107 = arith.muli %scan3A_1993, %mul3A_2106 : i32
      %add3A_2108 = arith.constant 5 : i32
      %add3A_2109 = arith.addi %mul3A_2107, %add3A_2108 : i32
      %mul3A_2110 = arith.constant 16 : i32
      %mul3A_2111 = arith.muli %add3A_2109, %mul3A_2110 : i32
      %get3A_2112 = arith.constant 1 : i32
      %get3A_2113 = arith.index_cast %get3A_2112 : i32 to index
      %get3A_2114 = arith.index_cast %mul3A_2111 : i32 to index
      %get3A_2115 = tpu.vector_load %arg4[%get3A_2113, %get3A_2114] {strides = array<i32>} : memref<2x4096xf32, #tpu.memory_space<vmem>>, vector<1x16xf32>,
      %get3A_2116 = vector.shape_cast %get3A_2115 : vector<1x16xf32> to vector<16xf32>
      %ge3A_2117 = arith.cmpf oge, %get3A_2116, %add3A_1984 : vector<16xf32>
      %jit3A_2118 = arith.constant 1.000000e+00 : f32
      %jit3A_2119 = arith.constant 0.000000e+00 : f32
      %broadcast_in_dim3A_2120 = vector.broadcast %jit3A_2118 : f32 to vector<16xf32>
      %broadcast_in_dim3A_2121 = vector.broadcast %jit3A_2119 : f32 to vector<16xf32>
      %select_n3A_2122 = arith.select %ge3A_2117, %broadcast_in_dim3A_2120, %broadcast_in_dim3A_2121 : vector<16xi1>, vector<16xf32>
      %swap3A_2123 = arith.constant 1 : i32
      %swap3A_2124 = arith.index_cast %swap3A_2123 : i32 to index
      %swap3A_2125 = arith.index_cast %mul3A_2111 : i32 to index
      %swap3A_2126 = tpu.vector_load %arg5[%swap3A_2124, %swap3A_2125] {strides = array<i32>} : memref<2x4096xf32, #tpu.memory_space<vmem>>, vector<1x16xf32>,
      %swap3A_2127 = vector.shape_cast %swap3A_2126 : vector<1x16xf32> to vector<16xf32>
      %swap3A_2128 = vector.shape_cast %select_n3A_2122 : vector<16xf32> to vector<1x16xf32>
      tpu.vector_store %arg5[%swap3A_2124, %swap3A_2125], %swap3A_2128 {strides = array<i32>} : memref<2x4096xf32, #tpu.memory_space<vmem>>, vector<1x16xf32>,
      %mul3A_2129 = arith.constant 8 : i32
      %mul3A_2130 = arith.muli %scan3A_1993, %mul3A_2129 : i32
      %add3A_2131 = arith.constant 6 : i32
      %add3A_2132 = arith.addi %mul3A_2130, %add3A_2131 : i32
      %mul3A_2133 = arith.constant 16 : i32
      %mul3A_2134 = arith.muli %add3A_2132, %mul3A_2133 : i32
      %get3A_2135 = arith.constant 1 : i32
      %get3A_2136 = arith.index_cast %get3A_2135 : i32 to index
      %get3A_2137 = arith.index_cast %mul3A_2134 : i32 to index
      %get3A_2138 = tpu.vector_load %arg4[%get3A_2136, %get3A_2137] {strides = array<i32>} : memref<2x4096xf32, #tpu.memory_space<vmem>>, vector<1x16xf32>,
      %get3A_2139 = vector.shape_cast %get3A_2138 : vector<1x16xf32> to vector<16xf32>
      %ge3A_2140 = arith.cmpf oge, %get3A_2139, %add3A_1984 : vector<16xf32>
      %jit3A_2141 = arith.constant 1.000000e+00 : f32
      %jit3A_2142 = arith.constant 0.000000e+00 : f32
      %broadcast_in_dim3A_2143 = vector.broadcast %jit3A_2141 : f32 to vector<16xf32>
      %broadcast_in_dim3A_2144 = vector.broadcast %jit3A_2142 : f32 to vector<16xf32>
      %select_n3A_2145 = arith.select %ge3A_2140, %broadcast_in_dim3A_2143, %broadcast_in_dim3A_2144 : vector<16xi1>, vector<16xf32>
      %swap3A_2146 = arith.constant 1 : i32
      %swap3A_2147 = arith.index_cast %swap3A_2146 : i32 to index
      %swap3A_2148 = arith.index_cast %mul3A_2134 : i32 to index
      %swap3A_2149 = tpu.vector_load %arg5[%swap3A_2147, %swap3A_2148] {strides = array<i32>} : memref<2x4096xf32, #tpu.memory_space<vmem>>, vector<1x16xf32>,
      %swap3A_2150 = vector.shape_cast %swap3A_2149 : vector<1x16xf32> to vector<16xf32>
      %swap3A_2151 = vector.shape_cast %select_n3A_2145 : vector<16xf32> to vector<1x16xf32>
      tpu.vector_store %arg5[%swap3A_2147, %swap3A_2148], %swap3A_2151 {strides = array<i32>} : memref<2x4096xf32, #tpu.memory_space<vmem>>, vector<1x16xf32>,
      %mul3A_2152 = arith.constant 8 : i32
      %mul3A_2153 = arith.muli %scan3A_1993, %mul3A_2152 : i32
      %add3A_2154 = arith.constant 7 : i32
      %add3A_2155 = arith.addi %mul3A_2153, %add3A_2154 : i32
      %mul3A_2156 = arith.constant 16 : i32
      %mul3A_2157 = arith.muli %add3A_2155, %mul3A_2156 : i32
      %get3A_2158 = arith.constant 1 : i32
      %get3A_2159 = arith.index_cast %get3A_2158 : i32 to index
      %get3A_2160 = arith.index_cast %mul3A_2157 : i32 to index
      %get3A_2161 = tpu.vector_load %arg4[%get3A_2159, %get3A_2160] {strides = array<i32>} : memref<2x4096xf32, #tpu.memory_space<vmem>>, vector<1x16xf32>,
      %get3A_2162 = vector.shape_cast %get3A_2161 : vector<1x16xf32> to vector<16xf32>
      %ge3A_2163 = arith.cmpf oge, %get3A_2162, %add3A_1984 : vector<16xf32>
      %jit3A_2164 = arith.constant 1.000000e+00 : f32
      %jit3A_2165 = arith.constant 0.000000e+00 : f32
      %broadcast_in_dim3A_2166 = vector.broadcast %jit3A_2164 : f32 to vector<16xf32>
      %broadcast_in_dim3A_2167 = vector.broadcast %jit3A_2165 : f32 to vector<16xf32>
      %select_n3A_2168 = arith.select %ge3A_2163, %broadcast_in_dim3A_2166, %broadcast_in_dim3A_2167 : vector<16xi1>, vector<16xf32>
      %swap3A_2169 = arith.constant 1 : i32
      %swap3A_2170 = arith.index_cast %swap3A_2169 : i32 to index
      %swap3A_2171 = arith.index_cast %mul3A_2157 : i32 to index
      %swap3A_2172 = tpu.vector_load %arg5[%swap3A_2170, %swap3A_2171] {strides = array<i32>} : memref<2x4096xf32, #tpu.memory_space<vmem>>, vector<1x16xf32>,
      %swap3A_2173 = vector.shape_cast %swap3A_2172 : vector<1x16xf32> to vector<16xf32>
      %swap3A_2174 = vector.shape_cast %select_n3A_2168 : vector<16xf32> to vector<1x16xf32>
      tpu.vector_store %arg5[%swap3A_2170, %swap3A_2171], %swap3A_2174 {strides = array<i32>} : memref<2x4096xf32, #tpu.memory_space<vmem>>, vector<1x16xf32>,
    }
    %scan3A_1992 = arith.constant 32 : i32
    "tpu.region"() ({
      %run_scoped3A = tpu.sem_alloc : memref<!tpu.dma_semaphore, #tpu.memory_space<semaphore_mem>>
      %dma_start3A = arith.constant 0 : i32
      %dma_start3A_1993 = tpu.memref_slice %arg3[%mul3A_2, %dma_start3A] : memref<64x4096xf32, #tpu.memory_space<hbm>> -> memref<2x4096xf32, #tpu.memory_space<hbm>>
      %dma_start3A_1994 = arith.constant 0 : i32
      %dma_start3A_1995 = tpu.memref_slice %arg3[%mul3A_2, %dma_start3A_1994] : memref<64x4096xf32, #tpu.memory_space<hbm>> -> memref<2x4096xf32, #tpu.memory_space<hbm>>
      tpu.enqueue_dma source(%arg5 : memref<2x4096xf32, #tpu.memory_space<vmem>>) target(%dma_start3A_1995 : memref<2x4096xf32, #tpu.memory_space<hbm>>) target_semaphore(%run_scoped3A : memref<!tpu.dma_semaphore, #tpu.memory_space<semaphore_mem>>)
      %dma_wait3A = arith.constant 0 : i32
      %dma_wait3A_1996 = tpu.memref_slice %arg3[%mul3A_2, %dma_wait3A] : memref<64x4096xf32, #tpu.memory_space<hbm>> -> memref<2x4096xf32, #tpu.memory_space<hbm>>
      %dma_wait3A_1997 = arith.constant 0 : i32
      %dma_wait3A_1998 = tpu.memref_slice %arg3[%mul3A_2, %dma_wait3A_1997] : memref<64x4096xf32, #tpu.memory_space<hbm>> -> memref<2x4096xf32, #tpu.memory_space<hbm>>
      tpu.wait_dma2 semaphore(%run_scoped3A : memref<!tpu.dma_semaphore, #tpu.memory_space<semaphore_mem>>) src(%arg5 : memref<2x4096xf32, #tpu.memory_space<vmem>>) dst(%dma_wait3A_1998 : memref<2x4096xf32, #tpu.memory_space<hbm>>)
      tpu.yield
    }) : () -> ()
    return
  }
}

module attributes {stable_mosaic.version = 14 : i64} {
  func.func @_scores_body(%arg0: i32, %arg1: memref<16x64x1024xf32, #tpu.memory_space<vmem>>, %arg2: memref<16x64x64xf32, #tpu.memory_space<vmem>>, %arg3: memref<16x64x128xf32, #tpu.memory_space<vmem>>, %arg4: memref<1216x64xf32, #tpu.memory_space<vmem>>, %arg5: memref<1x64xf32, #tpu.memory_space<vmem>>, %arg6: memref<64x4096xf32, #tpu.memory_space<vmem>>, %arg7: memref<1x4096xf32, #tpu.memory_space<vmem>>, %arg8: memref<64x4096xf32, #tpu.memory_space<vmem>>, %arg9: memref<64x1024xf32, #tpu.memory_space<vmem>>, %arg10: memref<64x64xf32, #tpu.memory_space<vmem>>, %arg11: memref<64x128xf32, #tpu.memory_space<vmem>>) attributes {dimension_semantics = [#tpu.dimension_semantics<arbitrary>], iteration_bounds = array<i64: 2>, scalar_prefetch = 0 : i64, scratch_operands = 3 : i64, tpu.core_type = #tpu.core_type<tc>, window_params = [{transform_indices = @transform_0, window_bounds = array<i64: 16, 64, 1024>}, {transform_indices = @transform_1, window_bounds = array<i64: 16, 64, 64>}, {transform_indices = @transform_2, window_bounds = array<i64: 16, 64, 128>}, {pipeline_mode = #tpu.pipeline_mode<synchronous>, transform_indices = @transform_3, window_bounds = array<i64: 1216, 64>}, {pipeline_mode = #tpu.pipeline_mode<synchronous>, transform_indices = @transform_4, window_bounds = array<i64: 1, 64>}, {pipeline_mode = #tpu.pipeline_mode<synchronous>, transform_indices = @transform_5, window_bounds = array<i64: 64, 4096>}, {pipeline_mode = #tpu.pipeline_mode<synchronous>, transform_indices = @transform_6, window_bounds = array<i64: 1, 4096>}, {pipeline_mode = #tpu.pipeline_mode<synchronous>, transform_indices = @transform_7, window_bounds = array<i64: 64, 4096>}]} {
    %eq3A = arith.constant 0 : i32
    %eq3A_0 = arith.cmpi eq, %arg0, %eq3A : i32
    %convert_element_type3A = arith.extui %eq3A_0 : i1 to i32
    %cond3A = arith.constant 0 : i32
    %cond3A_1 = arith.cmpi ne, %convert_element_type3A, %cond3A : i32
    scf.if %cond3A_1 {
      %broadcast_in_dim3A = arith.constant 0.000000e+00 : f32
      %broadcast_in_dim3A_310 = vector.broadcast %broadcast_in_dim3A : f32 to vector<64x1024xf32>
      %swap3A_311 = arith.constant 0 : index
      %swap3A_312 = arith.constant 0 : index
      %swap3A_313 = vector.load %arg9[%swap3A_311, %swap3A_312] : memref<64x1024xf32, #tpu.memory_space<vmem>>, vector<64x1024xf32>
      tpu.vector_store %arg9[%swap3A_311, %swap3A_312], %broadcast_in_dim3A_310 {strides = array<i32>} : memref<64x1024xf32, #tpu.memory_space<vmem>>, vector<64x1024xf32>,
      %broadcast_in_dim3A_314 = arith.constant 0.000000e+00 : f32
      %broadcast_in_dim3A_315 = vector.broadcast %broadcast_in_dim3A_314 : f32 to vector<64x64xf32>
      %swap3A_316 = arith.constant 0 : index
      %swap3A_317 = arith.constant 0 : index
      %swap3A_318 = vector.load %arg10[%swap3A_316, %swap3A_317] : memref<64x64xf32, #tpu.memory_space<vmem>>, vector<64x64xf32>
      tpu.vector_store %arg10[%swap3A_316, %swap3A_317], %broadcast_in_dim3A_315 {strides = array<i32>} : memref<64x64xf32, #tpu.memory_space<vmem>>, vector<64x64xf32>,
      %broadcast_in_dim3A_319 = arith.constant 0.000000e+00 : f32
      %broadcast_in_dim3A_320 = vector.broadcast %broadcast_in_dim3A_319 : f32 to vector<64x128xf32>
      %swap3A_321 = arith.constant 0 : index
      %swap3A_322 = arith.constant 0 : index
      %swap3A_323 = vector.load %arg11[%swap3A_321, %swap3A_322] : memref<64x128xf32, #tpu.memory_space<vmem>>, vector<64x128xf32>
      tpu.vector_store %arg11[%swap3A_321, %swap3A_322], %broadcast_in_dim3A_320 {strides = array<i32>} : memref<64x128xf32, #tpu.memory_space<vmem>>, vector<64x128xf32>,
    } else {
    }
    %get3A = arith.constant 0 : index
    %get3A_2 = arith.constant 0 : index
    %get3A_3 = vector.load %arg9[%get3A, %get3A_2] : memref<64x1024xf32, #tpu.memory_space<vmem>>, vector<64x1024xf32>
    %get3A_4 = arith.constant 0 : index
    %get3A_5 = arith.constant 0 : index
    %get3A_6 = vector.load %arg10[%get3A_4, %get3A_5] : memref<64x64xf32, #tpu.memory_space<vmem>>, vector<64x64xf32>
    %get3A_7 = arith.constant 0 : index
    %get3A_8 = arith.constant 0 : index
    %get3A_9 = vector.load %arg11[%get3A_7, %get3A_8] : memref<64x128xf32, #tpu.memory_space<vmem>>, vector<64x128xf32>
    %get3A_10 = arith.constant 0 : index
    %get3A_11 = arith.constant 0 : index
    %get3A_12 = arith.constant 0 : index
    %get3A_13 = vector.load %arg1[%get3A_10, %get3A_11, %get3A_12] : memref<16x64x1024xf32, #tpu.memory_space<vmem>>, vector<1x64x1024xf32>
    %get3A_14 = vector.shape_cast %get3A_13 : vector<1x64x1024xf32> to vector<64x1024xf32>
    %add3A = arith.addf %get3A_3, %get3A_14 : vector<64x1024xf32>
    %get3A_15 = arith.constant 0 : index
    %get3A_16 = arith.constant 0 : index
    %get3A_17 = arith.constant 0 : index
    %get3A_18 = vector.load %arg2[%get3A_15, %get3A_16, %get3A_17] : memref<16x64x64xf32, #tpu.memory_space<vmem>>, vector<1x64x64xf32>
    %get3A_19 = vector.shape_cast %get3A_18 : vector<1x64x64xf32> to vector<64x64xf32>
    %add3A_20 = arith.addf %get3A_6, %get3A_19 : vector<64x64xf32>
    %get3A_21 = arith.constant 0 : index
    %get3A_22 = arith.constant 0 : index
    %get3A_23 = arith.constant 0 : index
    %get3A_24 = vector.load %arg3[%get3A_21, %get3A_22, %get3A_23] : memref<16x64x128xf32, #tpu.memory_space<vmem>>, vector<1x64x128xf32>
    %get3A_25 = vector.shape_cast %get3A_24 : vector<1x64x128xf32> to vector<64x128xf32>
    %add3A_26 = arith.addf %get3A_9, %get3A_25 : vector<64x128xf32>
    %get3A_27 = arith.constant 1 : index
    %get3A_28 = arith.constant 0 : index
    %get3A_29 = arith.constant 0 : index
    %get3A_30 = vector.load %arg1[%get3A_27, %get3A_28, %get3A_29] : memref<16x64x1024xf32, #tpu.memory_space<vmem>>, vector<1x64x1024xf32>
    %get3A_31 = vector.shape_cast %get3A_30 : vector<1x64x1024xf32> to vector<64x1024xf32>
    %add3A_32 = arith.addf %add3A, %get3A_31 : vector<64x1024xf32>
    %get3A_33 = arith.constant 1 : index
    %get3A_34 = arith.constant 0 : index
    %get3A_35 = arith.constant 0 : index
    %get3A_36 = vector.load %arg2[%get3A_33, %get3A_34, %get3A_35] : memref<16x64x64xf32, #tpu.memory_space<vmem>>, vector<1x64x64xf32>
    %get3A_37 = vector.shape_cast %get3A_36 : vector<1x64x64xf32> to vector<64x64xf32>
    %add3A_38 = arith.addf %add3A_20, %get3A_37 : vector<64x64xf32>
    %get3A_39 = arith.constant 1 : index
    %get3A_40 = arith.constant 0 : index
    %get3A_41 = arith.constant 0 : index
    %get3A_42 = vector.load %arg3[%get3A_39, %get3A_40, %get3A_41] : memref<16x64x128xf32, #tpu.memory_space<vmem>>, vector<1x64x128xf32>
    %get3A_43 = vector.shape_cast %get3A_42 : vector<1x64x128xf32> to vector<64x128xf32>
    %add3A_44 = arith.addf %add3A_26, %get3A_43 : vector<64x128xf32>
    %get3A_45 = arith.constant 2 : index
    %get3A_46 = arith.constant 0 : index
    %get3A_47 = arith.constant 0 : index
    %get3A_48 = vector.load %arg1[%get3A_45, %get3A_46, %get3A_47] : memref<16x64x1024xf32, #tpu.memory_space<vmem>>, vector<1x64x1024xf32>
    %get3A_49 = vector.shape_cast %get3A_48 : vector<1x64x1024xf32> to vector<64x1024xf32>
    %add3A_50 = arith.addf %add3A_32, %get3A_49 : vector<64x1024xf32>
    %get3A_51 = arith.constant 2 : index
    %get3A_52 = arith.constant 0 : index
    %get3A_53 = arith.constant 0 : index
    %get3A_54 = vector.load %arg2[%get3A_51, %get3A_52, %get3A_53] : memref<16x64x64xf32, #tpu.memory_space<vmem>>, vector<1x64x64xf32>
    %get3A_55 = vector.shape_cast %get3A_54 : vector<1x64x64xf32> to vector<64x64xf32>
    %add3A_56 = arith.addf %add3A_38, %get3A_55 : vector<64x64xf32>
    %get3A_57 = arith.constant 2 : index
    %get3A_58 = arith.constant 0 : index
    %get3A_59 = arith.constant 0 : index
    %get3A_60 = vector.load %arg3[%get3A_57, %get3A_58, %get3A_59] : memref<16x64x128xf32, #tpu.memory_space<vmem>>, vector<1x64x128xf32>
    %get3A_61 = vector.shape_cast %get3A_60 : vector<1x64x128xf32> to vector<64x128xf32>
    %add3A_62 = arith.addf %add3A_44, %get3A_61 : vector<64x128xf32>
    %get3A_63 = arith.constant 3 : index
    %get3A_64 = arith.constant 0 : index
    %get3A_65 = arith.constant 0 : index
    %get3A_66 = vector.load %arg1[%get3A_63, %get3A_64, %get3A_65] : memref<16x64x1024xf32, #tpu.memory_space<vmem>>, vector<1x64x1024xf32>
    %get3A_67 = vector.shape_cast %get3A_66 : vector<1x64x1024xf32> to vector<64x1024xf32>
    %add3A_68 = arith.addf %add3A_50, %get3A_67 : vector<64x1024xf32>
    %get3A_69 = arith.constant 3 : index
    %get3A_70 = arith.constant 0 : index
    %get3A_71 = arith.constant 0 : index
    %get3A_72 = vector.load %arg2[%get3A_69, %get3A_70, %get3A_71] : memref<16x64x64xf32, #tpu.memory_space<vmem>>, vector<1x64x64xf32>
    %get3A_73 = vector.shape_cast %get3A_72 : vector<1x64x64xf32> to vector<64x64xf32>
    %add3A_74 = arith.addf %add3A_56, %get3A_73 : vector<64x64xf32>
    %get3A_75 = arith.constant 3 : index
    %get3A_76 = arith.constant 0 : index
    %get3A_77 = arith.constant 0 : index
    %get3A_78 = vector.load %arg3[%get3A_75, %get3A_76, %get3A_77] : memref<16x64x128xf32, #tpu.memory_space<vmem>>, vector<1x64x128xf32>
    %get3A_79 = vector.shape_cast %get3A_78 : vector<1x64x128xf32> to vector<64x128xf32>
    %add3A_80 = arith.addf %add3A_62, %get3A_79 : vector<64x128xf32>
    %get3A_81 = arith.constant 4 : index
    %get3A_82 = arith.constant 0 : index
    %get3A_83 = arith.constant 0 : index
    %get3A_84 = vector.load %arg1[%get3A_81, %get3A_82, %get3A_83] : memref<16x64x1024xf32, #tpu.memory_space<vmem>>, vector<1x64x1024xf32>
    %get3A_85 = vector.shape_cast %get3A_84 : vector<1x64x1024xf32> to vector<64x1024xf32>
    %add3A_86 = arith.addf %add3A_68, %get3A_85 : vector<64x1024xf32>
    %get3A_87 = arith.constant 4 : index
    %get3A_88 = arith.constant 0 : index
    %get3A_89 = arith.constant 0 : index
    %get3A_90 = vector.load %arg2[%get3A_87, %get3A_88, %get3A_89] : memref<16x64x64xf32, #tpu.memory_space<vmem>>, vector<1x64x64xf32>
    %get3A_91 = vector.shape_cast %get3A_90 : vector<1x64x64xf32> to vector<64x64xf32>
    %add3A_92 = arith.addf %add3A_74, %get3A_91 : vector<64x64xf32>
    %get3A_93 = arith.constant 4 : index
    %get3A_94 = arith.constant 0 : index
    %get3A_95 = arith.constant 0 : index
    %get3A_96 = vector.load %arg3[%get3A_93, %get3A_94, %get3A_95] : memref<16x64x128xf32, #tpu.memory_space<vmem>>, vector<1x64x128xf32>
    %get3A_97 = vector.shape_cast %get3A_96 : vector<1x64x128xf32> to vector<64x128xf32>
    %add3A_98 = arith.addf %add3A_80, %get3A_97 : vector<64x128xf32>
    %get3A_99 = arith.constant 5 : index
    %get3A_100 = arith.constant 0 : index
    %get3A_101 = arith.constant 0 : index
    %get3A_102 = vector.load %arg1[%get3A_99, %get3A_100, %get3A_101] : memref<16x64x1024xf32, #tpu.memory_space<vmem>>, vector<1x64x1024xf32>
    %get3A_103 = vector.shape_cast %get3A_102 : vector<1x64x1024xf32> to vector<64x1024xf32>
    %add3A_104 = arith.addf %add3A_86, %get3A_103 : vector<64x1024xf32>
    %get3A_105 = arith.constant 5 : index
    %get3A_106 = arith.constant 0 : index
    %get3A_107 = arith.constant 0 : index
    %get3A_108 = vector.load %arg2[%get3A_105, %get3A_106, %get3A_107] : memref<16x64x64xf32, #tpu.memory_space<vmem>>, vector<1x64x64xf32>
    %get3A_109 = vector.shape_cast %get3A_108 : vector<1x64x64xf32> to vector<64x64xf32>
    %add3A_110 = arith.addf %add3A_92, %get3A_109 : vector<64x64xf32>
    %get3A_111 = arith.constant 5 : index
    %get3A_112 = arith.constant 0 : index
    %get3A_113 = arith.constant 0 : index
    %get3A_114 = vector.load %arg3[%get3A_111, %get3A_112, %get3A_113] : memref<16x64x128xf32, #tpu.memory_space<vmem>>, vector<1x64x128xf32>
    %get3A_115 = vector.shape_cast %get3A_114 : vector<1x64x128xf32> to vector<64x128xf32>
    %add3A_116 = arith.addf %add3A_98, %get3A_115 : vector<64x128xf32>
    %get3A_117 = arith.constant 6 : index
    %get3A_118 = arith.constant 0 : index
    %get3A_119 = arith.constant 0 : index
    %get3A_120 = vector.load %arg1[%get3A_117, %get3A_118, %get3A_119] : memref<16x64x1024xf32, #tpu.memory_space<vmem>>, vector<1x64x1024xf32>
    %get3A_121 = vector.shape_cast %get3A_120 : vector<1x64x1024xf32> to vector<64x1024xf32>
    %add3A_122 = arith.addf %add3A_104, %get3A_121 : vector<64x1024xf32>
    %get3A_123 = arith.constant 6 : index
    %get3A_124 = arith.constant 0 : index
    %get3A_125 = arith.constant 0 : index
    %get3A_126 = vector.load %arg2[%get3A_123, %get3A_124, %get3A_125] : memref<16x64x64xf32, #tpu.memory_space<vmem>>, vector<1x64x64xf32>
    %get3A_127 = vector.shape_cast %get3A_126 : vector<1x64x64xf32> to vector<64x64xf32>
    %add3A_128 = arith.addf %add3A_110, %get3A_127 : vector<64x64xf32>
    %get3A_129 = arith.constant 6 : index
    %get3A_130 = arith.constant 0 : index
    %get3A_131 = arith.constant 0 : index
    %get3A_132 = vector.load %arg3[%get3A_129, %get3A_130, %get3A_131] : memref<16x64x128xf32, #tpu.memory_space<vmem>>, vector<1x64x128xf32>
    %get3A_133 = vector.shape_cast %get3A_132 : vector<1x64x128xf32> to vector<64x128xf32>
    %add3A_134 = arith.addf %add3A_116, %get3A_133 : vector<64x128xf32>
    %get3A_135 = arith.constant 7 : index
    %get3A_136 = arith.constant 0 : index
    %get3A_137 = arith.constant 0 : index
    %get3A_138 = vector.load %arg1[%get3A_135, %get3A_136, %get3A_137] : memref<16x64x1024xf32, #tpu.memory_space<vmem>>, vector<1x64x1024xf32>
    %get3A_139 = vector.shape_cast %get3A_138 : vector<1x64x1024xf32> to vector<64x1024xf32>
    %add3A_140 = arith.addf %add3A_122, %get3A_139 : vector<64x1024xf32>
    %get3A_141 = arith.constant 7 : index
    %get3A_142 = arith.constant 0 : index
    %get3A_143 = arith.constant 0 : index
    %get3A_144 = vector.load %arg2[%get3A_141, %get3A_142, %get3A_143] : memref<16x64x64xf32, #tpu.memory_space<vmem>>, vector<1x64x64xf32>
    %get3A_145 = vector.shape_cast %get3A_144 : vector<1x64x64xf32> to vector<64x64xf32>
    %add3A_146 = arith.addf %add3A_128, %get3A_145 : vector<64x64xf32>
    %get3A_147 = arith.constant 7 : index
    %get3A_148 = arith.constant 0 : index
    %get3A_149 = arith.constant 0 : index
    %get3A_150 = vector.load %arg3[%get3A_147, %get3A_148, %get3A_149] : memref<16x64x128xf32, #tpu.memory_space<vmem>>, vector<1x64x128xf32>
    %get3A_151 = vector.shape_cast %get3A_150 : vector<1x64x128xf32> to vector<64x128xf32>
    %add3A_152 = arith.addf %add3A_134, %get3A_151 : vector<64x128xf32>
    %get3A_153 = arith.constant 8 : index
    %get3A_154 = arith.constant 0 : index
    %get3A_155 = arith.constant 0 : index
    %get3A_156 = vector.load %arg1[%get3A_153, %get3A_154, %get3A_155] : memref<16x64x1024xf32, #tpu.memory_space<vmem>>, vector<1x64x1024xf32>
    %get3A_157 = vector.shape_cast %get3A_156 : vector<1x64x1024xf32> to vector<64x1024xf32>
    %add3A_158 = arith.addf %add3A_140, %get3A_157 : vector<64x1024xf32>
    %get3A_159 = arith.constant 8 : index
    %get3A_160 = arith.constant 0 : index
    %get3A_161 = arith.constant 0 : index
    %get3A_162 = vector.load %arg2[%get3A_159, %get3A_160, %get3A_161] : memref<16x64x64xf32, #tpu.memory_space<vmem>>, vector<1x64x64xf32>
    %get3A_163 = vector.shape_cast %get3A_162 : vector<1x64x64xf32> to vector<64x64xf32>
    %add3A_164 = arith.addf %add3A_146, %get3A_163 : vector<64x64xf32>
    %get3A_165 = arith.constant 8 : index
    %get3A_166 = arith.constant 0 : index
    %get3A_167 = arith.constant 0 : index
    %get3A_168 = vector.load %arg3[%get3A_165, %get3A_166, %get3A_167] : memref<16x64x128xf32, #tpu.memory_space<vmem>>, vector<1x64x128xf32>
    %get3A_169 = vector.shape_cast %get3A_168 : vector<1x64x128xf32> to vector<64x128xf32>
    %add3A_170 = arith.addf %add3A_152, %get3A_169 : vector<64x128xf32>
    %get3A_171 = arith.constant 9 : index
    %get3A_172 = arith.constant 0 : index
    %get3A_173 = arith.constant 0 : index
    %get3A_174 = vector.load %arg1[%get3A_171, %get3A_172, %get3A_173] : memref<16x64x1024xf32, #tpu.memory_space<vmem>>, vector<1x64x1024xf32>
    %get3A_175 = vector.shape_cast %get3A_174 : vector<1x64x1024xf32> to vector<64x1024xf32>
    %add3A_176 = arith.addf %add3A_158, %get3A_175 : vector<64x1024xf32>
    %get3A_177 = arith.constant 9 : index
    %get3A_178 = arith.constant 0 : index
    %get3A_179 = arith.constant 0 : index
    %get3A_180 = vector.load %arg2[%get3A_177, %get3A_178, %get3A_179] : memref<16x64x64xf32, #tpu.memory_space<vmem>>, vector<1x64x64xf32>
    %get3A_181 = vector.shape_cast %get3A_180 : vector<1x64x64xf32> to vector<64x64xf32>
    %add3A_182 = arith.addf %add3A_164, %get3A_181 : vector<64x64xf32>
    %get3A_183 = arith.constant 9 : index
    %get3A_184 = arith.constant 0 : index
    %get3A_185 = arith.constant 0 : index
    %get3A_186 = vector.load %arg3[%get3A_183, %get3A_184, %get3A_185] : memref<16x64x128xf32, #tpu.memory_space<vmem>>, vector<1x64x128xf32>
    %get3A_187 = vector.shape_cast %get3A_186 : vector<1x64x128xf32> to vector<64x128xf32>
    %add3A_188 = arith.addf %add3A_170, %get3A_187 : vector<64x128xf32>
    %get3A_189 = arith.constant 10 : index
    %get3A_190 = arith.constant 0 : index
    %get3A_191 = arith.constant 0 : index
    %get3A_192 = vector.load %arg1[%get3A_189, %get3A_190, %get3A_191] : memref<16x64x1024xf32, #tpu.memory_space<vmem>>, vector<1x64x1024xf32>
    %get3A_193 = vector.shape_cast %get3A_192 : vector<1x64x1024xf32> to vector<64x1024xf32>
    %add3A_194 = arith.addf %add3A_176, %get3A_193 : vector<64x1024xf32>
    %get3A_195 = arith.constant 10 : index
    %get3A_196 = arith.constant 0 : index
    %get3A_197 = arith.constant 0 : index
    %get3A_198 = vector.load %arg2[%get3A_195, %get3A_196, %get3A_197] : memref<16x64x64xf32, #tpu.memory_space<vmem>>, vector<1x64x64xf32>
    %get3A_199 = vector.shape_cast %get3A_198 : vector<1x64x64xf32> to vector<64x64xf32>
    %add3A_200 = arith.addf %add3A_182, %get3A_199 : vector<64x64xf32>
    %get3A_201 = arith.constant 10 : index
    %get3A_202 = arith.constant 0 : index
    %get3A_203 = arith.constant 0 : index
    %get3A_204 = vector.load %arg3[%get3A_201, %get3A_202, %get3A_203] : memref<16x64x128xf32, #tpu.memory_space<vmem>>, vector<1x64x128xf32>
    %get3A_205 = vector.shape_cast %get3A_204 : vector<1x64x128xf32> to vector<64x128xf32>
    %add3A_206 = arith.addf %add3A_188, %get3A_205 : vector<64x128xf32>
    %get3A_207 = arith.constant 11 : index
    %get3A_208 = arith.constant 0 : index
    %get3A_209 = arith.constant 0 : index
    %get3A_210 = vector.load %arg1[%get3A_207, %get3A_208, %get3A_209] : memref<16x64x1024xf32, #tpu.memory_space<vmem>>, vector<1x64x1024xf32>
    %get3A_211 = vector.shape_cast %get3A_210 : vector<1x64x1024xf32> to vector<64x1024xf32>
    %add3A_212 = arith.addf %add3A_194, %get3A_211 : vector<64x1024xf32>
    %get3A_213 = arith.constant 11 : index
    %get3A_214 = arith.constant 0 : index
    %get3A_215 = arith.constant 0 : index
    %get3A_216 = vector.load %arg2[%get3A_213, %get3A_214, %get3A_215] : memref<16x64x64xf32, #tpu.memory_space<vmem>>, vector<1x64x64xf32>
    %get3A_217 = vector.shape_cast %get3A_216 : vector<1x64x64xf32> to vector<64x64xf32>
    %add3A_218 = arith.addf %add3A_200, %get3A_217 : vector<64x64xf32>
    %get3A_219 = arith.constant 11 : index
    %get3A_220 = arith.constant 0 : index
    %get3A_221 = arith.constant 0 : index
    %get3A_222 = vector.load %arg3[%get3A_219, %get3A_220, %get3A_221] : memref<16x64x128xf32, #tpu.memory_space<vmem>>, vector<1x64x128xf32>
    %get3A_223 = vector.shape_cast %get3A_222 : vector<1x64x128xf32> to vector<64x128xf32>
    %add3A_224 = arith.addf %add3A_206, %get3A_223 : vector<64x128xf32>
    %get3A_225 = arith.constant 12 : index
    %get3A_226 = arith.constant 0 : index
    %get3A_227 = arith.constant 0 : index
    %get3A_228 = vector.load %arg1[%get3A_225, %get3A_226, %get3A_227] : memref<16x64x1024xf32, #tpu.memory_space<vmem>>, vector<1x64x1024xf32>
    %get3A_229 = vector.shape_cast %get3A_228 : vector<1x64x1024xf32> to vector<64x1024xf32>
    %add3A_230 = arith.addf %add3A_212, %get3A_229 : vector<64x1024xf32>
    %get3A_231 = arith.constant 12 : index
    %get3A_232 = arith.constant 0 : index
    %get3A_233 = arith.constant 0 : index
    %get3A_234 = vector.load %arg2[%get3A_231, %get3A_232, %get3A_233] : memref<16x64x64xf32, #tpu.memory_space<vmem>>, vector<1x64x64xf32>
    %get3A_235 = vector.shape_cast %get3A_234 : vector<1x64x64xf32> to vector<64x64xf32>
    %add3A_236 = arith.addf %add3A_218, %get3A_235 : vector<64x64xf32>
    %get3A_237 = arith.constant 12 : index
    %get3A_238 = arith.constant 0 : index
    %get3A_239 = arith.constant 0 : index
    %get3A_240 = vector.load %arg3[%get3A_237, %get3A_238, %get3A_239] : memref<16x64x128xf32, #tpu.memory_space<vmem>>, vector<1x64x128xf32>
    %get3A_241 = vector.shape_cast %get3A_240 : vector<1x64x128xf32> to vector<64x128xf32>
    %add3A_242 = arith.addf %add3A_224, %get3A_241 : vector<64x128xf32>
    %get3A_243 = arith.constant 13 : index
    %get3A_244 = arith.constant 0 : index
    %get3A_245 = arith.constant 0 : index
    %get3A_246 = vector.load %arg1[%get3A_243, %get3A_244, %get3A_245] : memref<16x64x1024xf32, #tpu.memory_space<vmem>>, vector<1x64x1024xf32>
    %get3A_247 = vector.shape_cast %get3A_246 : vector<1x64x1024xf32> to vector<64x1024xf32>
    %add3A_248 = arith.addf %add3A_230, %get3A_247 : vector<64x1024xf32>
    %get3A_249 = arith.constant 13 : index
    %get3A_250 = arith.constant 0 : index
    %get3A_251 = arith.constant 0 : index
    %get3A_252 = vector.load %arg2[%get3A_249, %get3A_250, %get3A_251] : memref<16x64x64xf32, #tpu.memory_space<vmem>>, vector<1x64x64xf32>
    %get3A_253 = vector.shape_cast %get3A_252 : vector<1x64x64xf32> to vector<64x64xf32>
    %add3A_254 = arith.addf %add3A_236, %get3A_253 : vector<64x64xf32>
    %get3A_255 = arith.constant 13 : index
    %get3A_256 = arith.constant 0 : index
    %get3A_257 = arith.constant 0 : index
    %get3A_258 = vector.load %arg3[%get3A_255, %get3A_256, %get3A_257] : memref<16x64x128xf32, #tpu.memory_space<vmem>>, vector<1x64x128xf32>
    %get3A_259 = vector.shape_cast %get3A_258 : vector<1x64x128xf32> to vector<64x128xf32>
    %add3A_260 = arith.addf %add3A_242, %get3A_259 : vector<64x128xf32>
    %get3A_261 = arith.constant 14 : index
    %get3A_262 = arith.constant 0 : index
    %get3A_263 = arith.constant 0 : index
    %get3A_264 = vector.load %arg1[%get3A_261, %get3A_262, %get3A_263] : memref<16x64x1024xf32, #tpu.memory_space<vmem>>, vector<1x64x1024xf32>
    %get3A_265 = vector.shape_cast %get3A_264 : vector<1x64x1024xf32> to vector<64x1024xf32>
    %add3A_266 = arith.addf %add3A_248, %get3A_265 : vector<64x1024xf32>
    %get3A_267 = arith.constant 14 : index
    %get3A_268 = arith.constant 0 : index
    %get3A_269 = arith.constant 0 : index
    %get3A_270 = vector.load %arg2[%get3A_267, %get3A_268, %get3A_269] : memref<16x64x64xf32, #tpu.memory_space<vmem>>, vector<1x64x64xf32>
    %get3A_271 = vector.shape_cast %get3A_270 : vector<1x64x64xf32> to vector<64x64xf32>
    %add3A_272 = arith.addf %add3A_254, %get3A_271 : vector<64x64xf32>
    %get3A_273 = arith.constant 14 : index
    %get3A_274 = arith.constant 0 : index
    %get3A_275 = arith.constant 0 : index
    %get3A_276 = vector.load %arg3[%get3A_273, %get3A_274, %get3A_275] : memref<16x64x128xf32, #tpu.memory_space<vmem>>, vector<1x64x128xf32>
    %get3A_277 = vector.shape_cast %get3A_276 : vector<1x64x128xf32> to vector<64x128xf32>
    %add3A_278 = arith.addf %add3A_260, %get3A_277 : vector<64x128xf32>
    %get3A_279 = arith.constant 15 : index
    %get3A_280 = arith.constant 0 : index
    %get3A_281 = arith.constant 0 : index
    %get3A_282 = vector.load %arg1[%get3A_279, %get3A_280, %get3A_281] : memref<16x64x1024xf32, #tpu.memory_space<vmem>>, vector<1x64x1024xf32>
    %get3A_283 = vector.shape_cast %get3A_282 : vector<1x64x1024xf32> to vector<64x1024xf32>
    %add3A_284 = arith.addf %add3A_266, %get3A_283 : vector<64x1024xf32>
    %get3A_285 = arith.constant 15 : index
    %get3A_286 = arith.constant 0 : index
    %get3A_287 = arith.constant 0 : index
    %get3A_288 = vector.load %arg2[%get3A_285, %get3A_286, %get3A_287] : memref<16x64x64xf32, #tpu.memory_space<vmem>>, vector<1x64x64xf32>
    %get3A_289 = vector.shape_cast %get3A_288 : vector<1x64x64xf32> to vector<64x64xf32>
    %add3A_290 = arith.addf %add3A_272, %get3A_289 : vector<64x64xf32>
    %get3A_291 = arith.constant 15 : index
    %get3A_292 = arith.constant 0 : index
    %get3A_293 = arith.constant 0 : index
    %get3A_294 = vector.load %arg3[%get3A_291, %get3A_292, %get3A_293] : memref<16x64x128xf32, #tpu.memory_space<vmem>>, vector<1x64x128xf32>
    %get3A_295 = vector.shape_cast %get3A_294 : vector<1x64x128xf32> to vector<64x128xf32>
    %add3A_296 = arith.addf %add3A_278, %get3A_295 : vector<64x128xf32>
    %swap3A = arith.constant 0 : index
    %swap3A_297 = arith.constant 0 : index
    %swap3A_298 = vector.load %arg9[%swap3A, %swap3A_297] : memref<64x1024xf32, #tpu.memory_space<vmem>>, vector<64x1024xf32>
    tpu.vector_store %arg9[%swap3A, %swap3A_297], %add3A_284 {strides = array<i32>} : memref<64x1024xf32, #tpu.memory_space<vmem>>, vector<64x1024xf32>,
    %swap3A_299 = arith.constant 0 : index
    %swap3A_300 = arith.constant 0 : index
    %swap3A_301 = vector.load %arg10[%swap3A_299, %swap3A_300] : memref<64x64xf32, #tpu.memory_space<vmem>>, vector<64x64xf32>
    tpu.vector_store %arg10[%swap3A_299, %swap3A_300], %add3A_290 {strides = array<i32>} : memref<64x64xf32, #tpu.memory_space<vmem>>, vector<64x64xf32>,
    %swap3A_302 = arith.constant 0 : index
    %swap3A_303 = arith.constant 0 : index
    %swap3A_304 = vector.load %arg11[%swap3A_302, %swap3A_303] : memref<64x128xf32, #tpu.memory_space<vmem>>, vector<64x128xf32>
    tpu.vector_store %arg11[%swap3A_302, %swap3A_303], %add3A_296 {strides = array<i32>} : memref<64x128xf32, #tpu.memory_space<vmem>>, vector<64x128xf32>,
    %eq3A_305 = arith.constant 1 : i32
    %eq3A_306 = arith.cmpi eq, %arg0, %eq3A_305 : i32
    %convert_element_type3A_307 = arith.extui %eq3A_306 : i1 to i32
    %cond3A_308 = arith.constant 0 : i32
    %cond3A_309 = arith.cmpi ne, %convert_element_type3A_307, %cond3A_308 : i32
    scf.if %cond3A_309 {
      %get3A_310 = arith.constant 0 : index
      %get3A_311 = arith.constant 0 : index
      %get3A_312 = vector.load %arg9[%get3A_310, %get3A_311] : memref<64x1024xf32, #tpu.memory_space<vmem>>, vector<64x1024xf32>
      %mul3A = arith.constant 3.125000e-02 : f32
      %mul3A_313 = vector.broadcast %mul3A : f32 to vector<64x1024xf32>
      %mul3A_314 = arith.mulf %get3A_312, %mul3A_313 : vector<64x1024xf32>
      %get3A_315 = arith.constant 0 : index
      %get3A_316 = arith.constant 0 : index
      %get3A_317 = vector.load %arg10[%get3A_315, %get3A_316] : memref<64x64xf32, #tpu.memory_space<vmem>>, vector<64x64xf32>
      %mul3A_318 = arith.constant 3.125000e-02 : f32
      %mul3A_319 = vector.broadcast %mul3A_318 : f32 to vector<64x64xf32>
      %mul3A_320 = arith.mulf %get3A_317, %mul3A_319 : vector<64x64xf32>
      %get3A_321 = arith.constant 0 : index
      %get3A_322 = arith.constant 0 : index
      %get3A_323 = vector.load %arg11[%get3A_321, %get3A_322] : memref<64x128xf32, #tpu.memory_space<vmem>>, vector<64x128xf32>
      %mul3A_324 = arith.constant 3.125000e-02 : f32
      %mul3A_325 = vector.broadcast %mul3A_324 : f32 to vector<64x128xf32>
      %mul3A_326 = arith.mulf %get3A_323, %mul3A_325 : vector<64x128xf32>
      %get3A_327 = arith.constant 0 : index
      %get3A_328 = arith.constant 0 : index
      %get3A_329 = vector.load %arg4[%get3A_327, %get3A_328] : memref<1216x64xf32, #tpu.memory_space<vmem>>, vector<1216x64xf32>
      %slice3A = vector.extract_strided_slice %get3A_329 {offsets = [0, 0], sizes = [1024, 64], strides = [1, 1]} : vector<1216x64xf32> to vector<1024x64xf32>
      %dot_general3A = arith.constant dense<0.000000e+00> : vector<64x64xf32>
      %dot_general3A_330 = tpu.matmul %mul3A_314, %slice3A, %dot_general3A {dimension_numbers = #tpu.dot_dimension_numbers<[1], [0], [0], [1], [0, 0, 1, 1], [], []>, transpose_lhs_hint = false} : vector<64x1024xf32>, vector<1024x64xf32>, vector<64x64xf32> -> vector<64x64xf32>
      %slice3A_331 = vector.extract_strided_slice %get3A_329 {offsets = [1024, 0], sizes = [64, 64], strides = [1, 1]} : vector<1216x64xf32> to vector<64x64xf32>
      %dot_general3A_332 = arith.constant dense<0.000000e+00> : vector<64x64xf32>
      %dot_general3A_333 = tpu.matmul %mul3A_320, %slice3A_331, %dot_general3A_332 {dimension_numbers = #tpu.dot_dimension_numbers<[1], [0], [0], [1], [0, 0, 1, 1], [], []>, transpose_lhs_hint = false} : vector<64x64xf32>, vector<64x64xf32>, vector<64x64xf32> -> vector<64x64xf32>
      %add3A_334 = arith.addf %dot_general3A_330, %dot_general3A_333 : vector<64x64xf32>
      %slice3A_335 = vector.extract_strided_slice %get3A_329 {offsets = [1088, 0], sizes = [128, 64], strides = [1, 1]} : vector<1216x64xf32> to vector<128x64xf32>
      %dot_general3A_336 = arith.constant dense<0.000000e+00> : vector<64x64xf32>
      %dot_general3A_337 = tpu.matmul %mul3A_326, %slice3A_335, %dot_general3A_336 {dimension_numbers = #tpu.dot_dimension_numbers<[1], [0], [0], [1], [0, 0, 1, 1], [], []>, transpose_lhs_hint = false} : vector<64x128xf32>, vector<128x64xf32>, vector<64x64xf32> -> vector<64x64xf32>
      %add3A_338 = arith.addf %add3A_334, %dot_general3A_337 : vector<64x64xf32>
      %get3A_339 = arith.constant 0 : index
      %get3A_340 = arith.constant 0 : index
      %get3A_341 = vector.load %arg5[%get3A_339, %get3A_340] : memref<1x64xf32, #tpu.memory_space<vmem>>, vector<1x64xf32>
      %add3A_342 = vector.broadcast %get3A_341 : vector<1x64xf32> to vector<64x64xf32>
      %add3A_343 = arith.addf %add3A_338, %add3A_342 : vector<64x64xf32>
      %max3A = arith.constant 0.000000e+00 : f32
      %max3A_344 = vector.broadcast %max3A : f32 to vector<64x64xf32>
      %max3A_345 = arith.maximumf %add3A_343, %max3A_344 : vector<64x64xf32>
      %get3A_346 = arith.constant 0 : index
      %get3A_347 = arith.constant 0 : index
      %get3A_348 = vector.load %arg6[%get3A_346, %get3A_347] : memref<64x4096xf32, #tpu.memory_space<vmem>>, vector<64x4096xf32>
      %dot_general3A_349 = arith.constant dense<0.000000e+00> : vector<64x4096xf32>
      %dot_general3A_350 = tpu.matmul %max3A_345, %get3A_348, %dot_general3A_349 {dimension_numbers = #tpu.dot_dimension_numbers<[1], [0], [0], [1], [0, 0, 1, 1], [], []>, transpose_lhs_hint = false} : vector<64x64xf32>, vector<64x4096xf32>, vector<64x4096xf32> -> vector<64x4096xf32>
      %get3A_351 = arith.constant 0 : index
      %get3A_352 = arith.constant 0 : index
      %get3A_353 = vector.load %arg7[%get3A_351, %get3A_352] : memref<1x4096xf32, #tpu.memory_space<vmem>>, vector<1x4096xf32>
      %add3A_354 = vector.broadcast %get3A_353 : vector<1x4096xf32> to vector<64x4096xf32>
      %add3A_355 = arith.addf %dot_general3A_350, %add3A_354 : vector<64x4096xf32>
      %swap3A_356 = arith.constant 0 : index
      %swap3A_357 = arith.constant 0 : index
      %swap3A_358 = vector.load %arg8[%swap3A_356, %swap3A_357] : memref<64x4096xf32, #tpu.memory_space<vmem>>, vector<64x4096xf32>
      tpu.vector_store %arg8[%swap3A_356, %swap3A_357], %add3A_355 {strides = array<i32>} : memref<64x4096xf32, #tpu.memory_space<vmem>>, vector<64x4096xf32>,
    } else {
    }
    return
  }
  func.func @transform_0(%arg0: i32) -> (i32, i32, i32) {
    %c0_i32 = arith.constant 0 : i32
    %c0_i32_0 = arith.constant 0 : i32
    %c0_i32_1 = arith.constant 0 : i32
    return %arg0, %c0_i32, %c0_i32_0 : i32, i32, i32
  }
  func.func @transform_1(%arg0: i32) -> (i32, i32, i32) {
    %c0_i32 = arith.constant 0 : i32
    %c0_i32_0 = arith.constant 0 : i32
    %c0_i32_1 = arith.constant 0 : i32
    return %arg0, %c0_i32, %c0_i32_0 : i32, i32, i32
  }
  func.func @transform_2(%arg0: i32) -> (i32, i32, i32) {
    %c0_i32 = arith.constant 0 : i32
    %c0_i32_0 = arith.constant 0 : i32
    %c0_i32_1 = arith.constant 0 : i32
    return %arg0, %c0_i32, %c0_i32_0 : i32, i32, i32
  }
  func.func @transform_3(%arg0: i32) -> (i32, i32) {
    %c0_i32 = arith.constant 0 : i32
    %c0_i32_0 = arith.constant 0 : i32
    %c0_i32_1 = arith.constant 0 : i32
    return %c0_i32, %c0_i32_0 : i32, i32
  }
  func.func @transform_4(%arg0: i32) -> (i32, i32) {
    %c0_i32 = arith.constant 0 : i32
    %c0_i32_0 = arith.constant 0 : i32
    %c0_i32_1 = arith.constant 0 : i32
    return %c0_i32, %c0_i32_0 : i32, i32
  }
  func.func @transform_5(%arg0: i32) -> (i32, i32) {
    %c0_i32 = arith.constant 0 : i32
    %c0_i32_0 = arith.constant 0 : i32
    %c0_i32_1 = arith.constant 0 : i32
    return %c0_i32, %c0_i32_0 : i32, i32
  }
  func.func @transform_6(%arg0: i32) -> (i32, i32) {
    %c0_i32 = arith.constant 0 : i32
    %c0_i32_0 = arith.constant 0 : i32
    %c0_i32_1 = arith.constant 0 : i32
    return %c0_i32, %c0_i32_0 : i32, i32
  }
  func.func @transform_7(%arg0: i32) -> (i32, i32) {
    %c0_i32 = arith.constant 0 : i32
    %c0_i32_0 = arith.constant 0 : i32
    %c0_i32_1 = arith.constant 0 : i32
    return %c0_i32, %c0_i32_0 : i32, i32
  }
}

</mosaic_0001>

<sc_bundles>
// kernel: kernel.4.cloned.1.call-start
scs
__scs_entry_jumppad:
0x0: {  	(pc) =	sbr.rel $0x88, $3  }
0x1: {  	(tag) =	ssettag $0x0;
	lr =	simm.s32 $0x1  }
0x2: {  	[smem:$0x3F9A] =	sst lr;
	_ =	strace $0xD0000000  }
0x3: {  	_ = 	snop  }
0x4: {  	_ = 	snop  }
0x5: {  	_ = 	snop  }
0x6: {  	_ = 	snop  }
0x7: {  	_ = 	snop  }
__scs_overlays_trampoline_lowered:
0x8: {  	[smem:$0x3FA9] =	sst s0  }
0x9: {  	[smem:$0x3FAA] =	sst s1  }
0xa: {  	[smem:$0x3FAB] =	sst s2  }
0xb: {  	[smem:$0x3FAC] =	sst s3  }
0xc: {  	[smem:$0x3FAD] =	sst s4  }
0xd: {  	[smem:$0x3FAE] =	sst s5  }
0xe: {  	[smem:$0x3FAF] =	sst s6  }
0xf: {  	[smem:$0x3FB0] =	sst s7  }
0x10: {  	[smem:$0x3FB1] =	sst s8  }
0x11: {  	[smem:$0x3FB2] =	sst s9;
	s0 =	simm.s32 @!p0 $0x0  }
0x12: {  	s1 =	sld [smem:$0x3F98];
	s0 =	simm.s32 @p0 $0x1  }
0x13: {  	[smem:$0x3FB3] =	sst s0;
	s0 =	simm.s32 @!p1 $0x0  }
0x14: {  	s2 =	sld [smem:$0x3F97];
	s0 =	simm.s32 @p1 $0x1  }
0x15: {  	[smem:$0x3FB4] =	sst s0;
	s0 =	simm.s32 @!p2 $0x0  }
0x16: {  	s3 =	sld [smem:$0x3FDB];
	s0 =	simm.s32 @p2 $0x1  }
0x17: {  	s4 =	simm.s32 $0x1BF5;
	[smem:$0x3FB6] =	sst s0  }
0x18: {  	s0 =	sld [smem:$0x3F99];
	_ =	swait.ge [sflag:s4], $0x0  }
0x19: {  	s7 =	sld [smem:$0x3F9A]  }
0x1a: {  	s8 =	sadd.s32 $0xFFFFE003, lr  }
0x1b: {  	s9 =	sadd.s32 $0xFFFFFEF7, lr;
	s5 =	simm.s32 $0xFFFFFFFF;
	p2 =	slt.u32 s8, $0xFFFFF086  }
0x1c: {  	p1 =	slt.u32 s9, $0xF7A;
	s5 =	simm.s32 @!p2 $0x0  }
0x1d: {  	s5 =	simm.s32 @p1 $0x1;
	p0 =	seq.s32 s7, s2  }
0x1e: {  	s7 =	smul.u32 @!p0 $0xF7A, s2;
	p2 =	seq.s32 @!p0 s5, $0x0  }
0x1f: {  	s9 =	smul.u32 $0xF7A, s1;
	s8 =	simm.s32 @!p0 $0x1BF5;
	p2 =	por !p2, p0  }
0x20: {  	[sflag:s8] =	ssyncset.s32 @!p0 $0xFFFFF086;
	s6 =	sadd.s32 @!p0 s3, s7;
	s7 =	simm.s32 @!p0 $0x108  }
0x21: {  	s3 =	sadd.s32 s3, s9;
	s6 =	sadd.s32 @!p0 $0x88, s6;
	s7 =	simm.s32 @p2 $0x1082  }
0x22: {  	[simem:s7], [sflag:s8] =	dma.local @!p0 [hbm:s6], $0xF7A  }
0x23: {  	s9 =	sor.u32 $0xD0000000, s2;
	s6 =	simm.s32 $0x108;
	_ =	swait.ge @!p0 [sflag:s8], $0x0  }
0x24: {  	s3 =	sadd.s32 $0x88, s3;
	s6 =	simm.s32 @!p1 $0x1082;
	[sflag:s4] =	ssyncset.s32 $0xFFFFF086  }
0x25: {  	[simem:s6], [sflag:s4] =	dma.local [hbm:s3], $0xF7A  }
0x26: {  	[smem:$0x3F9A] =	sst s1;
	(tag) =	ssettag s2;
	_ =	strace s9  }
0x27: {  	s1 =	sld [smem:$0x3FAA]  }
0x28: {  	s2 =	sld [smem:$0x3FAB]  }
0x29: {  	s4 =	sld [smem:$0x3FAD]  }
0x2a: {  	p0 =	seq.s32 s5, $0x0;
	s5 =	sld [smem:$0x3FAE]  }
0x2b: {  	s6 =	sld [smem:$0x3FAF]  }
0x2c: {  	s7 =	sld [smem:$0x3FB0]  }
0x2d: {  	s3 =	simm.s32 $0x108;
	s8 =	sld [smem:$0x3FB1]  }
0x2e: {  	s3 =	simm.s32 @!p0 $0x1082;
	s9 =	sld [smem:$0x3FB2]  }
0x2f: {  	lr =	sadd.s32 s0, s3;
	s0 =	sld [smem:$0x3FA9]  }
0x30: {  	s3 =	sld [smem:$0x3FAC]  }
0x31: {  	[smem:$0x3FB5] =	sst s10  }
0x32: {  	s10 =	sld [smem:$0x3FB3];
	_ =	sdelay $0x3  }
0x33: {  	p0 =	seq.s32 s10, $0x1;
	s10 =	sld [smem:$0x3FB5];
	_ =	sdelay $0x3  }
0x34: {  	[smem:$0x3FB5] =	sst s10  }
0x35: {  	s10 =	sld [smem:$0x3FB4];
	_ =	sdelay $0x3  }
0x36: {  	p1 =	seq.s32 s10, $0x1;
	s10 =	sld [smem:$0x3FB5];
	_ =	sdelay $0x3  }
0x37: {  	[smem:$0x3FB5] =	sst s10  }
0x38: {  	s10 =	sld [smem:$0x3FB6]  }
0x39: {  	_ = 	snop;
	(pc) =	sbr.ind lr, $3  }
0x3a: {  	_ = 	snop  }
0x3b: {  	_ = 	snop  }
0x3c: {  	p2 =	seq.s32 s10, $0x1;
	s10 =	sld [smem:$0x3FB5]  }
0x3d: {  	_ =	shalt  }
0x3e: {  	_ =	shalt  }
0x3f: {  	_ =	shalt  }
0x40: {  	_ =	shalt  }
0x41: {  	_ =	shalt  }
0x42: {  	_ =	shalt  }
0x43: {  	_ =	shalt  }
0x44: {  	_ =	shalt  }
0x45: {  	_ =	shalt  }
0x46: {  	_ =	shalt  }
0x47: {  	_ =	shalt  }
0x48: {  	_ =	shalt  }
0x49: {  	_ =	shalt  }
0x4a: {  	_ =	shalt  }
0x4b: {  	_ =	shalt  }
0x4c: {  	_ =	shalt  }
0x4d: {  	_ =	shalt  }
0x4e: {  	_ =	shalt  }
0x4f: {  	_ =	shalt  }
0x50: {  	_ =	shalt  }
0x51: {  	_ =	shalt  }
0x52: {  	_ =	shalt  }
0x53: {  	_ =	shalt  }
0x54: {  	_ =	shalt  }
0x55: {  	_ =	shalt  }
0x56: {  	_ =	shalt  }
0x57: {  	_ =	shalt  }
0x58: {  	_ =	shalt  }
0x59: {  	_ =	shalt  }
0x5a: {  	_ =	shalt  }
0x5b: {  	_ =	shalt  }
0x5c: {  	_ =	shalt  }
0x5d: {  	_ =	shalt  }
0x5e: {  	_ =	shalt  }
0x5f: {  	_ =	shalt  }
0x60: {  	_ =	shalt  }
0x61: {  	_ =	shalt  }
0x62: {  	_ =	shalt  }
0x63: {  	_ =	shalt  }
0x64: {  	_ =	shalt  }
0x65: {  	_ =	shalt  }
0x66: {  	_ =	shalt  }
0x67: {  	_ =	shalt  }
0x68: {  	_ =	shalt  }
0x69: {  	_ =	shalt  }
0x6a: {  	_ =	shalt  }
0x6b: {  	_ =	shalt  }
0x6c: {  	_ =	shalt  }
0x6d: {  	_ =	shalt  }
0x6e: {  	_ =	shalt  }
0x6f: {  	_ =	shalt  }
0x70: {  	_ =	shalt  }
0x71: {  	_ =	shalt  }
0x72: {  	_ =	shalt  }
0x73: {  	_ =	shalt  }
0x74: {  	_ =	shalt  }
0x75: {  	_ =	shalt  }
0x76: {  	_ =	shalt  }
0x77: {  	_ =	shalt  }
0x78: {  	_ =	shalt  }
0x79: {  	_ =	shalt  }
0x7a: {  	_ =	shalt  }
0x7b: {  	_ =	shalt  }
0x7c: {  	_ =	shalt  }
0x7d: {  	_ =	shalt  }
0x7e: {  	_ =	shalt  }
0x7f: {  	_ =	shalt  }
0x80: {  	_ =	shalt  }
0x81: {  	_ =	shalt  }
0x82: {  	_ =	shalt  }
0x83: {  	_ =	shalt  }
0x84: {  	_ =	shalt  }
0x85: {  	_ =	shalt  }
0x86: {  	_ =	shalt  }
0x87: {  	_ =	shalt  }
.Lfunc_end0:
.L_simem_size_0:
called_computation_lowered:
.L_overlay_start_0:
0x88: {  	s2 =	sld [smem:$0x3FD9]  }
0x89: {  	s3 =	sld [smem:$0x3FFE];
	_ =	sdelay $0x1  }
0x8a: {  	s1 =	srdreg.scid  }
0x8b: {  	s0 =	sand.u32 $0x1, s1  }
0x8c: {  	s15 =	sshll.u32 s0, $0xA;
	s2 =	sadd.s32 s3, s2  }
0x8d: {  	s2 =	sadd.s32 s2, s15  }
0x8e: {  	[smem:$0x3FC1] =	sst s2  }
0x8f: {  	_ = 	snop  }
0x90: {  	s2 =	sld [smem:$0x3FD0];
	_ =	sdelay $0x2  }
0x91: {  	s16 =	simm.s32 $0xA;
	s4 =	simm.s32 $0x10  }
0x92: {  	[smem:s4], [sflag:s16] =	dma.local [hbm:s2], $0x1  }
0x93: {  	_ =	swait.eq [sflag:s16], $0x1  }
0x94: {  	[sflag:s16] =	ssyncset.done $0x0  }
0x95: {  	s17 =	sld [smem:$0x10];
	[sflag:s16] =	ssyncadd.s32 $0xFFFFFFFF  }
0x96: {  	s18 =	sld [smem:$0x11];
	(tm) =	ssettm $0x1  }
0x97: {  	s19 =	sld [smem:$0x3FFB];
	_ =	sdelay $0x3  }
0x98: {  	_ =	strace s19  }
0x99: {  	s4 =	sld [smem:$0x3FFC];
	_ =	sdelay $0x3  }
0x9a: {  	_ =	strace s4  }
0x9b: {  	s4 =	sld [smem:$0x3FFD];
	_ =	sdelay $0x3  }
0x9c: {  	_ =	strace s4  }
0x9d: {  	_ =	strace $0x8FFFFFFF  }
0x9e: {  	s20 =	sld [smem:$0x3FDB];
	_ =	sdelay $0x1  }
0x9f: {  	s5 =	simm.s32 $_scs_section_size  }
0xa0: {  	s6 =	simm.s32 $_size__tile_overlayer_lowered;
	s7 =	simm.s32 $_tile_overlayer_lowered  }
0xa1: {  	s23 =	simm.s32 $0x1BFF;
	s22 =	sshll.u32 s7, $0x1;
	s4 =	sadd.s32 s5, s20  }
0xa2: {  	s8 =	simm.s32 $0x0;
	s21 =	sshll.u32 s6, $0x1;
	s6 =	sadd.s32 s22, s4  }
0xa3: {  	[timem:s8], [sflag:s23] =	dma.local [hbm:s6], s21  }
0xa4: {  	_ =	swait.ge [sflag:s23], s21  }
0xa5: {  	s5 =	ssub.s32 $0x0, s21;
	[sflag:s23] =	ssyncset.done $0x0  }
0xa6: {  	[sflag:s23] =	ssyncadd.s32 s5;
	_ =	sdelay $0x1  }
0xa7: {  	s24 =	simm.s32 $0x1B8B  }
0xa8: {  	_ =	swait.ge [sflag:s24], $0x1  }
0xa9: {  	[sflag:s24] =	ssyncset.done $0x0  }
0xaa: {  	s25 =	simm.s32 $0x1B8E;
	[sflag:s24] =	ssyncadd.s32 $0xFFFFFFFF  }
0xab: {  	s26 =	simm.s32 $execute0_lowered;
	[smem:$0x3FD2] =	sst s25  }
0xac: {  	s5 =	sshll.u32 s26, $0x1;
	_ =	strace $0x80000046;
	[dreg:$0x1] =	wrdreg $0xFFFFFFFF  }
0xad: {  	s28 =	simm.s32 $_size_execute0_lowered;
	s4 =	sadd.s32 s4, s5;
	[dreg:$0x0] =	wrdreg $0x0  }
0xae: {  	s5 =	sshll.u32 s28, $0x1;
	[dreg:$0x2] =	wrdreg s4  }
0xaf: {  	[dreg:$0x3] =	wrdreg s5  }
0xb0: {  	[dreg:$0x4] =	wrdreg $0xC0  }
0xb1: {  	_ =	task [dreg:s8], $0x5FFFF  }
0xb2: {  	[dreg:$0x1] =	wrdreg $0xFFFFFFFF  }
0xb3: {  	[dreg:$0x0] =	wrdreg $0x60  }
0xb4: {  	[dreg:$0x2] =	wrdreg s17  }
0xb5: {  	[dreg:$0x3] =	wrdreg s18  }
0xb6: {  	[dreg:$0x4] =	wrdreg $0x9  }
0xb7: {  	_ =	task.clear_ibuf [dreg:s8], $0x5FFFF;
	_ =	strace $0x90000046  }
0xb8: {  	s29 =	simm.s32 $0x9;
	_ =	strace $0x80000048  }
0xb9: {  	_ =	swait.ge [sflag:s29], $0x1  }
0xba: {  	[sflag:s29] =	ssyncadd.s32 $0xFFFFFFFF  }
0xbb: {  	_ =	strace $0x90000048  }
0xbc: {  	_ =	sfence  }
0xbd: {  	s30 =	sld [smem:$0x0];
	_ =	sdelay $0x2  }
0xbe: {  	s31 =	sshll.u32 s1, $0xD;
	s1 =	sshrl.u32 s1, $0x2  }
0xbf: {  	s3 =	sand.u32 $0x4000, s31;
	s1 =	sadd.s32 s1, s30  }
0xc0: {  	s0 =	sor.u32 s3, s0;
	s1 =	sshll.u32 s1, $0x11  }
0xc1: {  	s0 =	sor.u32 s1, s0  }
0xc2: {  	s0 =	sadd.s32 $0x8F2B, s0  }
0xc3: {  	[sflag:s0] =	ssyncadd.remote.s32 $0x1  }
0xc4: {  	_ =	sfence.sel $0xFFFF  }
0xc5: {  	[dreg:$0x0] =	wrdreg $0xFFFFFFFF;
	(pc) =	sbr.abs _section_cstart, $3  }
0xc6: {  	[dreg:$0x1] =	wrdreg $0xFFFFFFFF  }
0xc7: {  	_ =	task.clear_ibuf [dreg:s8], $0x2FFFF;
	_ =	strace $0x9FFFFFFF  }
0xc8: {  	(tm) =	ssettm $0x7FFFFFFF  }
0xc9: {  	_ =	shalt  }
tec
execute0_lowered:
.L_overlay_start_1:
0x0: {  	(tag) =	ssettag $0x1  }
0x1: {  	v0 =	vimm.s32 $0xEFCDAB89  }
0x2: {  	v1 =	vimm.s32 $0x67452301;
	v2 =	vimm.s32 $0xDCFE98BA;
	s3 =	rddreg [dreg:$0x0];
	v3 =	vimm.s32 $0x54761032  }
0x3: {  	s4 =	rddreg [dreg:$0x1];
	v4 =	vimm.s32 $0xBA98FEDC;
	v5 =	vimm.s32 $0x32107654;
	v6 =	vimm.s32 $0xFEDCBA98  }
0x4: {  	s0 =	rddreg [dreg:$0x2];
	v7 =	vimm.s32 $0x76543210;
	v0 =	vunpack.c.l.s4.s8 v0;
	v1 =	vunpack.c.l.s4.s8 v1  }
0x5: {  	s2 =	simm.s32 $0x0;
	s5 =	srdreg.scid;
	s1 =	stileid.u32;
	v2 =	vunpack.c.l.s4.s8 v2;
	v3 =	vunpack.c.l.s4.s8 v3;
	v4 =	vunpack.c.l.s4.s8 v4  }
0x6: {  	s9 =	simm.s32 $0x2000;
	s10 =	simm.s32 $0x0;
	[smem:$0x7FF] =	sst s2;
	v5 =	vunpack.c.l.s4.s8 v5;
	v6 =	vunpack.c.l.s4.s8 v6;
	v0 =	vunpack.c.0.s8.s32 v0  }
0x7: {  	s5 =	sand.u32 $0x1, s5;
	s6 =	sshll.u32 s1, $0x6;
	s8 =	sshll.u32 s1, $0xB;
	v1 =	vunpack.c.0.s8.s32 v1;
	v2 =	vunpack.c.0.s8.s32 v2;
	v3 =	vunpack.c.0.s8.s32 v3  }
0x8: {  	v7 =	vunpack.c.l.s4.s8 v7;
	s7 =	sshll.u32 s5, $0x5;
	s6 =	sand.u32 $0x40, s6;
	s5 =	ssub.s32 $0x2, s5;
	v4 =	vunpack.c.0.s8.s32 v4;
	v5 =	vunpack.c.0.s8.s32 v5  }
0x9: {  	s8 =	sand.u32 $0x7000, s8;
	_ =	strace $0x80000047;
	s6 =	sor.u32 s7, s6;
	v0 =	vcombine.low v1, v0;
	v1 =	vcombine.low v3, v2;
	v2 =	vunpack.c.0.s8.s32 v6  }
0xa: {  	s31 =	sshrl.u32 s5, $0x1;
	s7 =	simm.s32 $0x400;
	s6 =	sor.u32 s8, s6;
	v3 =	vcombine.low v5, v4;
	v4 =	vunpack.c.0.s8.s32 v7  }
0xb: {  	s5 =	ssub.s32 s5, s31;
	s8 =	simm.s32 $0x1;
	s3 =	sadd.s32 s3, s6;
	v0 =	vand.u32 $0xF, v0;
	v1 =	vand.u32 $0xF, v1;
	v5 =	vand.u32 $0xF, v2  }
0xc: {  	s4 =	sadd.s32 s4, s6;
	s5 =	smax.u32 s5, $0x1;
	s6 =	simm.s32 $0x100;
	v2 =	vand.u32 $0xF, v3;
	v3 =	vcombine.low v5, v4;
	v4 =	vimm.f32 $0.0e+00  }
.LBB2_1:
0xd: {  	[tilespmem:s2], [sflag:$0x1] =	stream.strided.gather [hbm4b:s3+s6], $0x2000, s7, s6, $0x38;
	[tilespmem:$0x4000] =	vst v63  }
0xe: {  	_ =	swait.ge [sflag:s8], $0x2000  }
0xf: {  	[sflag:s8] =	ssyncset.done $0x0  }
0x10: {  	s11 =	simm.s32 $0x0;
	[sflag:s8] =	ssyncadd.s32 $0xFFFFE000  }
0x11: {  	v5 =	vld [tilespmem:s11+$0x60]  }
0x12: {  	v6 =	vld [tilespmem:s11+$0x10]  }
0x13: {  	v7 =	vld [tilespmem:s11+$0x50]  }
0x14: {  	v8 =	vld [tilespmem:s11+$0x30]  }
0x15: {  	v9 =	vld [tilespmem:s11+$0x0]  }
0x16: {  	v10 =	vld [tilespmem:s11+$0x70]  }
0x17: {  	v11 =	vld [tilespmem:s11+$0x40]  }
0x18: {  	v12 =	vld [tilespmem:s11+$0x20];
	_ =	sdelay $0x2  }
0x19: {  	v13 =	vimm.f32 $-3.000000010e+38;
	v14 =	vmin.f32 v9, v6;
	v6 =	vmax.f32 v9, v6  }
0x1a: {  	v9 =	vmax.f32 v5, v10;
	v5 =	vmin.f32 v5, v10;
	v10 =	vmax.f32 v11, v7  }
0x1b: {  	v7 =	vmin.f32 v11, v7;
	v11 =	vmax.f32 v12, v8;
	v8 =	vmin.f32 v12, v8  }
0x1c: {  	v12 =	vmin.f32 v7, v5;
	v15 =	vmax.f32 v6, v11;
	v6 =	vmin.f32 v6, v11  }
0x1d: {  	v11 =	vmax.f32 v14, v8;
	v16 =	vmin.f32 v10, v9;
	v5 =	vmax.f32 v7, v5  }
0x1e: {  	v7 =	vmax.f32 v10, v9;
	v8 =	vmin.f32 v14, v8;
	v9 =	vmax.f32 v5, v16  }
0x1f: {  	v10 =	vmax.f32 v11, v6;
	v17 =	vmin.f32 v15, v7;
	v7 =	vmax.f32 v15, v7  }
0x20: {  	v6 =	vmin.f32 v11, v6;
	v5 =	vmin.f32 v5, v16;
	v16 =	vmax.f32 v8, v12  }
0x21: {  	v15 =	vmax.f32 v10, v9;
	v18 =	vmax.f32 v13, v7;
	v7 =	vmin.f32 v13, v7  }
0x22: {  	v9 =	vmin.f32 v10, v9;
	v10 =	vmin.f32 v6, v5;
	v5 =	vmax.f32 v6, v5  }
0x23: {  	v11 =	vmax.f32 v15, v17;
	v14 =	vmin.f32 v13, v7;
	v7 =	vmax.f32 v13, v7  }
0x24: {  	v15 =	vmin.f32 v15, v17;
	v20 =	vmax.f32 v16, v10;
	v19 =	vmax.f32 v13, v14  }
0x25: {  	v14 =	vmin.f32 v13, v14;
	v22 =	vmax.f32 v7, v11;
	v17 =	vmax.f32 v5, v15  }
0x26: {  	v7 =	vmin.f32 v7, v11;
	v5 =	vmin.f32 v5, v15;
	v15 =	vmax.f32 v20, v9  }
0x27: {  	v6 =	vmax.f32 v13, v14;
	v14 =	vmin.f32 v13, v14;
	v21 =	vmin.f32 v19, v7  }
0x28: {  	v23 =	vmax.f32 v15, v5;
	v19 =	vmax.f32 v19, v7;
	v5 =	vmin.f32 v15, v5  }
0x29: {  	v11 =	vmin.f32 v13, v14;
	v24 =	vmin.f32 v6, v21;
	v6 =	vmax.f32 v6, v21  }
0x2a: {  	s31 =	simm.s32 $0x100;
	v7 =	vmin.f32 v19, v17;
	v14 =	vmax.f32 v13, v14;
	v19 =	vmax.f32 v19, v17  }
0x2b: {  	v26 =	vld [tilespmem:s31+$0x50];
	v15 =	vmax.f32 v6, v7;
	v6 =	vmin.f32 v6, v7;
	v25 =	vmax.f32 v14, v24  }
0x2c: {  	v29 =	vld [tilespmem:s31+$0x0];
	v7 =	vmin.f32 v8, v12;
	v8 =	vmin.f32 v16, v10;
	v10 =	vmax.f32 v13, v11  }
0x2d: {  	v21 =	vld [tilespmem:s31+$0x60];
	v14 =	vmin.f32 v14, v24;
	v11 =	vmin.f32 v13, v11;
	v16 =	vmax.f32 v25, v6  }
0x2e: {  	v17 =	vld [tilespmem:s31+$0x40];
	v6 =	vmin.f32 v25, v6;
	v24 =	vmin.f32 v15, v23;
	v27 =	vmax.f32 v10, v14  }
0x2f: {  	v12 =	vld [tilespmem:s31+$0x10];
	v30 =	vmin.f32 v13, v11;
	v23 =	vmax.f32 v15, v23;
	v10 =	vmin.f32 v10, v14  }
0x30: {  	v25 =	vld [tilespmem:s31+$0x30];
	v11 =	vmax.f32 v13, v11;
	v28 =	vmax.f32 v16, v24;
	v14 =	vmax.f32 v27, v6  }
0x31: {  	v15 =	vld [tilespmem:s31+$0x70];
	v16 =	vmin.f32 v16, v24;
	v32 =	vmax.f32 v11, v10;
	v6 =	vmin.f32 v27, v6  }
0x32: {  	v24 =	vld [tilespmem:s31+$0x20];
	v13 =	vmax.f32 v13, v30;
	v31 =	vmin.f32 v28, v5;
	v28 =	vmax.f32 v28, v5  }
0x33: {  	v5 =	vmin.f32 v11, v10;
	v27 =	vmax.f32 v32, v6;
	v33 =	vmin.f32 v14, v16  }
0x34: {  	v6 =	vmin.f32 v32, v6;
	v62 =	vmax.f32 v14, v16;
	v5 =	vmax.f32 v13, v5  }
0x35: {  	v14 =	vmax.f32 v62, v31;
	v10 =	vmin.f32 v29, v12;
	v12 =	vmax.f32 v29, v12  }
0x36: {  	v13 =	vmax.f32 v5, v6;
	v29 =	vmax.f32 v21, v15;
	v15 =	vmin.f32 v21, v15  }
0x37: {  	v21 =	vmax.f32 v17, v26;
	v17 =	vmin.f32 v17, v26;
	v26 =	vmax.f32 v24, v25  }
0x38: {  	v24 =	vmin.f32 v24, v25;
	v11 =	vmin.f32 v17, v15;
	v30 =	vmin.f32 v21, v29  }
0x39: {  	v34 =	vmax.f32 v17, v15;
	v15 =	vmax.f32 v21, v29;
	v25 =	vmax.f32 v12, v26  }
0x3a: {  	v12 =	vmin.f32 v12, v26;
	v26 =	vmax.f32 v10, v24;
	v21 =	vmax.f32 v34, v30  }
0x3b: {  	v17 =	vmin.f32 v10, v24;
	v10 =	vmin.f32 v34, v30;
	v30 =	vmin.f32 v20, v9  }
0x3c: {  	v29 =	vmax.f32 v26, v12;
	v60 =	vmin.f32 v25, v15;
	v6 =	vmax.f32 v25, v15  }
0x3d: {  	v15 =	vmin.f32 v27, v33;
	v12 =	vmin.f32 v26, v12;
	v27 =	vmax.f32 v27, v33  }
0x3e: {  	v25 =	vmax.f32 v29, v21;
	v5 =	vmax.f32 v18, v6;
	v9 =	vmin.f32 v29, v21  }
0x3f: {  	v20 =	vmin.f32 v12, v10;
	v6 =	vmin.f32 v18, v6;
	v21 =	vmax.f32 v17, v11  }
0x40: {  	v26 =	vmax.f32 v25, v60;
	v18 =	vmax.f32 v22, v6;
	v6 =	vmin.f32 v22, v6  }
0x41: {  	v22 =	vmax.f32 v12, v10;
	v24 =	vmin.f32 v25, v60;
	v10 =	vmax.f32 v21, v20  }
0x42: {  	v29 =	vmax.f32 v19, v6;
	v19 =	vmin.f32 v19, v6;
	v6 =	vmax.f32 v18, v26  }
0x43: {  	v12 =	vmax.f32 v22, v24;
	v18 =	vmin.f32 v18, v26;
	v25 =	vmin.f32 v22, v24  }
0x44: {  	v63 =	vmax.f32 v10, v9;
	v26 =	vmin.f32 v14, v30;
	v61 =	vmax.f32 v23, v19  }
0x45: {  	v19 =	vmin.f32 v23, v19;
	v35 =	vmin.f32 v29, v18;
	v23 =	vmax.f32 v14, v30  }
0x46: {  	v16 =	vmax.f32 v63, v25;
	v14 =	vmin.f32 v63, v25;
	v18 =	vmax.f32 v29, v18  }
0x47: {  	v30 =	vmin.f32 v62, v31;
	v22 =	vmin.f32 v28, v19;
	v24 =	vmin.f32 v61, v35  }
0x48: {  	v25 =	vmax.f32 v28, v19;
	v28 =	vmax.f32 v61, v35;
	v29 =	vmin.f32 v18, v12  }
0x49: {  	v31 =	vmax.f32 v27, v30;
	v30 =	vmin.f32 v27, v30;
	v19 =	vmax.f32 v28, v29  }
0x4a: {  	s11 =	simm.s32 $0x800;
	v28 =	vmin.f32 v28, v29;
	v29 =	vmax.f32 v25, v24;
	v27 =	vmax.f32 v31, v26  }
.LBB2_2:
0x4b: {  	s12 =	sshra.s32 s11, $0x2;
	p0 =	sne.s32 s11, $0x7C00;
	s11 =	sadd.s32 $0x400, s11;
	v11 =	vmin.f32 v17, v11;
	v17 =	vmin.f32 v21, v20;
	v20 =	vmin.f32 v31, v26;
	v21 =	vmovc v5  }
0x4c: {  	v31 =	vmax.f32 v23, v22;
	v13 =	vmax.f32 v13, v15;
	v15 =	vmin.f32 v27, v8;
	v26 =	vld [tilespmem:s12+$0x60]  }
0x4d: {  	v33 =	vmax.f32 v29, v28;
	v28 =	vmin.f32 v29, v28;
	v13 =	vmax.f32 v13, v30;
	v32 =	vld [tilespmem:s12+$0x10]  }
0x4e: {  	v24 =	vmin.f32 v25, v24;
	v25 =	vmin.f32 v19, v16;
	v27 =	vmax.f32 v27, v8;
	v8 =	vmovc v17;
	v29 =	vld [tilespmem:s12+$0x50]  }
0x4f: {  	v22 =	vmin.f32 v23, v22;
	v23 =	vmax.f32 v31, v24;
	v30 =	vmax.f32 v33, v25;
	v17 =	vld [tilespmem:s12+$0x30]  }
0x50: {  	v12 =	vmax.f32 v18, v12;
	v16 =	vmax.f32 v19, v16;
	v35 =	vmin.f32 v27, v22;
	v34 =	vld [tilespmem:s12+$0x0]  }
0x51: {  	v19 =	vmin.f32 v31, v24;
	v24 =	vmax.f32 v23, v28;
	v13 =	vmax.f32 v13, v20;
	v18 =	vld [tilespmem:s12+$0x70]  }
0x52: {  	v22 =	vmax.f32 v27, v22;
	v25 =	vmin.f32 v33, v25;
	v27 =	vmin.f32 v30, v14;
	v20 =	vld [tilespmem:s12+$0x40]  }
0x53: {  	v33 =	vmax.f32 v22, v19;
	v30 =	vmax.f32 v30, v14;
	v13 =	vmax.f32 v13, v15;
	v31 =	vld [tilespmem:s12+$0x20]  }
0x54: {  	v14 =	vmin.f32 v22, v19;
	v15 =	vmin.f32 v23, v28;
	v13 =	vmax.f32 v13, v7;
	v7 =	vmovc v11  }
0x55: {  	v23 =	vmin.f32 v24, v25;
	v22 =	vmax.f32 v33, v15;
	v19 =	vmin.f32 v34, v32  }
0x56: {  	v28 =	vmax.f32 v34, v32;
	v32 =	vmax.f32 v26, v18;
	v18 =	vmin.f32 v26, v18  }
0x57: {  	v13 =	vmax.f32 v13, v35;
	v26 =	vmax.f32 v20, v29;
	v20 =	vmin.f32 v20, v29  }
0x58: {  	v29 =	vmax.f32 v31, v17;
	v17 =	vmin.f32 v31, v17;
	v11 =	vmin.f32 v20, v18  }
0x59: {  	v31 =	vmax.f32 v28, v29;
	v28 =	vmin.f32 v28, v29;
	v29 =	vmax.f32 v19, v17  }
0x5a: {  	v13 =	vmax.f32 v13, v14;
	v34 =	vmin.f32 v26, v32;
	v18 =	vmax.f32 v20, v18  }
0x5b: {  	v15 =	vmin.f32 v33, v15;
	v14 =	vmax.f32 v26, v32;
	v20 =	vmax.f32 v18, v34  }
0x5c: {  	v13 =	vmax.f32 v13, v15;
	v26 =	vmax.f32 v29, v28;
	v32 =	vmin.f32 v31, v14  }
0x5d: {  	v15 =	vmin.f32 v22, v23;
	v14 =	vmax.f32 v31, v14;
	v31 =	vmax.f32 v26, v20  }
0x5e: {  	v28 =	vmin.f32 v29, v28;
	v5 =	vmax.f32 v5, v14;
	v29 =	vmax.f32 v31, v32  }
0x5f: {  	v17 =	vmin.f32 v19, v17;
	v18 =	vmin.f32 v18, v34;
	v19 =	vmin.f32 v10, v9  }
0x60: {  	v9 =	vmin.f32 v26, v20;
	v20 =	vmin.f32 v28, v18;
	v10 =	vmin.f32 v21, v14  }
0x61: {  	v21 =	vmax.f32 v17, v11;
	v14 =	vmax.f32 v6, v10;
	v6 =	vmin.f32 v6, v10  }
0x62: {  	v33 =	vmax.f32 v12, v6;
	v10 =	vmin.f32 v12, v6;
	v6 =	vmax.f32 v14, v29  }
0x63: {  	v34 =	vmax.f32 v22, v23;
	v18 =	vmax.f32 v28, v18;
	v28 =	vmax.f32 v16, v10  }
0x64: {  	v22 =	vmin.f32 v31, v32;
	v32 =	vmax.f32 v24, v25;
	v31 =	vmin.f32 v16, v10  }
0x65: {  	v12 =	vmax.f32 v18, v22;
	v29 =	vmin.f32 v14, v29;
	v14 =	vmax.f32 v32, v27  }
0x66: {  	v18 =	vmin.f32 v18, v22;
	v10 =	vmax.f32 v21, v20;
	v22 =	vmin.f32 v30, v31  }
0x67: {  	v35 =	vmin.f32 v33, v29;
	v23 =	vmax.f32 v14, v19;
	v25 =	vmax.f32 v10, v9  }
.Ltmp0:
0x68: {  	v26 =	vmin.f32 v14, v19;
	v24 =	vmin.f32 v28, v35;
	v16 =	vmax.f32 v25, v18;
	(pc) =	sbr.rel @p0 .LBB2_2-.Ltmp0, $4  }
0x69: {  	v14 =	vmin.f32 v25, v18;
	v25 =	vmax.f32 v30, v31;
	v18 =	vmax.f32 v33, v29  }
0x6a: {  	v27 =	vmin.f32 v32, v27;
	v28 =	vmax.f32 v28, v35;
	v29 =	vmin.f32 v18, v12  }
0x6b: {  	v31 =	vmax.f32 v34, v27;
	v19 =	vmax.f32 v28, v29;
	v28 =	vmin.f32 v28, v29  }
0x6c: {  	v30 =	vmin.f32 v34, v27;
	v27 =	vmax.f32 v31, v26;
	v29 =	vmax.f32 v25, v24  }
0x6d: {  	v17 =	vmin.f32 v17, v11  }
0x6e: {  	v20 =	vmin.f32 v21, v20;
	v11 =	vmin.f32 v31, v26;
	v34 =	vmax.f32 v23, v22  }
0x6f: {  	v13 =	vmax.f32 v13, v15;
	v35 =	vmin.f32 v27, v8;
	v36 =	vmax.f32 v29, v28  }
0x70: {  	v37 =	vmin.f32 v29, v28;
	v24 =	vmin.f32 v25, v24;
	v38 =	vmin.f32 v19, v16  }
0x71: {  	v8 =	vmax.f32 v27, v8;
	v39 =	vmin.f32 v23, v22;
	v9 =	vmin.f32 v10, v9  }
0x72: {  	vm0 =	vlt.f32 v5, $3.000000010e+38;
	vm1 =	vlt.f32 v6, $3.000000010e+38;
	v13 =	vmax.f32 v13, v30  }
0x73: {  	v40 =	vmax.f32 v34, v24;
	v41 =	vmax.f32 v36, v38;
	v42 =	vmin.f32 v8, v39  }
0x74: {  	v21 =	vmin.f32 v34, v24;
	v8 =	vmax.f32 v8, v39;
	v44 =	vmin.f32 v36, v38  }
0x75: {  	v51 =	vnsel vm1, $0xFF61B1E6, v6;
	v43 =	vmax.f32 v40, v37;
	v11 =	vmax.f32 v13, v11  }
0x76: {  	v45 =	vmin.f32 v41, v14;
	v22 =	vmax.f32 v8, v21;
	v11 =	vmax.f32 v11, v35  }
0x77: {  	v8 =	vmin.f32 v8, v21;
	v13 =	vmax.f32 v5, $-3.000000010e+38;
	v7 =	vmax.f32 v11, v7  }
0x78: {  	v50 =	vnsel vm0, $0xFF61B1E6, v13;
	v11 =	vmin.f32 v40, v37;
	v7 =	vmax.f32 v7, v42  }
0x79: {  	v46 =	vmax.f32 v22, v11;
	v7 =	vmax.f32 v7, v8;
	v8 =	vmin.f32 v22, v11  }
0x7a: {  	v11 =	vmin.f32 v43, v44;
	v7 =	vmax.f32 v7, v8;
	v8 =	vmax.f32 v43, v44  }
0x7b: {  	v47 =	vmin.f32 v46, v11;
	v10 =	vmax.f32 v46, v11;
	v48 =	vmax.f32 v8, v45  }
0x7c: {  	v8 =	vmin.f32 v8, v45;
	v7 =	vmax.f32 v7, v47;
	v11 =	vmin.f32 v48, v9  }
0x7d: {  	v15 =	vmax.f32 v10, v8;
	v8 =	vmin.f32 v10, v8;
	v9 =	vmax.f32 v48, v9  }
0x7e: {  	v49 =	vmax.f32 v15, v11;
	v10 =	vmin.f32 v15, v11;
	v7 =	vmax.f32 v7, v8  }
0x7f: {  	v11 =	vmax.f32 v18, v12;
	v12 =	vmax.f32 v19, v16;
	v8 =	vmin.f32 v49, v20  }
0x80: {  	v7 =	vmax.f32 v7, v10;
	v10 =	vmax.f32 v41, v14;
	vm0 =	vlt.f32 v11, $3.000000010e+38  }
0x81: {  	v14 =	vmax.f32 v50, v51;
	v7 =	vmax.f32 v7, v8;
	v8 =	vmax.f32 v49, v20  }
0x82: {  	v52 =	vnsel vm0, $0xFF61B1E6, v11;
	vm0 =	vlt.f32 v12, $3.000000010e+38;
	v7 =	vmax.f32 v7, v17  }
0x83: {  	v14 =	vmax.f32 v14, v52;
	v53 =	vnsel vm0, $0xFF61B1E6, v12;
	vm0 =	vlt.f32 v10, $3.000000010e+38  }
0x84: {  	v14 =	vmax.f32 v14, v53;
	v54 =	vnsel vm0, $0xFF61B1E6, v10;
	vm0 =	vlt.f32 v9, $3.000000010e+38  }
0x85: {  	v14 =	vmax.f32 v14, v54;
	v55 =	vnsel vm0, $0xFF61B1E6, v9;
	vm0 =	vlt.f32 v8, $3.000000010e+38  }
0x86: {  	v14 =	vmax.f32 v14, v55;
	v56 =	vnsel vm0, $0xFF61B1E6, v8;
	vm0 =	vlt.f32 v7, $3.000000010e+38  }
0x87: {  	v14 =	vmax.f32 v14, v56;
	v57 =	vnsel vm0, $0xFF61B1E6, v7  }
0x88: {  	v14 =	vmax.f32 v14, v57  }
0x89: {  	v15 =	vperm.xlane v14, v0;
	_ =	sdelay $0x1  }
0x8a: {  	v14 =	vmax.f32 v14, v15  }
0x8b: {  	v15 =	vperm.xlane v14, v1;
	_ =	sdelay $0x1  }
0x8c: {  	v14 =	vmax.f32 v14, v15  }
0x8d: {  	v15 =	vperm.xlane v14, v2;
	_ =	sdelay $0x1  }
0x8e: {  	v14 =	vmax.f32 v14, v15  }
0x8f: {  	v15 =	vperm.xlane v14, v3;
	_ =	sdelay $0x1  }
0x90: {  	v14 =	vmax.f32 v14, v15  }
0x91: {  	vm0 =	vlt.f32 v5, v14;
	vm1 =	vlt.f32 v6, v14  }
0x92: {  	v58 =	vnsel vm0, $0xFF61B1E6, v13;
	v59 =	vnsel vm1, $0xFF61B1E6, v6;
	vm0 =	vlt.f32 v11, v14  }
0x93: {  	v15 =	vmax.f32 v58, v59;
	v60 =	vnsel vm0, $0xFF61B1E6, v11;
	vm0 =	vlt.f32 v12, v14  }
0x94: {  	v15 =	vmax.f32 v15, v60;
	v61 =	vnsel vm0, $0xFF61B1E6, v12;
	vm0 =	vlt.f32 v10, v14  }
0x95: {  	v15 =	vmax.f32 v15, v61;
	v62 =	vnsel vm0, $0xFF61B1E6, v10;
	vm0 =	vlt.f32 v9, v14  }
0x96: {  	v15 =	vmax.f32 v15, v62;
	v63 =	vnsel vm0, $0xFF61B1E6, v9;
	vm0 =	vlt.f32 v8, v14  }
0x97: {  	v15 =	vmax.f32 v15, v63;
	v20 =	vnsel vm0, $0xFF61B1E6, v8;
	vm0 =	vlt.f32 v7, v14  }
0x98: {  	v15 =	vmax.f32 v15, v20;
	v21 =	vnsel vm0, $0xFF61B1E6, v7  }
0x99: {  	v15 =	vmax.f32 v15, v21  }
0x9a: {  	v16 =	vperm.xlane v15, v0;
	_ =	sdelay $0x1  }
0x9b: {  	vm1 =	veq.f32 v6, v14;
	vm0 =	veq.f32 v5, v14;
	v15 =	vmax.f32 v15, v16  }
0x9c: {  	v23 =	vsel vm1, $0x3F800000, v4;
	v22 =	vsel vm0, $0x3F800000, v4;
	v24 =	vperm.xlane v15, v1  }
0x9d: {  	vm0 =	veq.f32 v11, v14;
	v16 =	vadd.f32 v23, v22  }
0x9e: {  	v25 =	vsel vm0, $0x3F800000, v4;
	v15 =	vmax.f32 v15, v24  }
0x9f: {  	vm0 =	veq.f32 v12, v14;
	v16 =	vadd.f32 v16, v25;
	v26 =	vperm.xlane v15, v2  }
0xa0: {  	v27 =	vsel vm0, $0x3F800000, v4  }
0xa1: {  	vm0 =	veq.f32 v10, v14;
	v16 =	vadd.f32 v16, v27;
	v15 =	vmax.f32 v15, v26  }
0xa2: {  	v28 =	vsel vm0, $0x3F800000, v4;
	v29 =	vperm.xlane v15, v3  }
0xa3: {  	vm0 =	veq.f32 v9, v14;
	v16 =	vadd.f32 v16, v28  }
0xa4: {  	v30 =	vsel vm0, $0x3F800000, v4;
	v15 =	vmax.f32 v15, v29  }
0xa5: {  	v16 =	vadd.f32 v16, v30;
	vm0 =	veq.f32 v5, v15;
	vm1 =	veq.f32 v6, v15  }
0xa6: {  	v31 =	vsel vm0, $0x3F800000, v4;
	vm0 =	veq.f32 v8, v14;
	v32 =	vsel vm1, $0x3F800000, v4  }
0xa7: {  	vm1 =	veq.f32 v7, v14;
	v33 =	vsel vm0, $0x3F800000, v4;
	vm0 =	veq.f32 v11, v15  }
0xa8: {  	v17 =	vadd.f32 v32, v31;
	v34 =	vsel vm0, $0x3F800000, v4;
	vm0 =	veq.f32 v12, v15  }
0xa9: {  	v35 =	vsel vm1, $0x3F800000, v4;
	v36 =	vsel vm0, $0x3F800000, v4;
	vm0 =	vlt.f32 v5, v15  }
0xaa: {  	v16 =	vadd.f32 v16, v33;
	v37 =	vnsel vm0, $0xFF61B1E6, v13;
	vm0 =	vlt.f32 v6, v15  }
0xab: {  	v17 =	vadd.f32 v17, v34;
	v38 =	vnsel vm0, $0xFF61B1E6, v6;
	vm0 =	vlt.f32 v11, v15  }
0xac: {  	v18 =	vmax.f32 v37, v38;
	v39 =	vnsel vm0, $0xFF61B1E6, v11;
	vm0 =	vlt.f32 v12, v15  }
0xad: {  	v18 =	vmax.f32 v18, v39;
	v40 =	vnsel vm0, $0xFF61B1E6, v12;
	vm0 =	vlt.f32 v10, v15  }
0xae: {  	v18 =	vmax.f32 v18, v40;
	v41 =	vnsel vm0, $0xFF61B1E6, v10;
	vm0 =	vlt.f32 v9, v15  }
0xaf: {  	v18 =	vmax.f32 v18, v41;
	v42 =	vnsel vm0, $0xFF61B1E6, v9;
	vm0 =	vlt.f32 v8, v15  }
0xb0: {  	v18 =	vmax.f32 v18, v42;
	v43 =	vnsel vm0, $0xFF61B1E6, v8;
	vm0 =	vlt.f32 v7, v15  }
0xb1: {  	v16 =	vadd.f32 v16, v35;
	v18 =	vmax.f32 v18, v43;
	v45 =	vnsel vm0, $0xFF61B1E6, v7  }
0xb2: {  	vm1 =	veq.f32 v10, v15;
	v17 =	vadd.f32 v17, v36;
	v18 =	vmax.f32 v18, v45  }
0xb3: {  	v44 =	vsel vm1, $0x3F800000, v4;
	v46 =	vperm.xlane v16, v0;
	v48 =	vperm.xlane v18, v0  }
0xb4: {  	v17 =	vadd.f32 v17, v44;
	vm0 =	veq.f32 v9, v15  }
0xb5: {  	v16 =	vadd.f32 v16, v46;
	v47 =	vsel vm0, $0x3F800000, v4;
	v18 =	vmax.f32 v18, v48  }
0xb6: {  	vm0 =	veq.f32 v8, v15;
	v17 =	vadd.f32 v17, v47;
	v50 =	vperm.xlane v18, v1  }
0xb7: {  	v51 =	vperm.xlane v16, v1;
	v49 =	vsel vm0, $0x3F800000, v4  }
0xb8: {  	vm0 =	veq.f32 v7, v15;
	v17 =	vadd.f32 v17, v49;
	v18 =	vmax.f32 v18, v50  }
0xb9: {  	v16 =	vadd.f32 v16, v51;
	v52 =	vsel vm0, $0x3F800000, v4;
	v19 =	vperm.xlane v18, v2  }
0xba: {  	v17 =	vadd.f32 v17, v52  }
0xbb: {  	v54 =	vperm.xlane v16, v2;
	v18 =	vmax.f32 v18, v19  }
0xbc: {  	v53 =	vperm.xlane v17, v0;
	v19 =	vperm.xlane v18, v3  }
0xbd: {  	v55 =	vadd.f32 v16, v54  }
0xbe: {  	v17 =	vadd.f32 v17, v53;
	v16 =	vmax.f32 v18, v19  }
0xbf: {  	v57 =	vperm.xlane v55, v3;
	vm0 =	vlt.f32 v5, v16  }
0xc0: {  	v56 =	vperm.xlane v17, v1;
	v58 =	vnsel vm0, $0xFF61B1E6, v13;
	vm0 =	vlt.f32 v6, v16  }
0xc1: {  	vm1 =	veq.f32 v5, v16;
	v59 =	vnsel vm0, $0xFF61B1E6, v6;
	vm0 =	vlt.f32 v11, v16  }
0xc2: {  	v19 =	vmax.f32 v58, v59;
	v60 =	vnsel vm0, $0xFF61B1E6, v11;
	vm0 =	vlt.f32 v12, v16  }
0xc3: {  	v19 =	vmax.f32 v19, v60;
	v61 =	vnsel vm0, $0xFF61B1E6, v12;
	vm0 =	vlt.f32 v10, v16  }
0xc4: {  	v19 =	vmax.f32 v19, v61;
	v62 =	vnsel vm0, $0xFF61B1E6, v10;
	vm0 =	vlt.f32 v9, v16  }
0xc5: {  	v19 =	vmax.f32 v19, v62;
	v63 =	vnsel vm0, $0xFF61B1E6, v9;
	vm0 =	vlt.f32 v8, v16  }
0xc6: {  	v19 =	vmax.f32 v19, v63;
	v24 =	vnsel vm0, $0xFF61B1E6, v8;
	vm0 =	vlt.f32 v7, v16  }
0xc7: {  	v25 =	vnsel vm0, $0xFF61B1E6, v7;
	vm0 =	veq.f32 v6, v16;
	v19 =	vmax.f32 v19, v24  }
0xc8: {  	v26 =	vsel vm1, $0x3F800000, v4;
	v27 =	vsel vm0, $0x3F800000, v4;
	v19 =	vmax.f32 v19, v25  }
0xc9: {  	vm0 =	veq.f32 v11, v16;
	v21 =	vadd.f32 v27, v26;
	v22 =	vperm.xlane v19, v0  }
0xca: {  	v18 =	vadd.f32 v55, v57;
	v17 =	vadd.f32 v17, v56;
	v29 =	vsel vm0, $0x3F800000, v4  }
0xcb: {  	vm0 =	veq.f32 v12, v16;
	v21 =	vadd.f32 v21, v29;
	v19 =	vmax.f32 v19, v22  }
0xcc: {  	v18 =	vsub.f32 $8.000000000e+00, v18;
	v30 =	vsel vm0, $0x3F800000, v4;
	v31 =	vperm.xlane v19, v1  }
0xcd: {  	v28 =	vperm.xlane v17, v2;
	vm0 =	veq.f32 v10, v16;
	v32 =	vadd.f32 v21, v30  }
0xce: {  	vm1 =	vgt.f32 v18, $0.0e+00;
	v33 =	vsel vm0, $0x3F800000, v4;
	v19 =	vmax.f32 v19, v31  }
0xcf: {  	vm0 =	veq.f32 v9, v16;
	v20 =	vadd.f32 v32, v33;
	v34 =	vperm.xlane v19, v2  }
0xd0: {  	v17 =	vadd.f32 v17, v28;
	v36 =	vsel vm1, $0x3F800000, v4;
	v37 =	vsel vm0, $0x3F800000, v4  }
0xd1: {  	vm0 =	veq.f32 v8, v16;
	v20 =	vadd.f32 v20, v37;
	v19 =	vmax.f32 v19, v34  }
0xd2: {  	v38 =	vsub.f32 $1.000000000e+00, v36;
	v39 =	vsel vm0, $0x3F800000, v4;
	v40 =	vperm.xlane v19, v3  }
0xd3: {  	v35 =	vperm.xlane v17, v3;
	vm0 =	veq.f32 v7, v16;
	v20 =	vadd.f32 v20, v39  }
0xd4: {  	v21 =	vmul.f32 v38, v14;
	v41 =	vsel vm0, $0x3F800000, v4;
	v14 =	vmax.f32 v19, v40  }
0xd5: {  	v42 =	vadd.f32 v20, v41;
	vm0 =	vlt.f32 v5, v14;
	vm1 =	vlt.f32 v6, v14  }
0xd6: {  	v43 =	vnsel vm0, $0xFF61B1E6, v13;
	v44 =	vnsel vm1, $0xFF61B1E6, v6;
	vm0 =	vlt.f32 v11, v14  }
0xd7: {  	v20 =	vmax.f32 v43, v44;
	v45 =	vnsel vm0, $0xFF61B1E6, v11;
	vm0 =	vlt.f32 v12, v14  }
0xd8: {  	v20 =	vmax.f32 v20, v45;
	v46 =	vnsel vm0, $0xFF61B1E6, v12;
	vm0 =	vlt.f32 v10, v14  }
0xd9: {  	v20 =	vmax.f32 v20, v46;
	v47 =	vnsel vm0, $0xFF61B1E6, v10;
	vm0 =	vlt.f32 v9, v14  }
0xda: {  	v20 =	vmax.f32 v20, v47;
	v48 =	vnsel vm0, $0xFF61B1E6, v9;
	vm0 =	vlt.f32 v8, v14  }
0xdb: {  	v20 =	vmax.f32 v20, v48;
	v49 =	vnsel vm0, $0xFF61B1E6, v8;
	vm0 =	vlt.f32 v7, v14  }
0xdc: {  	v17 =	vadd.f32 v17, v35;
	v20 =	vmax.f32 v20, v49;
	v50 =	vnsel vm0, $0xFF61B1E6, v7  }
0xdd: {  	v15 =	vmul.f32 v36, v15;
	v51 =	vperm.xlane v42, v0;
	v20 =	vmax.f32 v20, v50  }
0xde: {  	v17 =	vmul.f32 v17, v36;
	v22 =	vperm.xlane v20, v0  }
0xdf: {  	v21 =	vadd.f32 v21, v15;
	vm1 =	veq.f32 v6, v14;
	v15 =	vadd.f32 v42, v51  }
0xe0: {  	v18 =	vsub.f32 v18, v17;
	v53 =	vsel vm1, $0x3F800000, v4;
	v20 =	vmax.f32 v20, v22  }
0xe1: {  	v54 =	vperm.xlane v15, v1;
	vm0 =	veq.f32 v5, v14;
	v56 =	vperm.xlane v20, v1  }
0xe2: {  	vm1 =	veq.f32 v8, v14;
	v52 =	vsel vm0, $0x3F800000, v4;
	vm0 =	veq.f32 v11, v14  }
0xe3: {  	v15 =	vadd.f32 v15, v54;
	v19 =	vadd.f32 v53, v52;
	v20 =	vmax.f32 v20, v56  }
0xe4: {  	v55 =	vsel vm0, $0x3F800000, v4;
	vm0 =	veq.f32 v12, v14;
	v58 =	vperm.xlane v20, v2  }
0xe5: {  	v63 =	vsel vm1, $0x3F800000, v4;
	v57 =	vsel vm0, $0x3F800000, v4;
	vm0 =	veq.f32 v10, v14  }
0xe6: {  	v59 =	vperm.xlane v15, v2;
	v19 =	vadd.f32 v19, v55;
	v20 =	vmax.f32 v20, v58  }
0xe7: {  	v60 =	vsel vm0, $0x3F800000, v4;
	vm0 =	veq.f32 v9, v14;
	v22 =	vperm.xlane v20, v3  }
0xe8: {  	v61 =	vsel vm0, $0x3F800000, v4;
	vm0 =	vgt.f32 v18, $0.0e+00;
	v19 =	vadd.f32 v19, v57  }
0xe9: {  	v17 =	vadd.f32 v15, v59;
	v62 =	vsel vm0, $0x3F800000, v4;
	v15 =	vmax.f32 v20, v22  }
0xea: {  	v19 =	vadd.f32 v19, v60;
	vm0 =	vlt.f32 v5, v15;
	vm1 =	vlt.f32 v6, v15  }
0xeb: {  	v27 =	vnsel vm0, $0xFF61B1E6, v13;
	v28 =	vnsel vm1, $0xFF61B1E6, v6;
	vm0 =	vlt.f32 v11, v15  }
0xec: {  	v20 =	vmax.f32 v27, v28;
	v29 =	vnsel vm0, $0xFF61B1E6, v11;
	vm0 =	vlt.f32 v12, v15  }
0xed: {  	v20 =	vmax.f32 v20, v29;
	v30 =	vnsel vm0, $0xFF61B1E6, v12;
	vm0 =	vlt.f32 v10, v15  }
0xee: {  	v20 =	vmax.f32 v20, v30;
	v31 =	vnsel vm0, $0xFF61B1E6, v10;
	vm0 =	vlt.f32 v9, v15  }
0xef: {  	v20 =	vmax.f32 v20, v31;
	v32 =	vnsel vm0, $0xFF61B1E6, v9;
	vm0 =	vlt.f32 v8, v15  }
0xf0: {  	v20 =	vmax.f32 v20, v32;
	v33 =	vnsel vm0, $0xFF61B1E6, v8;
	vm0 =	vlt.f32 v7, v15  }
0xf1: {  	v19 =	vadd.f32 v19, v61;
	v20 =	vmax.f32 v20, v33;
	v34 =	vnsel vm0, $0xFF61B1E6, v7  }
0xf2: {  	v35 =	vsub.f32 $1.000000000e+00, v62;
	v20 =	vmax.f32 v20, v34  }
0xf3: {  	v19 =	vadd.f32 v19, v63;
	vm1 =	veq.f32 v7, v14;
	v38 =	vperm.xlane v20, v0  }
0xf4: {  	v37 =	vperm.xlane v17, v3;
	v16 =	vmul.f32 v62, v16;
	v36 =	vsel vm1, $0x3F800000, v4  }
0xf5: {  	v21 =	vmul.f32 v35, v21;
	v19 =	vadd.f32 v19, v36;
	v20 =	vmax.f32 v20, v38  }
0xf6: {  	v22 =	vadd.f32 v17, v37;
	v40 =	vperm.xlane v20, v1  }
0xf7: {  	v17 =	vadd.f32 v21, v16;
	vm1 =	veq.f32 v6, v15;
	v39 =	vperm.xlane v19, v0  }
0xf8: {  	v42 =	vsel vm1, $0x3F800000, v4;
	vm0 =	veq.f32 v5, v15;
	v16 =	vmax.f32 v20, v40  }
0xf9: {  	v19 =	vadd.f32 v19, v39;
	v41 =	vsel vm0, $0x3F800000, v4;
	v44 =	vperm.xlane v16, v2  }
0xfa: {  	v22 =	vmul.f32 v22, v62;
	vm0 =	veq.f32 v11, v15;
	v43 =	vadd.f32 v42, v41  }
0xfb: {  	v45 =	vperm.xlane v19, v1;
	v46 =	vsel vm0, $0x3F800000, v4;
	v16 =	vmax.f32 v16, v44  }
0xfc: {  	vm0 =	veq.f32 v12, v15;
	v20 =	vadd.f32 v43, v46;
	v48 =	vperm.xlane v16, v3  }
0xfd: {  	v18 =	vsub.f32 v18, v22;
	v47 =	vsel vm0, $0x3F800000, v4;
	v19 =	vadd.f32 v19, v45  }
0xfe: {  	vm0 =	veq.f32 v10, v15;
	v20 =	vadd.f32 v20, v47;
	v16 =	vmax.f32 v16, v48  }
0xff: {  	v50 =	vsel vm0, $0x3F800000, v4;
	v49 =	vperm.xlane v19, v2;
	vm0 =	vlt.f32 v5, v16  }
0x100: {  	v20 =	vadd.f32 v20, v50;
	vm1 =	vlt.f32 v6, v16;
	v51 =	vnsel vm0, $0xFF61B1E6, v13  }
0x101: {  	v52 =	vnsel vm1, $0xFF61B1E6, v6;
	vm0 =	vlt.f32 v11, v16;
	vm1 =	veq.f32 v9, v15  }
0x102: {  	v22 =	vmax.f32 v51, v52;
	v53 =	vnsel vm0, $0xFF61B1E6, v11;
	vm0 =	vlt.f32 v12, v16  }
0x103: {  	v59 =	vsel vm1, $0x3F800000, v4;
	vm1 =	veq.f32 v6, v16;
	v22 =	vmax.f32 v22, v53  }
0x104: {  	v54 =	vnsel vm0, $0xFF61B1E6, v12;
	vm0 =	vlt.f32 v10, v16;
	v20 =	vadd.f32 v20, v59  }
0x105: {  	v22 =	vmax.f32 v22, v54;
	v55 =	vnsel vm0, $0xFF61B1E6, v10;
	vm0 =	vlt.f32 v9, v16  }
0x106: {  	v22 =	vmax.f32 v22, v55;
	v56 =	vnsel vm0, $0xFF61B1E6, v9;
	vm0 =	vlt.f32 v8, v16  }
0x107: {  	v22 =	vmax.f32 v22, v56;
	v57 =	vnsel vm0, $0xFF61B1E6, v8;
	vm0 =	vlt.f32 v7, v16  }
0x108: {  	v63 =	vsel vm1, $0x3F800000, v4;
	v22 =	vmax.f32 v22, v57;
	v58 =	vnsel vm0, $0xFF61B1E6, v7  }
0x109: {  	vm1 =	veq.f32 v7, v15;
	vm0 =	veq.f32 v8, v15;
	v22 =	vmax.f32 v22, v58  }
0x10a: {  	v61 =	vsel vm0, $0x3F800000, v4;
	vm0 =	veq.f32 v5, v16;
	v60 =	vperm.xlane v22, v0  }
0x10b: {  	v33 =	vsel vm1, $0x3F800000, v4;
	v62 =	vsel vm0, $0x3F800000, v4;
	v20 =	vadd.f32 v20, v61  }
0x10c: {  	vm0 =	veq.f32 v11, v16;
	v28 =	vadd.f32 v63, v62;
	v21 =	vmax.f32 v22, v60  }
0x10d: {  	v31 =	vsel vm0, $0x3F800000, v4;
	v20 =	vadd.f32 v20, v33;
	v29 =	vperm.xlane v21, v1  }
0x10e: {  	v19 =	vadd.f32 v19, v49;
	vm0 =	veq.f32 v12, v16;
	v22 =	vadd.f32 v28, v31  }
0x10f: {  	v32 =	vsel vm0, $0x3F800000, v4;
	v36 =	vperm.xlane v20, v0;
	v21 =	vmax.f32 v21, v29  }
0x110: {  	vm0 =	veq.f32 v10, v16;
	v22 =	vadd.f32 v22, v32;
	v24 =	vperm.xlane v21, v2  }
0x111: {  	v30 =	vperm.xlane v19, v3;
	v34 =	vsel vm0, $0x3F800000, v4;
	v20 =	vadd.f32 v20, v36  }
0x112: {  	vm0 =	veq.f32 v9, v16;
	v22 =	vadd.f32 v22, v34;
	v21 =	vmax.f32 v21, v24  }
0x113: {  	v37 =	vsel vm0, $0x3F800000, v4;
	v43 =	vperm.xlane v20, v1;
	v35 =	vperm.xlane v21, v3  }
0x114: {  	v19 =	vadd.f32 v19, v30;
	vm0 =	veq.f32 v8, v16;
	v22 =	vadd.f32 v22, v37  }
0x115: {  	v38 =	vsel vm0, $0x3F800000, v4;
	v20 =	vadd.f32 v20, v43;
	v21 =	vmax.f32 v21, v35  }
0x116: {  	v22 =	vadd.f32 v22, v38;
	vm0 =	veq.f32 v5, v21;
	vm1 =	veq.f32 v6, v21  }
0x117: {  	v49 =	vperm.xlane v20, v2;
	v39 =	vsel vm0, $0x3F800000, v4;
	v40 =	vsel vm1, $0x3F800000, v4  }
0x118: {  	vm0 =	veq.f32 v7, v16;
	vm1 =	veq.f32 v11, v21;
	v23 =	vadd.f32 v40, v39  }
0x119: {  	v41 =	vsel vm0, $0x3F800000, v4;
	v42 =	vsel vm1, $0x3F800000, v4;
	vm0 =	veq.f32 v12, v21  }
0x11a: {  	vm1 =	vgt.f32 v18, $0.0e+00;
	v20 =	vadd.f32 v20, v49;
	v22 =	vadd.f32 v22, v41  }
0x11b: {  	v44 =	vsel vm0, $0x3F800000, v4;
	vm0 =	veq.f32 v10, v21;
	v46 =	vsel vm1, $0x3F800000, v4  }
0x11c: {  	v23 =	vadd.f32 v23, v42;
	v47 =	vsel vm0, $0x3F800000, v4;
	vm0 =	veq.f32 v9, v21  }
0x11d: {  	v48 =	vsub.f32 $1.000000000e+00, v46;
	v19 =	vmul.f32 v19, v46;
	v53 =	vperm.xlane v20, v3  }
0x11e: {  	v14 =	vmul.f32 v46, v14;
	v50 =	vsel vm0, $0x3F800000, v4;
	vm0 =	veq.f32 v8, v21  }
0x11f: {  	v45 =	vperm.xlane v22, v0;
	v23 =	vadd.f32 v23, v44;
	v52 =	vsel vm0, $0x3F800000, v4  }
0x120: {  	vm0 =	veq.f32 v7, v21;
	v18 =	vsub.f32 v18, v19;
	v17 =	vmul.f32 v48, v17  }
0x121: {  	v19 =	vadd.f32 v20, v53;
	v22 =	vadd.f32 v22, v45;
	v54 =	vsel vm0, $0x3F800000, v4  }
0x122: {  	v23 =	vadd.f32 v23, v47;
	vm0 =	vgt.f32 v18, $0.0e+00;
	v14 =	vadd.f32 v17, v14  }
0x123: {  	v51 =	vperm.xlane v22, v1;
	v56 =	vsel vm0, $0x3F800000, v4;
	vm0 =	vlt.f32 v5, v21  }
0x124: {  	v23 =	vadd.f32 v23, v50;
	v19 =	vmul.f32 v19, v56;
	v15 =	vmul.f32 v56, v15  }
0x125: {  	v20 =	vsub.f32 $1.000000000e+00, v56;
	v5 =	vnsel vm0, $0xFF61B1E6, v13;
	vm0 =	vlt.f32 v6, v21  }
0x126: {  	v22 =	vadd.f32 v22, v51;
	v6 =	vnsel vm0, $0xFF61B1E6, v6;
	v23 =	vadd.f32 v23, v52  }
0x127: {  	vm0 =	vlt.f32 v11, v21;
	v18 =	vsub.f32 v18, v19;
	v5 =	vmax.f32 v5, v6  }
0x128: {  	v6 =	vnsel vm0, $0xFF61B1E6, v11;
	vm0 =	vlt.f32 v12, v21;
	v23 =	vadd.f32 v23, v54  }
0x129: {  	v55 =	vperm.xlane v22, v2;
	v5 =	vmax.f32 v5, v6;
	v6 =	vnsel vm0, $0xFF61B1E6, v12  }
0x12a: {  	vm0 =	vlt.f32 v10, v21;
	vm1 =	vgt.f32 v18, $0.0e+00;
	v57 =	vperm.xlane v23, v0  }
0x12b: {  	v5 =	vmax.f32 v5, v6;
	v6 =	vnsel vm0, $0xFF61B1E6, v10;
	vm0 =	vlt.f32 v9, v21  }
0x12c: {  	v22 =	vadd.f32 v22, v55;
	v5 =	vmax.f32 v5, v6;
	v23 =	vadd.f32 v23, v57  }
0x12d: {  	v6 =	vnsel vm0, $0xFF61B1E6, v9;
	vm0 =	vlt.f32 v8, v21;
	v9 =	vsel vm1, $0x3F800000, v4  }
0x12e: {  	v5 =	vmax.f32 v5, v6;
	v6 =	vnsel vm0, $0xFF61B1E6, v8;
	v59 =	vperm.xlane v23, v1  }
0x12f: {  	vm0 =	vlt.f32 v7, v21;
	v11 =	vmul.f32 v9, v16;
	v58 =	vperm.xlane v22, v3  }
0x130: {  	v5 =	vmax.f32 v5, v6;
	v6 =	vnsel vm0, $0xFF61B1E6, v7;
	v60 =	vadd.f32 v23, v59  }
0x131: {  	v7 =	vmul.f32 v20, v14;
	v5 =	vmax.f32 v5, v6;
	v17 =	vadd.f32 v22, v58  }
0x132: {  	v10 =	vperm.xlane v5, v0;
	v8 =	vperm.xlane v60, v2  }
0x133: {  	v7 =	vadd.f32 v7, v15;
	v6 =	vmul.f32 v17, v9;
	v9 =	vsub.f32 $1.000000000e+00, v9  }
0x134: {  	v8 =	vadd.f32 v60, v8  }
0x135: {  	v5 =	vmax.f32 v5, v10;
	v7 =	vmul.f32 v9, v7  }
0x136: {  	v6 =	vsub.f32 v18, v6;
	v9 =	vperm.xlane v5, v1;
	v61 =	vperm.xlane v8, v3;
	_ =	sdelay $0x1  }
0x137: {  	vm0 =	vgt.f32 v6, $0.0e+00;
	v5 =	vmax.f32 v5, v9;
	v8 =	vadd.f32 v8, v61  }
0x138: {  	v7 =	vadd.f32 v7, v11;
	v10 =	vsel vm0, $0x3F800000, v4;
	v11 =	vperm.xlane v5, v2  }
0x139: {  	v9 =	vsub.f32 $1.000000000e+00, v10;
	v8 =	vmul.f32 v8, v10  }
0x13a: {  	v5 =	vmax.f32 v5, v11  }
0x13b: {  	v7 =	vmul.f32 v9, v7;
	v10 =	vmul.f32 v10, v21;
	vm0 =	vgt.f32 v6, v8  }
0x13c: {  	v6 =	vperm.xlane v5, v3;
	v8 =	vsel vm0, $0x3F800000, v4  }
0x13d: {  	s11 =	simm.s32 $0x0;
	v7 =	vadd.f32 v7, v10;
	v9 =	vsub.f32 $1.000000000e+00, v8  }
0x13e: {  	v10 =	vld [tilespmem:s11+$0x70];
	v5 =	vmax.f32 v5, v6  }
0x13f: {  	v5 =	vmul.f32 v8, v5;
	v6 =	vmul.f32 v9, v7;
	v7 =	vld [tilespmem:s11+$0x0]  }
0x140: {  	v62 =	vld [tilespmem:s11+$0x10]  }
0x141: {  	v9 =	vld [tilespmem:s11+$0x20];
	v5 =	vadd.f32 v6, v5  }
0x142: {  	v8 =	vld [tilespmem:s11+$0x30]  }
0x143: {  	v6 =	vld [tilespmem:s11+$0x40];
	vm0 =	vge.f32 v10, v5  }
0x144: {  	vm1 =	vge.f32 v7, v5;
	v7 =	vld [tilespmem:s11+$0x50];
	v63 =	vsel vm0, $0x3F800000, v4  }
0x145: {  	s12 =	simm.s32 $0x100;
	s14 =	simm.s32 $0x800;
	s13 =	simm.s32 $0x0;
	v10 =	vld [tilespmem:s11+$0x60];
	vm0 =	vge.f32 v62, v5;
	v11 =	vsel vm1, $0x3F800000, v4;
	[tilespmem:s11+$0x2070] =	vst v63  }
.LBB2_4:
0x146: {  	p0 =	sne.s32 s14, $0x7C00;
	v12 =	vld [tilespmem:s12+$0x70];
	[tilespmem:s13+$0x2000] =	vst v11;
	v11 =	vsel vm0, $0x3F800000, v4;
	vm0 =	vge.f32 v9, v5  }
0x147: {  	v13 =	vld [tilespmem:s12+$0x0];
	[tilespmem:s13+$0x2010] =	vst v11;
	v9 =	vsel vm0, $0x3F800000, v4;
	vm0 =	vge.f32 v8, v5  }
0x148: {  	v14 =	vld [tilespmem:s12+$0x10];
	[tilespmem:s13+$0x2020] =	vst v9;
	v8 =	vsel vm0, $0x3F800000, v4;
	vm0 =	vge.f32 v6, v5  }
.Ltmp1:
0x149: {  	v9 =	vld [tilespmem:s12+$0x20];
	[tilespmem:s13+$0x2030] =	vst v8;
	v6 =	vsel vm0, $0x3F800000, v4;
	vm0 =	vge.f32 v7, v5;
	(pc) =	sbr.rel @p0 .LBB2_4-.Ltmp1, $4  }
0x14a: {  	v8 =	vld [tilespmem:s12+$0x30];
	[tilespmem:s13+$0x2040] =	vst v6;
	v7 =	vsel vm0, $0x3F800000, v4;
	vm0 =	vge.f32 v10, v5  }
0x14b: {  	v6 =	vld [tilespmem:s12+$0x40];
	vm1 =	vge.f32 v12, v5;
	[tilespmem:s13+$0x2050] =	vst v7;
	v10 =	vsel vm0, $0x3F800000, v4  }
0x14c: {  	vm0 =	vge.f32 v13, v5;
	v7 =	vld [tilespmem:s12+$0x50];
	v12 =	vsel vm1, $0x3F800000, v4;
	[tilespmem:s13+$0x2060] =	vst v10;
	s13 =	smov.u32 s12  }
0x14d: {  	s12 =	sshra.s32 s14, $0x2;
	s14 =	sadd.s32 $0x400, s14;
	v11 =	vsel vm0, $0x3F800000, v4;
	vm0 =	vge.f32 v14, v5;
	v10 =	vld [tilespmem:s13+$0x60];
	[tilespmem:s13+$0x2070] =	vst v12  }
0x14e: {  	v12 =	vld [tilespmem:s12+$0x70];
	[tilespmem:s13+$0x2000] =	vst v11;
	v11 =	vsel vm0, $0x3F800000, v4;
	vm4 =	vge.f32 v9, v5  }
0x14f: {  	v13 =	vld [tilespmem:s12+$0x0];
	[tilespmem:s13+$0x2010] =	vst v11;
	v9 =	vsel vm4, $0x3F800000, v4;
	vm5 =	vge.f32 v8, v5  }
0x150: {  	v11 =	vld [tilespmem:s12+$0x10];
	[tilespmem:s13+$0x2020] =	vst v9;
	v8 =	vsel vm5, $0x3F800000, v4;
	vm6 =	vge.f32 v6, v5  }
0x151: {  	v9 =	vld [tilespmem:s12+$0x20];
	[tilespmem:s13+$0x2030] =	vst v8;
	v6 =	vsel vm6, $0x3F800000, v4;
	vm7 =	vge.f32 v7, v5  }
0x152: {  	v8 =	vld [tilespmem:s12+$0x30];
	[tilespmem:s13+$0x2040] =	vst v6;
	v6 =	vsel vm7, $0x3F800000, v4;
	vm8 =	vge.f32 v10, v5  }
0x153: {  	v7 =	vld [tilespmem:s12+$0x40];
	[tilespmem:s13+$0x2050] =	vst v6;
	v6 =	vsel vm8, $0x3F800000, v4;
	vm9 =	vge.f32 v12, v5  }
0x154: {  	v10 =	vld [tilespmem:s12+$0x50];
	[tilespmem:s13+$0x2060] =	vst v6;
	vm1 =	vge.f32 v13, v5;
	v6 =	vsel vm9, $0x3F800000, v4  }
0x155: {  	v12 =	vld [tilespmem:s12+$0x60];
	v13 =	vsel vm1, $0x3F800000, v4;
	vm10 =	vge.f32 v11, v5;
	[tilespmem:s12+$0x2070] =	vst v6  }
0x156: {  	[tilespmem:s12+$0x2000] =	vst v13;
	v6 =	vsel vm10, $0x3F800000, v4;
	vm11 =	vge.f32 v9, v5  }
0x157: {  	[tilespmem:s12+$0x2010] =	vst v6;
	v6 =	vsel vm11, $0x3F800000, v4;
	vm12 =	vge.f32 v8, v5  }
0x158: {  	[tilespmem:s12+$0x2020] =	vst v6;
	v6 =	vsel vm12, $0x3F800000, v4;
	vm13 =	vge.f32 v7, v5  }
0x159: {  	[tilespmem:s12+$0x2030] =	vst v6;
	v6 =	vsel vm13, $0x3F800000, v4;
	vm14 =	vge.f32 v10, v5  }
0x15a: {  	[tilespmem:s12+$0x2040] =	vst v6;
	v6 =	vsel vm14, $0x3F800000, v4;
	vm15 =	vge.f32 v12, v5  }
0x15b: {  	[tilespmem:s12+$0x2050] =	vst v6;
	v5 =	vsel vm15, $0x3F800000, v4  }
0x15c: {  	[tilespmem:s12+$0x2060] =	vst v5  }
0x15d: {  	v5 =	vld [tilespmem:s11+$0xE0]  }
0x15e: {  	v6 =	vld [tilespmem:s11+$0x90]  }
0x15f: {  	v7 =	vld [tilespmem:s11+$0xD0]  }
0x160: {  	v8 =	vld [tilespmem:s11+$0xB0]  }
0x161: {  	v9 =	vld [tilespmem:s11+$0x80]  }
0x162: {  	v10 =	vld [tilespmem:s11+$0xF0]  }
0x163: {  	v11 =	vld [tilespmem:s11+$0xC0]  }
0x164: {  	v12 =	vld [tilespmem:s11+$0xA0];
	_ =	sdelay $0x2  }
0x165: {  	v13 =	vimm.f32 $-3.000000010e+38;
	v14 =	vmin.f32 v9, v6;
	v6 =	vmax.f32 v9, v6  }
0x166: {  	v9 =	vmax.f32 v5, v10;
	v5 =	vmin.f32 v5, v10;
	v10 =	vmax.f32 v11, v7  }
0x167: {  	v7 =	vmin.f32 v11, v7;
	v11 =	vmax.f32 v12, v8;
	v8 =	vmin.f32 v12, v8  }
0x168: {  	v12 =	vmin.f32 v7, v5;
	v15 =	vmax.f32 v6, v11;
	v6 =	vmin.f32 v6, v11  }
0x169: {  	v11 =	vmax.f32 v14, v8;
	v16 =	vmin.f32 v10, v9;
	v5 =	vmax.f32 v7, v5  }
0x16a: {  	v7 =	vmax.f32 v10, v9;
	v8 =	vmin.f32 v14, v8;
	v9 =	vmax.f32 v5, v16  }
0x16b: {  	v10 =	vmax.f32 v11, v6;
	v17 =	vmin.f32 v15, v7;
	v7 =	vmax.f32 v15, v7  }
0x16c: {  	v6 =	vmin.f32 v11, v6;
	v5 =	vmin.f32 v5, v16;
	v16 =	vmax.f32 v8, v12  }
0x16d: {  	v15 =	vmax.f32 v10, v9;
	v18 =	vmax.f32 v13, v7;
	v7 =	vmin.f32 v13, v7  }
0x16e: {  	v9 =	vmin.f32 v10, v9;
	v10 =	vmin.f32 v6, v5;
	v5 =	vmax.f32 v6, v5  }
0x16f: {  	v11 =	vmax.f32 v15, v17;
	v14 =	vmin.f32 v13, v7;
	v7 =	vmax.f32 v13, v7  }
0x170: {  	v15 =	vmin.f32 v15, v17;
	v20 =	vmax.f32 v16, v10;
	v19 =	vmax.f32 v13, v14  }
0x171: {  	v14 =	vmin.f32 v13, v14;
	v22 =	vmax.f32 v7, v11;
	v17 =	vmax.f32 v5, v15  }
0x172: {  	v7 =	vmin.f32 v7, v11;
	v5 =	vmin.f32 v5, v15;
	v15 =	vmax.f32 v20, v9  }
0x173: {  	v6 =	vmax.f32 v13, v14;
	v14 =	vmin.f32 v13, v14;
	v21 =	vmin.f32 v19, v7  }
0x174: {  	v23 =	vmax.f32 v15, v5;
	v19 =	vmax.f32 v19, v7;
	v5 =	vmin.f32 v15, v5  }
0x175: {  	v11 =	vmin.f32 v13, v14;
	v24 =	vmin.f32 v6, v21;
	v6 =	vmax.f32 v6, v21  }
0x176: {  	s31 =	simm.s32 $0x100;
	v7 =	vmin.f32 v19, v17;
	v14 =	vmax.f32 v13, v14;
	v19 =	vmax.f32 v19, v17  }
0x177: {  	v26 =	vld [tilespmem:s31+$0xD0];
	v15 =	vmax.f32 v6, v7;
	v6 =	vmin.f32 v6, v7;
	v25 =	vmax.f32 v14, v24  }
0x178: {  	v29 =	vld [tilespmem:s31+$0x80];
	v7 =	vmin.f32 v8, v12;
	v8 =	vmin.f32 v16, v10;
	v10 =	vmax.f32 v13, v11  }
0x179: {  	v21 =	vld [tilespmem:s31+$0xE0];
	v14 =	vmin.f32 v14, v24;
	v11 =	vmin.f32 v13, v11;
	v16 =	vmax.f32 v25, v6  }
0x17a: {  	v17 =	vld [tilespmem:s31+$0xC0];
	v6 =	vmin.f32 v25, v6;
	v24 =	vmin.f32 v15, v23;
	v27 =	vmax.f32 v10, v14  }
0x17b: {  	v12 =	vld [tilespmem:s31+$0x90];
	v30 =	vmin.f32 v13, v11;
	v23 =	vmax.f32 v15, v23;
	v10 =	vmin.f32 v10, v14  }
0x17c: {  	v25 =	vld [tilespmem:s31+$0xB0];
	v11 =	vmax.f32 v13, v11;
	v28 =	vmax.f32 v16, v24;
	v14 =	vmax.f32 v27, v6  }
0x17d: {  	v15 =	vld [tilespmem:s31+$0xF0];
	v16 =	vmin.f32 v16, v24;
	v32 =	vmax.f32 v11, v10;
	v6 =	vmin.f32 v27, v6  }
0x17e: {  	v24 =	vld [tilespmem:s31+$0xA0];
	v13 =	vmax.f32 v13, v30;
	v31 =	vmin.f32 v28, v5;
	v28 =	vmax.f32 v28, v5  }
0x17f: {  	v5 =	vmin.f32 v11, v10;
	v27 =	vmax.f32 v32, v6;
	v33 =	vmin.f32 v14, v16  }
0x180: {  	v6 =	vmin.f32 v32, v6;
	v62 =	vmax.f32 v14, v16;
	v5 =	vmax.f32 v13, v5  }
0x181: {  	v14 =	vmax.f32 v62, v31;
	v10 =	vmin.f32 v29, v12;
	v12 =	vmax.f32 v29, v12  }
0x182: {  	v13 =	vmax.f32 v5, v6;
	v29 =	vmax.f32 v21, v15;
	v15 =	vmin.f32 v21, v15  }
0x183: {  	v21 =	vmax.f32 v17, v26;
	v17 =	vmin.f32 v17, v26;
	v26 =	vmax.f32 v24, v25  }
0x184: {  	v24 =	vmin.f32 v24, v25;
	v11 =	vmin.f32 v17, v15;
	v30 =	vmin.f32 v21, v29  }
0x185: {  	v34 =	vmax.f32 v17, v15;
	v15 =	vmax.f32 v21, v29;
	v25 =	vmax.f32 v12, v26  }
0x186: {  	v12 =	vmin.f32 v12, v26;
	v26 =	vmax.f32 v10, v24;
	v21 =	vmax.f32 v34, v30  }
0x187: {  	v17 =	vmin.f32 v10, v24;
	v10 =	vmin.f32 v34, v30;
	v30 =	vmin.f32 v20, v9  }
0x188: {  	v29 =	vmax.f32 v26, v12;
	v60 =	vmin.f32 v25, v15;
	v6 =	vmax.f32 v25, v15  }
0x189: {  	v15 =	vmin.f32 v27, v33;
	v12 =	vmin.f32 v26, v12;
	v27 =	vmax.f32 v27, v33  }
0x18a: {  	v25 =	vmax.f32 v29, v21;
	v5 =	vmax.f32 v18, v6;
	v9 =	vmin.f32 v29, v21  }
0x18b: {  	v20 =	vmin.f32 v12, v10;
	v6 =	vmin.f32 v18, v6;
	v21 =	vmax.f32 v17, v11  }
0x18c: {  	v26 =	vmax.f32 v25, v60;
	v18 =	vmax.f32 v22, v6;
	v6 =	vmin.f32 v22, v6  }
0x18d: {  	v22 =	vmax.f32 v12, v10;
	v24 =	vmin.f32 v25, v60;
	v10 =	vmax.f32 v21, v20  }
0x18e: {  	v29 =	vmax.f32 v19, v6;
	v19 =	vmin.f32 v19, v6;
	v6 =	vmax.f32 v18, v26  }
0x18f: {  	v12 =	vmax.f32 v22, v24;
	v18 =	vmin.f32 v18, v26;
	v25 =	vmin.f32 v22, v24  }
0x190: {  	v63 =	vmax.f32 v10, v9;
	v26 =	vmin.f32 v14, v30;
	v61 =	vmax.f32 v23, v19  }
0x191: {  	v19 =	vmin.f32 v23, v19;
	v35 =	vmin.f32 v29, v18;
	v23 =	vmax.f32 v14, v30  }
0x192: {  	v16 =	vmax.f32 v63, v25;
	v14 =	vmin.f32 v63, v25;
	v18 =	vmax.f32 v29, v18  }
0x193: {  	v30 =	vmin.f32 v62, v31;
	v22 =	vmin.f32 v28, v19;
	v24 =	vmin.f32 v61, v35  }
0x194: {  	v25 =	vmax.f32 v28, v19;
	v28 =	vmax.f32 v61, v35;
	v29 =	vmin.f32 v18, v12  }
0x195: {  	v31 =	vmax.f32 v27, v30;
	v30 =	vmin.f32 v27, v30;
	v19 =	vmax.f32 v28, v29  }
0x196: {  	s11 =	simm.s32 $0x800;
	v28 =	vmin.f32 v28, v29;
	v29 =	vmax.f32 v25, v24;
	v27 =	vmax.f32 v31, v26  }
.LBB2_6:
0x197: {  	s12 =	sshra.s32 s11, $0x2;
	p0 =	sne.s32 s11, $0x7C00;
	s11 =	sadd.s32 $0x400, s11;
	v11 =	vmin.f32 v17, v11;
	v17 =	vmin.f32 v21, v20;
	v20 =	vmin.f32 v31, v26;
	v21 =	vmovc v5  }
0x198: {  	v31 =	vmax.f32 v23, v22;
	v13 =	vmax.f32 v13, v15;
	v15 =	vmin.f32 v27, v8;
	v26 =	vld [tilespmem:s12+$0xE0]  }
0x199: {  	v33 =	vmax.f32 v29, v28;
	v28 =	vmin.f32 v29, v28;
	v13 =	vmax.f32 v13, v30;
	v32 =	vld [tilespmem:s12+$0x90]  }
0x19a: {  	v24 =	vmin.f32 v25, v24;
	v25 =	vmin.f32 v19, v16;
	v27 =	vmax.f32 v27, v8;
	v8 =	vmovc v17;
	v29 =	vld [tilespmem:s12+$0xD0]  }
0x19b: {  	v22 =	vmin.f32 v23, v22;
	v23 =	vmax.f32 v31, v24;
	v30 =	vmax.f32 v33, v25;
	v17 =	vld [tilespmem:s12+$0xB0]  }
0x19c: {  	v12 =	vmax.f32 v18, v12;
	v16 =	vmax.f32 v19, v16;
	v35 =	vmin.f32 v27, v22;
	v34 =	vld [tilespmem:s12+$0x80]  }
0x19d: {  	v19 =	vmin.f32 v31, v24;
	v24 =	vmax.f32 v23, v28;
	v13 =	vmax.f32 v13, v20;
	v18 =	vld [tilespmem:s12+$0xF0]  }
0x19e: {  	v22 =	vmax.f32 v27, v22;
	v25 =	vmin.f32 v33, v25;
	v27 =	vmin.f32 v30, v14;
	v20 =	vld [tilespmem:s12+$0xC0]  }
0x19f: {  	v33 =	vmax.f32 v22, v19;
	v30 =	vmax.f32 v30, v14;
	v13 =	vmax.f32 v13, v15;
	v31 =	vld [tilespmem:s12+$0xA0]  }
0x1a0: {  	v14 =	vmin.f32 v22, v19;
	v15 =	vmin.f32 v23, v28;
	v13 =	vmax.f32 v13, v7;
	v7 =	vmovc v11  }
0x1a1: {  	v23 =	vmin.f32 v24, v25;
	v22 =	vmax.f32 v33, v15;
	v19 =	vmin.f32 v34, v32  }
0x1a2: {  	v28 =	vmax.f32 v34, v32;
	v32 =	vmax.f32 v26, v18;
	v18 =	vmin.f32 v26, v18  }
0x1a3: {  	v13 =	vmax.f32 v13, v35;
	v26 =	vmax.f32 v20, v29;
	v20 =	vmin.f32 v20, v29  }
0x1a4: {  	v29 =	vmax.f32 v31, v17;
	v17 =	vmin.f32 v31, v17;
	v11 =	vmin.f32 v20, v18  }
0x1a5: {  	v31 =	vmax.f32 v28, v29;
	v28 =	vmin.f32 v28, v29;
	v29 =	vmax.f32 v19, v17  }
0x1a6: {  	v13 =	vmax.f32 v13, v14;
	v34 =	vmin.f32 v26, v32;
	v18 =	vmax.f32 v20, v18  }
0x1a7: {  	v15 =	vmin.f32 v33, v15;
	v14 =	vmax.f32 v26, v32;
	v20 =	vmax.f32 v18, v34  }
0x1a8: {  	v13 =	vmax.f32 v13, v15;
	v26 =	vmax.f32 v29, v28;
	v32 =	vmin.f32 v31, v14  }
0x1a9: {  	v15 =	vmin.f32 v22, v23;
	v14 =	vmax.f32 v31, v14;
	v31 =	vmax.f32 v26, v20  }
0x1aa: {  	v28 =	vmin.f32 v29, v28;
	v5 =	vmax.f32 v5, v14;
	v29 =	vmax.f32 v31, v32  }
0x1ab: {  	v17 =	vmin.f32 v19, v17;
	v18 =	vmin.f32 v18, v34;
	v19 =	vmin.f32 v10, v9  }
0x1ac: {  	v9 =	vmin.f32 v26, v20;
	v20 =	vmin.f32 v28, v18;
	v10 =	vmin.f32 v21, v14  }
0x1ad: {  	v21 =	vmax.f32 v17, v11;
	v14 =	vmax.f32 v6, v10;
	v6 =	vmin.f32 v6, v10  }
0x1ae: {  	v33 =	vmax.f32 v12, v6;
	v10 =	vmin.f32 v12, v6;
	v6 =	vmax.f32 v14, v29  }
0x1af: {  	v34 =	vmax.f32 v22, v23;
	v18 =	vmax.f32 v28, v18;
	v28 =	vmax.f32 v16, v10  }
0x1b0: {  	v22 =	vmin.f32 v31, v32;
	v32 =	vmax.f32 v24, v25;
	v31 =	vmin.f32 v16, v10  }
0x1b1: {  	v12 =	vmax.f32 v18, v22;
	v29 =	vmin.f32 v14, v29;
	v14 =	vmax.f32 v32, v27  }
0x1b2: {  	v18 =	vmin.f32 v18, v22;
	v10 =	vmax.f32 v21, v20;
	v22 =	vmin.f32 v30, v31  }
0x1b3: {  	v35 =	vmin.f32 v33, v29;
	v23 =	vmax.f32 v14, v19;
	v25 =	vmax.f32 v10, v9  }
.Ltmp2:
0x1b4: {  	v26 =	vmin.f32 v14, v19;
	v24 =	vmin.f32 v28, v35;
	v16 =	vmax.f32 v25, v18;
	(pc) =	sbr.rel @p0 .LBB2_6-.Ltmp2, $4  }
0x1b5: {  	v14 =	vmin.f32 v25, v18;
	v25 =	vmax.f32 v30, v31;
	v18 =	vmax.f32 v33, v29  }
0x1b6: {  	v27 =	vmin.f32 v32, v27;
	v28 =	vmax.f32 v28, v35;
	v29 =	vmin.f32 v18, v12  }
0x1b7: {  	v31 =	vmax.f32 v34, v27;
	v19 =	vmax.f32 v28, v29;
	v28 =	vmin.f32 v28, v29  }
0x1b8: {  	v30 =	vmin.f32 v34, v27;
	v27 =	vmax.f32 v31, v26;
	v29 =	vmax.f32 v25, v24  }
0x1b9: {  	v17 =	vmin.f32 v17, v11  }
0x1ba: {  	v20 =	vmin.f32 v21, v20;
	v11 =	vmin.f32 v31, v26;
	v34 =	vmax.f32 v23, v22  }
0x1bb: {  	v13 =	vmax.f32 v13, v15;
	v35 =	vmin.f32 v27, v8;
	v36 =	vmax.f32 v29, v28  }
0x1bc: {  	v37 =	vmin.f32 v29, v28;
	v24 =	vmin.f32 v25, v24;
	v38 =	vmin.f32 v19, v16  }
0x1bd: {  	v8 =	vmax.f32 v27, v8;
	v39 =	vmin.f32 v23, v22;
	v9 =	vmin.f32 v10, v9  }
0x1be: {  	vm0 =	vlt.f32 v5, $3.000000010e+38;
	vm1 =	vlt.f32 v6, $3.000000010e+38;
	v13 =	vmax.f32 v13, v30  }
0x1bf: {  	v40 =	vmax.f32 v34, v24;
	v41 =	vmax.f32 v36, v38;
	v42 =	vmin.f32 v8, v39  }
0x1c0: {  	v21 =	vmin.f32 v34, v24;
	v8 =	vmax.f32 v8, v39;
	v44 =	vmin.f32 v36, v38  }
0x1c1: {  	v51 =	vnsel vm1, $0xFF61B1E6, v6;
	v43 =	vmax.f32 v40, v37;
	v11 =	vmax.f32 v13, v11  }
0x1c2: {  	v45 =	vmin.f32 v41, v14;
	v22 =	vmax.f32 v8, v21;
	v11 =	vmax.f32 v11, v35  }
0x1c3: {  	v8 =	vmin.f32 v8, v21;
	v13 =	vmax.f32 v5, $-3.000000010e+38;
	v7 =	vmax.f32 v11, v7  }
0x1c4: {  	v50 =	vnsel vm0, $0xFF61B1E6, v13;
	v11 =	vmin.f32 v40, v37;
	v7 =	vmax.f32 v7, v42  }
0x1c5: {  	v46 =	vmax.f32 v22, v11;
	v7 =	vmax.f32 v7, v8;
	v8 =	vmin.f32 v22, v11  }
0x1c6: {  	v11 =	vmin.f32 v43, v44;
	v7 =	vmax.f32 v7, v8;
	v8 =	vmax.f32 v43, v44  }
0x1c7: {  	v47 =	vmin.f32 v46, v11;
	v10 =	vmax.f32 v46, v11;
	v48 =	vmax.f32 v8, v45  }
0x1c8: {  	v8 =	vmin.f32 v8, v45;
	v7 =	vmax.f32 v7, v47;
	v11 =	vmin.f32 v48, v9  }
0x1c9: {  	v15 =	vmax.f32 v10, v8;
	v8 =	vmin.f32 v10, v8;
	v9 =	vmax.f32 v48, v9  }
0x1ca: {  	v49 =	vmax.f32 v15, v11;
	v10 =	vmin.f32 v15, v11;
	v7 =	vmax.f32 v7, v8  }
0x1cb: {  	v11 =	vmax.f32 v18, v12;
	v12 =	vmax.f32 v19, v16;
	v8 =	vmin.f32 v49, v20  }
0x1cc: {  	v7 =	vmax.f32 v7, v10;
	v10 =	vmax.f32 v41, v14;
	vm0 =	vlt.f32 v11, $3.000000010e+38  }
0x1cd: {  	v14 =	vmax.f32 v50, v51;
	v7 =	vmax.f32 v7, v8;
	v8 =	vmax.f32 v49, v20  }
0x1ce: {  	v52 =	vnsel vm0, $0xFF61B1E6, v11;
	vm0 =	vlt.f32 v12, $3.000000010e+38;
	v7 =	vmax.f32 v7, v17  }
0x1cf: {  	v14 =	vmax.f32 v14, v52;
	v53 =	vnsel vm0, $0xFF61B1E6, v12;
	vm0 =	vlt.f32 v10, $3.000000010e+38  }
0x1d0: {  	v14 =	vmax.f32 v14, v53;
	v54 =	vnsel vm0, $0xFF61B1E6, v10;
	vm0 =	vlt.f32 v9, $3.000000010e+38  }
0x1d1: {  	v14 =	vmax.f32 v14, v54;
	v55 =	vnsel vm0, $0xFF61B1E6, v9;
	vm0 =	vlt.f32 v8, $3.000000010e+38  }
0x1d2: {  	v14 =	vmax.f32 v14, v55;
	v56 =	vnsel vm0, $0xFF61B1E6, v8;
	vm0 =	vlt.f32 v7, $3.000000010e+38  }
0x1d3: {  	v14 =	vmax.f32 v14, v56;
	v57 =	vnsel vm0, $0xFF61B1E6, v7  }
0x1d4: {  	v14 =	vmax.f32 v14, v57  }
0x1d5: {  	v15 =	vperm.xlane v14, v0;
	_ =	sdelay $0x1  }
0x1d6: {  	v14 =	vmax.f32 v14, v15  }
0x1d7: {  	v15 =	vperm.xlane v14, v1;
	_ =	sdelay $0x1  }
0x1d8: {  	v14 =	vmax.f32 v14, v15  }
0x1d9: {  	v15 =	vperm.xlane v14, v2;
	_ =	sdelay $0x1  }
0x1da: {  	v14 =	vmax.f32 v14, v15  }
0x1db: {  	v15 =	vperm.xlane v14, v3;
	_ =	sdelay $0x1  }
0x1dc: {  	v14 =	vmax.f32 v14, v15  }
0x1dd: {  	vm0 =	vlt.f32 v5, v14;
	vm1 =	vlt.f32 v6, v14  }
0x1de: {  	v58 =	vnsel vm0, $0xFF61B1E6, v13;
	v59 =	vnsel vm1, $0xFF61B1E6, v6;
	vm0 =	vlt.f32 v11, v14  }
0x1df: {  	v15 =	vmax.f32 v58, v59;
	v60 =	vnsel vm0, $0xFF61B1E6, v11;
	vm0 =	vlt.f32 v12, v14  }
0x1e0: {  	v15 =	vmax.f32 v15, v60;
	v61 =	vnsel vm0, $0xFF61B1E6, v12;
	vm0 =	vlt.f32 v10, v14  }
0x1e1: {  	v15 =	vmax.f32 v15, v61;
	v62 =	vnsel vm0, $0xFF61B1E6, v10;
	vm0 =	vlt.f32 v9, v14  }
0x1e2: {  	v15 =	vmax.f32 v15, v62;
	v63 =	vnsel vm0, $0xFF61B1E6, v9;
	vm0 =	vlt.f32 v8, v14  }
0x1e3: {  	v15 =	vmax.f32 v15, v63;
	v20 =	vnsel vm0, $0xFF61B1E6, v8;
	vm0 =	vlt.f32 v7, v14  }
0x1e4: {  	v15 =	vmax.f32 v15, v20;
	v21 =	vnsel vm0, $0xFF61B1E6, v7  }
0x1e5: {  	v15 =	vmax.f32 v15, v21  }
0x1e6: {  	v16 =	vperm.xlane v15, v0;
	_ =	sdelay $0x1  }
0x1e7: {  	vm1 =	veq.f32 v6, v14;
	vm0 =	veq.f32 v5, v14;
	v15 =	vmax.f32 v15, v16  }
0x1e8: {  	v23 =	vsel vm1, $0x3F800000, v4;
	v22 =	vsel vm0, $0x3F800000, v4;
	v24 =	vperm.xlane v15, v1  }
0x1e9: {  	vm0 =	veq.f32 v11, v14;
	v16 =	vadd.f32 v23, v22  }
0x1ea: {  	v25 =	vsel vm0, $0x3F800000, v4;
	v15 =	vmax.f32 v15, v24  }
0x1eb: {  	vm0 =	veq.f32 v12, v14;
	v16 =	vadd.f32 v16, v25;
	v26 =	vperm.xlane v15, v2  }
0x1ec: {  	v27 =	vsel vm0, $0x3F800000, v4  }
0x1ed: {  	vm0 =	veq.f32 v10, v14;
	v16 =	vadd.f32 v16, v27;
	v15 =	vmax.f32 v15, v26  }
0x1ee: {  	v28 =	vsel vm0, $0x3F800000, v4;
	v29 =	vperm.xlane v15, v3  }
0x1ef: {  	vm0 =	veq.f32 v9, v14;
	v16 =	vadd.f32 v16, v28  }
0x1f0: {  	v30 =	vsel vm0, $0x3F800000, v4;
	v15 =	vmax.f32 v15, v29  }
0x1f1: {  	v16 =	vadd.f32 v16, v30;
	vm0 =	veq.f32 v5, v15;
	vm1 =	veq.f32 v6, v15  }
0x1f2: {  	v31 =	vsel vm0, $0x3F800000, v4;
	vm0 =	veq.f32 v8, v14;
	v32 =	vsel vm1, $0x3F800000, v4  }
0x1f3: {  	vm1 =	veq.f32 v7, v14;
	v33 =	vsel vm0, $0x3F800000, v4;
	vm0 =	veq.f32 v11, v15  }
0x1f4: {  	v17 =	vadd.f32 v32, v31;
	v34 =	vsel vm0, $0x3F800000, v4;
	vm0 =	veq.f32 v12, v15  }
0x1f5: {  	v35 =	vsel vm1, $0x3F800000, v4;
	v36 =	vsel vm0, $0x3F800000, v4;
	vm0 =	vlt.f32 v5, v15  }
0x1f6: {  	v16 =	vadd.f32 v16, v33;
	v37 =	vnsel vm0, $0xFF61B1E6, v13;
	vm0 =	vlt.f32 v6, v15  }
0x1f7: {  	v17 =	vadd.f32 v17, v34;
	v38 =	vnsel vm0, $0xFF61B1E6, v6;
	vm0 =	vlt.f32 v11, v15  }
0x1f8: {  	v18 =	vmax.f32 v37, v38;
	v39 =	vnsel vm0, $0xFF61B1E6, v11;
	vm0 =	vlt.f32 v12, v15  }
0x1f9: {  	v18 =	vmax.f32 v18, v39;
	v40 =	vnsel vm0, $0xFF61B1E6, v12;
	vm0 =	vlt.f32 v10, v15  }
0x1fa: {  	v18 =	vmax.f32 v18, v40;
	v41 =	vnsel vm0, $0xFF61B1E6, v10;
	vm0 =	vlt.f32 v9, v15  }
0x1fb: {  	v18 =	vmax.f32 v18, v41;
	v42 =	vnsel vm0, $0xFF61B1E6, v9;
	vm0 =	vlt.f32 v8, v15  }
0x1fc: {  	v18 =	vmax.f32 v18, v42;
	v43 =	vnsel vm0, $0xFF61B1E6, v8;
	vm0 =	vlt.f32 v7, v15  }
0x1fd: {  	v16 =	vadd.f32 v16, v35;
	v18 =	vmax.f32 v18, v43;
	v45 =	vnsel vm0, $0xFF61B1E6, v7  }
0x1fe: {  	vm1 =	veq.f32 v10, v15;
	v17 =	vadd.f32 v17, v36;
	v18 =	vmax.f32 v18, v45  }
0x1ff: {  	v44 =	vsel vm1, $0x3F800000, v4;
	v46 =	vperm.xlane v16, v0;
	v48 =	vperm.xlane v18, v0  }
0x200: {  	v17 =	vadd.f32 v17, v44;
	vm0 =	veq.f32 v9, v15  }
0x201: {  	v16 =	vadd.f32 v16, v46;
	v47 =	vsel vm0, $0x3F800000, v4;
	v18 =	vmax.f32 v18, v48  }
0x202: {  	vm0 =	veq.f32 v8, v15;
	v17 =	vadd.f32 v17, v47;
	v50 =	vperm.xlane v18, v1  }
0x203: {  	v51 =	vperm.xlane v16, v1;
	v49 =	vsel vm0, $0x3F800000, v4  }
0x204: {  	vm0 =	veq.f32 v7, v15;
	v17 =	vadd.f32 v17, v49;
	v18 =	vmax.f32 v18, v50  }
0x205: {  	v16 =	vadd.f32 v16, v51;
	v52 =	vsel vm0, $0x3F800000, v4;
	v19 =	vperm.xlane v18, v2  }
0x206: {  	v17 =	vadd.f32 v17, v52  }
0x207: {  	v54 =	vperm.xlane v16, v2;
	v18 =	vmax.f32 v18, v19  }
0x208: {  	v53 =	vperm.xlane v17, v0;
	v19 =	vperm.xlane v18, v3  }
0x209: {  	v55 =	vadd.f32 v16, v54  }
0x20a: {  	v17 =	vadd.f32 v17, v53;
	v16 =	vmax.f32 v18, v19  }
0x20b: {  	v57 =	vperm.xlane v55, v3;
	vm0 =	vlt.f32 v5, v16  }
0x20c: {  	v56 =	vperm.xlane v17, v1;
	v58 =	vnsel vm0, $0xFF61B1E6, v13;
	vm0 =	vlt.f32 v6, v16  }
0x20d: {  	vm1 =	veq.f32 v5, v16;
	v59 =	vnsel vm0, $0xFF61B1E6, v6;
	vm0 =	vlt.f32 v11, v16  }
0x20e: {  	v19 =	vmax.f32 v58, v59;
	v60 =	vnsel vm0, $0xFF61B1E6, v11;
	vm0 =	vlt.f32 v12, v16  }
0x20f: {  	v19 =	vmax.f32 v19, v60;
	v61 =	vnsel vm0, $0xFF61B1E6, v12;
	vm0 =	vlt.f32 v10, v16  }
0x210: {  	v19 =	vmax.f32 v19, v61;
	v62 =	vnsel vm0, $0xFF61B1E6, v10;
	vm0 =	vlt.f32 v9, v16  }
0x211: {  	v19 =	vmax.f32 v19, v62;
	v63 =	vnsel vm0, $0xFF61B1E6, v9;
	vm0 =	vlt.f32 v8, v16  }
0x212: {  	v19 =	vmax.f32 v19, v63;
	v24 =	vnsel vm0, $0xFF61B1E6, v8;
	vm0 =	vlt.f32 v7, v16  }
0x213: {  	v25 =	vnsel vm0, $0xFF61B1E6, v7;
	vm0 =	veq.f32 v6, v16;
	v19 =	vmax.f32 v19, v24  }
0x214: {  	v26 =	vsel vm1, $0x3F800000, v4;
	v27 =	vsel vm0, $0x3F800000, v4;
	v19 =	vmax.f32 v19, v25  }
0x215: {  	vm0 =	veq.f32 v11, v16;
	v21 =	vadd.f32 v27, v26;
	v22 =	vperm.xlane v19, v0  }
0x216: {  	v18 =	vadd.f32 v55, v57;
	v17 =	vadd.f32 v17, v56;
	v29 =	vsel vm0, $0x3F800000, v4  }
0x217: {  	vm0 =	veq.f32 v12, v16;
	v21 =	vadd.f32 v21, v29;
	v19 =	vmax.f32 v19, v22  }
0x218: {  	v18 =	vsub.f32 $8.000000000e+00, v18;
	v30 =	vsel vm0, $0x3F800000, v4;
	v31 =	vperm.xlane v19, v1  }
0x219: {  	v28 =	vperm.xlane v17, v2;
	vm0 =	veq.f32 v10, v16;
	v32 =	vadd.f32 v21, v30  }
0x21a: {  	vm1 =	vgt.f32 v18, $0.0e+00;
	v33 =	vsel vm0, $0x3F800000, v4;
	v19 =	vmax.f32 v19, v31  }
0x21b: {  	vm0 =	veq.f32 v9, v16;
	v20 =	vadd.f32 v32, v33;
	v34 =	vperm.xlane v19, v2  }
0x21c: {  	v17 =	vadd.f32 v17, v28;
	v36 =	vsel vm1, $0x3F800000, v4;
	v37 =	vsel vm0, $0x3F800000, v4  }
0x21d: {  	vm0 =	veq.f32 v8, v16;
	v20 =	vadd.f32 v20, v37;
	v19 =	vmax.f32 v19, v34  }
0x21e: {  	v38 =	vsub.f32 $1.000000000e+00, v36;
	v39 =	vsel vm0, $0x3F800000, v4;
	v40 =	vperm.xlane v19, v3  }
0x21f: {  	v35 =	vperm.xlane v17, v3;
	vm0 =	veq.f32 v7, v16;
	v20 =	vadd.f32 v20, v39  }
0x220: {  	v21 =	vmul.f32 v38, v14;
	v41 =	vsel vm0, $0x3F800000, v4;
	v14 =	vmax.f32 v19, v40  }
0x221: {  	v42 =	vadd.f32 v20, v41;
	vm0 =	vlt.f32 v5, v14;
	vm1 =	vlt.f32 v6, v14  }
0x222: {  	v43 =	vnsel vm0, $0xFF61B1E6, v13;
	v44 =	vnsel vm1, $0xFF61B1E6, v6;
	vm0 =	vlt.f32 v11, v14  }
0x223: {  	v20 =	vmax.f32 v43, v44;
	v45 =	vnsel vm0, $0xFF61B1E6, v11;
	vm0 =	vlt.f32 v12, v14  }
0x224: {  	v20 =	vmax.f32 v20, v45;
	v46 =	vnsel vm0, $0xFF61B1E6, v12;
	vm0 =	vlt.f32 v10, v14  }
0x225: {  	v20 =	vmax.f32 v20, v46;
	v47 =	vnsel vm0, $0xFF61B1E6, v10;
	vm0 =	vlt.f32 v9, v14  }
0x226: {  	v20 =	vmax.f32 v20, v47;
	v48 =	vnsel vm0, $0xFF61B1E6, v9;
	vm0 =	vlt.f32 v8, v14  }
0x227: {  	v20 =	vmax.f32 v20, v48;
	v49 =	vnsel vm0, $0xFF61B1E6, v8;
	vm0 =	vlt.f32 v7, v14  }
0x228: {  	v17 =	vadd.f32 v17, v35;
	v20 =	vmax.f32 v20, v49;
	v50 =	vnsel vm0, $0xFF61B1E6, v7  }
0x229: {  	v15 =	vmul.f32 v36, v15;
	v51 =	vperm.xlane v42, v0;
	v20 =	vmax.f32 v20, v50  }
0x22a: {  	v17 =	vmul.f32 v17, v36;
	v22 =	vperm.xlane v20, v0  }
0x22b: {  	v21 =	vadd.f32 v21, v15;
	vm1 =	veq.f32 v6, v14;
	v15 =	vadd.f32 v42, v51  }
0x22c: {  	v18 =	vsub.f32 v18, v17;
	v53 =	vsel vm1, $0x3F800000, v4;
	v20 =	vmax.f32 v20, v22  }
0x22d: {  	v54 =	vperm.xlane v15, v1;
	vm0 =	veq.f32 v5, v14;
	v56 =	vperm.xlane v20, v1  }
0x22e: {  	vm1 =	veq.f32 v8, v14;
	v52 =	vsel vm0, $0x3F800000, v4;
	vm0 =	veq.f32 v11, v14  }
0x22f: {  	v15 =	vadd.f32 v15, v54;
	v19 =	vadd.f32 v53, v52;
	v20 =	vmax.f32 v20, v56  }
0x230: {  	v55 =	vsel vm0, $0x3F800000, v4;
	vm0 =	veq.f32 v12, v14;
	v58 =	vperm.xlane v20, v2  }
0x231: {  	v63 =	vsel vm1, $0x3F800000, v4;
	v57 =	vsel vm0, $0x3F800000, v4;
	vm0 =	veq.f32 v10, v14  }
0x232: {  	v59 =	vperm.xlane v15, v2;
	v19 =	vadd.f32 v19, v55;
	v20 =	vmax.f32 v20, v58  }
0x233: {  	v60 =	vsel vm0, $0x3F800000, v4;
	vm0 =	veq.f32 v9, v14;
	v22 =	vperm.xlane v20, v3  }
0x234: {  	v61 =	vsel vm0, $0x3F800000, v4;
	vm0 =	vgt.f32 v18, $0.0e+00;
	v19 =	vadd.f32 v19, v57  }
0x235: {  	v17 =	vadd.f32 v15, v59;
	v62 =	vsel vm0, $0x3F800000, v4;
	v15 =	vmax.f32 v20, v22  }
0x236: {  	v19 =	vadd.f32 v19, v60;
	vm0 =	vlt.f32 v5, v15;
	vm1 =	vlt.f32 v6, v15  }
0x237: {  	v26 =	vnsel vm0, $0xFF61B1E6, v13;
	v27 =	vnsel vm1, $0xFF61B1E6, v6;
	vm0 =	vlt.f32 v11, v15  }
0x238: {  	v20 =	vmax.f32 v26, v27;
	v28 =	vnsel vm0, $0xFF61B1E6, v11;
	vm0 =	vlt.f32 v12, v15  }
0x239: {  	v20 =	vmax.f32 v20, v28;
	v29 =	vnsel vm0, $0xFF61B1E6, v12;
	vm0 =	vlt.f32 v10, v15  }
0x23a: {  	v20 =	vmax.f32 v20, v29;
	v30 =	vnsel vm0, $0xFF61B1E6, v10;
	vm0 =	vlt.f32 v9, v15  }
0x23b: {  	v20 =	vmax.f32 v20, v30;
	v31 =	vnsel vm0, $0xFF61B1E6, v9;
	vm0 =	vlt.f32 v8, v15  }
0x23c: {  	v20 =	vmax.f32 v20, v31;
	v32 =	vnsel vm0, $0xFF61B1E6, v8;
	vm0 =	vlt.f32 v7, v15  }
0x23d: {  	v19 =	vadd.f32 v19, v61;
	v20 =	vmax.f32 v20, v32;
	v33 =	vnsel vm0, $0xFF61B1E6, v7  }
0x23e: {  	v34 =	vsub.f32 $1.000000000e+00, v62;
	v20 =	vmax.f32 v20, v33  }
0x23f: {  	v19 =	vadd.f32 v19, v63;
	vm1 =	veq.f32 v7, v14;
	v37 =	vperm.xlane v20, v0  }
0x240: {  	v36 =	vperm.xlane v17, v3;
	v16 =	vmul.f32 v62, v16;
	v35 =	vsel vm1, $0x3F800000, v4  }
0x241: {  	v21 =	vmul.f32 v34, v21;
	v19 =	vadd.f32 v19, v35;
	v20 =	vmax.f32 v20, v37  }
0x242: {  	v22 =	vadd.f32 v17, v36;
	v39 =	vperm.xlane v20, v1  }
0x243: {  	v17 =	vadd.f32 v21, v16;
	vm1 =	veq.f32 v6, v15;
	v38 =	vperm.xlane v19, v0  }
0x244: {  	v41 =	vsel vm1, $0x3F800000, v4;
	vm0 =	veq.f32 v5, v15;
	v16 =	vmax.f32 v20, v39  }
0x245: {  	v19 =	vadd.f32 v19, v38;
	v40 =	vsel vm0, $0x3F800000, v4;
	v43 =	vperm.xlane v16, v2  }
0x246: {  	v22 =	vmul.f32 v22, v62;
	vm0 =	veq.f32 v11, v15;
	v42 =	vadd.f32 v41, v40  }
0x247: {  	v44 =	vperm.xlane v19, v1;
	v45 =	vsel vm0, $0x3F800000, v4;
	v16 =	vmax.f32 v16, v43  }
0x248: {  	vm0 =	veq.f32 v12, v15;
	v20 =	vadd.f32 v42, v45;
	v47 =	vperm.xlane v16, v3  }
0x249: {  	v18 =	vsub.f32 v18, v22;
	v46 =	vsel vm0, $0x3F800000, v4;
	v19 =	vadd.f32 v19, v44  }
0x24a: {  	vm0 =	veq.f32 v10, v15;
	v20 =	vadd.f32 v20, v46;
	v16 =	vmax.f32 v16, v47  }
0x24b: {  	v49 =	vsel vm0, $0x3F800000, v4;
	v48 =	vperm.xlane v19, v2;
	vm0 =	vlt.f32 v5, v16  }
0x24c: {  	v20 =	vadd.f32 v20, v49;
	vm1 =	vlt.f32 v6, v16;
	v50 =	vnsel vm0, $0xFF61B1E6, v13  }
0x24d: {  	v51 =	vnsel vm1, $0xFF61B1E6, v6;
	vm0 =	vlt.f32 v11, v16;
	vm1 =	veq.f32 v9, v15  }
0x24e: {  	v22 =	vmax.f32 v50, v51;
	v52 =	vnsel vm0, $0xFF61B1E6, v11;
	vm0 =	vlt.f32 v12, v16  }
0x24f: {  	v58 =	vsel vm1, $0x3F800000, v4;
	vm1 =	veq.f32 v6, v16;
	v22 =	vmax.f32 v22, v52  }
0x250: {  	v53 =	vnsel vm0, $0xFF61B1E6, v12;
	vm0 =	vlt.f32 v10, v16;
	v20 =	vadd.f32 v20, v58  }
0x251: {  	v22 =	vmax.f32 v22, v53;
	v54 =	vnsel vm0, $0xFF61B1E6, v10;
	vm0 =	vlt.f32 v9, v16  }
0x252: {  	v22 =	vmax.f32 v22, v54;
	v55 =	vnsel vm0, $0xFF61B1E6, v9;
	vm0 =	vlt.f32 v8, v16  }
0x253: {  	v22 =	vmax.f32 v22, v55;
	v56 =	vnsel vm0, $0xFF61B1E6, v8;
	vm0 =	vlt.f32 v7, v16  }
0x254: {  	v62 =	vsel vm1, $0x3F800000, v4;
	v22 =	vmax.f32 v22, v56;
	v57 =	vnsel vm0, $0xFF61B1E6, v7  }
0x255: {  	vm1 =	veq.f32 v7, v15;
	vm0 =	veq.f32 v8, v15;
	v22 =	vmax.f32 v22, v57  }
0x256: {  	v60 =	vsel vm0, $0x3F800000, v4;
	vm0 =	veq.f32 v5, v16;
	v59 =	vperm.xlane v22, v0  }
0x257: {  	v32 =	vsel vm1, $0x3F800000, v4;
	v61 =	vsel vm0, $0x3F800000, v4;
	v20 =	vadd.f32 v20, v60  }
0x258: {  	vm0 =	veq.f32 v11, v16;
	v63 =	vadd.f32 v62, v61;
	v21 =	vmax.f32 v22, v59  }
0x259: {  	v30 =	vsel vm0, $0x3F800000, v4;
	v20 =	vadd.f32 v20, v32;
	v28 =	vperm.xlane v21, v1  }
0x25a: {  	v19 =	vadd.f32 v19, v48;
	vm0 =	veq.f32 v12, v16;
	v22 =	vadd.f32 v63, v30  }
0x25b: {  	v31 =	vsel vm0, $0x3F800000, v4;
	v35 =	vperm.xlane v20, v0;
	v21 =	vmax.f32 v21, v28  }
0x25c: {  	vm0 =	veq.f32 v10, v16;
	v22 =	vadd.f32 v22, v31;
	v24 =	vperm.xlane v21, v2  }
0x25d: {  	v29 =	vperm.xlane v19, v3;
	v33 =	vsel vm0, $0x3F800000, v4;
	v20 =	vadd.f32 v20, v35  }
0x25e: {  	vm0 =	veq.f32 v9, v16;
	v22 =	vadd.f32 v22, v33;
	v21 =	vmax.f32 v21, v24  }
0x25f: {  	v36 =	vsel vm0, $0x3F800000, v4;
	v42 =	vperm.xlane v20, v1;
	v34 =	vperm.xlane v21, v3  }
0x260: {  	v19 =	vadd.f32 v19, v29;
	vm0 =	veq.f32 v8, v16;
	v22 =	vadd.f32 v22, v36  }
0x261: {  	v37 =	vsel vm0, $0x3F800000, v4;
	v20 =	vadd.f32 v20, v42;
	v21 =	vmax.f32 v21, v34  }
0x262: {  	v22 =	vadd.f32 v22, v37;
	vm0 =	veq.f32 v5, v21;
	vm1 =	veq.f32 v6, v21  }
0x263: {  	v48 =	vperm.xlane v20, v2;
	v38 =	vsel vm0, $0x3F800000, v4;
	v39 =	vsel vm1, $0x3F800000, v4  }
0x264: {  	vm0 =	veq.f32 v7, v16;
	vm1 =	veq.f32 v11, v21;
	v23 =	vadd.f32 v39, v38  }
0x265: {  	v40 =	vsel vm0, $0x3F800000, v4;
	v41 =	vsel vm1, $0x3F800000, v4;
	vm0 =	veq.f32 v12, v21  }
0x266: {  	vm1 =	vgt.f32 v18, $0.0e+00;
	v20 =	vadd.f32 v20, v48;
	v22 =	vadd.f32 v22, v40  }
0x267: {  	v43 =	vsel vm0, $0x3F800000, v4;
	vm0 =	veq.f32 v10, v21;
	v45 =	vsel vm1, $0x3F800000, v4  }
0x268: {  	v23 =	vadd.f32 v23, v41;
	v46 =	vsel vm0, $0x3F800000, v4;
	vm0 =	veq.f32 v9, v21  }
0x269: {  	v47 =	vsub.f32 $1.000000000e+00, v45;
	v19 =	vmul.f32 v19, v45;
	v52 =	vperm.xlane v20, v3  }
0x26a: {  	v14 =	vmul.f32 v45, v14;
	v49 =	vsel vm0, $0x3F800000, v4;
	vm0 =	veq.f32 v8, v21  }
0x26b: {  	v44 =	vperm.xlane v22, v0;
	v23 =	vadd.f32 v23, v43;
	v51 =	vsel vm0, $0x3F800000, v4  }
0x26c: {  	vm0 =	veq.f32 v7, v21;
	v18 =	vsub.f32 v18, v19;
	v17 =	vmul.f32 v47, v17  }
0x26d: {  	v19 =	vadd.f32 v20, v52;
	v22 =	vadd.f32 v22, v44;
	v53 =	vsel vm0, $0x3F800000, v4  }
0x26e: {  	v23 =	vadd.f32 v23, v46;
	vm0 =	vgt.f32 v18, $0.0e+00;
	v14 =	vadd.f32 v17, v14  }
0x26f: {  	v50 =	vperm.xlane v22, v1;
	v55 =	vsel vm0, $0x3F800000, v4;
	vm0 =	vlt.f32 v5, v21  }
0x270: {  	v23 =	vadd.f32 v23, v49;
	v19 =	vmul.f32 v19, v55;
	v15 =	vmul.f32 v55, v15  }
0x271: {  	v20 =	vsub.f32 $1.000000000e+00, v55;
	v5 =	vnsel vm0, $0xFF61B1E6, v13;
	vm0 =	vlt.f32 v6, v21  }
0x272: {  	v22 =	vadd.f32 v22, v50;
	v6 =	vnsel vm0, $0xFF61B1E6, v6;
	v23 =	vadd.f32 v23, v51  }
0x273: {  	vm0 =	vlt.f32 v11, v21;
	v18 =	vsub.f32 v18, v19;
	v5 =	vmax.f32 v5, v6  }
0x274: {  	v6 =	vnsel vm0, $0xFF61B1E6, v11;
	vm0 =	vlt.f32 v12, v21;
	v23 =	vadd.f32 v23, v53  }
0x275: {  	v54 =	vperm.xlane v22, v2;
	v5 =	vmax.f32 v5, v6;
	v6 =	vnsel vm0, $0xFF61B1E6, v12  }
0x276: {  	vm0 =	vlt.f32 v10, v21;
	vm1 =	vgt.f32 v18, $0.0e+00;
	v56 =	vperm.xlane v23, v0  }
0x277: {  	v5 =	vmax.f32 v5, v6;
	v6 =	vnsel vm0, $0xFF61B1E6, v10;
	vm0 =	vlt.f32 v9, v21  }
0x278: {  	v22 =	vadd.f32 v22, v54;
	v5 =	vmax.f32 v5, v6;
	v23 =	vadd.f32 v23, v56  }
0x279: {  	v6 =	vnsel vm0, $0xFF61B1E6, v9;
	vm0 =	vlt.f32 v8, v21;
	v9 =	vsel vm1, $0x3F800000, v4  }
0x27a: {  	v5 =	vmax.f32 v5, v6;
	v6 =	vnsel vm0, $0xFF61B1E6, v8;
	v58 =	vperm.xlane v23, v1  }
0x27b: {  	vm0 =	vlt.f32 v7, v21;
	v11 =	vmul.f32 v9, v16;
	v57 =	vperm.xlane v22, v3  }
0x27c: {  	v5 =	vmax.f32 v5, v6;
	v6 =	vnsel vm0, $0xFF61B1E6, v7;
	v59 =	vadd.f32 v23, v58  }
0x27d: {  	v7 =	vmul.f32 v20, v14;
	v5 =	vmax.f32 v5, v6;
	v17 =	vadd.f32 v22, v57  }
0x27e: {  	v10 =	vperm.xlane v5, v0;
	v8 =	vperm.xlane v59, v2  }
0x27f: {  	v7 =	vadd.f32 v7, v15;
	v6 =	vmul.f32 v17, v9;
	v9 =	vsub.f32 $1.000000000e+00, v9  }
0x280: {  	v8 =	vadd.f32 v59, v8  }
0x281: {  	v5 =	vmax.f32 v5, v10;
	v7 =	vmul.f32 v9, v7  }
0x282: {  	v6 =	vsub.f32 v18, v6;
	v9 =	vperm.xlane v5, v1;
	v60 =	vperm.xlane v8, v3;
	_ =	sdelay $0x1  }
0x283: {  	vm0 =	vgt.f32 v6, $0.0e+00;
	v5 =	vmax.f32 v5, v9;
	v8 =	vadd.f32 v8, v60  }
0x284: {  	v7 =	vadd.f32 v7, v11;
	v10 =	vsel vm0, $0x3F800000, v4;
	v11 =	vperm.xlane v5, v2  }
0x285: {  	v9 =	vsub.f32 $1.000000000e+00, v10;
	v8 =	vmul.f32 v8, v10  }
0x286: {  	v5 =	vmax.f32 v5, v11  }
0x287: {  	v7 =	vmul.f32 v9, v7;
	v10 =	vmul.f32 v10, v21;
	vm0 =	vgt.f32 v6, v8  }
0x288: {  	v6 =	vperm.xlane v5, v3;
	v8 =	vsel vm0, $0x3F800000, v4  }
0x289: {  	s12 =	simm.s32 $0x0;
	v7 =	vadd.f32 v7, v10;
	v9 =	vsub.f32 $1.000000000e+00, v8  }
0x28a: {  	v11 =	vld [tilespmem:s12+$0xF0];
	v5 =	vmax.f32 v5, v6  }
0x28b: {  	v61 =	vld [tilespmem:s12+$0x80];
	v5 =	vmul.f32 v8, v5;
	v6 =	vmul.f32 v9, v7  }
0x28c: {  	v62 =	vld [tilespmem:s12+$0x90]  }
0x28d: {  	v10 =	vld [tilespmem:s12+$0xA0];
	v5 =	vadd.f32 v6, v5  }
0x28e: {  	v9 =	vld [tilespmem:s12+$0xB0]  }
0x28f: {  	v7 =	vld [tilespmem:s12+$0xC0];
	vm0 =	vge.f32 v11, v5  }
0x290: {  	v6 =	vld [tilespmem:s12+$0xD0];
	vm1 =	vge.f32 v61, v5;
	v63 =	vsel vm0, $0x3F800000, v4  }
0x291: {  	s11 =	simm.s32 $0x100;
	s13 =	simm.s32 $0x800;
	v8 =	vld [tilespmem:s12+$0xE0];
	v11 =	vsel vm1, $0x3F800000, v4;
	vm0 =	vge.f32 v62, v5;
	[tilespmem:s12+$0x20F0] =	vst v63  }
.LBB2_8:
0x292: {  	p0 =	sne.s32 s13, $0x7C00;
	v12 =	vld [tilespmem:s11+$0xF0];
	[tilespmem:s12+$0x2080] =	vst v11;
	v11 =	vsel vm0, $0x3F800000, v4;
	vm0 =	vge.f32 v10, v5  }
0x293: {  	v13 =	vld [tilespmem:s11+$0x80];
	[tilespmem:s12+$0x2090] =	vst v11;
	v10 =	vsel vm0, $0x3F800000, v4;
	vm0 =	vge.f32 v9, v5  }
0x294: {  	v14 =	vld [tilespmem:s11+$0x90];
	[tilespmem:s12+$0x20A0] =	vst v10;
	v9 =	vsel vm0, $0x3F800000, v4;
	vm0 =	vge.f32 v7, v5  }
.Ltmp3:
0x295: {  	v10 =	vld [tilespmem:s11+$0xA0];
	[tilespmem:s12+$0x20B0] =	vst v9;
	v7 =	vsel vm0, $0x3F800000, v4;
	vm0 =	vge.f32 v6, v5;
	(pc) =	sbr.rel @p0 .LBB2_8-.Ltmp3, $4  }
0x296: {  	v9 =	vld [tilespmem:s11+$0xB0];
	[tilespmem:s12+$0x20C0] =	vst v7;
	v6 =	vsel vm0, $0x3F800000, v4;
	vm0 =	vge.f32 v8, v5  }
0x297: {  	v7 =	vld [tilespmem:s11+$0xC0];
	vm1 =	vge.f32 v12, v5;
	[tilespmem:s12+$0x20D0] =	vst v6;
	v8 =	vsel vm0, $0x3F800000, v4  }
0x298: {  	vm0 =	vge.f32 v13, v5;
	v6 =	vld [tilespmem:s11+$0xD0];
	v12 =	vsel vm1, $0x3F800000, v4;
	[tilespmem:s12+$0x20E0] =	vst v8;
	s12 =	smov.u32 s11  }
0x299: {  	s11 =	sshra.s32 s13, $0x2;
	s13 =	sadd.s32 $0x400, s13;
	v11 =	vsel vm0, $0x3F800000, v4;
	vm0 =	vge.f32 v14, v5;
	v8 =	vld [tilespmem:s12+$0xE0];
	[tilespmem:s12+$0x20F0] =	vst v12  }
0x29a: {  	v12 =	vld [tilespmem:s11+$0xF0];
	[tilespmem:s12+$0x2080] =	vst v11;
	v60 =	vsel vm0, $0x3F800000, v4;
	vm4 =	vge.f32 v10, v5  }
0x29b: {  	v13 =	vld [tilespmem:s11+$0x80];
	[tilespmem:s12+$0x2090] =	vst v60;
	v10 =	vsel vm4, $0x3F800000, v4;
	vm5 =	vge.f32 v9, v5  }
0x29c: {  	v11 =	vld [tilespmem:s11+$0x90];
	[tilespmem:s12+$0x20A0] =	vst v10;
	v9 =	vsel vm5, $0x3F800000, v4;
	vm6 =	vge.f32 v7, v5  }
0x29d: {  	v10 =	vld [tilespmem:s11+$0xA0];
	[tilespmem:s12+$0x20B0] =	vst v9;
	v7 =	vsel vm6, $0x3F800000, v4;
	vm7 =	vge.f32 v6, v5  }
0x29e: {  	v9 =	vld [tilespmem:s11+$0xB0];
	[tilespmem:s12+$0x20C0] =	vst v7;
	v6 =	vsel vm7, $0x3F800000, v4;
	vm8 =	vge.f32 v8, v5  }
0x29f: {  	v7 =	vld [tilespmem:s11+$0xC0];
	[tilespmem:s12+$0x20D0] =	vst v6;
	v6 =	vsel vm8, $0x3F800000, v4;
	vm9 =	vge.f32 v12, v5  }
0x2a0: {  	v61 =	vld [tilespmem:s11+$0xD0];
	[tilespmem:s12+$0x20E0] =	vst v6;
	vm1 =	vge.f32 v13, v5;
	v6 =	vsel vm9, $0x3F800000, v4  }
0x2a1: {  	v62 =	vld [tilespmem:s11+$0xE0];
	vm10 =	vge.f32 v11, v5;
	v63 =	vsel vm1, $0x3F800000, v4;
	[tilespmem:s11+$0x20F0] =	vst v6  }
0x2a2: {  	[tilespmem:s11+$0x2080] =	vst v63;
	v6 =	vsel vm10, $0x3F800000, v4;
	vm11 =	vge.f32 v10, v5  }
0x2a3: {  	[tilespmem:s11+$0x2090] =	vst v6;
	v6 =	vsel vm11, $0x3F800000, v4;
	vm12 =	vge.f32 v9, v5  }
0x2a4: {  	[tilespmem:s11+$0x20A0] =	vst v6;
	v6 =	vsel vm12, $0x3F800000, v4;
	vm13 =	vge.f32 v7, v5  }
0x2a5: {  	[tilespmem:s11+$0x20B0] =	vst v6;
	v6 =	vsel vm13, $0x3F800000, v4;
	vm14 =	vge.f32 v61, v5  }
0x2a6: {  	s10 =	sadd.s32 $0x1, s10;
	[tilespmem:s11+$0x20C0] =	vst v6;
	v6 =	vsel vm14, $0x3F800000, v4;
	vm15 =	vge.f32 v62, v5  }
0x2a7: {  	p0 =	sne.s32 s10, s5;
	[tilespmem:s11+$0x20D0] =	vst v6;
	v5 =	vsel vm15, $0x3F800000, v4  }
.Ltmp4:
0x2a8: {  	[tilespmem:s11+$0x20E0] =	vst v5;
	(pc) =	sbr.rel @p0 .LBB2_1-.Ltmp4, $4  }
0x2a9: {  	[hbm4b:s4+s6] =	stream.strided.scatter [tilespmem:s9], [sflag:$0x1], $0x2000, s7, s6, $0x38;
	[tilespmem:$0x4000] =	vst v63  }
0x2aa: {  	_ =	swait.ge [sflag:s8], $0x2000  }
0x2ab: {  	[sflag:s8] =	ssyncset.done $0x0  }
0x2ac: {  	[sflag:s8] =	ssyncadd.s32 $0xFFFFE000  }
0x2ad: {  	_ =	sfence.sel $0x180000  }
0x2ae: {  	[bflag:$0x0] =	sbarrier.arrive $0xFFFF  }
0x2af: {  	p0 =	sne.s32 s1, $0x0;
	_ =	strace $0x90000047  }
0x2b0: {  	s0 =	sadd.s32 @!p0 $0x100000, s0;
	[bflag:$0x2] =	sbarrier.arrive $0xFFFF  }
0x2b1: {  	[sflag:s0] =	ssyncadd.tile.s32 @!p0 $0x1;
	_ =	shalt  }
.Lfunc_end2:
_tile_overlayer_lowered:
.L_overlay_start_2:
0x2b2: {  	(tag) =	ssettag $0x2  }
0x2b3: {  	s0 =	rddreg [dreg:$0x0];
	s2 =	stileid.u32  }
0x2b4: {  	s1 =	rddreg [dreg:$0x1];
	p0 =	sne.s32 s2, $0x0  }
0x2b5: {  	s3 =	rddreg [dreg:$0x2];
	[bflag:$0x3] =	sbarrier.arrive $0xFFFF;
	s2 =	simm.s32 @!p0 $0x1C01  }
0x2b6: {  	[timem:s3], [sflag:s2] =	dma.local @!p0 [hbm:s0], s1  }
0x2b7: {  	s0 =	simm.s32 @!p0 $0x1  }
0x2b8: {  	_ =	swait.ge @!p0 [sflag:s0], s1  }
0x2b9: {  	s1 =	ssub.s32 @!p0 $0x0, s1;
	[sflag:s0] =	ssyncset.done @!p0 $0x0  }
0x2ba: {  	[sflag:s0] =	ssyncadd.s32 @!p0 s1  }
0x2bb: {  	[bflag:$0x3] =	sbarrier.arrive $0xFFFF  }
0x2bc: {  	_ =	shalt  }

</sc_bundles>
